<compile_context>
chip_gen: v7x
topology: tpu7x:2x2x1
jax: 0.10.2.dev20260603
libtpu: 0.0.44.dev20260713+nightly
codegen_flags: <defaults>
</compile_context>

<pallas_src>
import functools

import jax
import jax.numpy as jnp
from jax import lax
from jax.experimental import pallas as pl
from jax.experimental.pallas import tpu as pltpu
from jax.experimental.pallas import tpu_sc as plsc

N_NODES = 100000
N_EDGES = 1600000
H = 32
HH = 16
N_P = 100096
N8 = N_P // 8

NC = 2
NS = 16
LANE = 128

ROWS_PER_TILE = 784
K = 4
NBUF = 3
CHUNKS = ROWS_PER_TILE // K
R_PAD = ROWS_PER_TILE * NS
R_ALLOC = R_PAD + K
E_ALLOC = R_ALLOC * LANE
PAD = E_ALLOC - N_EDGES

ACC_ROWS = N_P + NS
STRIPE = N_P // NS


def _agg_body(h_hbm, src_hbm, dst_hbm, out_hbm, sidx, didx, rows, acc, gsem, ssem, isem):
    c = lax.axis_index("c")
    s = lax.axis_index("s")

    h_tab = h_hbm.at[c]
    out_tab = out_hbm.at[c]

    pltpu.sync_copy(h_tab.at[pl.ds(s * STRIPE, STRIPE)],
                    acc.at[pl.ds(s * STRIPE, STRIPE)])

    plsc.subcore_barrier()

    base0 = s * ROWS_PER_TILE

    def fire_idx(j, p):
        base = base0 + j * K
        pltpu.async_copy(src_hbm.at[pl.ds(base, K)], sidx.at[p], isem)
        pltpu.async_copy(dst_hbm.at[pl.ds(base, K)], didx.at[p], isem)

    def wait_idx(p):
        for buf in (sidx, didx):
            pltpu.make_async_copy(src_hbm.at[pl.ds(0, K)], buf.at[p], isem).wait()

    def fire_gathers(p):
        for k in range(K):
            pltpu.async_copy(h_tab.at[sidx.at[p, k]], rows.at[p, k], gsem)

    def wait_gathers(p):
        for k in range(K):
            pltpu.make_async_copy(h_tab.at[pl.ds(0, LANE)],
                                  rows.at[p, k], gsem).wait()

    def fire_scatters(p):
        for k in range(K):
            pltpu.async_copy(rows.at[p, k], acc.at[didx.at[p, k]], ssem, add=True)

    def drain_scatters(p):
        for k in range(K):
            pltpu.make_async_copy(h_tab.at[pl.ds(0, LANE)],
                                  rows.at[p, k], ssem).wait()

    fire_idx(0, 0)
    wait_idx(0)
    fire_gathers(0)
    fire_idx(1, 1)

    def step(j, carry):
        p = lax.rem(j, NBUF)
        pn = lax.rem(j + 1, NBUF)
        pi = lax.rem(j + 2, NBUF)
        pd = lax.rem(j - 2 + NBUF, NBUF)

        @pl.when(j >= 2)
        def _():
            drain_scatters(pd)
        wait_gathers(p)
        fire_scatters(p)
        wait_idx(pn)
        fire_gathers(pn)

        @pl.when(j + 2 < CHUNKS)
        def _():
            fire_idx(j + 2, pi)
        return carry

    lax.fori_loop(0, CHUNKS - 1, step, 0)

    jl = CHUNKS - 1
    pl_ = lax.rem(jnp.int32(jl), NBUF)
    drain_scatters(lax.rem(jnp.int32(jl - 2 + NBUF), NBUF))
    wait_gathers(pl_)
    fire_scatters(pl_)
    drain_scatters(lax.rem(jnp.int32(jl - 1), NBUF))
    drain_scatters(pl_)

    plsc.subcore_barrier()

    pltpu.sync_copy(acc.at[pl.ds(s * STRIPE, STRIPE)],
                    out_tab.at[pl.ds(s * STRIPE, STRIPE)])


@functools.lru_cache(maxsize=1)
def _make_agg():
    mesh = plsc.VectorSubcoreMesh(core_axis_name="c", subcore_axis_name="s",
                                  num_cores=NC, num_subcores=NS)
    return pl.kernel(
        _agg_body,
        out_type=jax.ShapeDtypeStruct((NC, N_P, HH), jnp.float32),
        mesh=mesh,
        compiler_params=pltpu.CompilerParams(use_tc_tiling_on_sc=False),
        scratch_types=[
            pltpu.VMEM((NBUF, K, LANE), jnp.int32),
            pltpu.VMEM((NBUF, K, LANE), jnp.int32),
            pltpu.VMEM((NBUF, K, LANE, HH), jnp.float32),
            pltpu.VMEM_SHARED((ACC_ROWS, HH), jnp.float32),
            pltpu.SemaphoreType.DMA,
            pltpu.SemaphoreType.DMA,
            pltpu.SemaphoreType.DMA,
        ],
    )


BN = 6256
GRID = N_P // BN


def _mlp_math(z, w1, b1, w2, b2):
    a = jnp.maximum(jnp.dot(z, w1, preferred_element_type=jnp.float32) + b1, 0.0)
    return jnp.maximum(jnp.dot(a, w2, preferred_element_type=jnp.float32) + b2, 0.0)


def _mlp_body(z_ref, w1_ref, b1_ref, w2_ref, b2_ref, out_ref):
    z = jnp.concatenate([z_ref[0], z_ref[1]], axis=-1)
    h = _mlp_math(z, w1_ref[...], b1_ref[...], w2_ref[...], b2_ref[...])
    out_ref[0] = h[:, :HH]
    out_ref[1] = h[:, HH:]


def _final_body(z_ref, w1_ref, b1_ref, w2_ref, b2_ref, wf_ref, bf_ref, out_ref):
    z = jnp.concatenate([z_ref[0], z_ref[1]], axis=-1)
    h = _mlp_math(z, w1_ref[...], b1_ref[...], w2_ref[...], b2_ref[...])
    out_ref[...] = jnp.dot(h, wf_ref[...], preferred_element_type=jnp.float32) \
        + bf_ref[...]


_Z_SPEC = pl.BlockSpec((NC, BN, HH), lambda i: (0, i, 0))
_W_SPEC = pl.BlockSpec((H, H), lambda i: (0, 0))
_B_SPEC = pl.BlockSpec((1, H), lambda i: (0, 0))
_P_SPEC = pl.BlockSpec((NC, BN, HH), lambda i: (0, i, 0))
_P_SHAPE = jax.ShapeDtypeStruct((NC, N_P, HH), jnp.float32)

_mlp = pl.pallas_call(
    _mlp_body,
    grid=(GRID,),
    in_specs=[_Z_SPEC, _W_SPEC, _B_SPEC, _W_SPEC, _B_SPEC],
    out_specs=_P_SPEC,
    out_shape=_P_SHAPE,
)

_final = pl.pallas_call(
    _final_body,
    grid=(GRID,),
    in_specs=[_Z_SPEC, _W_SPEC, _B_SPEC, _W_SPEC, _B_SPEC,
              pl.BlockSpec((H, 1), lambda i: (0, 0)),
              pl.BlockSpec((1, 1), lambda i: (0, 0))],
    out_specs=pl.BlockSpec((BN, 1), lambda i: (i, 0)),
    out_shape=jax.ShapeDtypeStruct((N_NODES, 1), jnp.float32),
)


def kernel(x, edge_index, W1_0, b1_0, W2_0, b2_0, W1_1, b1_1, W2_1, b2_1,
           W1_2, b1_2, W2_2, b2_2, Wf, bf):
    lane_ids = jnp.arange(PAD, dtype=jnp.int32) % NS
    src = jnp.concatenate([edge_index[0], lane_ids]).reshape(R_ALLOC, LANE)
    dst = jnp.concatenate([edge_index[1], lane_ids + N_P]).reshape(R_ALLOC, LANE)

    xp = jnp.pad(x, ((0, N_P - N_NODES), (0, 0)))
    hs = jnp.stack([xp[:, :HH], xp[:, HH:]])
    b1s = (b1_0.reshape(1, H), b1_1.reshape(1, H), b1_2.reshape(1, H))
    b2s = (b2_0.reshape(1, H), b2_1.reshape(1, H), b2_2.reshape(1, H))
    W1s = (W1_0, W1_1, W1_2)
    W2s = (W2_0, W2_1, W2_2)
    _agg = _make_agg()

    for i in range(2):
        z = _agg(hs, src, dst)
        hs = _mlp(z, W1s[i], b1s[i], W2s[i], b2s[i])
    z = _agg(hs, src, dst)
    return _final(z, W1s[2], b1s[2], W2s[2], b2s[2], Wf, bf.reshape(1, 1))

# --- scband reference (transcript-rebuilt; emitter-appended) ---
"""Pipeline reference for scband-net-12438225289954 (READ-ONLY COPY).

The authoritative reference and input builder live on the scoring server;
editing this copy changes nothing except your own understanding.
"""

import jax, jax.numpy as jnp
import numpy as np

N = 100000
E = 1600000
F_IN = 32
H = 32


def setup_inputs(seed: int = 0) -> dict:
    key = jax.random.key(seed)
    ks = jax.random.split(key, 16)
    x = jax.random.normal(ks[0], (N, F_IN), dtype=jnp.float32)
    edge_index = jax.random.randint(ks[1], (2, E), 0, N, dtype=jnp.int32)
    inp = {"x": x, "edge_index": edge_index}
    dims_in = [F_IN, H, H]
    ki = 2
    for i in range(3):
        d_in = dims_in[i]
        inp[f"W1_{i}"] = jax.random.normal(ks[ki], (d_in, H), dtype=jnp.float32) * (1.0 / np.sqrt(d_in)); ki += 1
        inp[f"b1_{i}"] = jnp.zeros((H,), dtype=jnp.float32)
        inp[f"W2_{i}"] = jax.random.normal(ks[ki], (H, H), dtype=jnp.float32) * (1.0 / np.sqrt(H)); ki += 1
        inp[f"b2_{i}"] = jnp.zeros((H,), dtype=jnp.float32)
    inp["Wf"] = jax.random.normal(ks[ki], (H, 1), dtype=jnp.float32) * (1.0 / np.sqrt(H))
    inp["bf"] = jnp.zeros((1,), dtype=jnp.float32)
    return inp


def reference(x, edge_index, W1_0, b1_0, W2_0, b2_0, W1_1, b1_1, W2_1, b2_1, W1_2, b1_2, W2_2, b2_2, Wf, bf):
    src = edge_index[0]
    dst = edge_index[1]

    def gin_block(h, W1, b1, W2, b2):
        # GINConv with eps=0: mlp(x + sum_{j in N(i)} x_j)
        agg = jax.ops.segment_sum(h[src], dst, num_segments=h.shape[0])
        z = h + agg
        z = jnp.maximum(z @ W1 + b1, 0.0)  # MLP inner ReLU
        z = z @ W2 + b2
        return jnp.maximum(z, 0.0)  # F.relu after gin

    x = gin_block(x, W1_0, b1_0, W2_0, b2_0)
    x = gin_block(x, W1_1, b1_1, W2_1, b2_1)
    x = gin_block(x, W1_2, b1_2, W2_2, b2_2)
    return x @ Wf + bf

if __name__ == "__main__":
    import jax
    _d = setup_inputs()
    print(jax.jit(kernel)(*tuple(_d.values())))

</pallas_src>

<mosaic_0001>
#map = affine_map<(d0, d1) -> (0, 0, 0)>
#map1 = affine_map<(d0, d1) -> (0, 0)>
module attributes {stable_mosaic.version = 14 : i64} {
  func.func @_agg_body(%arg0: i32, %arg1: i32, %arg2: memref<2x100096x16xf32, #tpu.memory_space<hbm>>, %arg3: memref<12548x128xi32, #tpu.memory_space<hbm>>, %arg4: memref<12548x128xi32, #tpu.memory_space<hbm>>, %arg5: memref<2x100096x16xf32, #tpu.memory_space<hbm>>, %arg6: memref<3x4x128xi32, #tpu.memory_space<vmem>>, %arg7: memref<3x4x128xi32, #tpu.memory_space<vmem>>, %arg8: memref<3x4x128x16xf32, #tpu.memory_space<vmem>>, %arg9: memref<100112x16xf32, #tpu.memory_space<vmem_shared>>, %arg10: memref<!tpu.dma_semaphore, #tpu.memory_space<semaphore_mem>>, %arg11: memref<!tpu.dma_semaphore, #tpu.memory_space<semaphore_mem>>, %arg12: memref<!tpu.dma_semaphore, #tpu.memory_space<semaphore_mem>>) attributes {dimension_semantics = [#tpu.dimension_semantics<core_parallel>, #tpu.dimension_semantics<subcore_parallel>], iteration_bounds = array<i64: 2, 16>, scalar_prefetch = 0 : i64, scratch_operands = 7 : i64, tpu.core_type = #tpu.core_type<sc_vector_subcore>, window_params = [{transform_indices = #map}, {transform_indices = #map1}, {transform_indices = #map1}, {transform_indices = #map}]} {
    %mul3A = arith.constant 6256 : i32
    %mul3A_0 = arith.muli %arg1, %mul3A : i32
    %mul3A_1 = arith.constant 6256 : i32
    %mul3A_2 = arith.muli %arg1, %mul3A_1 : i32
    "tpu.region"() ({
      %run_scoped3A = tpu.sem_alloc : memref<!tpu.dma_semaphore, #tpu.memory_space<semaphore_mem>>
      %dma_start3A_594 = arith.constant 0 : i32
      %dma_start3A_595 = tpu.memref_slice %arg9[%mul3A_2, %dma_start3A_594] : memref<100112x16xf32, #tpu.memory_space<vmem_shared>> -> memref<6256x16xf32, #tpu.memory_space<vmem_shared>>
      %dma_start3A_596 = arith.constant 0 : i32
      %dma_start3A_597 = arith.constant 0 : i32
      %dma_start3A_598 = tpu.memref_slice %arg2[%arg0, %dma_start3A_596, %dma_start3A_597] : memref<2x100096x16xf32, #tpu.memory_space<hbm>> -> memref<1x100096x16xf32, #tpu.memory_space<hbm>>
      %dma_start3A_599 = tpu.memref_squeeze %dma_start3A_598 : memref<1x100096x16xf32, #tpu.memory_space<hbm>> -> memref<100096x16xf32, #tpu.memory_space<hbm>>
      %dma_start3A_600 = arith.constant 0 : i32
      %dma_start3A_601 = tpu.memref_slice %dma_start3A_599[%mul3A_0, %dma_start3A_600] : memref<100096x16xf32, #tpu.memory_space<hbm>> -> memref<6256x16xf32, #tpu.memory_space<hbm>>
      tpu.enqueue_dma source(%dma_start3A_601 : memref<6256x16xf32, #tpu.memory_space<hbm>>) target(%dma_start3A_595 : memref<6256x16xf32, #tpu.memory_space<vmem_shared>>) target_semaphore(%run_scoped3A : memref<!tpu.dma_semaphore, #tpu.memory_space<semaphore_mem>>)
      %dma_wait3A_602 = arith.constant 0 : i32
      %dma_wait3A_603 = tpu.memref_slice %arg9[%mul3A_2, %dma_wait3A_602] : memref<100112x16xf32, #tpu.memory_space<vmem_shared>> -> memref<6256x16xf32, #tpu.memory_space<vmem_shared>>
      %dma_wait3A_604 = arith.constant 0 : i32
      %dma_wait3A_605 = arith.constant 0 : i32
      %dma_wait3A_606 = tpu.memref_slice %arg2[%arg0, %dma_wait3A_604, %dma_wait3A_605] : memref<2x100096x16xf32, #tpu.memory_space<hbm>> -> memref<1x100096x16xf32, #tpu.memory_space<hbm>>
      %dma_wait3A_607 = tpu.memref_squeeze %dma_wait3A_606 : memref<1x100096x16xf32, #tpu.memory_space<hbm>> -> memref<100096x16xf32, #tpu.memory_space<hbm>>
      %dma_wait3A_608 = arith.constant 0 : i32
      %dma_wait3A_609 = tpu.memref_slice %dma_wait3A_607[%mul3A_0, %dma_wait3A_608] : memref<100096x16xf32, #tpu.memory_space<hbm>> -> memref<6256x16xf32, #tpu.memory_space<hbm>>
      tpu.wait_dma2 semaphore(%run_scoped3A : memref<!tpu.dma_semaphore, #tpu.memory_space<semaphore_mem>>) src(%dma_wait3A_609 : memref<6256x16xf32, #tpu.memory_space<hbm>>) dst(%dma_wait3A_603 : memref<6256x16xf32, #tpu.memory_space<vmem_shared>>)
      tpu.yield
    }) : () -> ()
    %barrier3A = arith.constant 0 : index
    tpu.barrier barrier_id(%barrier3A)
    %mul3A_3 = arith.constant 784 : i32
    %mul3A_4 = arith.muli %arg1, %mul3A_3 : i32
    %add3A = arith.constant 0 : i32
    %add3A_5 = arith.addi %mul3A_4, %add3A : i32
    %dma_start3A = arith.constant 0 : i32
    %dma_start3A_6 = arith.constant 0 : i32
    %dma_start3A_7 = arith.constant 0 : i32
    %dma_start3A_8 = tpu.memref_slice %arg6[%dma_start3A, %dma_start3A_6, %dma_start3A_7] : memref<3x4x128xi32, #tpu.memory_space<vmem>> -> memref<1x4x128xi32, #tpu.memory_space<vmem>>
    %dma_start3A_9 = tpu.memref_squeeze %dma_start3A_8 : memref<1x4x128xi32, #tpu.memory_space<vmem>> -> memref<4x128xi32, #tpu.memory_space<vmem>>
    %dma_start3A_10 = arith.constant 0 : i32
    %dma_start3A_11 = tpu.memref_slice %arg3[%add3A_5, %dma_start3A_10] : memref<12548x128xi32, #tpu.memory_space<hbm>> -> memref<4x128xi32, #tpu.memory_space<hbm>>
    %dma_start3A_12 = arith.constant 0 : i32
    %dma_start3A_13 = arith.constant 0 : i32
    %dma_start3A_14 = tpu.memref_slice %arg6[%dma_start3A, %dma_start3A_12, %dma_start3A_13] : memref<3x4x128xi32, #tpu.memory_space<vmem>> -> memref<1x4x128xi32, #tpu.memory_space<vmem>>
    %dma_start3A_15 = tpu.memref_squeeze %dma_start3A_14 : memref<1x4x128xi32, #tpu.memory_space<vmem>> -> memref<4x128xi32, #tpu.memory_space<vmem>>
    %dma_start3A_16 = arith.constant 0 : i32
    %dma_start3A_17 = tpu.memref_slice %arg3[%add3A_5, %dma_start3A_16] : memref<12548x128xi32, #tpu.memory_space<hbm>> -> memref<4x128xi32, #tpu.memory_space<hbm>>
    tpu.enqueue_dma source(%dma_start3A_17 : memref<4x128xi32, #tpu.memory_space<hbm>>) target(%dma_start3A_15 : memref<4x128xi32, #tpu.memory_space<vmem>>) target_semaphore(%arg12 : memref<!tpu.dma_semaphore, #tpu.memory_space<semaphore_mem>>)
    %dma_start3A_18 = arith.constant 0 : i32
    %dma_start3A_19 = arith.constant 0 : i32
    %dma_start3A_20 = arith.constant 0 : i32
    %dma_start3A_21 = tpu.memref_slice %arg7[%dma_start3A_18, %dma_start3A_19, %dma_start3A_20] : memref<3x4x128xi32, #tpu.memory_space<vmem>> -> memref<1x4x128xi32, #tpu.memory_space<vmem>>
    %dma_start3A_22 = tpu.memref_squeeze %dma_start3A_21 : memref<1x4x128xi32, #tpu.memory_space<vmem>> -> memref<4x128xi32, #tpu.memory_space<vmem>>
    %dma_start3A_23 = arith.constant 0 : i32
    %dma_start3A_24 = tpu.memref_slice %arg4[%add3A_5, %dma_start3A_23] : memref<12548x128xi32, #tpu.memory_space<hbm>> -> memref<4x128xi32, #tpu.memory_space<hbm>>
    %dma_start3A_25 = arith.constant 0 : i32
    %dma_start3A_26 = arith.constant 0 : i32
    %dma_start3A_27 = tpu.memref_slice %arg7[%dma_start3A_18, %dma_start3A_25, %dma_start3A_26] : memref<3x4x128xi32, #tpu.memory_space<vmem>> -> memref<1x4x128xi32, #tpu.memory_space<vmem>>
    %dma_start3A_28 = tpu.memref_squeeze %dma_start3A_27 : memref<1x4x128xi32, #tpu.memory_space<vmem>> -> memref<4x128xi32, #tpu.memory_space<vmem>>
    %dma_start3A_29 = arith.constant 0 : i32
    %dma_start3A_30 = tpu.memref_slice %arg4[%add3A_5, %dma_start3A_29] : memref<12548x128xi32, #tpu.memory_space<hbm>> -> memref<4x128xi32, #tpu.memory_space<hbm>>
    tpu.enqueue_dma source(%dma_start3A_30 : memref<4x128xi32, #tpu.memory_space<hbm>>) target(%dma_start3A_28 : memref<4x128xi32, #tpu.memory_space<vmem>>) target_semaphore(%arg12 : memref<!tpu.dma_semaphore, #tpu.memory_space<semaphore_mem>>)
    %dma_wait3A = arith.constant 0 : i32
    %dma_wait3A_31 = arith.constant 0 : i32
    %dma_wait3A_32 = arith.constant 0 : i32
    %dma_wait3A_33 = tpu.memref_slice %arg6[%dma_wait3A, %dma_wait3A_31, %dma_wait3A_32] : memref<3x4x128xi32, #tpu.memory_space<vmem>> -> memref<1x4x128xi32, #tpu.memory_space<vmem>>
    %dma_wait3A_34 = tpu.memref_squeeze %dma_wait3A_33 : memref<1x4x128xi32, #tpu.memory_space<vmem>> -> memref<4x128xi32, #tpu.memory_space<vmem>>
    %dma_wait3A_35 = arith.constant 0 : i32
    %dma_wait3A_36 = arith.constant 0 : i32
    %dma_wait3A_37 = tpu.memref_slice %arg3[%dma_wait3A_35, %dma_wait3A_36] : memref<12548x128xi32, #tpu.memory_space<hbm>> -> memref<4x128xi32, #tpu.memory_space<hbm>>
    %dma_wait3A_38 = arith.constant 0 : i32
    %dma_wait3A_39 = arith.constant 0 : i32
    %dma_wait3A_40 = tpu.memref_slice %arg6[%dma_wait3A, %dma_wait3A_38, %dma_wait3A_39] : memref<3x4x128xi32, #tpu.memory_space<vmem>> -> memref<1x4x128xi32, #tpu.memory_space<vmem>>
    %dma_wait3A_41 = tpu.memref_squeeze %dma_wait3A_40 : memref<1x4x128xi32, #tpu.memory_space<vmem>> -> memref<4x128xi32, #tpu.memory_space<vmem>>
    %dma_wait3A_42 = arith.constant 0 : i32
    %dma_wait3A_43 = arith.constant 0 : i32
    %dma_wait3A_44 = tpu.memref_slice %arg3[%dma_wait3A_42, %dma_wait3A_43] : memref<12548x128xi32, #tpu.memory_space<hbm>> -> memref<4x128xi32, #tpu.memory_space<hbm>>
    tpu.wait_dma2 semaphore(%arg12 : memref<!tpu.dma_semaphore, #tpu.memory_space<semaphore_mem>>) src(%dma_wait3A_44 : memref<4x128xi32, #tpu.memory_space<hbm>>) dst(%dma_wait3A_41 : memref<4x128xi32, #tpu.memory_space<vmem>>)
    %dma_wait3A_45 = arith.constant 0 : i32
    %dma_wait3A_46 = arith.constant 0 : i32
    %dma_wait3A_47 = arith.constant 0 : i32
    %dma_wait3A_48 = tpu.memref_slice %arg7[%dma_wait3A_45, %dma_wait3A_46, %dma_wait3A_47] : memref<3x4x128xi32, #tpu.memory_space<vmem>> -> memref<1x4x128xi32, #tpu.memory_space<vmem>>
    %dma_wait3A_49 = tpu.memref_squeeze %dma_wait3A_48 : memref<1x4x128xi32, #tpu.memory_space<vmem>> -> memref<4x128xi32, #tpu.memory_space<vmem>>
    %dma_wait3A_50 = arith.constant 0 : i32
    %dma_wait3A_51 = arith.constant 0 : i32
    %dma_wait3A_52 = tpu.memref_slice %arg3[%dma_wait3A_50, %dma_wait3A_51] : memref<12548x128xi32, #tpu.memory_space<hbm>> -> memref<4x128xi32, #tpu.memory_space<hbm>>
    %dma_wait3A_53 = arith.constant 0 : i32
    %dma_wait3A_54 = arith.constant 0 : i32
    %dma_wait3A_55 = tpu.memref_slice %arg7[%dma_wait3A_45, %dma_wait3A_53, %dma_wait3A_54] : memref<3x4x128xi32, #tpu.memory_space<vmem>> -> memref<1x4x128xi32, #tpu.memory_space<vmem>>
    %dma_wait3A_56 = tpu.memref_squeeze %dma_wait3A_55 : memref<1x4x128xi32, #tpu.memory_space<vmem>> -> memref<4x128xi32, #tpu.memory_space<vmem>>
    %dma_wait3A_57 = arith.constant 0 : i32
    %dma_wait3A_58 = arith.constant 0 : i32
    %dma_wait3A_59 = tpu.memref_slice %arg3[%dma_wait3A_57, %dma_wait3A_58] : memref<12548x128xi32, #tpu.memory_space<hbm>> -> memref<4x128xi32, #tpu.memory_space<hbm>>
    tpu.wait_dma2 semaphore(%arg12 : memref<!tpu.dma_semaphore, #tpu.memory_space<semaphore_mem>>) src(%dma_wait3A_59 : memref<4x128xi32, #tpu.memory_space<hbm>>) dst(%dma_wait3A_56 : memref<4x128xi32, #tpu.memory_space<vmem>>)
    %dma_start3A_60 = arith.constant 0 : i32
    %dma_start3A_61 = arith.constant 0 : i32
    %dma_start3A_62 = arith.constant 0 : i32
    %dma_start3A_63 = arith.constant 0 : i32
    %dma_start3A_64 = arith.constant 0 : i32
    %dma_start3A_65 = arith.constant 0 : i32
    %dma_start3A_66 = tpu.memref_slice %arg8[%dma_start3A_62, %dma_start3A_63, %dma_start3A_64, %dma_start3A_65] : memref<3x4x128x16xf32, #tpu.memory_space<vmem>> -> memref<1x1x128x16xf32, #tpu.memory_space<vmem>>
    %dma_start3A_67 = tpu.memref_squeeze %dma_start3A_66 : memref<1x1x128x16xf32, #tpu.memory_space<vmem>> -> memref<128x16xf32, #tpu.memory_space<vmem>>
    %dma_start3A_68 = arith.constant 0 : i32
    %dma_start3A_69 = tpu.memref_slice %arg6[%dma_start3A_60, %dma_start3A_61, %dma_start3A_68] : memref<3x4x128xi32, #tpu.memory_space<vmem>> -> memref<1x1x128xi32, #tpu.memory_space<vmem>>
    %dma_start3A_70 = tpu.memref_squeeze %dma_start3A_69 : memref<1x1x128xi32, #tpu.memory_space<vmem>> -> memref<128xi32, #tpu.memory_space<vmem>>
    %dma_start3A_71 = arith.constant 0 : i32
    %dma_start3A_72 = arith.constant 0 : i32
    %dma_start3A_73 = tpu.memref_slice %arg2[%arg0, %dma_start3A_71, %dma_start3A_72] : memref<2x100096x16xf32, #tpu.memory_space<hbm>> -> memref<1x100096x16xf32, #tpu.memory_space<hbm>>
    %dma_start3A_74 = tpu.memref_squeeze %dma_start3A_73 : memref<1x100096x16xf32, #tpu.memory_space<hbm>> -> memref<100096x16xf32, #tpu.memory_space<hbm>>
    %dma_start3A_75 = arith.constant 0 : i32
    %dma_start3A_76 = arith.constant 0 : i32
    %dma_start3A_77 = tpu.memref_slice %dma_start3A_74[%dma_start3A_75, %dma_start3A_76] : memref<100096x16xf32, #tpu.memory_space<hbm>> -> memref<100096x16xf32, #tpu.memory_space<hbm>>
    tpu.enqueue_indirect_dma source(%dma_start3A_77 : memref<100096x16xf32, #tpu.memory_space<hbm>>) target(%dma_start3A_67 : memref<128x16xf32, #tpu.memory_space<vmem>>) offsets(%dma_start3A_70 : memref<128xi32, #tpu.memory_space<vmem>>) semaphore(%arg10 : memref<!tpu.dma_semaphore, #tpu.memory_space<semaphore_mem>>)
    %dma_start3A_78 = arith.constant 0 : i32
    %dma_start3A_79 = arith.constant 1 : i32
    %dma_start3A_80 = arith.constant 0 : i32
    %dma_start3A_81 = arith.constant 1 : i32
    %dma_start3A_82 = arith.constant 0 : i32
    %dma_start3A_83 = arith.constant 0 : i32
    %dma_start3A_84 = tpu.memref_slice %arg8[%dma_start3A_80, %dma_start3A_81, %dma_start3A_82, %dma_start3A_83] : memref<3x4x128x16xf32, #tpu.memory_space<vmem>> -> memref<1x1x128x16xf32, #tpu.memory_space<vmem>>
    %dma_start3A_85 = tpu.memref_squeeze %dma_start3A_84 : memref<1x1x128x16xf32, #tpu.memory_space<vmem>> -> memref<128x16xf32, #tpu.memory_space<vmem>>
    %dma_start3A_86 = arith.constant 0 : i32
    %dma_start3A_87 = tpu.memref_slice %arg6[%dma_start3A_78, %dma_start3A_79, %dma_start3A_86] : memref<3x4x128xi32, #tpu.memory_space<vmem>> -> memref<1x1x128xi32, #tpu.memory_space<vmem>>
    %dma_start3A_88 = tpu.memref_squeeze %dma_start3A_87 : memref<1x1x128xi32, #tpu.memory_space<vmem>> -> memref<128xi32, #tpu.memory_space<vmem>>
    %dma_start3A_89 = arith.constant 0 : i32
    %dma_start3A_90 = arith.constant 0 : i32
    %dma_start3A_91 = tpu.memref_slice %arg2[%arg0, %dma_start3A_89, %dma_start3A_90] : memref<2x100096x16xf32, #tpu.memory_space<hbm>> -> memref<1x100096x16xf32, #tpu.memory_space<hbm>>
    %dma_start3A_92 = tpu.memref_squeeze %dma_start3A_91 : memref<1x100096x16xf32, #tpu.memory_space<hbm>> -> memref<100096x16xf32, #tpu.memory_space<hbm>>
    %dma_start3A_93 = arith.constant 0 : i32
    %dma_start3A_94 = arith.constant 0 : i32
    %dma_start3A_95 = tpu.memref_slice %dma_start3A_92[%dma_start3A_93, %dma_start3A_94] : memref<100096x16xf32, #tpu.memory_space<hbm>> -> memref<100096x16xf32, #tpu.memory_space<hbm>>
    tpu.enqueue_indirect_dma source(%dma_start3A_95 : memref<100096x16xf32, #tpu.memory_space<hbm>>) target(%dma_start3A_85 : memref<128x16xf32, #tpu.memory_space<vmem>>) offsets(%dma_start3A_88 : memref<128xi32, #tpu.memory_space<vmem>>) semaphore(%arg10 : memref<!tpu.dma_semaphore, #tpu.memory_space<semaphore_mem>>)
    %dma_start3A_96 = arith.constant 0 : i32
    %dma_start3A_97 = arith.constant 2 : i32
    %dma_start3A_98 = arith.constant 0 : i32
    %dma_start3A_99 = arith.constant 2 : i32
    %dma_start3A_100 = arith.constant 0 : i32
    %dma_start3A_101 = arith.constant 0 : i32
    %dma_start3A_102 = tpu.memref_slice %arg8[%dma_start3A_98, %dma_start3A_99, %dma_start3A_100, %dma_start3A_101] : memref<3x4x128x16xf32, #tpu.memory_space<vmem>> -> memref<1x1x128x16xf32, #tpu.memory_space<vmem>>
    %dma_start3A_103 = tpu.memref_squeeze %dma_start3A_102 : memref<1x1x128x16xf32, #tpu.memory_space<vmem>> -> memref<128x16xf32, #tpu.memory_space<vmem>>
    %dma_start3A_104 = arith.constant 0 : i32
    %dma_start3A_105 = tpu.memref_slice %arg6[%dma_start3A_96, %dma_start3A_97, %dma_start3A_104] : memref<3x4x128xi32, #tpu.memory_space<vmem>> -> memref<1x1x128xi32, #tpu.memory_space<vmem>>
    %dma_start3A_106 = tpu.memref_squeeze %dma_start3A_105 : memref<1x1x128xi32, #tpu.memory_space<vmem>> -> memref<128xi32, #tpu.memory_space<vmem>>
    %dma_start3A_107 = arith.constant 0 : i32
    %dma_start3A_108 = arith.constant 0 : i32
    %dma_start3A_109 = tpu.memref_slice %arg2[%arg0, %dma_start3A_107, %dma_start3A_108] : memref<2x100096x16xf32, #tpu.memory_space<hbm>> -> memref<1x100096x16xf32, #tpu.memory_space<hbm>>
    %dma_start3A_110 = tpu.memref_squeeze %dma_start3A_109 : memref<1x100096x16xf32, #tpu.memory_space<hbm>> -> memref<100096x16xf32, #tpu.memory_space<hbm>>
    %dma_start3A_111 = arith.constant 0 : i32
    %dma_start3A_112 = arith.constant 0 : i32
    %dma_start3A_113 = tpu.memref_slice %dma_start3A_110[%dma_start3A_111, %dma_start3A_112] : memref<100096x16xf32, #tpu.memory_space<hbm>> -> memref<100096x16xf32, #tpu.memory_space<hbm>>
    tpu.enqueue_indirect_dma source(%dma_start3A_113 : memref<100096x16xf32, #tpu.memory_space<hbm>>) target(%dma_start3A_103 : memref<128x16xf32, #tpu.memory_space<vmem>>) offsets(%dma_start3A_106 : memref<128xi32, #tpu.memory_space<vmem>>) semaphore(%arg10 : memref<!tpu.dma_semaphore, #tpu.memory_space<semaphore_mem>>)
    %dma_start3A_114 = arith.constant 0 : i32
    %dma_start3A_115 = arith.constant 3 : i32
    %dma_start3A_116 = arith.constant 0 : i32
    %dma_start3A_117 = arith.constant 3 : i32
    %dma_start3A_118 = arith.constant 0 : i32
    %dma_start3A_119 = arith.constant 0 : i32
    %dma_start3A_120 = tpu.memref_slice %arg8[%dma_start3A_116, %dma_start3A_117, %dma_start3A_118, %dma_start3A_119] : memref<3x4x128x16xf32, #tpu.memory_space<vmem>> -> memref<1x1x128x16xf32, #tpu.memory_space<vmem>>
    %dma_start3A_121 = tpu.memref_squeeze %dma_start3A_120 : memref<1x1x128x16xf32, #tpu.memory_space<vmem>> -> memref<128x16xf32, #tpu.memory_space<vmem>>
    %dma_start3A_122 = arith.constant 0 : i32
    %dma_start3A_123 = tpu.memref_slice %arg6[%dma_start3A_114, %dma_start3A_115, %dma_start3A_122] : memref<3x4x128xi32, #tpu.memory_space<vmem>> -> memref<1x1x128xi32, #tpu.memory_space<vmem>>
    %dma_start3A_124 = tpu.memref_squeeze %dma_start3A_123 : memref<1x1x128xi32, #tpu.memory_space<vmem>> -> memref<128xi32, #tpu.memory_space<vmem>>
    %dma_start3A_125 = arith.constant 0 : i32
    %dma_start3A_126 = arith.constant 0 : i32
    %dma_start3A_127 = tpu.memref_slice %arg2[%arg0, %dma_start3A_125, %dma_start3A_126] : memref<2x100096x16xf32, #tpu.memory_space<hbm>> -> memref<1x100096x16xf32, #tpu.memory_space<hbm>>
    %dma_start3A_128 = tpu.memref_squeeze %dma_start3A_127 : memref<1x100096x16xf32, #tpu.memory_space<hbm>> -> memref<100096x16xf32, #tpu.memory_space<hbm>>
    %dma_start3A_129 = arith.constant 0 : i32
    %dma_start3A_130 = arith.constant 0 : i32
    %dma_start3A_131 = tpu.memref_slice %dma_start3A_128[%dma_start3A_129, %dma_start3A_130] : memref<100096x16xf32, #tpu.memory_space<hbm>> -> memref<100096x16xf32, #tpu.memory_space<hbm>>
    tpu.enqueue_indirect_dma source(%dma_start3A_131 : memref<100096x16xf32, #tpu.memory_space<hbm>>) target(%dma_start3A_121 : memref<128x16xf32, #tpu.memory_space<vmem>>) offsets(%dma_start3A_124 : memref<128xi32, #tpu.memory_space<vmem>>) semaphore(%arg10 : memref<!tpu.dma_semaphore, #tpu.memory_space<semaphore_mem>>)
    %add3A_132 = arith.constant 4 : i32
    %add3A_133 = arith.addi %mul3A_4, %add3A_132 : i32
    %dma_start3A_134 = arith.constant 1 : i32
    %dma_start3A_135 = arith.constant 0 : i32
    %dma_start3A_136 = arith.constant 0 : i32
    %dma_start3A_137 = tpu.memref_slice %arg6[%dma_start3A_134, %dma_start3A_135, %dma_start3A_136] : memref<3x4x128xi32, #tpu.memory_space<vmem>> -> memref<1x4x128xi32, #tpu.memory_space<vmem>>
    %dma_start3A_138 = tpu.memref_squeeze %dma_start3A_137 : memref<1x4x128xi32, #tpu.memory_space<vmem>> -> memref<4x128xi32, #tpu.memory_space<vmem>>
    %dma_start3A_139 = arith.constant 0 : i32
    %dma_start3A_140 = tpu.memref_slice %arg3[%add3A_133, %dma_start3A_139] : memref<12548x128xi32, #tpu.memory_space<hbm>> -> memref<4x128xi32, #tpu.memory_space<hbm>>
    %dma_start3A_141 = arith.constant 0 : i32
    %dma_start3A_142 = arith.constant 0 : i32
    %dma_start3A_143 = tpu.memref_slice %arg6[%dma_start3A_134, %dma_start3A_141, %dma_start3A_142] : memref<3x4x128xi32, #tpu.memory_space<vmem>> -> memref<1x4x128xi32, #tpu.memory_space<vmem>>
    %dma_start3A_144 = tpu.memref_squeeze %dma_start3A_143 : memref<1x4x128xi32, #tpu.memory_space<vmem>> -> memref<4x128xi32, #tpu.memory_space<vmem>>
    %dma_start3A_145 = arith.constant 0 : i32
    %dma_start3A_146 = tpu.memref_slice %arg3[%add3A_133, %dma_start3A_145] : memref<12548x128xi32, #tpu.memory_space<hbm>> -> memref<4x128xi32, #tpu.memory_space<hbm>>
    tpu.enqueue_dma source(%dma_start3A_146 : memref<4x128xi32, #tpu.memory_space<hbm>>) target(%dma_start3A_144 : memref<4x128xi32, #tpu.memory_space<vmem>>) target_semaphore(%arg12 : memref<!tpu.dma_semaphore, #tpu.memory_space<semaphore_mem>>)
    %dma_start3A_147 = arith.constant 1 : i32
    %dma_start3A_148 = arith.constant 0 : i32
    %dma_start3A_149 = arith.constant 0 : i32
    %dma_start3A_150 = tpu.memref_slice %arg7[%dma_start3A_147, %dma_start3A_148, %dma_start3A_149] : memref<3x4x128xi32, #tpu.memory_space<vmem>> -> memref<1x4x128xi32, #tpu.memory_space<vmem>>
    %dma_start3A_151 = tpu.memref_squeeze %dma_start3A_150 : memref<1x4x128xi32, #tpu.memory_space<vmem>> -> memref<4x128xi32, #tpu.memory_space<vmem>>
    %dma_start3A_152 = arith.constant 0 : i32
    %dma_start3A_153 = tpu.memref_slice %arg4[%add3A_133, %dma_start3A_152] : memref<12548x128xi32, #tpu.memory_space<hbm>> -> memref<4x128xi32, #tpu.memory_space<hbm>>
    %dma_start3A_154 = arith.constant 0 : i32
    %dma_start3A_155 = arith.constant 0 : i32
    %dma_start3A_156 = tpu.memref_slice %arg7[%dma_start3A_147, %dma_start3A_154, %dma_start3A_155] : memref<3x4x128xi32, #tpu.memory_space<vmem>> -> memref<1x4x128xi32, #tpu.memory_space<vmem>>
    %dma_start3A_157 = tpu.memref_squeeze %dma_start3A_156 : memref<1x4x128xi32, #tpu.memory_space<vmem>> -> memref<4x128xi32, #tpu.memory_space<vmem>>
    %dma_start3A_158 = arith.constant 0 : i32
    %dma_start3A_159 = tpu.memref_slice %arg4[%add3A_133, %dma_start3A_158] : memref<12548x128xi32, #tpu.memory_space<hbm>> -> memref<4x128xi32, #tpu.memory_space<hbm>>
    tpu.enqueue_dma source(%dma_start3A_159 : memref<4x128xi32, #tpu.memory_space<hbm>>) target(%dma_start3A_157 : memref<4x128xi32, #tpu.memory_space<vmem>>) target_semaphore(%arg12 : memref<!tpu.dma_semaphore, #tpu.memory_space<semaphore_mem>>)
    %scan3A = arith.constant 0 : i32
    %scan3A_160 = arith.constant 0 : i32
    %scan3A_161 = arith.constant 195 : i32
    %scan3A_162 = arith.addi %scan3A_160, %scan3A_161 : i32
    %scan3A_163 = arith.constant 1 : i32
    scf.for %scan3A_594 = %scan3A_160 to %scan3A_162 step %scan3A_163  : i32 {
      %rem3A_595 = arith.constant 3 : i32
      %rem3A_596 = arith.remsi %scan3A_594, %rem3A_595 : i32
      %add3A_597 = arith.constant 1 : i32
      %add3A_598 = arith.addi %scan3A_594, %add3A_597 : i32
      %rem3A_599 = arith.constant 3 : i32
      %rem3A_600 = arith.remsi %add3A_598, %rem3A_599 : i32
      %add3A_601 = arith.constant 2 : i32
      %add3A_602 = arith.addi %scan3A_594, %add3A_601 : i32
      %rem3A_603 = arith.constant 3 : i32
      %rem3A_604 = arith.remsi %add3A_602, %rem3A_603 : i32
      %sub3A = arith.constant 2 : i32
      %sub3A_605 = arith.subi %scan3A_594, %sub3A : i32
      %add3A_606 = arith.constant 3 : i32
      %add3A_607 = arith.addi %sub3A_605, %add3A_606 : i32
      %rem3A_608 = arith.constant 3 : i32
      %rem3A_609 = arith.remsi %add3A_607, %rem3A_608 : i32
      %ge3A = arith.constant 2 : i32
      %ge3A_610 = arith.cmpi sge, %scan3A_594, %ge3A : i32
      %convert_element_type3A = arith.extui %ge3A_610 : i1 to i32
      %cond3A = arith.constant 0 : i32
      %cond3A_611 = arith.cmpi ne, %convert_element_type3A, %cond3A : i32
      scf.if %cond3A_611 {
        %dma_wait3A_850 = arith.constant 0 : i32
        %dma_wait3A_851 = arith.constant 0 : i32
        %dma_wait3A_852 = arith.constant 0 : i32
        %dma_wait3A_853 = tpu.memref_slice %arg8[%rem3A_609, %dma_wait3A_850, %dma_wait3A_851, %dma_wait3A_852] : memref<3x4x128x16xf32, #tpu.memory_space<vmem>> -> memref<1x1x128x16xf32, #tpu.memory_space<vmem>>
        %dma_wait3A_854 = tpu.memref_squeeze %dma_wait3A_853 : memref<1x1x128x16xf32, #tpu.memory_space<vmem>> -> memref<128x16xf32, #tpu.memory_space<vmem>>
        %dma_wait3A_855 = arith.constant 0 : i32
        %dma_wait3A_856 = arith.constant 0 : i32
        %dma_wait3A_857 = tpu.memref_slice %arg2[%arg0, %dma_wait3A_855, %dma_wait3A_856] : memref<2x100096x16xf32, #tpu.memory_space<hbm>> -> memref<1x100096x16xf32, #tpu.memory_space<hbm>>
        %dma_wait3A_858 = tpu.memref_squeeze %dma_wait3A_857 : memref<1x100096x16xf32, #tpu.memory_space<hbm>> -> memref<100096x16xf32, #tpu.memory_space<hbm>>
        %dma_wait3A_859 = arith.constant 0 : i32
        %dma_wait3A_860 = arith.constant 0 : i32
        %dma_wait3A_861 = tpu.memref_slice %dma_wait3A_858[%dma_wait3A_859, %dma_wait3A_860] : memref<100096x16xf32, #tpu.memory_space<hbm>> -> memref<128x16xf32, #tpu.memory_space<hbm>>
        %dma_wait3A_862 = arith.constant 0 : i32
        %dma_wait3A_863 = arith.constant 0 : i32
        %dma_wait3A_864 = tpu.memref_slice %arg8[%rem3A_609, %dma_wait3A_850, %dma_wait3A_862, %dma_wait3A_863] : memref<3x4x128x16xf32, #tpu.memory_space<vmem>> -> memref<1x1x128x16xf32, #tpu.memory_space<vmem>>
        %dma_wait3A_865 = tpu.memref_squeeze %dma_wait3A_864 : memref<1x1x128x16xf32, #tpu.memory_space<vmem>> -> memref<128x16xf32, #tpu.memory_space<vmem>>
        %dma_wait3A_866 = arith.constant 0 : i32
        %dma_wait3A_867 = arith.constant 0 : i32
        %dma_wait3A_868 = tpu.memref_slice %arg2[%arg0, %dma_wait3A_866, %dma_wait3A_867] : memref<2x100096x16xf32, #tpu.memory_space<hbm>> -> memref<1x100096x16xf32, #tpu.memory_space<hbm>>
        %dma_wait3A_869 = tpu.memref_squeeze %dma_wait3A_868 : memref<1x100096x16xf32, #tpu.memory_space<hbm>> -> memref<100096x16xf32, #tpu.memory_space<hbm>>
        %dma_wait3A_870 = arith.constant 0 : i32
        %dma_wait3A_871 = arith.constant 0 : i32
        %dma_wait3A_872 = tpu.memref_slice %dma_wait3A_869[%dma_wait3A_870, %dma_wait3A_871] : memref<100096x16xf32, #tpu.memory_space<hbm>> -> memref<128x16xf32, #tpu.memory_space<hbm>>
        tpu.wait_dma2 semaphore(%arg11 : memref<!tpu.dma_semaphore, #tpu.memory_space<semaphore_mem>>) src(%dma_wait3A_872 : memref<128x16xf32, #tpu.memory_space<hbm>>) dst(%dma_wait3A_865 : memref<128x16xf32, #tpu.memory_space<vmem>>)
        %dma_wait3A_873 = arith.constant 1 : i32
        %dma_wait3A_874 = arith.constant 0 : i32
        %dma_wait3A_875 = arith.constant 0 : i32
        %dma_wait3A_876 = tpu.memref_slice %arg8[%rem3A_609, %dma_wait3A_873, %dma_wait3A_874, %dma_wait3A_875] : memref<3x4x128x16xf32, #tpu.memory_space<vmem>> -> memref<1x1x128x16xf32, #tpu.memory_space<vmem>>
        %dma_wait3A_877 = tpu.memref_squeeze %dma_wait3A_876 : memref<1x1x128x16xf32, #tpu.memory_space<vmem>> -> memref<128x16xf32, #tpu.memory_space<vmem>>
        %dma_wait3A_878 = arith.constant 0 : i32
        %dma_wait3A_879 = arith.constant 0 : i32
        %dma_wait3A_880 = tpu.memref_slice %arg2[%arg0, %dma_wait3A_878, %dma_wait3A_879] : memref<2x100096x16xf32, #tpu.memory_space<hbm>> -> memref<1x100096x16xf32, #tpu.memory_space<hbm>>
        %dma_wait3A_881 = tpu.memref_squeeze %dma_wait3A_880 : memref<1x100096x16xf32, #tpu.memory_space<hbm>> -> memref<100096x16xf32, #tpu.memory_space<hbm>>
        %dma_wait3A_882 = arith.constant 0 : i32
        %dma_wait3A_883 = arith.constant 0 : i32
        %dma_wait3A_884 = tpu.memref_slice %dma_wait3A_881[%dma_wait3A_882, %dma_wait3A_883] : memref<100096x16xf32, #tpu.memory_space<hbm>> -> memref<128x16xf32, #tpu.memory_space<hbm>>
        %dma_wait3A_885 = arith.constant 0 : i32
        %dma_wait3A_886 = arith.constant 0 : i32
        %dma_wait3A_887 = tpu.memref_slice %arg8[%rem3A_609, %dma_wait3A_873, %dma_wait3A_885, %dma_wait3A_886] : memref<3x4x128x16xf32, #tpu.memory_space<vmem>> -> memref<1x1x128x16xf32, #tpu.memory_space<vmem>>
        %dma_wait3A_888 = tpu.memref_squeeze %dma_wait3A_887 : memref<1x1x128x16xf32, #tpu.memory_space<vmem>> -> memref<128x16xf32, #tpu.memory_space<vmem>>
        %dma_wait3A_889 = arith.constant 0 : i32
        %dma_wait3A_890 = arith.constant 0 : i32
        %dma_wait3A_891 = tpu.memref_slice %arg2[%arg0, %dma_wait3A_889, %dma_wait3A_890] : memref<2x100096x16xf32, #tpu.memory_space<hbm>> -> memref<1x100096x16xf32, #tpu.memory_space<hbm>>
        %dma_wait3A_892 = tpu.memref_squeeze %dma_wait3A_891 : memref<1x100096x16xf32, #tpu.memory_space<hbm>> -> memref<100096x16xf32, #tpu.memory_space<hbm>>
        %dma_wait3A_893 = arith.constant 0 : i32
        %dma_wait3A_894 = arith.constant 0 : i32
        %dma_wait3A_895 = tpu.memref_slice %dma_wait3A_892[%dma_wait3A_893, %dma_wait3A_894] : memref<100096x16xf32, #tpu.memory_space<hbm>> -> memref<128x16xf32, #tpu.memory_space<hbm>>
        tpu.wait_dma2 semaphore(%arg11 : memref<!tpu.dma_semaphore, #tpu.memory_space<semaphore_mem>>) src(%dma_wait3A_895 : memref<128x16xf32, #tpu.memory_space<hbm>>) dst(%dma_wait3A_888 : memref<128x16xf32, #tpu.memory_space<vmem>>)
        %dma_wait3A_896 = arith.constant 2 : i32
        %dma_wait3A_897 = arith.constant 0 : i32
        %dma_wait3A_898 = arith.constant 0 : i32
        %dma_wait3A_899 = tpu.memref_slice %arg8[%rem3A_609, %dma_wait3A_896, %dma_wait3A_897, %dma_wait3A_898] : memref<3x4x128x16xf32, #tpu.memory_space<vmem>> -> memref<1x1x128x16xf32, #tpu.memory_space<vmem>>
        %dma_wait3A_900 = tpu.memref_squeeze %dma_wait3A_899 : memref<1x1x128x16xf32, #tpu.memory_space<vmem>> -> memref<128x16xf32, #tpu.memory_space<vmem>>
        %dma_wait3A_901 = arith.constant 0 : i32
        %dma_wait3A_902 = arith.constant 0 : i32
        %dma_wait3A_903 = tpu.memref_slice %arg2[%arg0, %dma_wait3A_901, %dma_wait3A_902] : memref<2x100096x16xf32, #tpu.memory_space<hbm>> -> memref<1x100096x16xf32, #tpu.memory_space<hbm>>
        %dma_wait3A_904 = tpu.memref_squeeze %dma_wait3A_903 : memref<1x100096x16xf32, #tpu.memory_space<hbm>> -> memref<100096x16xf32, #tpu.memory_space<hbm>>
        %dma_wait3A_905 = arith.constant 0 : i32
        %dma_wait3A_906 = arith.constant 0 : i32
        %dma_wait3A_907 = tpu.memref_slice %dma_wait3A_904[%dma_wait3A_905, %dma_wait3A_906] : memref<100096x16xf32, #tpu.memory_space<hbm>> -> memref<128x16xf32, #tpu.memory_space<hbm>>
        %dma_wait3A_908 = arith.constant 0 : i32
        %dma_wait3A_909 = arith.constant 0 : i32
        %dma_wait3A_910 = tpu.memref_slice %arg8[%rem3A_609, %dma_wait3A_896, %dma_wait3A_908, %dma_wait3A_909] : memref<3x4x128x16xf32, #tpu.memory_space<vmem>> -> memref<1x1x128x16xf32, #tpu.memory_space<vmem>>
        %dma_wait3A_911 = tpu.memref_squeeze %dma_wait3A_910 : memref<1x1x128x16xf32, #tpu.memory_space<vmem>> -> memref<128x16xf32, #tpu.memory_space<vmem>>
        %dma_wait3A_912 = arith.constant 0 : i32
        %dma_wait3A_913 = arith.constant 0 : i32
        %dma_wait3A_914 = tpu.memref_slice %arg2[%arg0, %dma_wait3A_912, %dma_wait3A_913] : memref<2x100096x16xf32, #tpu.memory_space<hbm>> -> memref<1x100096x16xf32, #tpu.memory_space<hbm>>
        %dma_wait3A_915 = tpu.memref_squeeze %dma_wait3A_914 : memref<1x100096x16xf32, #tpu.memory_space<hbm>> -> memref<100096x16xf32, #tpu.memory_space<hbm>>
        %dma_wait3A_916 = arith.constant 0 : i32
        %dma_wait3A_917 = arith.constant 0 : i32
        %dma_wait3A_918 = tpu.memref_slice %dma_wait3A_915[%dma_wait3A_916, %dma_wait3A_917] : memref<100096x16xf32, #tpu.memory_space<hbm>> -> memref<128x16xf32, #tpu.memory_space<hbm>>
        tpu.wait_dma2 semaphore(%arg11 : memref<!tpu.dma_semaphore, #tpu.memory_space<semaphore_mem>>) src(%dma_wait3A_918 : memref<128x16xf32, #tpu.memory_space<hbm>>) dst(%dma_wait3A_911 : memref<128x16xf32, #tpu.memory_space<vmem>>)
        %dma_wait3A_919 = arith.constant 3 : i32
        %dma_wait3A_920 = arith.constant 0 : i32
        %dma_wait3A_921 = arith.constant 0 : i32
        %dma_wait3A_922 = tpu.memref_slice %arg8[%rem3A_609, %dma_wait3A_919, %dma_wait3A_920, %dma_wait3A_921] : memref<3x4x128x16xf32, #tpu.memory_space<vmem>> -> memref<1x1x128x16xf32, #tpu.memory_space<vmem>>
        %dma_wait3A_923 = tpu.memref_squeeze %dma_wait3A_922 : memref<1x1x128x16xf32, #tpu.memory_space<vmem>> -> memref<128x16xf32, #tpu.memory_space<vmem>>
        %dma_wait3A_924 = arith.constant 0 : i32
        %dma_wait3A_925 = arith.constant 0 : i32
        %dma_wait3A_926 = tpu.memref_slice %arg2[%arg0, %dma_wait3A_924, %dma_wait3A_925] : memref<2x100096x16xf32, #tpu.memory_space<hbm>> -> memref<1x100096x16xf32, #tpu.memory_space<hbm>>
        %dma_wait3A_927 = tpu.memref_squeeze %dma_wait3A_926 : memref<1x100096x16xf32, #tpu.memory_space<hbm>> -> memref<100096x16xf32, #tpu.memory_space<hbm>>
        %dma_wait3A_928 = arith.constant 0 : i32
        %dma_wait3A_929 = arith.constant 0 : i32
        %dma_wait3A_930 = tpu.memref_slice %dma_wait3A_927[%dma_wait3A_928, %dma_wait3A_929] : memref<100096x16xf32, #tpu.memory_space<hbm>> -> memref<128x16xf32, #tpu.memory_space<hbm>>
        %dma_wait3A_931 = arith.constant 0 : i32
        %dma_wait3A_932 = arith.constant 0 : i32
        %dma_wait3A_933 = tpu.memref_slice %arg8[%rem3A_609, %dma_wait3A_919, %dma_wait3A_931, %dma_wait3A_932] : memref<3x4x128x16xf32, #tpu.memory_space<vmem>> -> memref<1x1x128x16xf32, #tpu.memory_space<vmem>>
        %dma_wait3A_934 = tpu.memref_squeeze %dma_wait3A_933 : memref<1x1x128x16xf32, #tpu.memory_space<vmem>> -> memref<128x16xf32, #tpu.memory_space<vmem>>
        %dma_wait3A_935 = arith.constant 0 : i32
        %dma_wait3A_936 = arith.constant 0 : i32
        %dma_wait3A_937 = tpu.memref_slice %arg2[%arg0, %dma_wait3A_935, %dma_wait3A_936] : memref<2x100096x16xf32, #tpu.memory_space<hbm>> -> memref<1x100096x16xf32, #tpu.memory_space<hbm>>
        %dma_wait3A_938 = tpu.memref_squeeze %dma_wait3A_937 : memref<1x100096x16xf32, #tpu.memory_space<hbm>> -> memref<100096x16xf32, #tpu.memory_space<hbm>>
        %dma_wait3A_939 = arith.constant 0 : i32
        %dma_wait3A_940 = arith.constant 0 : i32
        %dma_wait3A_941 = tpu.memref_slice %dma_wait3A_938[%dma_wait3A_939, %dma_wait3A_940] : memref<100096x16xf32, #tpu.memory_space<hbm>> -> memref<128x16xf32, #tpu.memory_space<hbm>>
        tpu.wait_dma2 semaphore(%arg11 : memref<!tpu.dma_semaphore, #tpu.memory_space<semaphore_mem>>) src(%dma_wait3A_941 : memref<128x16xf32, #tpu.memory_space<hbm>>) dst(%dma_wait3A_934 : memref<128x16xf32, #tpu.memory_space<vmem>>)
      } else {
      }
      %dma_wait3A_612 = arith.constant 0 : i32
      %dma_wait3A_613 = arith.constant 0 : i32
      %dma_wait3A_614 = arith.constant 0 : i32
      %dma_wait3A_615 = tpu.memref_slice %arg8[%rem3A_596, %dma_wait3A_612, %dma_wait3A_613, %dma_wait3A_614] : memref<3x4x128x16xf32, #tpu.memory_space<vmem>> -> memref<1x1x128x16xf32, #tpu.memory_space<vmem>>
      %dma_wait3A_616 = tpu.memref_squeeze %dma_wait3A_615 : memref<1x1x128x16xf32, #tpu.memory_space<vmem>> -> memref<128x16xf32, #tpu.memory_space<vmem>>
      %dma_wait3A_617 = arith.constant 0 : i32
      %dma_wait3A_618 = arith.constant 0 : i32
      %dma_wait3A_619 = tpu.memref_slice %arg2[%arg0, %dma_wait3A_617, %dma_wait3A_618] : memref<2x100096x16xf32, #tpu.memory_space<hbm>> -> memref<1x100096x16xf32, #tpu.memory_space<hbm>>
      %dma_wait3A_620 = tpu.memref_squeeze %dma_wait3A_619 : memref<1x100096x16xf32, #tpu.memory_space<hbm>> -> memref<100096x16xf32, #tpu.memory_space<hbm>>
      %dma_wait3A_621 = arith.constant 0 : i32
      %dma_wait3A_622 = arith.constant 0 : i32
      %dma_wait3A_623 = tpu.memref_slice %dma_wait3A_620[%dma_wait3A_621, %dma_wait3A_622] : memref<100096x16xf32, #tpu.memory_space<hbm>> -> memref<128x16xf32, #tpu.memory_space<hbm>>
      %dma_wait3A_624 = arith.constant 0 : i32
      %dma_wait3A_625 = arith.constant 0 : i32
      %dma_wait3A_626 = tpu.memref_slice %arg8[%rem3A_596, %dma_wait3A_612, %dma_wait3A_624, %dma_wait3A_625] : memref<3x4x128x16xf32, #tpu.memory_space<vmem>> -> memref<1x1x128x16xf32, #tpu.memory_space<vmem>>
      %dma_wait3A_627 = tpu.memref_squeeze %dma_wait3A_626 : memref<1x1x128x16xf32, #tpu.memory_space<vmem>> -> memref<128x16xf32, #tpu.memory_space<vmem>>
      %dma_wait3A_628 = arith.constant 0 : i32
      %dma_wait3A_629 = arith.constant 0 : i32
      %dma_wait3A_630 = tpu.memref_slice %arg2[%arg0, %dma_wait3A_628, %dma_wait3A_629] : memref<2x100096x16xf32, #tpu.memory_space<hbm>> -> memref<1x100096x16xf32, #tpu.memory_space<hbm>>
      %dma_wait3A_631 = tpu.memref_squeeze %dma_wait3A_630 : memref<1x100096x16xf32, #tpu.memory_space<hbm>> -> memref<100096x16xf32, #tpu.memory_space<hbm>>
      %dma_wait3A_632 = arith.constant 0 : i32
      %dma_wait3A_633 = arith.constant 0 : i32
      %dma_wait3A_634 = tpu.memref_slice %dma_wait3A_631[%dma_wait3A_632, %dma_wait3A_633] : memref<100096x16xf32, #tpu.memory_space<hbm>> -> memref<128x16xf32, #tpu.memory_space<hbm>>
      tpu.wait_dma2 semaphore(%arg10 : memref<!tpu.dma_semaphore, #tpu.memory_space<semaphore_mem>>) src(%dma_wait3A_634 : memref<128x16xf32, #tpu.memory_space<hbm>>) dst(%dma_wait3A_627 : memref<128x16xf32, #tpu.memory_space<vmem>>)
      %dma_wait3A_635 = arith.constant 1 : i32
      %dma_wait3A_636 = arith.constant 0 : i32
      %dma_wait3A_637 = arith.constant 0 : i32
      %dma_wait3A_638 = tpu.memref_slice %arg8[%rem3A_596, %dma_wait3A_635, %dma_wait3A_636, %dma_wait3A_637] : memref<3x4x128x16xf32, #tpu.memory_space<vmem>> -> memref<1x1x128x16xf32, #tpu.memory_space<vmem>>
      %dma_wait3A_639 = tpu.memref_squeeze %dma_wait3A_638 : memref<1x1x128x16xf32, #tpu.memory_space<vmem>> -> memref<128x16xf32, #tpu.memory_space<vmem>>
      %dma_wait3A_640 = arith.constant 0 : i32
      %dma_wait3A_641 = arith.constant 0 : i32
      %dma_wait3A_642 = tpu.memref_slice %arg2[%arg0, %dma_wait3A_640, %dma_wait3A_641] : memref<2x100096x16xf32, #tpu.memory_space<hbm>> -> memref<1x100096x16xf32, #tpu.memory_space<hbm>>
      %dma_wait3A_643 = tpu.memref_squeeze %dma_wait3A_642 : memref<1x100096x16xf32, #tpu.memory_space<hbm>> -> memref<100096x16xf32, #tpu.memory_space<hbm>>
      %dma_wait3A_644 = arith.constant 0 : i32
      %dma_wait3A_645 = arith.constant 0 : i32
      %dma_wait3A_646 = tpu.memref_slice %dma_wait3A_643[%dma_wait3A_644, %dma_wait3A_645] : memref<100096x16xf32, #tpu.memory_space<hbm>> -> memref<128x16xf32, #tpu.memory_space<hbm>>
      %dma_wait3A_647 = arith.constant 0 : i32
      %dma_wait3A_648 = arith.constant 0 : i32
      %dma_wait3A_649 = tpu.memref_slice %arg8[%rem3A_596, %dma_wait3A_635, %dma_wait3A_647, %dma_wait3A_648] : memref<3x4x128x16xf32, #tpu.memory_space<vmem>> -> memref<1x1x128x16xf32, #tpu.memory_space<vmem>>
      %dma_wait3A_650 = tpu.memref_squeeze %dma_wait3A_649 : memref<1x1x128x16xf32, #tpu.memory_space<vmem>> -> memref<128x16xf32, #tpu.memory_space<vmem>>
      %dma_wait3A_651 = arith.constant 0 : i32
      %dma_wait3A_652 = arith.constant 0 : i32
      %dma_wait3A_653 = tpu.memref_slice %arg2[%arg0, %dma_wait3A_651, %dma_wait3A_652] : memref<2x100096x16xf32, #tpu.memory_space<hbm>> -> memref<1x100096x16xf32, #tpu.memory_space<hbm>>
      %dma_wait3A_654 = tpu.memref_squeeze %dma_wait3A_653 : memref<1x100096x16xf32, #tpu.memory_space<hbm>> -> memref<100096x16xf32, #tpu.memory_space<hbm>>
      %dma_wait3A_655 = arith.constant 0 : i32
      %dma_wait3A_656 = arith.constant 0 : i32
      %dma_wait3A_657 = tpu.memref_slice %dma_wait3A_654[%dma_wait3A_655, %dma_wait3A_656] : memref<100096x16xf32, #tpu.memory_space<hbm>> -> memref<128x16xf32, #tpu.memory_space<hbm>>
      tpu.wait_dma2 semaphore(%arg10 : memref<!tpu.dma_semaphore, #tpu.memory_space<semaphore_mem>>) src(%dma_wait3A_657 : memref<128x16xf32, #tpu.memory_space<hbm>>) dst(%dma_wait3A_650 : memref<128x16xf32, #tpu.memory_space<vmem>>)
      %dma_wait3A_658 = arith.constant 2 : i32
      %dma_wait3A_659 = arith.constant 0 : i32
      %dma_wait3A_660 = arith.constant 0 : i32
      %dma_wait3A_661 = tpu.memref_slice %arg8[%rem3A_596, %dma_wait3A_658, %dma_wait3A_659, %dma_wait3A_660] : memref<3x4x128x16xf32, #tpu.memory_space<vmem>> -> memref<1x1x128x16xf32, #tpu.memory_space<vmem>>
      %dma_wait3A_662 = tpu.memref_squeeze %dma_wait3A_661 : memref<1x1x128x16xf32, #tpu.memory_space<vmem>> -> memref<128x16xf32, #tpu.memory_space<vmem>>
      %dma_wait3A_663 = arith.constant 0 : i32
      %dma_wait3A_664 = arith.constant 0 : i32
      %dma_wait3A_665 = tpu.memref_slice %arg2[%arg0, %dma_wait3A_663, %dma_wait3A_664] : memref<2x100096x16xf32, #tpu.memory_space<hbm>> -> memref<1x100096x16xf32, #tpu.memory_space<hbm>>
      %dma_wait3A_666 = tpu.memref_squeeze %dma_wait3A_665 : memref<1x100096x16xf32, #tpu.memory_space<hbm>> -> memref<100096x16xf32, #tpu.memory_space<hbm>>
      %dma_wait3A_667 = arith.constant 0 : i32
      %dma_wait3A_668 = arith.constant 0 : i32
      %dma_wait3A_669 = tpu.memref_slice %dma_wait3A_666[%dma_wait3A_667, %dma_wait3A_668] : memref<100096x16xf32, #tpu.memory_space<hbm>> -> memref<128x16xf32, #tpu.memory_space<hbm>>
      %dma_wait3A_670 = arith.constant 0 : i32
      %dma_wait3A_671 = arith.constant 0 : i32
      %dma_wait3A_672 = tpu.memref_slice %arg8[%rem3A_596, %dma_wait3A_658, %dma_wait3A_670, %dma_wait3A_671] : memref<3x4x128x16xf32, #tpu.memory_space<vmem>> -> memref<1x1x128x16xf32, #tpu.memory_space<vmem>>
      %dma_wait3A_673 = tpu.memref_squeeze %dma_wait3A_672 : memref<1x1x128x16xf32, #tpu.memory_space<vmem>> -> memref<128x16xf32, #tpu.memory_space<vmem>>
      %dma_wait3A_674 = arith.constant 0 : i32
      %dma_wait3A_675 = arith.constant 0 : i32
      %dma_wait3A_676 = tpu.memref_slice %arg2[%arg0, %dma_wait3A_674, %dma_wait3A_675] : memref<2x100096x16xf32, #tpu.memory_space<hbm>> -> memref<1x100096x16xf32, #tpu.memory_space<hbm>>
      %dma_wait3A_677 = tpu.memref_squeeze %dma_wait3A_676 : memref<1x100096x16xf32, #tpu.memory_space<hbm>> -> memref<100096x16xf32, #tpu.memory_space<hbm>>
      %dma_wait3A_678 = arith.constant 0 : i32
      %dma_wait3A_679 = arith.constant 0 : i32
      %dma_wait3A_680 = tpu.memref_slice %dma_wait3A_677[%dma_wait3A_678, %dma_wait3A_679] : memref<100096x16xf32, #tpu.memory_space<hbm>> -> memref<128x16xf32, #tpu.memory_space<hbm>>
      tpu.wait_dma2 semaphore(%arg10 : memref<!tpu.dma_semaphore, #tpu.memory_space<semaphore_mem>>) src(%dma_wait3A_680 : memref<128x16xf32, #tpu.memory_space<hbm>>) dst(%dma_wait3A_673 : memref<128x16xf32, #tpu.memory_space<vmem>>)
      %dma_wait3A_681 = arith.constant 3 : i32
      %dma_wait3A_682 = arith.constant 0 : i32
      %dma_wait3A_683 = arith.constant 0 : i32
      %dma_wait3A_684 = tpu.memref_slice %arg8[%rem3A_596, %dma_wait3A_681, %dma_wait3A_682, %dma_wait3A_683] : memref<3x4x128x16xf32, #tpu.memory_space<vmem>> -> memref<1x1x128x16xf32, #tpu.memory_space<vmem>>
      %dma_wait3A_685 = tpu.memref_squeeze %dma_wait3A_684 : memref<1x1x128x16xf32, #tpu.memory_space<vmem>> -> memref<128x16xf32, #tpu.memory_space<vmem>>
      %dma_wait3A_686 = arith.constant 0 : i32
      %dma_wait3A_687 = arith.constant 0 : i32
      %dma_wait3A_688 = tpu.memref_slice %arg2[%arg0, %dma_wait3A_686, %dma_wait3A_687] : memref<2x100096x16xf32, #tpu.memory_space<hbm>> -> memref<1x100096x16xf32, #tpu.memory_space<hbm>>
      %dma_wait3A_689 = tpu.memref_squeeze %dma_wait3A_688 : memref<1x100096x16xf32, #tpu.memory_space<hbm>> -> memref<100096x16xf32, #tpu.memory_space<hbm>>
      %dma_wait3A_690 = arith.constant 0 : i32
      %dma_wait3A_691 = arith.constant 0 : i32
      %dma_wait3A_692 = tpu.memref_slice %dma_wait3A_689[%dma_wait3A_690, %dma_wait3A_691] : memref<100096x16xf32, #tpu.memory_space<hbm>> -> memref<128x16xf32, #tpu.memory_space<hbm>>
      %dma_wait3A_693 = arith.constant 0 : i32
      %dma_wait3A_694 = arith.constant 0 : i32
      %dma_wait3A_695 = tpu.memref_slice %arg8[%rem3A_596, %dma_wait3A_681, %dma_wait3A_693, %dma_wait3A_694] : memref<3x4x128x16xf32, #tpu.memory_space<vmem>> -> memref<1x1x128x16xf32, #tpu.memory_space<vmem>>
      %dma_wait3A_696 = tpu.memref_squeeze %dma_wait3A_695 : memref<1x1x128x16xf32, #tpu.memory_space<vmem>> -> memref<128x16xf32, #tpu.memory_space<vmem>>
      %dma_wait3A_697 = arith.constant 0 : i32
      %dma_wait3A_698 = arith.constant 0 : i32
      %dma_wait3A_699 = tpu.memref_slice %arg2[%arg0, %dma_wait3A_697, %dma_wait3A_698] : memref<2x100096x16xf32, #tpu.memory_space<hbm>> -> memref<1x100096x16xf32, #tpu.memory_space<hbm>>
      %dma_wait3A_700 = tpu.memref_squeeze %dma_wait3A_699 : memref<1x100096x16xf32, #tpu.memory_space<hbm>> -> memref<100096x16xf32, #tpu.memory_space<hbm>>
      %dma_wait3A_701 = arith.constant 0 : i32
      %dma_wait3A_702 = arith.constant 0 : i32
      %dma_wait3A_703 = tpu.memref_slice %dma_wait3A_700[%dma_wait3A_701, %dma_wait3A_702] : memref<100096x16xf32, #tpu.memory_space<hbm>> -> memref<128x16xf32, #tpu.memory_space<hbm>>
      tpu.wait_dma2 semaphore(%arg10 : memref<!tpu.dma_semaphore, #tpu.memory_space<semaphore_mem>>) src(%dma_wait3A_703 : memref<128x16xf32, #tpu.memory_space<hbm>>) dst(%dma_wait3A_696 : memref<128x16xf32, #tpu.memory_space<vmem>>)
      %dma_start3A_704 = arith.constant 0 : i32
      %dma_start3A_705 = arith.constant 0 : i32
      %dma_start3A_706 = arith.constant 0 : i32
      %dma_start3A_707 = arith.constant 0 : i32
      %dma_start3A_708 = tpu.memref_slice %arg8[%rem3A_596, %dma_start3A_704, %dma_start3A_706, %dma_start3A_707] : memref<3x4x128x16xf32, #tpu.memory_space<vmem>> -> memref<1x1x128x16xf32, #tpu.memory_space<vmem>>
      %dma_start3A_709 = tpu.memref_squeeze %dma_start3A_708 : memref<1x1x128x16xf32, #tpu.memory_space<vmem>> -> memref<128x16xf32, #tpu.memory_space<vmem>>
      %dma_start3A_710 = arith.constant 0 : i32
      %dma_start3A_711 = tpu.memref_slice %arg7[%rem3A_596, %dma_start3A_705, %dma_start3A_710] : memref<3x4x128xi32, #tpu.memory_space<vmem>> -> memref<1x1x128xi32, #tpu.memory_space<vmem>>
      %dma_start3A_712 = tpu.memref_squeeze %dma_start3A_711 : memref<1x1x128xi32, #tpu.memory_space<vmem>> -> memref<128xi32, #tpu.memory_space<vmem>>
      %dma_start3A_713 = arith.constant 0 : i32
      %dma_start3A_714 = arith.constant 0 : i32
      %dma_start3A_715 = tpu.memref_slice %arg9[%dma_start3A_713, %dma_start3A_714] : memref<100112x16xf32, #tpu.memory_space<vmem_shared>> -> memref<100112x16xf32, #tpu.memory_space<vmem_shared>>
      tpu.enqueue_indirect_dma source(%dma_start3A_709 : memref<128x16xf32, #tpu.memory_space<vmem>>) target(%dma_start3A_715 : memref<100112x16xf32, #tpu.memory_space<vmem_shared>>) offsets(%dma_start3A_712 : memref<128xi32, #tpu.memory_space<vmem>>) semaphore(%arg11 : memref<!tpu.dma_semaphore, #tpu.memory_space<semaphore_mem>>) {add = true}
      %dma_start3A_716 = arith.constant 1 : i32
      %dma_start3A_717 = arith.constant 1 : i32
      %dma_start3A_718 = arith.constant 0 : i32
      %dma_start3A_719 = arith.constant 0 : i32
      %dma_start3A_720 = tpu.memref_slice %arg8[%rem3A_596, %dma_start3A_716, %dma_start3A_718, %dma_start3A_719] : memref<3x4x128x16xf32, #tpu.memory_space<vmem>> -> memref<1x1x128x16xf32, #tpu.memory_space<vmem>>
      %dma_start3A_721 = tpu.memref_squeeze %dma_start3A_720 : memref<1x1x128x16xf32, #tpu.memory_space<vmem>> -> memref<128x16xf32, #tpu.memory_space<vmem>>
      %dma_start3A_722 = arith.constant 0 : i32
      %dma_start3A_723 = tpu.memref_slice %arg7[%rem3A_596, %dma_start3A_717, %dma_start3A_722] : memref<3x4x128xi32, #tpu.memory_space<vmem>> -> memref<1x1x128xi32, #tpu.memory_space<vmem>>
      %dma_start3A_724 = tpu.memref_squeeze %dma_start3A_723 : memref<1x1x128xi32, #tpu.memory_space<vmem>> -> memref<128xi32, #tpu.memory_space<vmem>>
      %dma_start3A_725 = arith.constant 0 : i32
      %dma_start3A_726 = arith.constant 0 : i32
      %dma_start3A_727 = tpu.memref_slice %arg9[%dma_start3A_725, %dma_start3A_726] : memref<100112x16xf32, #tpu.memory_space<vmem_shared>> -> memref<100112x16xf32, #tpu.memory_space<vmem_shared>>
      tpu.enqueue_indirect_dma source(%dma_start3A_721 : memref<128x16xf32, #tpu.memory_space<vmem>>) target(%dma_start3A_727 : memref<100112x16xf32, #tpu.memory_space<vmem_shared>>) offsets(%dma_start3A_724 : memref<128xi32, #tpu.memory_space<vmem>>) semaphore(%arg11 : memref<!tpu.dma_semaphore, #tpu.memory_space<semaphore_mem>>) {add = true}
      %dma_start3A_728 = arith.constant 2 : i32
      %dma_start3A_729 = arith.constant 2 : i32
      %dma_start3A_730 = arith.constant 0 : i32
      %dma_start3A_731 = arith.constant 0 : i32
      %dma_start3A_732 = tpu.memref_slice %arg8[%rem3A_596, %dma_start3A_728, %dma_start3A_730, %dma_start3A_731] : memref<3x4x128x16xf32, #tpu.memory_space<vmem>> -> memref<1x1x128x16xf32, #tpu.memory_space<vmem>>
      %dma_start3A_733 = tpu.memref_squeeze %dma_start3A_732 : memref<1x1x128x16xf32, #tpu.memory_space<vmem>> -> memref<128x16xf32, #tpu.memory_space<vmem>>
      %dma_start3A_734 = arith.constant 0 : i32
      %dma_start3A_735 = tpu.memref_slice %arg7[%rem3A_596, %dma_start3A_729, %dma_start3A_734] : memref<3x4x128xi32, #tpu.memory_space<vmem>> -> memref<1x1x128xi32, #tpu.memory_space<vmem>>
      %dma_start3A_736 = tpu.memref_squeeze %dma_start3A_735 : memref<1x1x128xi32, #tpu.memory_space<vmem>> -> memref<128xi32, #tpu.memory_space<vmem>>
      %dma_start3A_737 = arith.constant 0 : i32
      %dma_start3A_738 = arith.constant 0 : i32
      %dma_start3A_739 = tpu.memref_slice %arg9[%dma_start3A_737, %dma_start3A_738] : memref<100112x16xf32, #tpu.memory_space<vmem_shared>> -> memref<100112x16xf32, #tpu.memory_space<vmem_shared>>
      tpu.enqueue_indirect_dma source(%dma_start3A_733 : memref<128x16xf32, #tpu.memory_space<vmem>>) target(%dma_start3A_739 : memref<100112x16xf32, #tpu.memory_space<vmem_shared>>) offsets(%dma_start3A_736 : memref<128xi32, #tpu.memory_space<vmem>>) semaphore(%arg11 : memref<!tpu.dma_semaphore, #tpu.memory_space<semaphore_mem>>) {add = true}
      %dma_start3A_740 = arith.constant 3 : i32
      %dma_start3A_741 = arith.constant 3 : i32
      %dma_start3A_742 = arith.constant 0 : i32
      %dma_start3A_743 = arith.constant 0 : i32
      %dma_start3A_744 = tpu.memref_slice %arg8[%rem3A_596, %dma_start3A_740, %dma_start3A_742, %dma_start3A_743] : memref<3x4x128x16xf32, #tpu.memory_space<vmem>> -> memref<1x1x128x16xf32, #tpu.memory_space<vmem>>
      %dma_start3A_745 = tpu.memref_squeeze %dma_start3A_744 : memref<1x1x128x16xf32, #tpu.memory_space<vmem>> -> memref<128x16xf32, #tpu.memory_space<vmem>>
      %dma_start3A_746 = arith.constant 0 : i32
      %dma_start3A_747 = tpu.memref_slice %arg7[%rem3A_596, %dma_start3A_741, %dma_start3A_746] : memref<3x4x128xi32, #tpu.memory_space<vmem>> -> memref<1x1x128xi32, #tpu.memory_space<vmem>>
      %dma_start3A_748 = tpu.memref_squeeze %dma_start3A_747 : memref<1x1x128xi32, #tpu.memory_space<vmem>> -> memref<128xi32, #tpu.memory_space<vmem>>
      %dma_start3A_749 = arith.constant 0 : i32
      %dma_start3A_750 = arith.constant 0 : i32
      %dma_start3A_751 = tpu.memref_slice %arg9[%dma_start3A_749, %dma_start3A_750] : memref<100112x16xf32, #tpu.memory_space<vmem_shared>> -> memref<100112x16xf32, #tpu.memory_space<vmem_shared>>
      tpu.enqueue_indirect_dma source(%dma_start3A_745 : memref<128x16xf32, #tpu.memory_space<vmem>>) target(%dma_start3A_751 : memref<100112x16xf32, #tpu.memory_space<vmem_shared>>) offsets(%dma_start3A_748 : memref<128xi32, #tpu.memory_space<vmem>>) semaphore(%arg11 : memref<!tpu.dma_semaphore, #tpu.memory_space<semaphore_mem>>) {add = true}
      %dma_wait3A_752 = arith.constant 0 : i32
      %dma_wait3A_753 = arith.constant 0 : i32
      %dma_wait3A_754 = tpu.memref_slice %arg6[%rem3A_600, %dma_wait3A_752, %dma_wait3A_753] : memref<3x4x128xi32, #tpu.memory_space<vmem>> -> memref<1x4x128xi32, #tpu.memory_space<vmem>>
      %dma_wait3A_755 = tpu.memref_squeeze %dma_wait3A_754 : memref<1x4x128xi32, #tpu.memory_space<vmem>> -> memref<4x128xi32, #tpu.memory_space<vmem>>
      %dma_wait3A_756 = arith.constant 0 : i32
      %dma_wait3A_757 = arith.constant 0 : i32
      %dma_wait3A_758 = tpu.memref_slice %arg3[%dma_wait3A_756, %dma_wait3A_757] : memref<12548x128xi32, #tpu.memory_space<hbm>> -> memref<4x128xi32, #tpu.memory_space<hbm>>
      %dma_wait3A_759 = arith.constant 0 : i32
      %dma_wait3A_760 = arith.constant 0 : i32
      %dma_wait3A_761 = tpu.memref_slice %arg6[%rem3A_600, %dma_wait3A_759, %dma_wait3A_760] : memref<3x4x128xi32, #tpu.memory_space<vmem>> -> memref<1x4x128xi32, #tpu.memory_space<vmem>>
      %dma_wait3A_762 = tpu.memref_squeeze %dma_wait3A_761 : memref<1x4x128xi32, #tpu.memory_space<vmem>> -> memref<4x128xi32, #tpu.memory_space<vmem>>
      %dma_wait3A_763 = arith.constant 0 : i32
      %dma_wait3A_764 = arith.constant 0 : i32
      %dma_wait3A_765 = tpu.memref_slice %arg3[%dma_wait3A_763, %dma_wait3A_764] : memref<12548x128xi32, #tpu.memory_space<hbm>> -> memref<4x128xi32, #tpu.memory_space<hbm>>
      tpu.wait_dma2 semaphore(%arg12 : memref<!tpu.dma_semaphore, #tpu.memory_space<semaphore_mem>>) src(%dma_wait3A_765 : memref<4x128xi32, #tpu.memory_space<hbm>>) dst(%dma_wait3A_762 : memref<4x128xi32, #tpu.memory_space<vmem>>)
      %dma_wait3A_766 = arith.constant 0 : i32
      %dma_wait3A_767 = arith.constant 0 : i32
      %dma_wait3A_768 = tpu.memref_slice %arg7[%rem3A_600, %dma_wait3A_766, %dma_wait3A_767] : memref<3x4x128xi32, #tpu.memory_space<vmem>> -> memref<1x4x128xi32, #tpu.memory_space<vmem>>
      %dma_wait3A_769 = tpu.memref_squeeze %dma_wait3A_768 : memref<1x4x128xi32, #tpu.memory_space<vmem>> -> memref<4x128xi32, #tpu.memory_space<vmem>>
      %dma_wait3A_770 = arith.constant 0 : i32
      %dma_wait3A_771 = arith.constant 0 : i32
      %dma_wait3A_772 = tpu.memref_slice %arg3[%dma_wait3A_770, %dma_wait3A_771] : memref<12548x128xi32, #tpu.memory_space<hbm>> -> memref<4x128xi32, #tpu.memory_space<hbm>>
      %dma_wait3A_773 = arith.constant 0 : i32
      %dma_wait3A_774 = arith.constant 0 : i32
      %dma_wait3A_775 = tpu.memref_slice %arg7[%rem3A_600, %dma_wait3A_773, %dma_wait3A_774] : memref<3x4x128xi32, #tpu.memory_space<vmem>> -> memref<1x4x128xi32, #tpu.memory_space<vmem>>
      %dma_wait3A_776 = tpu.memref_squeeze %dma_wait3A_775 : memref<1x4x128xi32, #tpu.memory_space<vmem>> -> memref<4x128xi32, #tpu.memory_space<vmem>>
      %dma_wait3A_777 = arith.constant 0 : i32
      %dma_wait3A_778 = arith.constant 0 : i32
      %dma_wait3A_779 = tpu.memref_slice %arg3[%dma_wait3A_777, %dma_wait3A_778] : memref<12548x128xi32, #tpu.memory_space<hbm>> -> memref<4x128xi32, #tpu.memory_space<hbm>>
      tpu.wait_dma2 semaphore(%arg12 : memref<!tpu.dma_semaphore, #tpu.memory_space<semaphore_mem>>) src(%dma_wait3A_779 : memref<4x128xi32, #tpu.memory_space<hbm>>) dst(%dma_wait3A_776 : memref<4x128xi32, #tpu.memory_space<vmem>>)
      %dma_start3A_780 = arith.constant 0 : i32
      %dma_start3A_781 = arith.constant 0 : i32
      %dma_start3A_782 = arith.constant 0 : i32
      %dma_start3A_783 = arith.constant 0 : i32
      %dma_start3A_784 = tpu.memref_slice %arg8[%rem3A_600, %dma_start3A_781, %dma_start3A_782, %dma_start3A_783] : memref<3x4x128x16xf32, #tpu.memory_space<vmem>> -> memref<1x1x128x16xf32, #tpu.memory_space<vmem>>
      %dma_start3A_785 = tpu.memref_squeeze %dma_start3A_784 : memref<1x1x128x16xf32, #tpu.memory_space<vmem>> -> memref<128x16xf32, #tpu.memory_space<vmem>>
      %dma_start3A_786 = arith.constant 0 : i32
      %dma_start3A_787 = tpu.memref_slice %arg6[%rem3A_600, %dma_start3A_780, %dma_start3A_786] : memref<3x4x128xi32, #tpu.memory_space<vmem>> -> memref<1x1x128xi32, #tpu.memory_space<vmem>>
      %dma_start3A_788 = tpu.memref_squeeze %dma_start3A_787 : memref<1x1x128xi32, #tpu.memory_space<vmem>> -> memref<128xi32, #tpu.memory_space<vmem>>
      %dma_start3A_789 = arith.constant 0 : i32
      %dma_start3A_790 = arith.constant 0 : i32
      %dma_start3A_791 = tpu.memref_slice %arg2[%arg0, %dma_start3A_789, %dma_start3A_790] : memref<2x100096x16xf32, #tpu.memory_space<hbm>> -> memref<1x100096x16xf32, #tpu.memory_space<hbm>>
      %dma_start3A_792 = tpu.memref_squeeze %dma_start3A_791 : memref<1x100096x16xf32, #tpu.memory_space<hbm>> -> memref<100096x16xf32, #tpu.memory_space<hbm>>
      %dma_start3A_793 = arith.constant 0 : i32
      %dma_start3A_794 = arith.constant 0 : i32
      %dma_start3A_795 = tpu.memref_slice %dma_start3A_792[%dma_start3A_793, %dma_start3A_794] : memref<100096x16xf32, #tpu.memory_space<hbm>> -> memref<100096x16xf32, #tpu.memory_space<hbm>>
      tpu.enqueue_indirect_dma source(%dma_start3A_795 : memref<100096x16xf32, #tpu.memory_space<hbm>>) target(%dma_start3A_785 : memref<128x16xf32, #tpu.memory_space<vmem>>) offsets(%dma_start3A_788 : memref<128xi32, #tpu.memory_space<vmem>>) semaphore(%arg10 : memref<!tpu.dma_semaphore, #tpu.memory_space<semaphore_mem>>)
      %dma_start3A_796 = arith.constant 1 : i32
      %dma_start3A_797 = arith.constant 1 : i32
      %dma_start3A_798 = arith.constant 0 : i32
      %dma_start3A_799 = arith.constant 0 : i32
      %dma_start3A_800 = tpu.memref_slice %arg8[%rem3A_600, %dma_start3A_797, %dma_start3A_798, %dma_start3A_799] : memref<3x4x128x16xf32, #tpu.memory_space<vmem>> -> memref<1x1x128x16xf32, #tpu.memory_space<vmem>>
      %dma_start3A_801 = tpu.memref_squeeze %dma_start3A_800 : memref<1x1x128x16xf32, #tpu.memory_space<vmem>> -> memref<128x16xf32, #tpu.memory_space<vmem>>
      %dma_start3A_802 = arith.constant 0 : i32
      %dma_start3A_803 = tpu.memref_slice %arg6[%rem3A_600, %dma_start3A_796, %dma_start3A_802] : memref<3x4x128xi32, #tpu.memory_space<vmem>> -> memref<1x1x128xi32, #tpu.memory_space<vmem>>
      %dma_start3A_804 = tpu.memref_squeeze %dma_start3A_803 : memref<1x1x128xi32, #tpu.memory_space<vmem>> -> memref<128xi32, #tpu.memory_space<vmem>>
      %dma_start3A_805 = arith.constant 0 : i32
      %dma_start3A_806 = arith.constant 0 : i32
      %dma_start3A_807 = tpu.memref_slice %arg2[%arg0, %dma_start3A_805, %dma_start3A_806] : memref<2x100096x16xf32, #tpu.memory_space<hbm>> -> memref<1x100096x16xf32, #tpu.memory_space<hbm>>
      %dma_start3A_808 = tpu.memref_squeeze %dma_start3A_807 : memref<1x100096x16xf32, #tpu.memory_space<hbm>> -> memref<100096x16xf32, #tpu.memory_space<hbm>>
      %dma_start3A_809 = arith.constant 0 : i32
      %dma_start3A_810 = arith.constant 0 : i32
      %dma_start3A_811 = tpu.memref_slice %dma_start3A_808[%dma_start3A_809, %dma_start3A_810] : memref<100096x16xf32, #tpu.memory_space<hbm>> -> memref<100096x16xf32, #tpu.memory_space<hbm>>
      tpu.enqueue_indirect_dma source(%dma_start3A_811 : memref<100096x16xf32, #tpu.memory_space<hbm>>) target(%dma_start3A_801 : memref<128x16xf32, #tpu.memory_space<vmem>>) offsets(%dma_start3A_804 : memref<128xi32, #tpu.memory_space<vmem>>) semaphore(%arg10 : memref<!tpu.dma_semaphore, #tpu.memory_space<semaphore_mem>>)
      %dma_start3A_812 = arith.constant 2 : i32
      %dma_start3A_813 = arith.constant 2 : i32
      %dma_start3A_814 = arith.constant 0 : i32
      %dma_start3A_815 = arith.constant 0 : i32
      %dma_start3A_816 = tpu.memref_slice %arg8[%rem3A_600, %dma_start3A_813, %dma_start3A_814, %dma_start3A_815] : memref<3x4x128x16xf32, #tpu.memory_space<vmem>> -> memref<1x1x128x16xf32, #tpu.memory_space<vmem>>
      %dma_start3A_817 = tpu.memref_squeeze %dma_start3A_816 : memref<1x1x128x16xf32, #tpu.memory_space<vmem>> -> memref<128x16xf32, #tpu.memory_space<vmem>>
      %dma_start3A_818 = arith.constant 0 : i32
      %dma_start3A_819 = tpu.memref_slice %arg6[%rem3A_600, %dma_start3A_812, %dma_start3A_818] : memref<3x4x128xi32, #tpu.memory_space<vmem>> -> memref<1x1x128xi32, #tpu.memory_space<vmem>>
      %dma_start3A_820 = tpu.memref_squeeze %dma_start3A_819 : memref<1x1x128xi32, #tpu.memory_space<vmem>> -> memref<128xi32, #tpu.memory_space<vmem>>
      %dma_start3A_821 = arith.constant 0 : i32
      %dma_start3A_822 = arith.constant 0 : i32
      %dma_start3A_823 = tpu.memref_slice %arg2[%arg0, %dma_start3A_821, %dma_start3A_822] : memref<2x100096x16xf32, #tpu.memory_space<hbm>> -> memref<1x100096x16xf32, #tpu.memory_space<hbm>>
      %dma_start3A_824 = tpu.memref_squeeze %dma_start3A_823 : memref<1x100096x16xf32, #tpu.memory_space<hbm>> -> memref<100096x16xf32, #tpu.memory_space<hbm>>
      %dma_start3A_825 = arith.constant 0 : i32
      %dma_start3A_826 = arith.constant 0 : i32
      %dma_start3A_827 = tpu.memref_slice %dma_start3A_824[%dma_start3A_825, %dma_start3A_826] : memref<100096x16xf32, #tpu.memory_space<hbm>> -> memref<100096x16xf32, #tpu.memory_space<hbm>>
      tpu.enqueue_indirect_dma source(%dma_start3A_827 : memref<100096x16xf32, #tpu.memory_space<hbm>>) target(%dma_start3A_817 : memref<128x16xf32, #tpu.memory_space<vmem>>) offsets(%dma_start3A_820 : memref<128xi32, #tpu.memory_space<vmem>>) semaphore(%arg10 : memref<!tpu.dma_semaphore, #tpu.memory_space<semaphore_mem>>)
      %dma_start3A_828 = arith.constant 3 : i32
      %dma_start3A_829 = arith.constant 3 : i32
      %dma_start3A_830 = arith.constant 0 : i32
      %dma_start3A_831 = arith.constant 0 : i32
      %dma_start3A_832 = tpu.memref_slice %arg8[%rem3A_600, %dma_start3A_829, %dma_start3A_830, %dma_start3A_831] : memref<3x4x128x16xf32, #tpu.memory_space<vmem>> -> memref<1x1x128x16xf32, #tpu.memory_space<vmem>>
      %dma_start3A_833 = tpu.memref_squeeze %dma_start3A_832 : memref<1x1x128x16xf32, #tpu.memory_space<vmem>> -> memref<128x16xf32, #tpu.memory_space<vmem>>
      %dma_start3A_834 = arith.constant 0 : i32
      %dma_start3A_835 = tpu.memref_slice %arg6[%rem3A_600, %dma_start3A_828, %dma_start3A_834] : memref<3x4x128xi32, #tpu.memory_space<vmem>> -> memref<1x1x128xi32, #tpu.memory_space<vmem>>
      %dma_start3A_836 = tpu.memref_squeeze %dma_start3A_835 : memref<1x1x128xi32, #tpu.memory_space<vmem>> -> memref<128xi32, #tpu.memory_space<vmem>>
      %dma_start3A_837 = arith.constant 0 : i32
      %dma_start3A_838 = arith.constant 0 : i32
      %dma_start3A_839 = tpu.memref_slice %arg2[%arg0, %dma_start3A_837, %dma_start3A_838] : memref<2x100096x16xf32, #tpu.memory_space<hbm>> -> memref<1x100096x16xf32, #tpu.memory_space<hbm>>
      %dma_start3A_840 = tpu.memref_squeeze %dma_start3A_839 : memref<1x100096x16xf32, #tpu.memory_space<hbm>> -> memref<100096x16xf32, #tpu.memory_space<hbm>>
      %dma_start3A_841 = arith.constant 0 : i32
      %dma_start3A_842 = arith.constant 0 : i32
      %dma_start3A_843 = tpu.memref_slice %dma_start3A_840[%dma_start3A_841, %dma_start3A_842] : memref<100096x16xf32, #tpu.memory_space<hbm>> -> memref<100096x16xf32, #tpu.memory_space<hbm>>
      tpu.enqueue_indirect_dma source(%dma_start3A_843 : memref<100096x16xf32, #tpu.memory_space<hbm>>) target(%dma_start3A_833 : memref<128x16xf32, #tpu.memory_space<vmem>>) offsets(%dma_start3A_836 : memref<128xi32, #tpu.memory_space<vmem>>) semaphore(%arg10 : memref<!tpu.dma_semaphore, #tpu.memory_space<semaphore_mem>>)
      %add3A_844 = arith.constant 2 : i32
      %add3A_845 = arith.addi %scan3A_594, %add3A_844 : i32
      %lt3A = arith.constant 196 : i32
      %lt3A_846 = arith.cmpi slt, %add3A_845, %lt3A : i32
      %convert_element_type3A_847 = arith.extui %lt3A_846 : i1 to i32
      %cond3A_848 = arith.constant 0 : i32
      %cond3A_849 = arith.cmpi ne, %convert_element_type3A_847, %cond3A_848 : i32
      scf.if %cond3A_849 {
        %add3A_850 = arith.constant 2 : i32
        %add3A_851 = arith.addi %scan3A_594, %add3A_850 : i32
        %mul3A_852 = arith.constant 4 : i32
        %mul3A_853 = arith.muli %add3A_851, %mul3A_852 : i32
        %add3A_854 = arith.addi %mul3A_4, %mul3A_853 : i32
        %dma_start3A_855 = arith.constant 0 : i32
        %dma_start3A_856 = arith.constant 0 : i32
        %dma_start3A_857 = tpu.memref_slice %arg6[%rem3A_604, %dma_start3A_855, %dma_start3A_856] : memref<3x4x128xi32, #tpu.memory_space<vmem>> -> memref<1x4x128xi32, #tpu.memory_space<vmem>>
        %dma_start3A_858 = tpu.memref_squeeze %dma_start3A_857 : memref<1x4x128xi32, #tpu.memory_space<vmem>> -> memref<4x128xi32, #tpu.memory_space<vmem>>
        %dma_start3A_859 = arith.constant 0 : i32
        %dma_start3A_860 = tpu.memref_slice %arg3[%add3A_854, %dma_start3A_859] : memref<12548x128xi32, #tpu.memory_space<hbm>> -> memref<4x128xi32, #tpu.memory_space<hbm>>
        %dma_start3A_861 = arith.constant 0 : i32
        %dma_start3A_862 = arith.constant 0 : i32
        %dma_start3A_863 = tpu.memref_slice %arg6[%rem3A_604, %dma_start3A_861, %dma_start3A_862] : memref<3x4x128xi32, #tpu.memory_space<vmem>> -> memref<1x4x128xi32, #tpu.memory_space<vmem>>
        %dma_start3A_864 = tpu.memref_squeeze %dma_start3A_863 : memref<1x4x128xi32, #tpu.memory_space<vmem>> -> memref<4x128xi32, #tpu.memory_space<vmem>>
        %dma_start3A_865 = arith.constant 0 : i32
        %dma_start3A_866 = tpu.memref_slice %arg3[%add3A_854, %dma_start3A_865] : memref<12548x128xi32, #tpu.memory_space<hbm>> -> memref<4x128xi32, #tpu.memory_space<hbm>>
        tpu.enqueue_dma source(%dma_start3A_866 : memref<4x128xi32, #tpu.memory_space<hbm>>) target(%dma_start3A_864 : memref<4x128xi32, #tpu.memory_space<vmem>>) target_semaphore(%arg12 : memref<!tpu.dma_semaphore, #tpu.memory_space<semaphore_mem>>)
        %dma_start3A_867 = arith.constant 0 : i32
        %dma_start3A_868 = arith.constant 0 : i32
        %dma_start3A_869 = tpu.memref_slice %arg7[%rem3A_604, %dma_start3A_867, %dma_start3A_868] : memref<3x4x128xi32, #tpu.memory_space<vmem>> -> memref<1x4x128xi32, #tpu.memory_space<vmem>>
        %dma_start3A_870 = tpu.memref_squeeze %dma_start3A_869 : memref<1x4x128xi32, #tpu.memory_space<vmem>> -> memref<4x128xi32, #tpu.memory_space<vmem>>
        %dma_start3A_871 = arith.constant 0 : i32
        %dma_start3A_872 = tpu.memref_slice %arg4[%add3A_854, %dma_start3A_871] : memref<12548x128xi32, #tpu.memory_space<hbm>> -> memref<4x128xi32, #tpu.memory_space<hbm>>
        %dma_start3A_873 = arith.constant 0 : i32
        %dma_start3A_874 = arith.constant 0 : i32
        %dma_start3A_875 = tpu.memref_slice %arg7[%rem3A_604, %dma_start3A_873, %dma_start3A_874] : memref<3x4x128xi32, #tpu.memory_space<vmem>> -> memref<1x4x128xi32, #tpu.memory_space<vmem>>
        %dma_start3A_876 = tpu.memref_squeeze %dma_start3A_875 : memref<1x4x128xi32, #tpu.memory_space<vmem>> -> memref<4x128xi32, #tpu.memory_space<vmem>>
        %dma_start3A_877 = arith.constant 0 : i32
        %dma_start3A_878 = tpu.memref_slice %arg4[%add3A_854, %dma_start3A_877] : memref<12548x128xi32, #tpu.memory_space<hbm>> -> memref<4x128xi32, #tpu.memory_space<hbm>>
        tpu.enqueue_dma source(%dma_start3A_878 : memref<4x128xi32, #tpu.memory_space<hbm>>) target(%dma_start3A_876 : memref<4x128xi32, #tpu.memory_space<vmem>>) target_semaphore(%arg12 : memref<!tpu.dma_semaphore, #tpu.memory_space<semaphore_mem>>)
      } else {
      }
    }
    %scan3A_164 = arith.constant 195 : i32
    %rem3A = arith.constant 195 : i32
    %rem3A_165 = arith.constant 3 : i32
    %rem3A_166 = arith.remsi %rem3A, %rem3A_165 : i32
    %rem3A_167 = arith.constant 196 : i32
    %rem3A_168 = arith.constant 3 : i32
    %rem3A_169 = arith.remsi %rem3A_167, %rem3A_168 : i32
    %dma_wait3A_170 = arith.constant 0 : i32
    %dma_wait3A_171 = arith.constant 0 : i32
    %dma_wait3A_172 = arith.constant 0 : i32
    %dma_wait3A_173 = tpu.memref_slice %arg8[%rem3A_169, %dma_wait3A_170, %dma_wait3A_171, %dma_wait3A_172] : memref<3x4x128x16xf32, #tpu.memory_space<vmem>> -> memref<1x1x128x16xf32, #tpu.memory_space<vmem>>
    %dma_wait3A_174 = tpu.memref_squeeze %dma_wait3A_173 : memref<1x1x128x16xf32, #tpu.memory_space<vmem>> -> memref<128x16xf32, #tpu.memory_space<vmem>>
    %dma_wait3A_175 = arith.constant 0 : i32
    %dma_wait3A_176 = arith.constant 0 : i32
    %dma_wait3A_177 = tpu.memref_slice %arg2[%arg0, %dma_wait3A_175, %dma_wait3A_176] : memref<2x100096x16xf32, #tpu.memory_space<hbm>> -> memref<1x100096x16xf32, #tpu.memory_space<hbm>>
    %dma_wait3A_178 = tpu.memref_squeeze %dma_wait3A_177 : memref<1x100096x16xf32, #tpu.memory_space<hbm>> -> memref<100096x16xf32, #tpu.memory_space<hbm>>
    %dma_wait3A_179 = arith.constant 0 : i32
    %dma_wait3A_180 = arith.constant 0 : i32
    %dma_wait3A_181 = tpu.memref_slice %dma_wait3A_178[%dma_wait3A_179, %dma_wait3A_180] : memref<100096x16xf32, #tpu.memory_space<hbm>> -> memref<128x16xf32, #tpu.memory_space<hbm>>
    %dma_wait3A_182 = arith.constant 0 : i32
    %dma_wait3A_183 = arith.constant 0 : i32
    %dma_wait3A_184 = tpu.memref_slice %arg8[%rem3A_169, %dma_wait3A_170, %dma_wait3A_182, %dma_wait3A_183] : memref<3x4x128x16xf32, #tpu.memory_space<vmem>> -> memref<1x1x128x16xf32, #tpu.memory_space<vmem>>
    %dma_wait3A_185 = tpu.memref_squeeze %dma_wait3A_184 : memref<1x1x128x16xf32, #tpu.memory_space<vmem>> -> memref<128x16xf32, #tpu.memory_space<vmem>>
    %dma_wait3A_186 = arith.constant 0 : i32
    %dma_wait3A_187 = arith.constant 0 : i32
    %dma_wait3A_188 = tpu.memref_slice %arg2[%arg0, %dma_wait3A_186, %dma_wait3A_187] : memref<2x100096x16xf32, #tpu.memory_space<hbm>> -> memref<1x100096x16xf32, #tpu.memory_space<hbm>>
    %dma_wait3A_189 = tpu.memref_squeeze %dma_wait3A_188 : memref<1x100096x16xf32, #tpu.memory_space<hbm>> -> memref<100096x16xf32, #tpu.memory_space<hbm>>
    %dma_wait3A_190 = arith.constant 0 : i32
    %dma_wait3A_191 = arith.constant 0 : i32
    %dma_wait3A_192 = tpu.memref_slice %dma_wait3A_189[%dma_wait3A_190, %dma_wait3A_191] : memref<100096x16xf32, #tpu.memory_space<hbm>> -> memref<128x16xf32, #tpu.memory_space<hbm>>
    tpu.wait_dma2 semaphore(%arg11 : memref<!tpu.dma_semaphore, #tpu.memory_space<semaphore_mem>>) src(%dma_wait3A_192 : memref<128x16xf32, #tpu.memory_space<hbm>>) dst(%dma_wait3A_185 : memref<128x16xf32, #tpu.memory_space<vmem>>)
    %dma_wait3A_193 = arith.constant 1 : i32
    %dma_wait3A_194 = arith.constant 0 : i32
    %dma_wait3A_195 = arith.constant 0 : i32
    %dma_wait3A_196 = tpu.memref_slice %arg8[%rem3A_169, %dma_wait3A_193, %dma_wait3A_194, %dma_wait3A_195] : memref<3x4x128x16xf32, #tpu.memory_space<vmem>> -> memref<1x1x128x16xf32, #tpu.memory_space<vmem>>
    %dma_wait3A_197 = tpu.memref_squeeze %dma_wait3A_196 : memref<1x1x128x16xf32, #tpu.memory_space<vmem>> -> memref<128x16xf32, #tpu.memory_space<vmem>>
    %dma_wait3A_198 = arith.constant 0 : i32
    %dma_wait3A_199 = arith.constant 0 : i32
    %dma_wait3A_200 = tpu.memref_slice %arg2[%arg0, %dma_wait3A_198, %dma_wait3A_199] : memref<2x100096x16xf32, #tpu.memory_space<hbm>> -> memref<1x100096x16xf32, #tpu.memory_space<hbm>>
    %dma_wait3A_201 = tpu.memref_squeeze %dma_wait3A_200 : memref<1x100096x16xf32, #tpu.memory_space<hbm>> -> memref<100096x16xf32, #tpu.memory_space<hbm>>
    %dma_wait3A_202 = arith.constant 0 : i32
    %dma_wait3A_203 = arith.constant 0 : i32
    %dma_wait3A_204 = tpu.memref_slice %dma_wait3A_201[%dma_wait3A_202, %dma_wait3A_203] : memref<100096x16xf32, #tpu.memory_space<hbm>> -> memref<128x16xf32, #tpu.memory_space<hbm>>
    %dma_wait3A_205 = arith.constant 0 : i32
    %dma_wait3A_206 = arith.constant 0 : i32
    %dma_wait3A_207 = tpu.memref_slice %arg8[%rem3A_169, %dma_wait3A_193, %dma_wait3A_205, %dma_wait3A_206] : memref<3x4x128x16xf32, #tpu.memory_space<vmem>> -> memref<1x1x128x16xf32, #tpu.memory_space<vmem>>
    %dma_wait3A_208 = tpu.memref_squeeze %dma_wait3A_207 : memref<1x1x128x16xf32, #tpu.memory_space<vmem>> -> memref<128x16xf32, #tpu.memory_space<vmem>>
    %dma_wait3A_209 = arith.constant 0 : i32
    %dma_wait3A_210 = arith.constant 0 : i32
    %dma_wait3A_211 = tpu.memref_slice %arg2[%arg0, %dma_wait3A_209, %dma_wait3A_210] : memref<2x100096x16xf32, #tpu.memory_space<hbm>> -> memref<1x100096x16xf32, #tpu.memory_space<hbm>>
    %dma_wait3A_212 = tpu.memref_squeeze %dma_wait3A_211 : memref<1x100096x16xf32, #tpu.memory_space<hbm>> -> memref<100096x16xf32, #tpu.memory_space<hbm>>
    %dma_wait3A_213 = arith.constant 0 : i32
    %dma_wait3A_214 = arith.constant 0 : i32
    %dma_wait3A_215 = tpu.memref_slice %dma_wait3A_212[%dma_wait3A_213, %dma_wait3A_214] : memref<100096x16xf32, #tpu.memory_space<hbm>> -> memref<128x16xf32, #tpu.memory_space<hbm>>
    tpu.wait_dma2 semaphore(%arg11 : memref<!tpu.dma_semaphore, #tpu.memory_space<semaphore_mem>>) src(%dma_wait3A_215 : memref<128x16xf32, #tpu.memory_space<hbm>>) dst(%dma_wait3A_208 : memref<128x16xf32, #tpu.memory_space<vmem>>)
    %dma_wait3A_216 = arith.constant 2 : i32
    %dma_wait3A_217 = arith.constant 0 : i32
    %dma_wait3A_218 = arith.constant 0 : i32
    %dma_wait3A_219 = tpu.memref_slice %arg8[%rem3A_169, %dma_wait3A_216, %dma_wait3A_217, %dma_wait3A_218] : memref<3x4x128x16xf32, #tpu.memory_space<vmem>> -> memref<1x1x128x16xf32, #tpu.memory_space<vmem>>
    %dma_wait3A_220 = tpu.memref_squeeze %dma_wait3A_219 : memref<1x1x128x16xf32, #tpu.memory_space<vmem>> -> memref<128x16xf32, #tpu.memory_space<vmem>>
    %dma_wait3A_221 = arith.constant 0 : i32
    %dma_wait3A_222 = arith.constant 0 : i32
    %dma_wait3A_223 = tpu.memref_slice %arg2[%arg0, %dma_wait3A_221, %dma_wait3A_222] : memref<2x100096x16xf32, #tpu.memory_space<hbm>> -> memref<1x100096x16xf32, #tpu.memory_space<hbm>>
    %dma_wait3A_224 = tpu.memref_squeeze %dma_wait3A_223 : memref<1x100096x16xf32, #tpu.memory_space<hbm>> -> memref<100096x16xf32, #tpu.memory_space<hbm>>
    %dma_wait3A_225 = arith.constant 0 : i32
    %dma_wait3A_226 = arith.constant 0 : i32
    %dma_wait3A_227 = tpu.memref_slice %dma_wait3A_224[%dma_wait3A_225, %dma_wait3A_226] : memref<100096x16xf32, #tpu.memory_space<hbm>> -> memref<128x16xf32, #tpu.memory_space<hbm>>
    %dma_wait3A_228 = arith.constant 0 : i32
    %dma_wait3A_229 = arith.constant 0 : i32
    %dma_wait3A_230 = tpu.memref_slice %arg8[%rem3A_169, %dma_wait3A_216, %dma_wait3A_228, %dma_wait3A_229] : memref<3x4x128x16xf32, #tpu.memory_space<vmem>> -> memref<1x1x128x16xf32, #tpu.memory_space<vmem>>
    %dma_wait3A_231 = tpu.memref_squeeze %dma_wait3A_230 : memref<1x1x128x16xf32, #tpu.memory_space<vmem>> -> memref<128x16xf32, #tpu.memory_space<vmem>>
    %dma_wait3A_232 = arith.constant 0 : i32
    %dma_wait3A_233 = arith.constant 0 : i32
    %dma_wait3A_234 = tpu.memref_slice %arg2[%arg0, %dma_wait3A_232, %dma_wait3A_233] : memref<2x100096x16xf32, #tpu.memory_space<hbm>> -> memref<1x100096x16xf32, #tpu.memory_space<hbm>>
    %dma_wait3A_235 = tpu.memref_squeeze %dma_wait3A_234 : memref<1x100096x16xf32, #tpu.memory_space<hbm>> -> memref<100096x16xf32, #tpu.memory_space<hbm>>
    %dma_wait3A_236 = arith.constant 0 : i32
    %dma_wait3A_237 = arith.constant 0 : i32
    %dma_wait3A_238 = tpu.memref_slice %dma_wait3A_235[%dma_wait3A_236, %dma_wait3A_237] : memref<100096x16xf32, #tpu.memory_space<hbm>> -> memref<128x16xf32, #tpu.memory_space<hbm>>
    tpu.wait_dma2 semaphore(%arg11 : memref<!tpu.dma_semaphore, #tpu.memory_space<semaphore_mem>>) src(%dma_wait3A_238 : memref<128x16xf32, #tpu.memory_space<hbm>>) dst(%dma_wait3A_231 : memref<128x16xf32, #tpu.memory_space<vmem>>)
    %dma_wait3A_239 = arith.constant 3 : i32
    %dma_wait3A_240 = arith.constant 0 : i32
    %dma_wait3A_241 = arith.constant 0 : i32
    %dma_wait3A_242 = tpu.memref_slice %arg8[%rem3A_169, %dma_wait3A_239, %dma_wait3A_240, %dma_wait3A_241] : memref<3x4x128x16xf32, #tpu.memory_space<vmem>> -> memref<1x1x128x16xf32, #tpu.memory_space<vmem>>
    %dma_wait3A_243 = tpu.memref_squeeze %dma_wait3A_242 : memref<1x1x128x16xf32, #tpu.memory_space<vmem>> -> memref<128x16xf32, #tpu.memory_space<vmem>>
    %dma_wait3A_244 = arith.constant 0 : i32
    %dma_wait3A_245 = arith.constant 0 : i32
    %dma_wait3A_246 = tpu.memref_slice %arg2[%arg0, %dma_wait3A_244, %dma_wait3A_245] : memref<2x100096x16xf32, #tpu.memory_space<hbm>> -> memref<1x100096x16xf32, #tpu.memory_space<hbm>>
    %dma_wait3A_247 = tpu.memref_squeeze %dma_wait3A_246 : memref<1x100096x16xf32, #tpu.memory_space<hbm>> -> memref<100096x16xf32, #tpu.memory_space<hbm>>
    %dma_wait3A_248 = arith.constant 0 : i32
    %dma_wait3A_249 = arith.constant 0 : i32
    %dma_wait3A_250 = tpu.memref_slice %dma_wait3A_247[%dma_wait3A_248, %dma_wait3A_249] : memref<100096x16xf32, #tpu.memory_space<hbm>> -> memref<128x16xf32, #tpu.memory_space<hbm>>
    %dma_wait3A_251 = arith.constant 0 : i32
    %dma_wait3A_252 = arith.constant 0 : i32
    %dma_wait3A_253 = tpu.memref_slice %arg8[%rem3A_169, %dma_wait3A_239, %dma_wait3A_251, %dma_wait3A_252] : memref<3x4x128x16xf32, #tpu.memory_space<vmem>> -> memref<1x1x128x16xf32, #tpu.memory_space<vmem>>
    %dma_wait3A_254 = tpu.memref_squeeze %dma_wait3A_253 : memref<1x1x128x16xf32, #tpu.memory_space<vmem>> -> memref<128x16xf32, #tpu.memory_space<vmem>>
    %dma_wait3A_255 = arith.constant 0 : i32
    %dma_wait3A_256 = arith.constant 0 : i32
    %dma_wait3A_257 = tpu.memref_slice %arg2[%arg0, %dma_wait3A_255, %dma_wait3A_256] : memref<2x100096x16xf32, #tpu.memory_space<hbm>> -> memref<1x100096x16xf32, #tpu.memory_space<hbm>>
    %dma_wait3A_258 = tpu.memref_squeeze %dma_wait3A_257 : memref<1x100096x16xf32, #tpu.memory_space<hbm>> -> memref<100096x16xf32, #tpu.memory_space<hbm>>
    %dma_wait3A_259 = arith.constant 0 : i32
    %dma_wait3A_260 = arith.constant 0 : i32
    %dma_wait3A_261 = tpu.memref_slice %dma_wait3A_258[%dma_wait3A_259, %dma_wait3A_260] : memref<100096x16xf32, #tpu.memory_space<hbm>> -> memref<128x16xf32, #tpu.memory_space<hbm>>
    tpu.wait_dma2 semaphore(%arg11 : memref<!tpu.dma_semaphore, #tpu.memory_space<semaphore_mem>>) src(%dma_wait3A_261 : memref<128x16xf32, #tpu.memory_space<hbm>>) dst(%dma_wait3A_254 : memref<128x16xf32, #tpu.memory_space<vmem>>)
    %dma_wait3A_262 = arith.constant 0 : i32
    %dma_wait3A_263 = arith.constant 0 : i32
    %dma_wait3A_264 = arith.constant 0 : i32
    %dma_wait3A_265 = tpu.memref_slice %arg8[%rem3A_166, %dma_wait3A_262, %dma_wait3A_263, %dma_wait3A_264] : memref<3x4x128x16xf32, #tpu.memory_space<vmem>> -> memref<1x1x128x16xf32, #tpu.memory_space<vmem>>
    %dma_wait3A_266 = tpu.memref_squeeze %dma_wait3A_265 : memref<1x1x128x16xf32, #tpu.memory_space<vmem>> -> memref<128x16xf32, #tpu.memory_space<vmem>>
    %dma_wait3A_267 = arith.constant 0 : i32
    %dma_wait3A_268 = arith.constant 0 : i32
    %dma_wait3A_269 = tpu.memref_slice %arg2[%arg0, %dma_wait3A_267, %dma_wait3A_268] : memref<2x100096x16xf32, #tpu.memory_space<hbm>> -> memref<1x100096x16xf32, #tpu.memory_space<hbm>>
    %dma_wait3A_270 = tpu.memref_squeeze %dma_wait3A_269 : memref<1x100096x16xf32, #tpu.memory_space<hbm>> -> memref<100096x16xf32, #tpu.memory_space<hbm>>
    %dma_wait3A_271 = arith.constant 0 : i32
    %dma_wait3A_272 = arith.constant 0 : i32
    %dma_wait3A_273 = tpu.memref_slice %dma_wait3A_270[%dma_wait3A_271, %dma_wait3A_272] : memref<100096x16xf32, #tpu.memory_space<hbm>> -> memref<128x16xf32, #tpu.memory_space<hbm>>
    %dma_wait3A_274 = arith.constant 0 : i32
    %dma_wait3A_275 = arith.constant 0 : i32
    %dma_wait3A_276 = tpu.memref_slice %arg8[%rem3A_166, %dma_wait3A_262, %dma_wait3A_274, %dma_wait3A_275] : memref<3x4x128x16xf32, #tpu.memory_space<vmem>> -> memref<1x1x128x16xf32, #tpu.memory_space<vmem>>
    %dma_wait3A_277 = tpu.memref_squeeze %dma_wait3A_276 : memref<1x1x128x16xf32, #tpu.memory_space<vmem>> -> memref<128x16xf32, #tpu.memory_space<vmem>>
    %dma_wait3A_278 = arith.constant 0 : i32
    %dma_wait3A_279 = arith.constant 0 : i32
    %dma_wait3A_280 = tpu.memref_slice %arg2[%arg0, %dma_wait3A_278, %dma_wait3A_279] : memref<2x100096x16xf32, #tpu.memory_space<hbm>> -> memref<1x100096x16xf32, #tpu.memory_space<hbm>>
    %dma_wait3A_281 = tpu.memref_squeeze %dma_wait3A_280 : memref<1x100096x16xf32, #tpu.memory_space<hbm>> -> memref<100096x16xf32, #tpu.memory_space<hbm>>
    %dma_wait3A_282 = arith.constant 0 : i32
    %dma_wait3A_283 = arith.constant 0 : i32
    %dma_wait3A_284 = tpu.memref_slice %dma_wait3A_281[%dma_wait3A_282, %dma_wait3A_283] : memref<100096x16xf32, #tpu.memory_space<hbm>> -> memref<128x16xf32, #tpu.memory_space<hbm>>
    tpu.wait_dma2 semaphore(%arg10 : memref<!tpu.dma_semaphore, #tpu.memory_space<semaphore_mem>>) src(%dma_wait3A_284 : memref<128x16xf32, #tpu.memory_space<hbm>>) dst(%dma_wait3A_277 : memref<128x16xf32, #tpu.memory_space<vmem>>)
    %dma_wait3A_285 = arith.constant 1 : i32
    %dma_wait3A_286 = arith.constant 0 : i32
    %dma_wait3A_287 = arith.constant 0 : i32
    %dma_wait3A_288 = tpu.memref_slice %arg8[%rem3A_166, %dma_wait3A_285, %dma_wait3A_286, %dma_wait3A_287] : memref<3x4x128x16xf32, #tpu.memory_space<vmem>> -> memref<1x1x128x16xf32, #tpu.memory_space<vmem>>
    %dma_wait3A_289 = tpu.memref_squeeze %dma_wait3A_288 : memref<1x1x128x16xf32, #tpu.memory_space<vmem>> -> memref<128x16xf32, #tpu.memory_space<vmem>>
    %dma_wait3A_290 = arith.constant 0 : i32
    %dma_wait3A_291 = arith.constant 0 : i32
    %dma_wait3A_292 = tpu.memref_slice %arg2[%arg0, %dma_wait3A_290, %dma_wait3A_291] : memref<2x100096x16xf32, #tpu.memory_space<hbm>> -> memref<1x100096x16xf32, #tpu.memory_space<hbm>>
    %dma_wait3A_293 = tpu.memref_squeeze %dma_wait3A_292 : memref<1x100096x16xf32, #tpu.memory_space<hbm>> -> memref<100096x16xf32, #tpu.memory_space<hbm>>
    %dma_wait3A_294 = arith.constant 0 : i32
    %dma_wait3A_295 = arith.constant 0 : i32
    %dma_wait3A_296 = tpu.memref_slice %dma_wait3A_293[%dma_wait3A_294, %dma_wait3A_295] : memref<100096x16xf32, #tpu.memory_space<hbm>> -> memref<128x16xf32, #tpu.memory_space<hbm>>
    %dma_wait3A_297 = arith.constant 0 : i32
    %dma_wait3A_298 = arith.constant 0 : i32
    %dma_wait3A_299 = tpu.memref_slice %arg8[%rem3A_166, %dma_wait3A_285, %dma_wait3A_297, %dma_wait3A_298] : memref<3x4x128x16xf32, #tpu.memory_space<vmem>> -> memref<1x1x128x16xf32, #tpu.memory_space<vmem>>
    %dma_wait3A_300 = tpu.memref_squeeze %dma_wait3A_299 : memref<1x1x128x16xf32, #tpu.memory_space<vmem>> -> memref<128x16xf32, #tpu.memory_space<vmem>>
    %dma_wait3A_301 = arith.constant 0 : i32
    %dma_wait3A_302 = arith.constant 0 : i32
    %dma_wait3A_303 = tpu.memref_slice %arg2[%arg0, %dma_wait3A_301, %dma_wait3A_302] : memref<2x100096x16xf32, #tpu.memory_space<hbm>> -> memref<1x100096x16xf32, #tpu.memory_space<hbm>>
    %dma_wait3A_304 = tpu.memref_squeeze %dma_wait3A_303 : memref<1x100096x16xf32, #tpu.memory_space<hbm>> -> memref<100096x16xf32, #tpu.memory_space<hbm>>
    %dma_wait3A_305 = arith.constant 0 : i32
    %dma_wait3A_306 = arith.constant 0 : i32
    %dma_wait3A_307 = tpu.memref_slice %dma_wait3A_304[%dma_wait3A_305, %dma_wait3A_306] : memref<100096x16xf32, #tpu.memory_space<hbm>> -> memref<128x16xf32, #tpu.memory_space<hbm>>
    tpu.wait_dma2 semaphore(%arg10 : memref<!tpu.dma_semaphore, #tpu.memory_space<semaphore_mem>>) src(%dma_wait3A_307 : memref<128x16xf32, #tpu.memory_space<hbm>>) dst(%dma_wait3A_300 : memref<128x16xf32, #tpu.memory_space<vmem>>)
    %dma_wait3A_308 = arith.constant 2 : i32
    %dma_wait3A_309 = arith.constant 0 : i32
    %dma_wait3A_310 = arith.constant 0 : i32
    %dma_wait3A_311 = tpu.memref_slice %arg8[%rem3A_166, %dma_wait3A_308, %dma_wait3A_309, %dma_wait3A_310] : memref<3x4x128x16xf32, #tpu.memory_space<vmem>> -> memref<1x1x128x16xf32, #tpu.memory_space<vmem>>
    %dma_wait3A_312 = tpu.memref_squeeze %dma_wait3A_311 : memref<1x1x128x16xf32, #tpu.memory_space<vmem>> -> memref<128x16xf32, #tpu.memory_space<vmem>>
    %dma_wait3A_313 = arith.constant 0 : i32
    %dma_wait3A_314 = arith.constant 0 : i32
    %dma_wait3A_315 = tpu.memref_slice %arg2[%arg0, %dma_wait3A_313, %dma_wait3A_314] : memref<2x100096x16xf32, #tpu.memory_space<hbm>> -> memref<1x100096x16xf32, #tpu.memory_space<hbm>>
    %dma_wait3A_316 = tpu.memref_squeeze %dma_wait3A_315 : memref<1x100096x16xf32, #tpu.memory_space<hbm>> -> memref<100096x16xf32, #tpu.memory_space<hbm>>
    %dma_wait3A_317 = arith.constant 0 : i32
    %dma_wait3A_318 = arith.constant 0 : i32
    %dma_wait3A_319 = tpu.memref_slice %dma_wait3A_316[%dma_wait3A_317, %dma_wait3A_318] : memref<100096x16xf32, #tpu.memory_space<hbm>> -> memref<128x16xf32, #tpu.memory_space<hbm>>
    %dma_wait3A_320 = arith.constant 0 : i32
    %dma_wait3A_321 = arith.constant 0 : i32
    %dma_wait3A_322 = tpu.memref_slice %arg8[%rem3A_166, %dma_wait3A_308, %dma_wait3A_320, %dma_wait3A_321] : memref<3x4x128x16xf32, #tpu.memory_space<vmem>> -> memref<1x1x128x16xf32, #tpu.memory_space<vmem>>
    %dma_wait3A_323 = tpu.memref_squeeze %dma_wait3A_322 : memref<1x1x128x16xf32, #tpu.memory_space<vmem>> -> memref<128x16xf32, #tpu.memory_space<vmem>>
    %dma_wait3A_324 = arith.constant 0 : i32
    %dma_wait3A_325 = arith.constant 0 : i32
    %dma_wait3A_326 = tpu.memref_slice %arg2[%arg0, %dma_wait3A_324, %dma_wait3A_325] : memref<2x100096x16xf32, #tpu.memory_space<hbm>> -> memref<1x100096x16xf32, #tpu.memory_space<hbm>>
    %dma_wait3A_327 = tpu.memref_squeeze %dma_wait3A_326 : memref<1x100096x16xf32, #tpu.memory_space<hbm>> -> memref<100096x16xf32, #tpu.memory_space<hbm>>
    %dma_wait3A_328 = arith.constant 0 : i32
    %dma_wait3A_329 = arith.constant 0 : i32
    %dma_wait3A_330 = tpu.memref_slice %dma_wait3A_327[%dma_wait3A_328, %dma_wait3A_329] : memref<100096x16xf32, #tpu.memory_space<hbm>> -> memref<128x16xf32, #tpu.memory_space<hbm>>
    tpu.wait_dma2 semaphore(%arg10 : memref<!tpu.dma_semaphore, #tpu.memory_space<semaphore_mem>>) src(%dma_wait3A_330 : memref<128x16xf32, #tpu.memory_space<hbm>>) dst(%dma_wait3A_323 : memref<128x16xf32, #tpu.memory_space<vmem>>)
    %dma_wait3A_331 = arith.constant 3 : i32
    %dma_wait3A_332 = arith.constant 0 : i32
    %dma_wait3A_333 = arith.constant 0 : i32
    %dma_wait3A_334 = tpu.memref_slice %arg8[%rem3A_166, %dma_wait3A_331, %dma_wait3A_332, %dma_wait3A_333] : memref<3x4x128x16xf32, #tpu.memory_space<vmem>> -> memref<1x1x128x16xf32, #tpu.memory_space<vmem>>
    %dma_wait3A_335 = tpu.memref_squeeze %dma_wait3A_334 : memref<1x1x128x16xf32, #tpu.memory_space<vmem>> -> memref<128x16xf32, #tpu.memory_space<vmem>>
    %dma_wait3A_336 = arith.constant 0 : i32
    %dma_wait3A_337 = arith.constant 0 : i32
    %dma_wait3A_338 = tpu.memref_slice %arg2[%arg0, %dma_wait3A_336, %dma_wait3A_337] : memref<2x100096x16xf32, #tpu.memory_space<hbm>> -> memref<1x100096x16xf32, #tpu.memory_space<hbm>>
    %dma_wait3A_339 = tpu.memref_squeeze %dma_wait3A_338 : memref<1x100096x16xf32, #tpu.memory_space<hbm>> -> memref<100096x16xf32, #tpu.memory_space<hbm>>
    %dma_wait3A_340 = arith.constant 0 : i32
    %dma_wait3A_341 = arith.constant 0 : i32
    %dma_wait3A_342 = tpu.memref_slice %dma_wait3A_339[%dma_wait3A_340, %dma_wait3A_341] : memref<100096x16xf32, #tpu.memory_space<hbm>> -> memref<128x16xf32, #tpu.memory_space<hbm>>
    %dma_wait3A_343 = arith.constant 0 : i32
    %dma_wait3A_344 = arith.constant 0 : i32
    %dma_wait3A_345 = tpu.memref_slice %arg8[%rem3A_166, %dma_wait3A_331, %dma_wait3A_343, %dma_wait3A_344] : memref<3x4x128x16xf32, #tpu.memory_space<vmem>> -> memref<1x1x128x16xf32, #tpu.memory_space<vmem>>
    %dma_wait3A_346 = tpu.memref_squeeze %dma_wait3A_345 : memref<1x1x128x16xf32, #tpu.memory_space<vmem>> -> memref<128x16xf32, #tpu.memory_space<vmem>>
    %dma_wait3A_347 = arith.constant 0 : i32
    %dma_wait3A_348 = arith.constant 0 : i32
    %dma_wait3A_349 = tpu.memref_slice %arg2[%arg0, %dma_wait3A_347, %dma_wait3A_348] : memref<2x100096x16xf32, #tpu.memory_space<hbm>> -> memref<1x100096x16xf32, #tpu.memory_space<hbm>>
    %dma_wait3A_350 = tpu.memref_squeeze %dma_wait3A_349 : memref<1x100096x16xf32, #tpu.memory_space<hbm>> -> memref<100096x16xf32, #tpu.memory_space<hbm>>
    %dma_wait3A_351 = arith.constant 0 : i32
    %dma_wait3A_352 = arith.constant 0 : i32
    %dma_wait3A_353 = tpu.memref_slice %dma_wait3A_350[%dma_wait3A_351, %dma_wait3A_352] : memref<100096x16xf32, #tpu.memory_space<hbm>> -> memref<128x16xf32, #tpu.memory_space<hbm>>
    tpu.wait_dma2 semaphore(%arg10 : memref<!tpu.dma_semaphore, #tpu.memory_space<semaphore_mem>>) src(%dma_wait3A_353 : memref<128x16xf32, #tpu.memory_space<hbm>>) dst(%dma_wait3A_346 : memref<128x16xf32, #tpu.memory_space<vmem>>)
    %dma_start3A_354 = arith.constant 0 : i32
    %dma_start3A_355 = arith.constant 0 : i32
    %dma_start3A_356 = arith.constant 0 : i32
    %dma_start3A_357 = arith.constant 0 : i32
    %dma_start3A_358 = tpu.memref_slice %arg8[%rem3A_166, %dma_start3A_354, %dma_start3A_356, %dma_start3A_357] : memref<3x4x128x16xf32, #tpu.memory_space<vmem>> -> memref<1x1x128x16xf32, #tpu.memory_space<vmem>>
    %dma_start3A_359 = tpu.memref_squeeze %dma_start3A_358 : memref<1x1x128x16xf32, #tpu.memory_space<vmem>> -> memref<128x16xf32, #tpu.memory_space<vmem>>
    %dma_start3A_360 = arith.constant 0 : i32
    %dma_start3A_361 = tpu.memref_slice %arg7[%rem3A_166, %dma_start3A_355, %dma_start3A_360] : memref<3x4x128xi32, #tpu.memory_space<vmem>> -> memref<1x1x128xi32, #tpu.memory_space<vmem>>
    %dma_start3A_362 = tpu.memref_squeeze %dma_start3A_361 : memref<1x1x128xi32, #tpu.memory_space<vmem>> -> memref<128xi32, #tpu.memory_space<vmem>>
    %dma_start3A_363 = arith.constant 0 : i32
    %dma_start3A_364 = arith.constant 0 : i32
    %dma_start3A_365 = tpu.memref_slice %arg9[%dma_start3A_363, %dma_start3A_364] : memref<100112x16xf32, #tpu.memory_space<vmem_shared>> -> memref<100112x16xf32, #tpu.memory_space<vmem_shared>>
    tpu.enqueue_indirect_dma source(%dma_start3A_359 : memref<128x16xf32, #tpu.memory_space<vmem>>) target(%dma_start3A_365 : memref<100112x16xf32, #tpu.memory_space<vmem_shared>>) offsets(%dma_start3A_362 : memref<128xi32, #tpu.memory_space<vmem>>) semaphore(%arg11 : memref<!tpu.dma_semaphore, #tpu.memory_space<semaphore_mem>>) {add = true}
    %dma_start3A_366 = arith.constant 1 : i32
    %dma_start3A_367 = arith.constant 1 : i32
    %dma_start3A_368 = arith.constant 0 : i32
    %dma_start3A_369 = arith.constant 0 : i32
    %dma_start3A_370 = tpu.memref_slice %arg8[%rem3A_166, %dma_start3A_366, %dma_start3A_368, %dma_start3A_369] : memref<3x4x128x16xf32, #tpu.memory_space<vmem>> -> memref<1x1x128x16xf32, #tpu.memory_space<vmem>>
    %dma_start3A_371 = tpu.memref_squeeze %dma_start3A_370 : memref<1x1x128x16xf32, #tpu.memory_space<vmem>> -> memref<128x16xf32, #tpu.memory_space<vmem>>
    %dma_start3A_372 = arith.constant 0 : i32
    %dma_start3A_373 = tpu.memref_slice %arg7[%rem3A_166, %dma_start3A_367, %dma_start3A_372] : memref<3x4x128xi32, #tpu.memory_space<vmem>> -> memref<1x1x128xi32, #tpu.memory_space<vmem>>
    %dma_start3A_374 = tpu.memref_squeeze %dma_start3A_373 : memref<1x1x128xi32, #tpu.memory_space<vmem>> -> memref<128xi32, #tpu.memory_space<vmem>>
    %dma_start3A_375 = arith.constant 0 : i32
    %dma_start3A_376 = arith.constant 0 : i32
    %dma_start3A_377 = tpu.memref_slice %arg9[%dma_start3A_375, %dma_start3A_376] : memref<100112x16xf32, #tpu.memory_space<vmem_shared>> -> memref<100112x16xf32, #tpu.memory_space<vmem_shared>>
    tpu.enqueue_indirect_dma source(%dma_start3A_371 : memref<128x16xf32, #tpu.memory_space<vmem>>) target(%dma_start3A_377 : memref<100112x16xf32, #tpu.memory_space<vmem_shared>>) offsets(%dma_start3A_374 : memref<128xi32, #tpu.memory_space<vmem>>) semaphore(%arg11 : memref<!tpu.dma_semaphore, #tpu.memory_space<semaphore_mem>>) {add = true}
    %dma_start3A_378 = arith.constant 2 : i32
    %dma_start3A_379 = arith.constant 2 : i32
    %dma_start3A_380 = arith.constant 0 : i32
    %dma_start3A_381 = arith.constant 0 : i32
    %dma_start3A_382 = tpu.memref_slice %arg8[%rem3A_166, %dma_start3A_378, %dma_start3A_380, %dma_start3A_381] : memref<3x4x128x16xf32, #tpu.memory_space<vmem>> -> memref<1x1x128x16xf32, #tpu.memory_space<vmem>>
    %dma_start3A_383 = tpu.memref_squeeze %dma_start3A_382 : memref<1x1x128x16xf32, #tpu.memory_space<vmem>> -> memref<128x16xf32, #tpu.memory_space<vmem>>
    %dma_start3A_384 = arith.constant 0 : i32
    %dma_start3A_385 = tpu.memref_slice %arg7[%rem3A_166, %dma_start3A_379, %dma_start3A_384] : memref<3x4x128xi32, #tpu.memory_space<vmem>> -> memref<1x1x128xi32, #tpu.memory_space<vmem>>
    %dma_start3A_386 = tpu.memref_squeeze %dma_start3A_385 : memref<1x1x128xi32, #tpu.memory_space<vmem>> -> memref<128xi32, #tpu.memory_space<vmem>>
    %dma_start3A_387 = arith.constant 0 : i32
    %dma_start3A_388 = arith.constant 0 : i32
    %dma_start3A_389 = tpu.memref_slice %arg9[%dma_start3A_387, %dma_start3A_388] : memref<100112x16xf32, #tpu.memory_space<vmem_shared>> -> memref<100112x16xf32, #tpu.memory_space<vmem_shared>>
    tpu.enqueue_indirect_dma source(%dma_start3A_383 : memref<128x16xf32, #tpu.memory_space<vmem>>) target(%dma_start3A_389 : memref<100112x16xf32, #tpu.memory_space<vmem_shared>>) offsets(%dma_start3A_386 : memref<128xi32, #tpu.memory_space<vmem>>) semaphore(%arg11 : memref<!tpu.dma_semaphore, #tpu.memory_space<semaphore_mem>>) {add = true}
    %dma_start3A_390 = arith.constant 3 : i32
    %dma_start3A_391 = arith.constant 3 : i32
    %dma_start3A_392 = arith.constant 0 : i32
    %dma_start3A_393 = arith.constant 0 : i32
    %dma_start3A_394 = tpu.memref_slice %arg8[%rem3A_166, %dma_start3A_390, %dma_start3A_392, %dma_start3A_393] : memref<3x4x128x16xf32, #tpu.memory_space<vmem>> -> memref<1x1x128x16xf32, #tpu.memory_space<vmem>>
    %dma_start3A_395 = tpu.memref_squeeze %dma_start3A_394 : memref<1x1x128x16xf32, #tpu.memory_space<vmem>> -> memref<128x16xf32, #tpu.memory_space<vmem>>
    %dma_start3A_396 = arith.constant 0 : i32
    %dma_start3A_397 = tpu.memref_slice %arg7[%rem3A_166, %dma_start3A_391, %dma_start3A_396] : memref<3x4x128xi32, #tpu.memory_space<vmem>> -> memref<1x1x128xi32, #tpu.memory_space<vmem>>
    %dma_start3A_398 = tpu.memref_squeeze %dma_start3A_397 : memref<1x1x128xi32, #tpu.memory_space<vmem>> -> memref<128xi32, #tpu.memory_space<vmem>>
    %dma_start3A_399 = arith.constant 0 : i32
    %dma_start3A_400 = arith.constant 0 : i32
    %dma_start3A_401 = tpu.memref_slice %arg9[%dma_start3A_399, %dma_start3A_400] : memref<100112x16xf32, #tpu.memory_space<vmem_shared>> -> memref<100112x16xf32, #tpu.memory_space<vmem_shared>>
    tpu.enqueue_indirect_dma source(%dma_start3A_395 : memref<128x16xf32, #tpu.memory_space<vmem>>) target(%dma_start3A_401 : memref<100112x16xf32, #tpu.memory_space<vmem_shared>>) offsets(%dma_start3A_398 : memref<128xi32, #tpu.memory_space<vmem>>) semaphore(%arg11 : memref<!tpu.dma_semaphore, #tpu.memory_space<semaphore_mem>>) {add = true}
    %rem3A_402 = arith.constant 194 : i32
    %rem3A_403 = arith.constant 3 : i32
    %rem3A_404 = arith.remsi %rem3A_402, %rem3A_403 : i32
    %dma_wait3A_405 = arith.constant 0 : i32
    %dma_wait3A_406 = arith.constant 0 : i32
    %dma_wait3A_407 = arith.constant 0 : i32
    %dma_wait3A_408 = tpu.memref_slice %arg8[%rem3A_404, %dma_wait3A_405, %dma_wait3A_406, %dma_wait3A_407] : memref<3x4x128x16xf32, #tpu.memory_space<vmem>> -> memref<1x1x128x16xf32, #tpu.memory_space<vmem>>
    %dma_wait3A_409 = tpu.memref_squeeze %dma_wait3A_408 : memref<1x1x128x16xf32, #tpu.memory_space<vmem>> -> memref<128x16xf32, #tpu.memory_space<vmem>>
    %dma_wait3A_410 = arith.constant 0 : i32
    %dma_wait3A_411 = arith.constant 0 : i32
    %dma_wait3A_412 = tpu.memref_slice %arg2[%arg0, %dma_wait3A_410, %dma_wait3A_411] : memref<2x100096x16xf32, #tpu.memory_space<hbm>> -> memref<1x100096x16xf32, #tpu.memory_space<hbm>>
    %dma_wait3A_413 = tpu.memref_squeeze %dma_wait3A_412 : memref<1x100096x16xf32, #tpu.memory_space<hbm>> -> memref<100096x16xf32, #tpu.memory_space<hbm>>
    %dma_wait3A_414 = arith.constant 0 : i32
    %dma_wait3A_415 = arith.constant 0 : i32
    %dma_wait3A_416 = tpu.memref_slice %dma_wait3A_413[%dma_wait3A_414, %dma_wait3A_415] : memref<100096x16xf32, #tpu.memory_space<hbm>> -> memref<128x16xf32, #tpu.memory_space<hbm>>
    %dma_wait3A_417 = arith.constant 0 : i32
    %dma_wait3A_418 = arith.constant 0 : i32
    %dma_wait3A_419 = tpu.memref_slice %arg8[%rem3A_404, %dma_wait3A_405, %dma_wait3A_417, %dma_wait3A_418] : memref<3x4x128x16xf32, #tpu.memory_space<vmem>> -> memref<1x1x128x16xf32, #tpu.memory_space<vmem>>
    %dma_wait3A_420 = tpu.memref_squeeze %dma_wait3A_419 : memref<1x1x128x16xf32, #tpu.memory_space<vmem>> -> memref<128x16xf32, #tpu.memory_space<vmem>>
    %dma_wait3A_421 = arith.constant 0 : i32
    %dma_wait3A_422 = arith.constant 0 : i32
    %dma_wait3A_423 = tpu.memref_slice %arg2[%arg0, %dma_wait3A_421, %dma_wait3A_422] : memref<2x100096x16xf32, #tpu.memory_space<hbm>> -> memref<1x100096x16xf32, #tpu.memory_space<hbm>>
    %dma_wait3A_424 = tpu.memref_squeeze %dma_wait3A_423 : memref<1x100096x16xf32, #tpu.memory_space<hbm>> -> memref<100096x16xf32, #tpu.memory_space<hbm>>
    %dma_wait3A_425 = arith.constant 0 : i32
    %dma_wait3A_426 = arith.constant 0 : i32
    %dma_wait3A_427 = tpu.memref_slice %dma_wait3A_424[%dma_wait3A_425, %dma_wait3A_426] : memref<100096x16xf32, #tpu.memory_space<hbm>> -> memref<128x16xf32, #tpu.memory_space<hbm>>
    tpu.wait_dma2 semaphore(%arg11 : memref<!tpu.dma_semaphore, #tpu.memory_space<semaphore_mem>>) src(%dma_wait3A_427 : memref<128x16xf32, #tpu.memory_space<hbm>>) dst(%dma_wait3A_420 : memref<128x16xf32, #tpu.memory_space<vmem>>)
    %dma_wait3A_428 = arith.constant 1 : i32
    %dma_wait3A_429 = arith.constant 0 : i32
    %dma_wait3A_430 = arith.constant 0 : i32
    %dma_wait3A_431 = tpu.memref_slice %arg8[%rem3A_404, %dma_wait3A_428, %dma_wait3A_429, %dma_wait3A_430] : memref<3x4x128x16xf32, #tpu.memory_space<vmem>> -> memref<1x1x128x16xf32, #tpu.memory_space<vmem>>
    %dma_wait3A_432 = tpu.memref_squeeze %dma_wait3A_431 : memref<1x1x128x16xf32, #tpu.memory_space<vmem>> -> memref<128x16xf32, #tpu.memory_space<vmem>>
    %dma_wait3A_433 = arith.constant 0 : i32
    %dma_wait3A_434 = arith.constant 0 : i32
    %dma_wait3A_435 = tpu.memref_slice %arg2[%arg0, %dma_wait3A_433, %dma_wait3A_434] : memref<2x100096x16xf32, #tpu.memory_space<hbm>> -> memref<1x100096x16xf32, #tpu.memory_space<hbm>>
    %dma_wait3A_436 = tpu.memref_squeeze %dma_wait3A_435 : memref<1x100096x16xf32, #tpu.memory_space<hbm>> -> memref<100096x16xf32, #tpu.memory_space<hbm>>
    %dma_wait3A_437 = arith.constant 0 : i32
    %dma_wait3A_438 = arith.constant 0 : i32
    %dma_wait3A_439 = tpu.memref_slice %dma_wait3A_436[%dma_wait3A_437, %dma_wait3A_438] : memref<100096x16xf32, #tpu.memory_space<hbm>> -> memref<128x16xf32, #tpu.memory_space<hbm>>
    %dma_wait3A_440 = arith.constant 0 : i32
    %dma_wait3A_441 = arith.constant 0 : i32
    %dma_wait3A_442 = tpu.memref_slice %arg8[%rem3A_404, %dma_wait3A_428, %dma_wait3A_440, %dma_wait3A_441] : memref<3x4x128x16xf32, #tpu.memory_space<vmem>> -> memref<1x1x128x16xf32, #tpu.memory_space<vmem>>
    %dma_wait3A_443 = tpu.memref_squeeze %dma_wait3A_442 : memref<1x1x128x16xf32, #tpu.memory_space<vmem>> -> memref<128x16xf32, #tpu.memory_space<vmem>>
    %dma_wait3A_444 = arith.constant 0 : i32
    %dma_wait3A_445 = arith.constant 0 : i32
    %dma_wait3A_446 = tpu.memref_slice %arg2[%arg0, %dma_wait3A_444, %dma_wait3A_445] : memref<2x100096x16xf32, #tpu.memory_space<hbm>> -> memref<1x100096x16xf32, #tpu.memory_space<hbm>>
    %dma_wait3A_447 = tpu.memref_squeeze %dma_wait3A_446 : memref<1x100096x16xf32, #tpu.memory_space<hbm>> -> memref<100096x16xf32, #tpu.memory_space<hbm>>
    %dma_wait3A_448 = arith.constant 0 : i32
    %dma_wait3A_449 = arith.constant 0 : i32
    %dma_wait3A_450 = tpu.memref_slice %dma_wait3A_447[%dma_wait3A_448, %dma_wait3A_449] : memref<100096x16xf32, #tpu.memory_space<hbm>> -> memref<128x16xf32, #tpu.memory_space<hbm>>
    tpu.wait_dma2 semaphore(%arg11 : memref<!tpu.dma_semaphore, #tpu.memory_space<semaphore_mem>>) src(%dma_wait3A_450 : memref<128x16xf32, #tpu.memory_space<hbm>>) dst(%dma_wait3A_443 : memref<128x16xf32, #tpu.memory_space<vmem>>)
    %dma_wait3A_451 = arith.constant 2 : i32
    %dma_wait3A_452 = arith.constant 0 : i32
    %dma_wait3A_453 = arith.constant 0 : i32
    %dma_wait3A_454 = tpu.memref_slice %arg8[%rem3A_404, %dma_wait3A_451, %dma_wait3A_452, %dma_wait3A_453] : memref<3x4x128x16xf32, #tpu.memory_space<vmem>> -> memref<1x1x128x16xf32, #tpu.memory_space<vmem>>
    %dma_wait3A_455 = tpu.memref_squeeze %dma_wait3A_454 : memref<1x1x128x16xf32, #tpu.memory_space<vmem>> -> memref<128x16xf32, #tpu.memory_space<vmem>>
    %dma_wait3A_456 = arith.constant 0 : i32
    %dma_wait3A_457 = arith.constant 0 : i32
    %dma_wait3A_458 = tpu.memref_slice %arg2[%arg0, %dma_wait3A_456, %dma_wait3A_457] : memref<2x100096x16xf32, #tpu.memory_space<hbm>> -> memref<1x100096x16xf32, #tpu.memory_space<hbm>>
    %dma_wait3A_459 = tpu.memref_squeeze %dma_wait3A_458 : memref<1x100096x16xf32, #tpu.memory_space<hbm>> -> memref<100096x16xf32, #tpu.memory_space<hbm>>
    %dma_wait3A_460 = arith.constant 0 : i32
    %dma_wait3A_461 = arith.constant 0 : i32
    %dma_wait3A_462 = tpu.memref_slice %dma_wait3A_459[%dma_wait3A_460, %dma_wait3A_461] : memref<100096x16xf32, #tpu.memory_space<hbm>> -> memref<128x16xf32, #tpu.memory_space<hbm>>
    %dma_wait3A_463 = arith.constant 0 : i32
    %dma_wait3A_464 = arith.constant 0 : i32
    %dma_wait3A_465 = tpu.memref_slice %arg8[%rem3A_404, %dma_wait3A_451, %dma_wait3A_463, %dma_wait3A_464] : memref<3x4x128x16xf32, #tpu.memory_space<vmem>> -> memref<1x1x128x16xf32, #tpu.memory_space<vmem>>
    %dma_wait3A_466 = tpu.memref_squeeze %dma_wait3A_465 : memref<1x1x128x16xf32, #tpu.memory_space<vmem>> -> memref<128x16xf32, #tpu.memory_space<vmem>>
    %dma_wait3A_467 = arith.constant 0 : i32
    %dma_wait3A_468 = arith.constant 0 : i32
    %dma_wait3A_469 = tpu.memref_slice %arg2[%arg0, %dma_wait3A_467, %dma_wait3A_468] : memref<2x100096x16xf32, #tpu.memory_space<hbm>> -> memref<1x100096x16xf32, #tpu.memory_space<hbm>>
    %dma_wait3A_470 = tpu.memref_squeeze %dma_wait3A_469 : memref<1x100096x16xf32, #tpu.memory_space<hbm>> -> memref<100096x16xf32, #tpu.memory_space<hbm>>
    %dma_wait3A_471 = arith.constant 0 : i32
    %dma_wait3A_472 = arith.constant 0 : i32
    %dma_wait3A_473 = tpu.memref_slice %dma_wait3A_470[%dma_wait3A_471, %dma_wait3A_472] : memref<100096x16xf32, #tpu.memory_space<hbm>> -> memref<128x16xf32, #tpu.memory_space<hbm>>
    tpu.wait_dma2 semaphore(%arg11 : memref<!tpu.dma_semaphore, #tpu.memory_space<semaphore_mem>>) src(%dma_wait3A_473 : memref<128x16xf32, #tpu.memory_space<hbm>>) dst(%dma_wait3A_466 : memref<128x16xf32, #tpu.memory_space<vmem>>)
    %dma_wait3A_474 = arith.constant 3 : i32
    %dma_wait3A_475 = arith.constant 0 : i32
    %dma_wait3A_476 = arith.constant 0 : i32
    %dma_wait3A_477 = tpu.memref_slice %arg8[%rem3A_404, %dma_wait3A_474, %dma_wait3A_475, %dma_wait3A_476] : memref<3x4x128x16xf32, #tpu.memory_space<vmem>> -> memref<1x1x128x16xf32, #tpu.memory_space<vmem>>
    %dma_wait3A_478 = tpu.memref_squeeze %dma_wait3A_477 : memref<1x1x128x16xf32, #tpu.memory_space<vmem>> -> memref<128x16xf32, #tpu.memory_space<vmem>>
    %dma_wait3A_479 = arith.constant 0 : i32
    %dma_wait3A_480 = arith.constant 0 : i32
    %dma_wait3A_481 = tpu.memref_slice %arg2[%arg0, %dma_wait3A_479, %dma_wait3A_480] : memref<2x100096x16xf32, #tpu.memory_space<hbm>> -> memref<1x100096x16xf32, #tpu.memory_space<hbm>>
    %dma_wait3A_482 = tpu.memref_squeeze %dma_wait3A_481 : memref<1x100096x16xf32, #tpu.memory_space<hbm>> -> memref<100096x16xf32, #tpu.memory_space<hbm>>
    %dma_wait3A_483 = arith.constant 0 : i32
    %dma_wait3A_484 = arith.constant 0 : i32
    %dma_wait3A_485 = tpu.memref_slice %dma_wait3A_482[%dma_wait3A_483, %dma_wait3A_484] : memref<100096x16xf32, #tpu.memory_space<hbm>> -> memref<128x16xf32, #tpu.memory_space<hbm>>
    %dma_wait3A_486 = arith.constant 0 : i32
    %dma_wait3A_487 = arith.constant 0 : i32
    %dma_wait3A_488 = tpu.memref_slice %arg8[%rem3A_404, %dma_wait3A_474, %dma_wait3A_486, %dma_wait3A_487] : memref<3x4x128x16xf32, #tpu.memory_space<vmem>> -> memref<1x1x128x16xf32, #tpu.memory_space<vmem>>
    %dma_wait3A_489 = tpu.memref_squeeze %dma_wait3A_488 : memref<1x1x128x16xf32, #tpu.memory_space<vmem>> -> memref<128x16xf32, #tpu.memory_space<vmem>>
    %dma_wait3A_490 = arith.constant 0 : i32
    %dma_wait3A_491 = arith.constant 0 : i32
    %dma_wait3A_492 = tpu.memref_slice %arg2[%arg0, %dma_wait3A_490, %dma_wait3A_491] : memref<2x100096x16xf32, #tpu.memory_space<hbm>> -> memref<1x100096x16xf32, #tpu.memory_space<hbm>>
    %dma_wait3A_493 = tpu.memref_squeeze %dma_wait3A_492 : memref<1x100096x16xf32, #tpu.memory_space<hbm>> -> memref<100096x16xf32, #tpu.memory_space<hbm>>
    %dma_wait3A_494 = arith.constant 0 : i32
    %dma_wait3A_495 = arith.constant 0 : i32
    %dma_wait3A_496 = tpu.memref_slice %dma_wait3A_493[%dma_wait3A_494, %dma_wait3A_495] : memref<100096x16xf32, #tpu.memory_space<hbm>> -> memref<128x16xf32, #tpu.memory_space<hbm>>
    tpu.wait_dma2 semaphore(%arg11 : memref<!tpu.dma_semaphore, #tpu.memory_space<semaphore_mem>>) src(%dma_wait3A_496 : memref<128x16xf32, #tpu.memory_space<hbm>>) dst(%dma_wait3A_489 : memref<128x16xf32, #tpu.memory_space<vmem>>)
    %dma_wait3A_497 = arith.constant 0 : i32
    %dma_wait3A_498 = arith.constant 0 : i32
    %dma_wait3A_499 = arith.constant 0 : i32
    %dma_wait3A_500 = tpu.memref_slice %arg8[%rem3A_166, %dma_wait3A_497, %dma_wait3A_498, %dma_wait3A_499] : memref<3x4x128x16xf32, #tpu.memory_space<vmem>> -> memref<1x1x128x16xf32, #tpu.memory_space<vmem>>
    %dma_wait3A_501 = tpu.memref_squeeze %dma_wait3A_500 : memref<1x1x128x16xf32, #tpu.memory_space<vmem>> -> memref<128x16xf32, #tpu.memory_space<vmem>>
    %dma_wait3A_502 = arith.constant 0 : i32
    %dma_wait3A_503 = arith.constant 0 : i32
    %dma_wait3A_504 = tpu.memref_slice %arg2[%arg0, %dma_wait3A_502, %dma_wait3A_503] : memref<2x100096x16xf32, #tpu.memory_space<hbm>> -> memref<1x100096x16xf32, #tpu.memory_space<hbm>>
    %dma_wait3A_505 = tpu.memref_squeeze %dma_wait3A_504 : memref<1x100096x16xf32, #tpu.memory_space<hbm>> -> memref<100096x16xf32, #tpu.memory_space<hbm>>
    %dma_wait3A_506 = arith.constant 0 : i32
    %dma_wait3A_507 = arith.constant 0 : i32
    %dma_wait3A_508 = tpu.memref_slice %dma_wait3A_505[%dma_wait3A_506, %dma_wait3A_507] : memref<100096x16xf32, #tpu.memory_space<hbm>> -> memref<128x16xf32, #tpu.memory_space<hbm>>
    %dma_wait3A_509 = arith.constant 0 : i32
    %dma_wait3A_510 = arith.constant 0 : i32
    %dma_wait3A_511 = tpu.memref_slice %arg8[%rem3A_166, %dma_wait3A_497, %dma_wait3A_509, %dma_wait3A_510] : memref<3x4x128x16xf32, #tpu.memory_space<vmem>> -> memref<1x1x128x16xf32, #tpu.memory_space<vmem>>
    %dma_wait3A_512 = tpu.memref_squeeze %dma_wait3A_511 : memref<1x1x128x16xf32, #tpu.memory_space<vmem>> -> memref<128x16xf32, #tpu.memory_space<vmem>>
    %dma_wait3A_513 = arith.constant 0 : i32
    %dma_wait3A_514 = arith.constant 0 : i32
    %dma_wait3A_515 = tpu.memref_slice %arg2[%arg0, %dma_wait3A_513, %dma_wait3A_514] : memref<2x100096x16xf32, #tpu.memory_space<hbm>> -> memref<1x100096x16xf32, #tpu.memory_space<hbm>>
    %dma_wait3A_516 = tpu.memref_squeeze %dma_wait3A_515 : memref<1x100096x16xf32, #tpu.memory_space<hbm>> -> memref<100096x16xf32, #tpu.memory_space<hbm>>
    %dma_wait3A_517 = arith.constant 0 : i32
    %dma_wait3A_518 = arith.constant 0 : i32
    %dma_wait3A_519 = tpu.memref_slice %dma_wait3A_516[%dma_wait3A_517, %dma_wait3A_518] : memref<100096x16xf32, #tpu.memory_space<hbm>> -> memref<128x16xf32, #tpu.memory_space<hbm>>
    tpu.wait_dma2 semaphore(%arg11 : memref<!tpu.dma_semaphore, #tpu.memory_space<semaphore_mem>>) src(%dma_wait3A_519 : memref<128x16xf32, #tpu.memory_space<hbm>>) dst(%dma_wait3A_512 : memref<128x16xf32, #tpu.memory_space<vmem>>)
    %dma_wait3A_520 = arith.constant 1 : i32
    %dma_wait3A_521 = arith.constant 0 : i32
    %dma_wait3A_522 = arith.constant 0 : i32
    %dma_wait3A_523 = tpu.memref_slice %arg8[%rem3A_166, %dma_wait3A_520, %dma_wait3A_521, %dma_wait3A_522] : memref<3x4x128x16xf32, #tpu.memory_space<vmem>> -> memref<1x1x128x16xf32, #tpu.memory_space<vmem>>
    %dma_wait3A_524 = tpu.memref_squeeze %dma_wait3A_523 : memref<1x1x128x16xf32, #tpu.memory_space<vmem>> -> memref<128x16xf32, #tpu.memory_space<vmem>>
    %dma_wait3A_525 = arith.constant 0 : i32
    %dma_wait3A_526 = arith.constant 0 : i32
    %dma_wait3A_527 = tpu.memref_slice %arg2[%arg0, %dma_wait3A_525, %dma_wait3A_526] : memref<2x100096x16xf32, #tpu.memory_space<hbm>> -> memref<1x100096x16xf32, #tpu.memory_space<hbm>>
    %dma_wait3A_528 = tpu.memref_squeeze %dma_wait3A_527 : memref<1x100096x16xf32, #tpu.memory_space<hbm>> -> memref<100096x16xf32, #tpu.memory_space<hbm>>
    %dma_wait3A_529 = arith.constant 0 : i32
    %dma_wait3A_530 = arith.constant 0 : i32
    %dma_wait3A_531 = tpu.memref_slice %dma_wait3A_528[%dma_wait3A_529, %dma_wait3A_530] : memref<100096x16xf32, #tpu.memory_space<hbm>> -> memref<128x16xf32, #tpu.memory_space<hbm>>
    %dma_wait3A_532 = arith.constant 0 : i32
    %dma_wait3A_533 = arith.constant 0 : i32
    %dma_wait3A_534 = tpu.memref_slice %arg8[%rem3A_166, %dma_wait3A_520, %dma_wait3A_532, %dma_wait3A_533] : memref<3x4x128x16xf32, #tpu.memory_space<vmem>> -> memref<1x1x128x16xf32, #tpu.memory_space<vmem>>
    %dma_wait3A_535 = tpu.memref_squeeze %dma_wait3A_534 : memref<1x1x128x16xf32, #tpu.memory_space<vmem>> -> memref<128x16xf32, #tpu.memory_space<vmem>>
    %dma_wait3A_536 = arith.constant 0 : i32
    %dma_wait3A_537 = arith.constant 0 : i32
    %dma_wait3A_538 = tpu.memref_slice %arg2[%arg0, %dma_wait3A_536, %dma_wait3A_537] : memref<2x100096x16xf32, #tpu.memory_space<hbm>> -> memref<1x100096x16xf32, #tpu.memory_space<hbm>>
    %dma_wait3A_539 = tpu.memref_squeeze %dma_wait3A_538 : memref<1x100096x16xf32, #tpu.memory_space<hbm>> -> memref<100096x16xf32, #tpu.memory_space<hbm>>
    %dma_wait3A_540 = arith.constant 0 : i32
    %dma_wait3A_541 = arith.constant 0 : i32
    %dma_wait3A_542 = tpu.memref_slice %dma_wait3A_539[%dma_wait3A_540, %dma_wait3A_541] : memref<100096x16xf32, #tpu.memory_space<hbm>> -> memref<128x16xf32, #tpu.memory_space<hbm>>
    tpu.wait_dma2 semaphore(%arg11 : memref<!tpu.dma_semaphore, #tpu.memory_space<semaphore_mem>>) src(%dma_wait3A_542 : memref<128x16xf32, #tpu.memory_space<hbm>>) dst(%dma_wait3A_535 : memref<128x16xf32, #tpu.memory_space<vmem>>)
    %dma_wait3A_543 = arith.constant 2 : i32
    %dma_wait3A_544 = arith.constant 0 : i32
    %dma_wait3A_545 = arith.constant 0 : i32
    %dma_wait3A_546 = tpu.memref_slice %arg8[%rem3A_166, %dma_wait3A_543, %dma_wait3A_544, %dma_wait3A_545] : memref<3x4x128x16xf32, #tpu.memory_space<vmem>> -> memref<1x1x128x16xf32, #tpu.memory_space<vmem>>
    %dma_wait3A_547 = tpu.memref_squeeze %dma_wait3A_546 : memref<1x1x128x16xf32, #tpu.memory_space<vmem>> -> memref<128x16xf32, #tpu.memory_space<vmem>>
    %dma_wait3A_548 = arith.constant 0 : i32
    %dma_wait3A_549 = arith.constant 0 : i32
    %dma_wait3A_550 = tpu.memref_slice %arg2[%arg0, %dma_wait3A_548, %dma_wait3A_549] : memref<2x100096x16xf32, #tpu.memory_space<hbm>> -> memref<1x100096x16xf32, #tpu.memory_space<hbm>>
    %dma_wait3A_551 = tpu.memref_squeeze %dma_wait3A_550 : memref<1x100096x16xf32, #tpu.memory_space<hbm>> -> memref<100096x16xf32, #tpu.memory_space<hbm>>
    %dma_wait3A_552 = arith.constant 0 : i32
    %dma_wait3A_553 = arith.constant 0 : i32
    %dma_wait3A_554 = tpu.memref_slice %dma_wait3A_551[%dma_wait3A_552, %dma_wait3A_553] : memref<100096x16xf32, #tpu.memory_space<hbm>> -> memref<128x16xf32, #tpu.memory_space<hbm>>
    %dma_wait3A_555 = arith.constant 0 : i32
    %dma_wait3A_556 = arith.constant 0 : i32
    %dma_wait3A_557 = tpu.memref_slice %arg8[%rem3A_166, %dma_wait3A_543, %dma_wait3A_555, %dma_wait3A_556] : memref<3x4x128x16xf32, #tpu.memory_space<vmem>> -> memref<1x1x128x16xf32, #tpu.memory_space<vmem>>
    %dma_wait3A_558 = tpu.memref_squeeze %dma_wait3A_557 : memref<1x1x128x16xf32, #tpu.memory_space<vmem>> -> memref<128x16xf32, #tpu.memory_space<vmem>>
    %dma_wait3A_559 = arith.constant 0 : i32
    %dma_wait3A_560 = arith.constant 0 : i32
    %dma_wait3A_561 = tpu.memref_slice %arg2[%arg0, %dma_wait3A_559, %dma_wait3A_560] : memref<2x100096x16xf32, #tpu.memory_space<hbm>> -> memref<1x100096x16xf32, #tpu.memory_space<hbm>>
    %dma_wait3A_562 = tpu.memref_squeeze %dma_wait3A_561 : memref<1x100096x16xf32, #tpu.memory_space<hbm>> -> memref<100096x16xf32, #tpu.memory_space<hbm>>
    %dma_wait3A_563 = arith.constant 0 : i32
    %dma_wait3A_564 = arith.constant 0 : i32
    %dma_wait3A_565 = tpu.memref_slice %dma_wait3A_562[%dma_wait3A_563, %dma_wait3A_564] : memref<100096x16xf32, #tpu.memory_space<hbm>> -> memref<128x16xf32, #tpu.memory_space<hbm>>
    tpu.wait_dma2 semaphore(%arg11 : memref<!tpu.dma_semaphore, #tpu.memory_space<semaphore_mem>>) src(%dma_wait3A_565 : memref<128x16xf32, #tpu.memory_space<hbm>>) dst(%dma_wait3A_558 : memref<128x16xf32, #tpu.memory_space<vmem>>)
    %dma_wait3A_566 = arith.constant 3 : i32
    %dma_wait3A_567 = arith.constant 0 : i32
    %dma_wait3A_568 = arith.constant 0 : i32
    %dma_wait3A_569 = tpu.memref_slice %arg8[%rem3A_166, %dma_wait3A_566, %dma_wait3A_567, %dma_wait3A_568] : memref<3x4x128x16xf32, #tpu.memory_space<vmem>> -> memref<1x1x128x16xf32, #tpu.memory_space<vmem>>
    %dma_wait3A_570 = tpu.memref_squeeze %dma_wait3A_569 : memref<1x1x128x16xf32, #tpu.memory_space<vmem>> -> memref<128x16xf32, #tpu.memory_space<vmem>>
    %dma_wait3A_571 = arith.constant 0 : i32
    %dma_wait3A_572 = arith.constant 0 : i32
    %dma_wait3A_573 = tpu.memref_slice %arg2[%arg0, %dma_wait3A_571, %dma_wait3A_572] : memref<2x100096x16xf32, #tpu.memory_space<hbm>> -> memref<1x100096x16xf32, #tpu.memory_space<hbm>>
    %dma_wait3A_574 = tpu.memref_squeeze %dma_wait3A_573 : memref<1x100096x16xf32, #tpu.memory_space<hbm>> -> memref<100096x16xf32, #tpu.memory_space<hbm>>
    %dma_wait3A_575 = arith.constant 0 : i32
    %dma_wait3A_576 = arith.constant 0 : i32
    %dma_wait3A_577 = tpu.memref_slice %dma_wait3A_574[%dma_wait3A_575, %dma_wait3A_576] : memref<100096x16xf32, #tpu.memory_space<hbm>> -> memref<128x16xf32, #tpu.memory_space<hbm>>
    %dma_wait3A_578 = arith.constant 0 : i32
    %dma_wait3A_579 = arith.constant 0 : i32
    %dma_wait3A_580 = tpu.memref_slice %arg8[%rem3A_166, %dma_wait3A_566, %dma_wait3A_578, %dma_wait3A_579] : memref<3x4x128x16xf32, #tpu.memory_space<vmem>> -> memref<1x1x128x16xf32, #tpu.memory_space<vmem>>
    %dma_wait3A_581 = tpu.memref_squeeze %dma_wait3A_580 : memref<1x1x128x16xf32, #tpu.memory_space<vmem>> -> memref<128x16xf32, #tpu.memory_space<vmem>>
    %dma_wait3A_582 = arith.constant 0 : i32
    %dma_wait3A_583 = arith.constant 0 : i32
    %dma_wait3A_584 = tpu.memref_slice %arg2[%arg0, %dma_wait3A_582, %dma_wait3A_583] : memref<2x100096x16xf32, #tpu.memory_space<hbm>> -> memref<1x100096x16xf32, #tpu.memory_space<hbm>>
    %dma_wait3A_585 = tpu.memref_squeeze %dma_wait3A_584 : memref<1x100096x16xf32, #tpu.memory_space<hbm>> -> memref<100096x16xf32, #tpu.memory_space<hbm>>
    %dma_wait3A_586 = arith.constant 0 : i32
    %dma_wait3A_587 = arith.constant 0 : i32
    %dma_wait3A_588 = tpu.memref_slice %dma_wait3A_585[%dma_wait3A_586, %dma_wait3A_587] : memref<100096x16xf32, #tpu.memory_space<hbm>> -> memref<128x16xf32, #tpu.memory_space<hbm>>
    tpu.wait_dma2 semaphore(%arg11 : memref<!tpu.dma_semaphore, #tpu.memory_space<semaphore_mem>>) src(%dma_wait3A_588 : memref<128x16xf32, #tpu.memory_space<hbm>>) dst(%dma_wait3A_581 : memref<128x16xf32, #tpu.memory_space<vmem>>)
    %barrier3A_589 = arith.constant 0 : index
    tpu.barrier barrier_id(%barrier3A_589)
    %mul3A_590 = arith.constant 6256 : i32
    %mul3A_591 = arith.muli %arg1, %mul3A_590 : i32
    %mul3A_592 = arith.constant 6256 : i32
    %mul3A_593 = arith.muli %arg1, %mul3A_592 : i32
    "tpu.region"() ({
      %run_scoped3A = tpu.sem_alloc : memref<!tpu.dma_semaphore, #tpu.memory_space<semaphore_mem>>
      %dma_start3A_594 = arith.constant 0 : i32
      %dma_start3A_595 = arith.constant 0 : i32
      %dma_start3A_596 = tpu.memref_slice %arg5[%arg0, %dma_start3A_594, %dma_start3A_595] : memref<2x100096x16xf32, #tpu.memory_space<hbm>> -> memref<1x100096x16xf32, #tpu.memory_space<hbm>>
      %dma_start3A_597 = tpu.memref_squeeze %dma_start3A_596 : memref<1x100096x16xf32, #tpu.memory_space<hbm>> -> memref<100096x16xf32, #tpu.memory_space<hbm>>
      %dma_start3A_598 = arith.constant 0 : i32
      %dma_start3A_599 = tpu.memref_slice %dma_start3A_597[%mul3A_593, %dma_start3A_598] : memref<100096x16xf32, #tpu.memory_space<hbm>> -> memref<6256x16xf32, #tpu.memory_space<hbm>>
      %dma_start3A_600 = arith.constant 0 : i32
      %dma_start3A_601 = tpu.memref_slice %arg9[%mul3A_591, %dma_start3A_600] : memref<100112x16xf32, #tpu.memory_space<vmem_shared>> -> memref<6256x16xf32, #tpu.memory_space<vmem_shared>>
      tpu.enqueue_dma source(%dma_start3A_601 : memref<6256x16xf32, #tpu.memory_space<vmem_shared>>) target(%dma_start3A_599 : memref<6256x16xf32, #tpu.memory_space<hbm>>) target_semaphore(%run_scoped3A : memref<!tpu.dma_semaphore, #tpu.memory_space<semaphore_mem>>)
      %dma_wait3A_602 = arith.constant 0 : i32
      %dma_wait3A_603 = arith.constant 0 : i32
      %dma_wait3A_604 = tpu.memref_slice %arg5[%arg0, %dma_wait3A_602, %dma_wait3A_603] : memref<2x100096x16xf32, #tpu.memory_space<hbm>> -> memref<1x100096x16xf32, #tpu.memory_space<hbm>>
      %dma_wait3A_605 = tpu.memref_squeeze %dma_wait3A_604 : memref<1x100096x16xf32, #tpu.memory_space<hbm>> -> memref<100096x16xf32, #tpu.memory_space<hbm>>
      %dma_wait3A_606 = arith.constant 0 : i32
      %dma_wait3A_607 = tpu.memref_slice %dma_wait3A_605[%mul3A_593, %dma_wait3A_606] : memref<100096x16xf32, #tpu.memory_space<hbm>> -> memref<6256x16xf32, #tpu.memory_space<hbm>>
      %dma_wait3A_608 = arith.constant 0 : i32
      %dma_wait3A_609 = tpu.memref_slice %arg9[%mul3A_591, %dma_wait3A_608] : memref<100112x16xf32, #tpu.memory_space<vmem_shared>> -> memref<6256x16xf32, #tpu.memory_space<vmem_shared>>
      tpu.wait_dma2 semaphore(%run_scoped3A : memref<!tpu.dma_semaphore, #tpu.memory_space<semaphore_mem>>) src(%dma_wait3A_609 : memref<6256x16xf32, #tpu.memory_space<vmem_shared>>) dst(%dma_wait3A_607 : memref<6256x16xf32, #tpu.memory_space<hbm>>)
      tpu.yield
    }) : () -> ()
    return
  }
}

#map = affine_map<(d0, d1) -> (0, 0, 0)>
#map1 = affine_map<(d0, d1) -> (0, 0)>
module attributes {stable_mosaic.version = 14 : i64} {
  func.func @_agg_body(%arg0: i32, %arg1: i32, %arg2: memref<2x100096x16xf32, #tpu.memory_space<hbm>>, %arg3: memref<12548x128xi32, #tpu.memory_space<hbm>>, %arg4: memref<12548x128xi32, #tpu.memory_space<hbm>>, %arg5: memref<2x100096x16xf32, #tpu.memory_space<hbm>>, %arg6: memref<3x4x128xi32, #tpu.memory_space<vmem>>, %arg7: memref<3x4x128xi32, #tpu.memory_space<vmem>>, %arg8: memref<3x4x128x16xf32, #tpu.memory_space<vmem>>, %arg9: memref<100112x16xf32, #tpu.memory_space<vmem_shared>>, %arg10: memref<!tpu.dma_semaphore, #tpu.memory_space<semaphore_mem>>, %arg11: memref<!tpu.dma_semaphore, #tpu.memory_space<semaphore_mem>>, %arg12: memref<!tpu.dma_semaphore, #tpu.memory_space<semaphore_mem>>) attributes {dimension_semantics = [#tpu.dimension_semantics<core_parallel>, #tpu.dimension_semantics<subcore_parallel>], iteration_bounds = array<i64: 2, 16>, scalar_prefetch = 0 : i64, scratch_operands = 7 : i64, tpu.core_type = #tpu.core_type<sc_vector_subcore>, window_params = [{transform_indices = #map}, {transform_indices = #map1}, {transform_indices = #map1}, {transform_indices = #map}]} {
    %mul3A = arith.constant 6256 : i32
    %mul3A_0 = arith.muli %arg1, %mul3A : i32
    %mul3A_1 = arith.constant 6256 : i32
    %mul3A_2 = arith.muli %arg1, %mul3A_1 : i32
    "tpu.region"() ({
      %run_scoped3A = tpu.sem_alloc : memref<!tpu.dma_semaphore, #tpu.memory_space<semaphore_mem>>
      %dma_start3A_594 = arith.constant 0 : i32
      %dma_start3A_595 = tpu.memref_slice %arg9[%mul3A_2, %dma_start3A_594] : memref<100112x16xf32, #tpu.memory_space<vmem_shared>> -> memref<6256x16xf32, #tpu.memory_space<vmem_shared>>
      %dma_start3A_596 = arith.constant 0 : i32
      %dma_start3A_597 = arith.constant 0 : i32
      %dma_start3A_598 = tpu.memref_slice %arg2[%arg0, %dma_start3A_596, %dma_start3A_597] : memref<2x100096x16xf32, #tpu.memory_space<hbm>> -> memref<1x100096x16xf32, #tpu.memory_space<hbm>>
      %dma_start3A_599 = tpu.memref_squeeze %dma_start3A_598 : memref<1x100096x16xf32, #tpu.memory_space<hbm>> -> memref<100096x16xf32, #tpu.memory_space<hbm>>
      %dma_start3A_600 = arith.constant 0 : i32
      %dma_start3A_601 = tpu.memref_slice %dma_start3A_599[%mul3A_0, %dma_start3A_600] : memref<100096x16xf32, #tpu.memory_space<hbm>> -> memref<6256x16xf32, #tpu.memory_space<hbm>>
      tpu.enqueue_dma source(%dma_start3A_601 : memref<6256x16xf32, #tpu.memory_space<hbm>>) target(%dma_start3A_595 : memref<6256x16xf32, #tpu.memory_space<vmem_shared>>) target_semaphore(%run_scoped3A : memref<!tpu.dma_semaphore, #tpu.memory_space<semaphore_mem>>)
      %dma_wait3A_602 = arith.constant 0 : i32
      %dma_wait3A_603 = tpu.memref_slice %arg9[%mul3A_2, %dma_wait3A_602] : memref<100112x16xf32, #tpu.memory_space<vmem_shared>> -> memref<6256x16xf32, #tpu.memory_space<vmem_shared>>
      %dma_wait3A_604 = arith.constant 0 : i32
      %dma_wait3A_605 = arith.constant 0 : i32
      %dma_wait3A_606 = tpu.memref_slice %arg2[%arg0, %dma_wait3A_604, %dma_wait3A_605] : memref<2x100096x16xf32, #tpu.memory_space<hbm>> -> memref<1x100096x16xf32, #tpu.memory_space<hbm>>
      %dma_wait3A_607 = tpu.memref_squeeze %dma_wait3A_606 : memref<1x100096x16xf32, #tpu.memory_space<hbm>> -> memref<100096x16xf32, #tpu.memory_space<hbm>>
      %dma_wait3A_608 = arith.constant 0 : i32
      %dma_wait3A_609 = tpu.memref_slice %dma_wait3A_607[%mul3A_0, %dma_wait3A_608] : memref<100096x16xf32, #tpu.memory_space<hbm>> -> memref<6256x16xf32, #tpu.memory_space<hbm>>
      tpu.wait_dma2 semaphore(%run_scoped3A : memref<!tpu.dma_semaphore, #tpu.memory_space<semaphore_mem>>) src(%dma_wait3A_609 : memref<6256x16xf32, #tpu.memory_space<hbm>>) dst(%dma_wait3A_603 : memref<6256x16xf32, #tpu.memory_space<vmem_shared>>)
      tpu.yield
    }) : () -> ()
    %barrier3A = arith.constant 0 : index
    tpu.barrier barrier_id(%barrier3A)
    %mul3A_3 = arith.constant 784 : i32
    %mul3A_4 = arith.muli %arg1, %mul3A_3 : i32
    %add3A = arith.constant 0 : i32
    %add3A_5 = arith.addi %mul3A_4, %add3A : i32
    %dma_start3A = arith.constant 0 : i32
    %dma_start3A_6 = arith.constant 0 : i32
    %dma_start3A_7 = arith.constant 0 : i32
    %dma_start3A_8 = tpu.memref_slice %arg6[%dma_start3A, %dma_start3A_6, %dma_start3A_7] : memref<3x4x128xi32, #tpu.memory_space<vmem>> -> memref<1x4x128xi32, #tpu.memory_space<vmem>>
    %dma_start3A_9 = tpu.memref_squeeze %dma_start3A_8 : memref<1x4x128xi32, #tpu.memory_space<vmem>> -> memref<4x128xi32, #tpu.memory_space<vmem>>
    %dma_start3A_10 = arith.constant 0 : i32
    %dma_start3A_11 = tpu.memref_slice %arg3[%add3A_5, %dma_start3A_10] : memref<12548x128xi32, #tpu.memory_space<hbm>> -> memref<4x128xi32, #tpu.memory_space<hbm>>
    %dma_start3A_12 = arith.constant 0 : i32
    %dma_start3A_13 = arith.constant 0 : i32
    %dma_start3A_14 = tpu.memref_slice %arg6[%dma_start3A, %dma_start3A_12, %dma_start3A_13] : memref<3x4x128xi32, #tpu.memory_space<vmem>> -> memref<1x4x128xi32, #tpu.memory_space<vmem>>
    %dma_start3A_15 = tpu.memref_squeeze %dma_start3A_14 : memref<1x4x128xi32, #tpu.memory_space<vmem>> -> memref<4x128xi32, #tpu.memory_space<vmem>>
    %dma_start3A_16 = arith.constant 0 : i32
    %dma_start3A_17 = tpu.memref_slice %arg3[%add3A_5, %dma_start3A_16] : memref<12548x128xi32, #tpu.memory_space<hbm>> -> memref<4x128xi32, #tpu.memory_space<hbm>>
    tpu.enqueue_dma source(%dma_start3A_17 : memref<4x128xi32, #tpu.memory_space<hbm>>) target(%dma_start3A_15 : memref<4x128xi32, #tpu.memory_space<vmem>>) target_semaphore(%arg12 : memref<!tpu.dma_semaphore, #tpu.memory_space<semaphore_mem>>)
    %dma_start3A_18 = arith.constant 0 : i32
    %dma_start3A_19 = arith.constant 0 : i32
    %dma_start3A_20 = arith.constant 0 : i32
    %dma_start3A_21 = tpu.memref_slice %arg7[%dma_start3A_18, %dma_start3A_19, %dma_start3A_20] : memref<3x4x128xi32, #tpu.memory_space<vmem>> -> memref<1x4x128xi32, #tpu.memory_space<vmem>>
    %dma_start3A_22 = tpu.memref_squeeze %dma_start3A_21 : memref<1x4x128xi32, #tpu.memory_space<vmem>> -> memref<4x128xi32, #tpu.memory_space<vmem>>
    %dma_start3A_23 = arith.constant 0 : i32
    %dma_start3A_24 = tpu.memref_slice %arg4[%add3A_5, %dma_start3A_23] : memref<12548x128xi32, #tpu.memory_space<hbm>> -> memref<4x128xi32, #tpu.memory_space<hbm>>
    %dma_start3A_25 = arith.constant 0 : i32
    %dma_start3A_26 = arith.constant 0 : i32
    %dma_start3A_27 = tpu.memref_slice %arg7[%dma_start3A_18, %dma_start3A_25, %dma_start3A_26] : memref<3x4x128xi32, #tpu.memory_space<vmem>> -> memref<1x4x128xi32, #tpu.memory_space<vmem>>
    %dma_start3A_28 = tpu.memref_squeeze %dma_start3A_27 : memref<1x4x128xi32, #tpu.memory_space<vmem>> -> memref<4x128xi32, #tpu.memory_space<vmem>>
    %dma_start3A_29 = arith.constant 0 : i32
    %dma_start3A_30 = tpu.memref_slice %arg4[%add3A_5, %dma_start3A_29] : memref<12548x128xi32, #tpu.memory_space<hbm>> -> memref<4x128xi32, #tpu.memory_space<hbm>>
    tpu.enqueue_dma source(%dma_start3A_30 : memref<4x128xi32, #tpu.memory_space<hbm>>) target(%dma_start3A_28 : memref<4x128xi32, #tpu.memory_space<vmem>>) target_semaphore(%arg12 : memref<!tpu.dma_semaphore, #tpu.memory_space<semaphore_mem>>)
    %dma_wait3A = arith.constant 0 : i32
    %dma_wait3A_31 = arith.constant 0 : i32
    %dma_wait3A_32 = arith.constant 0 : i32
    %dma_wait3A_33 = tpu.memref_slice %arg6[%dma_wait3A, %dma_wait3A_31, %dma_wait3A_32] : memref<3x4x128xi32, #tpu.memory_space<vmem>> -> memref<1x4x128xi32, #tpu.memory_space<vmem>>
    %dma_wait3A_34 = tpu.memref_squeeze %dma_wait3A_33 : memref<1x4x128xi32, #tpu.memory_space<vmem>> -> memref<4x128xi32, #tpu.memory_space<vmem>>
    %dma_wait3A_35 = arith.constant 0 : i32
    %dma_wait3A_36 = arith.constant 0 : i32
    %dma_wait3A_37 = tpu.memref_slice %arg3[%dma_wait3A_35, %dma_wait3A_36] : memref<12548x128xi32, #tpu.memory_space<hbm>> -> memref<4x128xi32, #tpu.memory_space<hbm>>
    %dma_wait3A_38 = arith.constant 0 : i32
    %dma_wait3A_39 = arith.constant 0 : i32
    %dma_wait3A_40 = tpu.memref_slice %arg6[%dma_wait3A, %dma_wait3A_38, %dma_wait3A_39] : memref<3x4x128xi32, #tpu.memory_space<vmem>> -> memref<1x4x128xi32, #tpu.memory_space<vmem>>
    %dma_wait3A_41 = tpu.memref_squeeze %dma_wait3A_40 : memref<1x4x128xi32, #tpu.memory_space<vmem>> -> memref<4x128xi32, #tpu.memory_space<vmem>>
    %dma_wait3A_42 = arith.constant 0 : i32
    %dma_wait3A_43 = arith.constant 0 : i32
    %dma_wait3A_44 = tpu.memref_slice %arg3[%dma_wait3A_42, %dma_wait3A_43] : memref<12548x128xi32, #tpu.memory_space<hbm>> -> memref<4x128xi32, #tpu.memory_space<hbm>>
    tpu.wait_dma2 semaphore(%arg12 : memref<!tpu.dma_semaphore, #tpu.memory_space<semaphore_mem>>) src(%dma_wait3A_44 : memref<4x128xi32, #tpu.memory_space<hbm>>) dst(%dma_wait3A_41 : memref<4x128xi32, #tpu.memory_space<vmem>>)
    %dma_wait3A_45 = arith.constant 0 : i32
    %dma_wait3A_46 = arith.constant 0 : i32
    %dma_wait3A_47 = arith.constant 0 : i32
    %dma_wait3A_48 = tpu.memref_slice %arg7[%dma_wait3A_45, %dma_wait3A_46, %dma_wait3A_47] : memref<3x4x128xi32, #tpu.memory_space<vmem>> -> memref<1x4x128xi32, #tpu.memory_space<vmem>>
    %dma_wait3A_49 = tpu.memref_squeeze %dma_wait3A_48 : memref<1x4x128xi32, #tpu.memory_space<vmem>> -> memref<4x128xi32, #tpu.memory_space<vmem>>
    %dma_wait3A_50 = arith.constant 0 : i32
    %dma_wait3A_51 = arith.constant 0 : i32
    %dma_wait3A_52 = tpu.memref_slice %arg3[%dma_wait3A_50, %dma_wait3A_51] : memref<12548x128xi32, #tpu.memory_space<hbm>> -> memref<4x128xi32, #tpu.memory_space<hbm>>
    %dma_wait3A_53 = arith.constant 0 : i32
    %dma_wait3A_54 = arith.constant 0 : i32
    %dma_wait3A_55 = tpu.memref_slice %arg7[%dma_wait3A_45, %dma_wait3A_53, %dma_wait3A_54] : memref<3x4x128xi32, #tpu.memory_space<vmem>> -> memref<1x4x128xi32, #tpu.memory_space<vmem>>
    %dma_wait3A_56 = tpu.memref_squeeze %dma_wait3A_55 : memref<1x4x128xi32, #tpu.memory_space<vmem>> -> memref<4x128xi32, #tpu.memory_space<vmem>>
    %dma_wait3A_57 = arith.constant 0 : i32
    %dma_wait3A_58 = arith.constant 0 : i32
    %dma_wait3A_59 = tpu.memref_slice %arg3[%dma_wait3A_57, %dma_wait3A_58] : memref<12548x128xi32, #tpu.memory_space<hbm>> -> memref<4x128xi32, #tpu.memory_space<hbm>>
    tpu.wait_dma2 semaphore(%arg12 : memref<!tpu.dma_semaphore, #tpu.memory_space<semaphore_mem>>) src(%dma_wait3A_59 : memref<4x128xi32, #tpu.memory_space<hbm>>) dst(%dma_wait3A_56 : memref<4x128xi32, #tpu.memory_space<vmem>>)
    %dma_start3A_60 = arith.constant 0 : i32
    %dma_start3A_61 = arith.constant 0 : i32
    %dma_start3A_62 = arith.constant 0 : i32
    %dma_start3A_63 = arith.constant 0 : i32
    %dma_start3A_64 = arith.constant 0 : i32
    %dma_start3A_65 = arith.constant 0 : i32
    %dma_start3A_66 = tpu.memref_slice %arg8[%dma_start3A_62, %dma_start3A_63, %dma_start3A_64, %dma_start3A_65] : memref<3x4x128x16xf32, #tpu.memory_space<vmem>> -> memref<1x1x128x16xf32, #tpu.memory_space<vmem>>
    %dma_start3A_67 = tpu.memref_squeeze %dma_start3A_66 : memref<1x1x128x16xf32, #tpu.memory_space<vmem>> -> memref<128x16xf32, #tpu.memory_space<vmem>>
    %dma_start3A_68 = arith.constant 0 : i32
    %dma_start3A_69 = tpu.memref_slice %arg6[%dma_start3A_60, %dma_start3A_61, %dma_start3A_68] : memref<3x4x128xi32, #tpu.memory_space<vmem>> -> memref<1x1x128xi32, #tpu.memory_space<vmem>>
    %dma_start3A_70 = tpu.memref_squeeze %dma_start3A_69 : memref<1x1x128xi32, #tpu.memory_space<vmem>> -> memref<128xi32, #tpu.memory_space<vmem>>
    %dma_start3A_71 = arith.constant 0 : i32
    %dma_start3A_72 = arith.constant 0 : i32
    %dma_start3A_73 = tpu.memref_slice %arg2[%arg0, %dma_start3A_71, %dma_start3A_72] : memref<2x100096x16xf32, #tpu.memory_space<hbm>> -> memref<1x100096x16xf32, #tpu.memory_space<hbm>>
    %dma_start3A_74 = tpu.memref_squeeze %dma_start3A_73 : memref<1x100096x16xf32, #tpu.memory_space<hbm>> -> memref<100096x16xf32, #tpu.memory_space<hbm>>
    %dma_start3A_75 = arith.constant 0 : i32
    %dma_start3A_76 = arith.constant 0 : i32
    %dma_start3A_77 = tpu.memref_slice %dma_start3A_74[%dma_start3A_75, %dma_start3A_76] : memref<100096x16xf32, #tpu.memory_space<hbm>> -> memref<100096x16xf32, #tpu.memory_space<hbm>>
    tpu.enqueue_indirect_dma source(%dma_start3A_77 : memref<100096x16xf32, #tpu.memory_space<hbm>>) target(%dma_start3A_67 : memref<128x16xf32, #tpu.memory_space<vmem>>) offsets(%dma_start3A_70 : memref<128xi32, #tpu.memory_space<vmem>>) semaphore(%arg10 : memref<!tpu.dma_semaphore, #tpu.memory_space<semaphore_mem>>)
    %dma_start3A_78 = arith.constant 0 : i32
    %dma_start3A_79 = arith.constant 1 : i32
    %dma_start3A_80 = arith.constant 0 : i32
    %dma_start3A_81 = arith.constant 1 : i32
    %dma_start3A_82 = arith.constant 0 : i32
    %dma_start3A_83 = arith.constant 0 : i32
    %dma_start3A_84 = tpu.memref_slice %arg8[%dma_start3A_80, %dma_start3A_81, %dma_start3A_82, %dma_start3A_83] : memref<3x4x128x16xf32, #tpu.memory_space<vmem>> -> memref<1x1x128x16xf32, #tpu.memory_space<vmem>>
    %dma_start3A_85 = tpu.memref_squeeze %dma_start3A_84 : memref<1x1x128x16xf32, #tpu.memory_space<vmem>> -> memref<128x16xf32, #tpu.memory_space<vmem>>
    %dma_start3A_86 = arith.constant 0 : i32
    %dma_start3A_87 = tpu.memref_slice %arg6[%dma_start3A_78, %dma_start3A_79, %dma_start3A_86] : memref<3x4x128xi32, #tpu.memory_space<vmem>> -> memref<1x1x128xi32, #tpu.memory_space<vmem>>
    %dma_start3A_88 = tpu.memref_squeeze %dma_start3A_87 : memref<1x1x128xi32, #tpu.memory_space<vmem>> -> memref<128xi32, #tpu.memory_space<vmem>>
    %dma_start3A_89 = arith.constant 0 : i32
    %dma_start3A_90 = arith.constant 0 : i32
    %dma_start3A_91 = tpu.memref_slice %arg2[%arg0, %dma_start3A_89, %dma_start3A_90] : memref<2x100096x16xf32, #tpu.memory_space<hbm>> -> memref<1x100096x16xf32, #tpu.memory_space<hbm>>
    %dma_start3A_92 = tpu.memref_squeeze %dma_start3A_91 : memref<1x100096x16xf32, #tpu.memory_space<hbm>> -> memref<100096x16xf32, #tpu.memory_space<hbm>>
    %dma_start3A_93 = arith.constant 0 : i32
    %dma_start3A_94 = arith.constant 0 : i32
    %dma_start3A_95 = tpu.memref_slice %dma_start3A_92[%dma_start3A_93, %dma_start3A_94] : memref<100096x16xf32, #tpu.memory_space<hbm>> -> memref<100096x16xf32, #tpu.memory_space<hbm>>
    tpu.enqueue_indirect_dma source(%dma_start3A_95 : memref<100096x16xf32, #tpu.memory_space<hbm>>) target(%dma_start3A_85 : memref<128x16xf32, #tpu.memory_space<vmem>>) offsets(%dma_start3A_88 : memref<128xi32, #tpu.memory_space<vmem>>) semaphore(%arg10 : memref<!tpu.dma_semaphore, #tpu.memory_space<semaphore_mem>>)
    %dma_start3A_96 = arith.constant 0 : i32
    %dma_start3A_97 = arith.constant 2 : i32
    %dma_start3A_98 = arith.constant 0 : i32
    %dma_start3A_99 = arith.constant 2 : i32
    %dma_start3A_100 = arith.constant 0 : i32
    %dma_start3A_101 = arith.constant 0 : i32
    %dma_start3A_102 = tpu.memref_slice %arg8[%dma_start3A_98, %dma_start3A_99, %dma_start3A_100, %dma_start3A_101] : memref<3x4x128x16xf32, #tpu.memory_space<vmem>> -> memref<1x1x128x16xf32, #tpu.memory_space<vmem>>
    %dma_start3A_103 = tpu.memref_squeeze %dma_start3A_102 : memref<1x1x128x16xf32, #tpu.memory_space<vmem>> -> memref<128x16xf32, #tpu.memory_space<vmem>>
    %dma_start3A_104 = arith.constant 0 : i32
    %dma_start3A_105 = tpu.memref_slice %arg6[%dma_start3A_96, %dma_start3A_97, %dma_start3A_104] : memref<3x4x128xi32, #tpu.memory_space<vmem>> -> memref<1x1x128xi32, #tpu.memory_space<vmem>>
    %dma_start3A_106 = tpu.memref_squeeze %dma_start3A_105 : memref<1x1x128xi32, #tpu.memory_space<vmem>> -> memref<128xi32, #tpu.memory_space<vmem>>
    %dma_start3A_107 = arith.constant 0 : i32
    %dma_start3A_108 = arith.constant 0 : i32
    %dma_start3A_109 = tpu.memref_slice %arg2[%arg0, %dma_start3A_107, %dma_start3A_108] : memref<2x100096x16xf32, #tpu.memory_space<hbm>> -> memref<1x100096x16xf32, #tpu.memory_space<hbm>>
    %dma_start3A_110 = tpu.memref_squeeze %dma_start3A_109 : memref<1x100096x16xf32, #tpu.memory_space<hbm>> -> memref<100096x16xf32, #tpu.memory_space<hbm>>
    %dma_start3A_111 = arith.constant 0 : i32
    %dma_start3A_112 = arith.constant 0 : i32
    %dma_start3A_113 = tpu.memref_slice %dma_start3A_110[%dma_start3A_111, %dma_start3A_112] : memref<100096x16xf32, #tpu.memory_space<hbm>> -> memref<100096x16xf32, #tpu.memory_space<hbm>>
    tpu.enqueue_indirect_dma source(%dma_start3A_113 : memref<100096x16xf32, #tpu.memory_space<hbm>>) target(%dma_start3A_103 : memref<128x16xf32, #tpu.memory_space<vmem>>) offsets(%dma_start3A_106 : memref<128xi32, #tpu.memory_space<vmem>>) semaphore(%arg10 : memref<!tpu.dma_semaphore, #tpu.memory_space<semaphore_mem>>)
    %dma_start3A_114 = arith.constant 0 : i32
    %dma_start3A_115 = arith.constant 3 : i32
    %dma_start3A_116 = arith.constant 0 : i32
    %dma_start3A_117 = arith.constant 3 : i32
    %dma_start3A_118 = arith.constant 0 : i32
    %dma_start3A_119 = arith.constant 0 : i32
    %dma_start3A_120 = tpu.memref_slice %arg8[%dma_start3A_116, %dma_start3A_117, %dma_start3A_118, %dma_start3A_119] : memref<3x4x128x16xf32, #tpu.memory_space<vmem>> -> memref<1x1x128x16xf32, #tpu.memory_space<vmem>>
    %dma_start3A_121 = tpu.memref_squeeze %dma_start3A_120 : memref<1x1x128x16xf32, #tpu.memory_space<vmem>> -> memref<128x16xf32, #tpu.memory_space<vmem>>
    %dma_start3A_122 = arith.constant 0 : i32
    %dma_start3A_123 = tpu.memref_slice %arg6[%dma_start3A_114, %dma_start3A_115, %dma_start3A_122] : memref<3x4x128xi32, #tpu.memory_space<vmem>> -> memref<1x1x128xi32, #tpu.memory_space<vmem>>
    %dma_start3A_124 = tpu.memref_squeeze %dma_start3A_123 : memref<1x1x128xi32, #tpu.memory_space<vmem>> -> memref<128xi32, #tpu.memory_space<vmem>>
    %dma_start3A_125 = arith.constant 0 : i32
    %dma_start3A_126 = arith.constant 0 : i32
    %dma_start3A_127 = tpu.memref_slice %arg2[%arg0, %dma_start3A_125, %dma_start3A_126] : memref<2x100096x16xf32, #tpu.memory_space<hbm>> -> memref<1x100096x16xf32, #tpu.memory_space<hbm>>
    %dma_start3A_128 = tpu.memref_squeeze %dma_start3A_127 : memref<1x100096x16xf32, #tpu.memory_space<hbm>> -> memref<100096x16xf32, #tpu.memory_space<hbm>>
    %dma_start3A_129 = arith.constant 0 : i32
    %dma_start3A_130 = arith.constant 0 : i32
    %dma_start3A_131 = tpu.memref_slice %dma_start3A_128[%dma_start3A_129, %dma_start3A_130] : memref<100096x16xf32, #tpu.memory_space<hbm>> -> memref<100096x16xf32, #tpu.memory_space<hbm>>
    tpu.enqueue_indirect_dma source(%dma_start3A_131 : memref<100096x16xf32, #tpu.memory_space<hbm>>) target(%dma_start3A_121 : memref<128x16xf32, #tpu.memory_space<vmem>>) offsets(%dma_start3A_124 : memref<128xi32, #tpu.memory_space<vmem>>) semaphore(%arg10 : memref<!tpu.dma_semaphore, #tpu.memory_space<semaphore_mem>>)
    %add3A_132 = arith.constant 4 : i32
    %add3A_133 = arith.addi %mul3A_4, %add3A_132 : i32
    %dma_start3A_134 = arith.constant 1 : i32
    %dma_start3A_135 = arith.constant 0 : i32
    %dma_start3A_136 = arith.constant 0 : i32
    %dma_start3A_137 = tpu.memref_slice %arg6[%dma_start3A_134, %dma_start3A_135, %dma_start3A_136] : memref<3x4x128xi32, #tpu.memory_space<vmem>> -> memref<1x4x128xi32, #tpu.memory_space<vmem>>
    %dma_start3A_138 = tpu.memref_squeeze %dma_start3A_137 : memref<1x4x128xi32, #tpu.memory_space<vmem>> -> memref<4x128xi32, #tpu.memory_space<vmem>>
    %dma_start3A_139 = arith.constant 0 : i32
    %dma_start3A_140 = tpu.memref_slice %arg3[%add3A_133, %dma_start3A_139] : memref<12548x128xi32, #tpu.memory_space<hbm>> -> memref<4x128xi32, #tpu.memory_space<hbm>>
    %dma_start3A_141 = arith.constant 0 : i32
    %dma_start3A_142 = arith.constant 0 : i32
    %dma_start3A_143 = tpu.memref_slice %arg6[%dma_start3A_134, %dma_start3A_141, %dma_start3A_142] : memref<3x4x128xi32, #tpu.memory_space<vmem>> -> memref<1x4x128xi32, #tpu.memory_space<vmem>>
    %dma_start3A_144 = tpu.memref_squeeze %dma_start3A_143 : memref<1x4x128xi32, #tpu.memory_space<vmem>> -> memref<4x128xi32, #tpu.memory_space<vmem>>
    %dma_start3A_145 = arith.constant 0 : i32
    %dma_start3A_146 = tpu.memref_slice %arg3[%add3A_133, %dma_start3A_145] : memref<12548x128xi32, #tpu.memory_space<hbm>> -> memref<4x128xi32, #tpu.memory_space<hbm>>
    tpu.enqueue_dma source(%dma_start3A_146 : memref<4x128xi32, #tpu.memory_space<hbm>>) target(%dma_start3A_144 : memref<4x128xi32, #tpu.memory_space<vmem>>) target_semaphore(%arg12 : memref<!tpu.dma_semaphore, #tpu.memory_space<semaphore_mem>>)
    %dma_start3A_147 = arith.constant 1 : i32
    %dma_start3A_148 = arith.constant 0 : i32
    %dma_start3A_149 = arith.constant 0 : i32
    %dma_start3A_150 = tpu.memref_slice %arg7[%dma_start3A_147, %dma_start3A_148, %dma_start3A_149] : memref<3x4x128xi32, #tpu.memory_space<vmem>> -> memref<1x4x128xi32, #tpu.memory_space<vmem>>
    %dma_start3A_151 = tpu.memref_squeeze %dma_start3A_150 : memref<1x4x128xi32, #tpu.memory_space<vmem>> -> memref<4x128xi32, #tpu.memory_space<vmem>>
    %dma_start3A_152 = arith.constant 0 : i32
    %dma_start3A_153 = tpu.memref_slice %arg4[%add3A_133, %dma_start3A_152] : memref<12548x128xi32, #tpu.memory_space<hbm>> -> memref<4x128xi32, #tpu.memory_space<hbm>>
    %dma_start3A_154 = arith.constant 0 : i32
    %dma_start3A_155 = arith.constant 0 : i32
    %dma_start3A_156 = tpu.memref_slice %arg7[%dma_start3A_147, %dma_start3A_154, %dma_start3A_155] : memref<3x4x128xi32, #tpu.memory_space<vmem>> -> memref<1x4x128xi32, #tpu.memory_space<vmem>>
    %dma_start3A_157 = tpu.memref_squeeze %dma_start3A_156 : memref<1x4x128xi32, #tpu.memory_space<vmem>> -> memref<4x128xi32, #tpu.memory_space<vmem>>
    %dma_start3A_158 = arith.constant 0 : i32
    %dma_start3A_159 = tpu.memref_slice %arg4[%add3A_133, %dma_start3A_158] : memref<12548x128xi32, #tpu.memory_space<hbm>> -> memref<4x128xi32, #tpu.memory_space<hbm>>
    tpu.enqueue_dma source(%dma_start3A_159 : memref<4x128xi32, #tpu.memory_space<hbm>>) target(%dma_start3A_157 : memref<4x128xi32, #tpu.memory_space<vmem>>) target_semaphore(%arg12 : memref<!tpu.dma_semaphore, #tpu.memory_space<semaphore_mem>>)
    %scan3A = arith.constant 0 : i32
    %scan3A_160 = arith.constant 0 : i32
    %scan3A_161 = arith.constant 195 : i32
    %scan3A_162 = arith.addi %scan3A_160, %scan3A_161 : i32
    %scan3A_163 = arith.constant 1 : i32
    scf.for %scan3A_594 = %scan3A_160 to %scan3A_162 step %scan3A_163  : i32 {
      %rem3A_595 = arith.constant 3 : i32
      %rem3A_596 = arith.remsi %scan3A_594, %rem3A_595 : i32
      %add3A_597 = arith.constant 1 : i32
      %add3A_598 = arith.addi %scan3A_594, %add3A_597 : i32
      %rem3A_599 = arith.constant 3 : i32
      %rem3A_600 = arith.remsi %add3A_598, %rem3A_599 : i32
      %add3A_601 = arith.constant 2 : i32
      %add3A_602 = arith.addi %scan3A_594, %add3A_601 : i32
      %rem3A_603 = arith.constant 3 : i32
      %rem3A_604 = arith.remsi %add3A_602, %rem3A_603 : i32
      %sub3A = arith.constant 2 : i32
      %sub3A_605 = arith.subi %scan3A_594, %sub3A : i32
      %add3A_606 = arith.constant 3 : i32
      %add3A_607 = arith.addi %sub3A_605, %add3A_606 : i32
      %rem3A_608 = arith.constant 3 : i32
      %rem3A_609 = arith.remsi %add3A_607, %rem3A_608 : i32
      %ge3A = arith.constant 2 : i32
      %ge3A_610 = arith.cmpi sge, %scan3A_594, %ge3A : i32
      %convert_element_type3A = arith.extui %ge3A_610 : i1 to i32
      %cond3A = arith.constant 0 : i32
      %cond3A_611 = arith.cmpi ne, %convert_element_type3A, %cond3A : i32
      scf.if %cond3A_611 {
        %dma_wait3A_850 = arith.constant 0 : i32
        %dma_wait3A_851 = arith.constant 0 : i32
        %dma_wait3A_852 = arith.constant 0 : i32
        %dma_wait3A_853 = tpu.memref_slice %arg8[%rem3A_609, %dma_wait3A_850, %dma_wait3A_851, %dma_wait3A_852] : memref<3x4x128x16xf32, #tpu.memory_space<vmem>> -> memref<1x1x128x16xf32, #tpu.memory_space<vmem>>
        %dma_wait3A_854 = tpu.memref_squeeze %dma_wait3A_853 : memref<1x1x128x16xf32, #tpu.memory_space<vmem>> -> memref<128x16xf32, #tpu.memory_space<vmem>>
        %dma_wait3A_855 = arith.constant 0 : i32
        %dma_wait3A_856 = arith.constant 0 : i32
        %dma_wait3A_857 = tpu.memref_slice %arg2[%arg0, %dma_wait3A_855, %dma_wait3A_856] : memref<2x100096x16xf32, #tpu.memory_space<hbm>> -> memref<1x100096x16xf32, #tpu.memory_space<hbm>>
        %dma_wait3A_858 = tpu.memref_squeeze %dma_wait3A_857 : memref<1x100096x16xf32, #tpu.memory_space<hbm>> -> memref<100096x16xf32, #tpu.memory_space<hbm>>
        %dma_wait3A_859 = arith.constant 0 : i32
        %dma_wait3A_860 = arith.constant 0 : i32
        %dma_wait3A_861 = tpu.memref_slice %dma_wait3A_858[%dma_wait3A_859, %dma_wait3A_860] : memref<100096x16xf32, #tpu.memory_space<hbm>> -> memref<128x16xf32, #tpu.memory_space<hbm>>
        %dma_wait3A_862 = arith.constant 0 : i32
        %dma_wait3A_863 = arith.constant 0 : i32
        %dma_wait3A_864 = tpu.memref_slice %arg8[%rem3A_609, %dma_wait3A_850, %dma_wait3A_862, %dma_wait3A_863] : memref<3x4x128x16xf32, #tpu.memory_space<vmem>> -> memref<1x1x128x16xf32, #tpu.memory_space<vmem>>
        %dma_wait3A_865 = tpu.memref_squeeze %dma_wait3A_864 : memref<1x1x128x16xf32, #tpu.memory_space<vmem>> -> memref<128x16xf32, #tpu.memory_space<vmem>>
        %dma_wait3A_866 = arith.constant 0 : i32
        %dma_wait3A_867 = arith.constant 0 : i32
        %dma_wait3A_868 = tpu.memref_slice %arg2[%arg0, %dma_wait3A_866, %dma_wait3A_867] : memref<2x100096x16xf32, #tpu.memory_space<hbm>> -> memref<1x100096x16xf32, #tpu.memory_space<hbm>>
        %dma_wait3A_869 = tpu.memref_squeeze %dma_wait3A_868 : memref<1x100096x16xf32, #tpu.memory_space<hbm>> -> memref<100096x16xf32, #tpu.memory_space<hbm>>
        %dma_wait3A_870 = arith.constant 0 : i32
        %dma_wait3A_871 = arith.constant 0 : i32
        %dma_wait3A_872 = tpu.memref_slice %dma_wait3A_869[%dma_wait3A_870, %dma_wait3A_871] : memref<100096x16xf32, #tpu.memory_space<hbm>> -> memref<128x16xf32, #tpu.memory_space<hbm>>
        tpu.wait_dma2 semaphore(%arg11 : memref<!tpu.dma_semaphore, #tpu.memory_space<semaphore_mem>>) src(%dma_wait3A_872 : memref<128x16xf32, #tpu.memory_space<hbm>>) dst(%dma_wait3A_865 : memref<128x16xf32, #tpu.memory_space<vmem>>)
        %dma_wait3A_873 = arith.constant 1 : i32
        %dma_wait3A_874 = arith.constant 0 : i32
        %dma_wait3A_875 = arith.constant 0 : i32
        %dma_wait3A_876 = tpu.memref_slice %arg8[%rem3A_609, %dma_wait3A_873, %dma_wait3A_874, %dma_wait3A_875] : memref<3x4x128x16xf32, #tpu.memory_space<vmem>> -> memref<1x1x128x16xf32, #tpu.memory_space<vmem>>
        %dma_wait3A_877 = tpu.memref_squeeze %dma_wait3A_876 : memref<1x1x128x16xf32, #tpu.memory_space<vmem>> -> memref<128x16xf32, #tpu.memory_space<vmem>>
        %dma_wait3A_878 = arith.constant 0 : i32
        %dma_wait3A_879 = arith.constant 0 : i32
        %dma_wait3A_880 = tpu.memref_slice %arg2[%arg0, %dma_wait3A_878, %dma_wait3A_879] : memref<2x100096x16xf32, #tpu.memory_space<hbm>> -> memref<1x100096x16xf32, #tpu.memory_space<hbm>>
        %dma_wait3A_881 = tpu.memref_squeeze %dma_wait3A_880 : memref<1x100096x16xf32, #tpu.memory_space<hbm>> -> memref<100096x16xf32, #tpu.memory_space<hbm>>
        %dma_wait3A_882 = arith.constant 0 : i32
        %dma_wait3A_883 = arith.constant 0 : i32
        %dma_wait3A_884 = tpu.memref_slice %dma_wait3A_881[%dma_wait3A_882, %dma_wait3A_883] : memref<100096x16xf32, #tpu.memory_space<hbm>> -> memref<128x16xf32, #tpu.memory_space<hbm>>
        %dma_wait3A_885 = arith.constant 0 : i32
        %dma_wait3A_886 = arith.constant 0 : i32
        %dma_wait3A_887 = tpu.memref_slice %arg8[%rem3A_609, %dma_wait3A_873, %dma_wait3A_885, %dma_wait3A_886] : memref<3x4x128x16xf32, #tpu.memory_space<vmem>> -> memref<1x1x128x16xf32, #tpu.memory_space<vmem>>
        %dma_wait3A_888 = tpu.memref_squeeze %dma_wait3A_887 : memref<1x1x128x16xf32, #tpu.memory_space<vmem>> -> memref<128x16xf32, #tpu.memory_space<vmem>>
        %dma_wait3A_889 = arith.constant 0 : i32
        %dma_wait3A_890 = arith.constant 0 : i32
        %dma_wait3A_891 = tpu.memref_slice %arg2[%arg0, %dma_wait3A_889, %dma_wait3A_890] : memref<2x100096x16xf32, #tpu.memory_space<hbm>> -> memref<1x100096x16xf32, #tpu.memory_space<hbm>>
        %dma_wait3A_892 = tpu.memref_squeeze %dma_wait3A_891 : memref<1x100096x16xf32, #tpu.memory_space<hbm>> -> memref<100096x16xf32, #tpu.memory_space<hbm>>
        %dma_wait3A_893 = arith.constant 0 : i32
        %dma_wait3A_894 = arith.constant 0 : i32
        %dma_wait3A_895 = tpu.memref_slice %dma_wait3A_892[%dma_wait3A_893, %dma_wait3A_894] : memref<100096x16xf32, #tpu.memory_space<hbm>> -> memref<128x16xf32, #tpu.memory_space<hbm>>
        tpu.wait_dma2 semaphore(%arg11 : memref<!tpu.dma_semaphore, #tpu.memory_space<semaphore_mem>>) src(%dma_wait3A_895 : memref<128x16xf32, #tpu.memory_space<hbm>>) dst(%dma_wait3A_888 : memref<128x16xf32, #tpu.memory_space<vmem>>)
        %dma_wait3A_896 = arith.constant 2 : i32
        %dma_wait3A_897 = arith.constant 0 : i32
        %dma_wait3A_898 = arith.constant 0 : i32
        %dma_wait3A_899 = tpu.memref_slice %arg8[%rem3A_609, %dma_wait3A_896, %dma_wait3A_897, %dma_wait3A_898] : memref<3x4x128x16xf32, #tpu.memory_space<vmem>> -> memref<1x1x128x16xf32, #tpu.memory_space<vmem>>
        %dma_wait3A_900 = tpu.memref_squeeze %dma_wait3A_899 : memref<1x1x128x16xf32, #tpu.memory_space<vmem>> -> memref<128x16xf32, #tpu.memory_space<vmem>>
        %dma_wait3A_901 = arith.constant 0 : i32
        %dma_wait3A_902 = arith.constant 0 : i32
        %dma_wait3A_903 = tpu.memref_slice %arg2[%arg0, %dma_wait3A_901, %dma_wait3A_902] : memref<2x100096x16xf32, #tpu.memory_space<hbm>> -> memref<1x100096x16xf32, #tpu.memory_space<hbm>>
        %dma_wait3A_904 = tpu.memref_squeeze %dma_wait3A_903 : memref<1x100096x16xf32, #tpu.memory_space<hbm>> -> memref<100096x16xf32, #tpu.memory_space<hbm>>
        %dma_wait3A_905 = arith.constant 0 : i32
        %dma_wait3A_906 = arith.constant 0 : i32
        %dma_wait3A_907 = tpu.memref_slice %dma_wait3A_904[%dma_wait3A_905, %dma_wait3A_906] : memref<100096x16xf32, #tpu.memory_space<hbm>> -> memref<128x16xf32, #tpu.memory_space<hbm>>
        %dma_wait3A_908 = arith.constant 0 : i32
        %dma_wait3A_909 = arith.constant 0 : i32
        %dma_wait3A_910 = tpu.memref_slice %arg8[%rem3A_609, %dma_wait3A_896, %dma_wait3A_908, %dma_wait3A_909] : memref<3x4x128x16xf32, #tpu.memory_space<vmem>> -> memref<1x1x128x16xf32, #tpu.memory_space<vmem>>
        %dma_wait3A_911 = tpu.memref_squeeze %dma_wait3A_910 : memref<1x1x128x16xf32, #tpu.memory_space<vmem>> -> memref<128x16xf32, #tpu.memory_space<vmem>>
        %dma_wait3A_912 = arith.constant 0 : i32
        %dma_wait3A_913 = arith.constant 0 : i32
        %dma_wait3A_914 = tpu.memref_slice %arg2[%arg0, %dma_wait3A_912, %dma_wait3A_913] : memref<2x100096x16xf32, #tpu.memory_space<hbm>> -> memref<1x100096x16xf32, #tpu.memory_space<hbm>>
        %dma_wait3A_915 = tpu.memref_squeeze %dma_wait3A_914 : memref<1x100096x16xf32, #tpu.memory_space<hbm>> -> memref<100096x16xf32, #tpu.memory_space<hbm>>
        %dma_wait3A_916 = arith.constant 0 : i32
        %dma_wait3A_917 = arith.constant 0 : i32
        %dma_wait3A_918 = tpu.memref_slice %dma_wait3A_915[%dma_wait3A_916, %dma_wait3A_917] : memref<100096x16xf32, #tpu.memory_space<hbm>> -> memref<128x16xf32, #tpu.memory_space<hbm>>
        tpu.wait_dma2 semaphore(%arg11 : memref<!tpu.dma_semaphore, #tpu.memory_space<semaphore_mem>>) src(%dma_wait3A_918 : memref<128x16xf32, #tpu.memory_space<hbm>>) dst(%dma_wait3A_911 : memref<128x16xf32, #tpu.memory_space<vmem>>)
        %dma_wait3A_919 = arith.constant 3 : i32
        %dma_wait3A_920 = arith.constant 0 : i32
        %dma_wait3A_921 = arith.constant 0 : i32
        %dma_wait3A_922 = tpu.memref_slice %arg8[%rem3A_609, %dma_wait3A_919, %dma_wait3A_920, %dma_wait3A_921] : memref<3x4x128x16xf32, #tpu.memory_space<vmem>> -> memref<1x1x128x16xf32, #tpu.memory_space<vmem>>
        %dma_wait3A_923 = tpu.memref_squeeze %dma_wait3A_922 : memref<1x1x128x16xf32, #tpu.memory_space<vmem>> -> memref<128x16xf32, #tpu.memory_space<vmem>>
        %dma_wait3A_924 = arith.constant 0 : i32
        %dma_wait3A_925 = arith.constant 0 : i32
        %dma_wait3A_926 = tpu.memref_slice %arg2[%arg0, %dma_wait3A_924, %dma_wait3A_925] : memref<2x100096x16xf32, #tpu.memory_space<hbm>> -> memref<1x100096x16xf32, #tpu.memory_space<hbm>>
        %dma_wait3A_927 = tpu.memref_squeeze %dma_wait3A_926 : memref<1x100096x16xf32, #tpu.memory_space<hbm>> -> memref<100096x16xf32, #tpu.memory_space<hbm>>
        %dma_wait3A_928 = arith.constant 0 : i32
        %dma_wait3A_929 = arith.constant 0 : i32
        %dma_wait3A_930 = tpu.memref_slice %dma_wait3A_927[%dma_wait3A_928, %dma_wait3A_929] : memref<100096x16xf32, #tpu.memory_space<hbm>> -> memref<128x16xf32, #tpu.memory_space<hbm>>
        %dma_wait3A_931 = arith.constant 0 : i32
        %dma_wait3A_932 = arith.constant 0 : i32
        %dma_wait3A_933 = tpu.memref_slice %arg8[%rem3A_609, %dma_wait3A_919, %dma_wait3A_931, %dma_wait3A_932] : memref<3x4x128x16xf32, #tpu.memory_space<vmem>> -> memref<1x1x128x16xf32, #tpu.memory_space<vmem>>
        %dma_wait3A_934 = tpu.memref_squeeze %dma_wait3A_933 : memref<1x1x128x16xf32, #tpu.memory_space<vmem>> -> memref<128x16xf32, #tpu.memory_space<vmem>>
        %dma_wait3A_935 = arith.constant 0 : i32
        %dma_wait3A_936 = arith.constant 0 : i32
        %dma_wait3A_937 = tpu.memref_slice %arg2[%arg0, %dma_wait3A_935, %dma_wait3A_936] : memref<2x100096x16xf32, #tpu.memory_space<hbm>> -> memref<1x100096x16xf32, #tpu.memory_space<hbm>>
        %dma_wait3A_938 = tpu.memref_squeeze %dma_wait3A_937 : memref<1x100096x16xf32, #tpu.memory_space<hbm>> -> memref<100096x16xf32, #tpu.memory_space<hbm>>
        %dma_wait3A_939 = arith.constant 0 : i32
        %dma_wait3A_940 = arith.constant 0 : i32
        %dma_wait3A_941 = tpu.memref_slice %dma_wait3A_938[%dma_wait3A_939, %dma_wait3A_940] : memref<100096x16xf32, #tpu.memory_space<hbm>> -> memref<128x16xf32, #tpu.memory_space<hbm>>
        tpu.wait_dma2 semaphore(%arg11 : memref<!tpu.dma_semaphore, #tpu.memory_space<semaphore_mem>>) src(%dma_wait3A_941 : memref<128x16xf32, #tpu.memory_space<hbm>>) dst(%dma_wait3A_934 : memref<128x16xf32, #tpu.memory_space<vmem>>)
      } else {
      }
      %dma_wait3A_612 = arith.constant 0 : i32
      %dma_wait3A_613 = arith.constant 0 : i32
      %dma_wait3A_614 = arith.constant 0 : i32
      %dma_wait3A_615 = tpu.memref_slice %arg8[%rem3A_596, %dma_wait3A_612, %dma_wait3A_613, %dma_wait3A_614] : memref<3x4x128x16xf32, #tpu.memory_space<vmem>> -> memref<1x1x128x16xf32, #tpu.memory_space<vmem>>
      %dma_wait3A_616 = tpu.memref_squeeze %dma_wait3A_615 : memref<1x1x128x16xf32, #tpu.memory_space<vmem>> -> memref<128x16xf32, #tpu.memory_space<vmem>>
      %dma_wait3A_617 = arith.constant 0 : i32
      %dma_wait3A_618 = arith.constant 0 : i32
      %dma_wait3A_619 = tpu.memref_slice %arg2[%arg0, %dma_wait3A_617, %dma_wait3A_618] : memref<2x100096x16xf32, #tpu.memory_space<hbm>> -> memref<1x100096x16xf32, #tpu.memory_space<hbm>>
      %dma_wait3A_620 = tpu.memref_squeeze %dma_wait3A_619 : memref<1x100096x16xf32, #tpu.memory_space<hbm>> -> memref<100096x16xf32, #tpu.memory_space<hbm>>
      %dma_wait3A_621 = arith.constant 0 : i32
      %dma_wait3A_622 = arith.constant 0 : i32
      %dma_wait3A_623 = tpu.memref_slice %dma_wait3A_620[%dma_wait3A_621, %dma_wait3A_622] : memref<100096x16xf32, #tpu.memory_space<hbm>> -> memref<128x16xf32, #tpu.memory_space<hbm>>
      %dma_wait3A_624 = arith.constant 0 : i32
      %dma_wait3A_625 = arith.constant 0 : i32
      %dma_wait3A_626 = tpu.memref_slice %arg8[%rem3A_596, %dma_wait3A_612, %dma_wait3A_624, %dma_wait3A_625] : memref<3x4x128x16xf32, #tpu.memory_space<vmem>> -> memref<1x1x128x16xf32, #tpu.memory_space<vmem>>
      %dma_wait3A_627 = tpu.memref_squeeze %dma_wait3A_626 : memref<1x1x128x16xf32, #tpu.memory_space<vmem>> -> memref<128x16xf32, #tpu.memory_space<vmem>>
      %dma_wait3A_628 = arith.constant 0 : i32
      %dma_wait3A_629 = arith.constant 0 : i32
      %dma_wait3A_630 = tpu.memref_slice %arg2[%arg0, %dma_wait3A_628, %dma_wait3A_629] : memref<2x100096x16xf32, #tpu.memory_space<hbm>> -> memref<1x100096x16xf32, #tpu.memory_space<hbm>>
      %dma_wait3A_631 = tpu.memref_squeeze %dma_wait3A_630 : memref<1x100096x16xf32, #tpu.memory_space<hbm>> -> memref<100096x16xf32, #tpu.memory_space<hbm>>
      %dma_wait3A_632 = arith.constant 0 : i32
      %dma_wait3A_633 = arith.constant 0 : i32
      %dma_wait3A_634 = tpu.memref_slice %dma_wait3A_631[%dma_wait3A_632, %dma_wait3A_633] : memref<100096x16xf32, #tpu.memory_space<hbm>> -> memref<128x16xf32, #tpu.memory_space<hbm>>
      tpu.wait_dma2 semaphore(%arg10 : memref<!tpu.dma_semaphore, #tpu.memory_space<semaphore_mem>>) src(%dma_wait3A_634 : memref<128x16xf32, #tpu.memory_space<hbm>>) dst(%dma_wait3A_627 : memref<128x16xf32, #tpu.memory_space<vmem>>)
      %dma_wait3A_635 = arith.constant 1 : i32
      %dma_wait3A_636 = arith.constant 0 : i32
      %dma_wait3A_637 = arith.constant 0 : i32
      %dma_wait3A_638 = tpu.memref_slice %arg8[%rem3A_596, %dma_wait3A_635, %dma_wait3A_636, %dma_wait3A_637] : memref<3x4x128x16xf32, #tpu.memory_space<vmem>> -> memref<1x1x128x16xf32, #tpu.memory_space<vmem>>
      %dma_wait3A_639 = tpu.memref_squeeze %dma_wait3A_638 : memref<1x1x128x16xf32, #tpu.memory_space<vmem>> -> memref<128x16xf32, #tpu.memory_space<vmem>>
      %dma_wait3A_640 = arith.constant 0 : i32
      %dma_wait3A_641 = arith.constant 0 : i32
      %dma_wait3A_642 = tpu.memref_slice %arg2[%arg0, %dma_wait3A_640, %dma_wait3A_641] : memref<2x100096x16xf32, #tpu.memory_space<hbm>> -> memref<1x100096x16xf32, #tpu.memory_space<hbm>>
      %dma_wait3A_643 = tpu.memref_squeeze %dma_wait3A_642 : memref<1x100096x16xf32, #tpu.memory_space<hbm>> -> memref<100096x16xf32, #tpu.memory_space<hbm>>
      %dma_wait3A_644 = arith.constant 0 : i32
      %dma_wait3A_645 = arith.constant 0 : i32
      %dma_wait3A_646 = tpu.memref_slice %dma_wait3A_643[%dma_wait3A_644, %dma_wait3A_645] : memref<100096x16xf32, #tpu.memory_space<hbm>> -> memref<128x16xf32, #tpu.memory_space<hbm>>
      %dma_wait3A_647 = arith.constant 0 : i32
      %dma_wait3A_648 = arith.constant 0 : i32
      %dma_wait3A_649 = tpu.memref_slice %arg8[%rem3A_596, %dma_wait3A_635, %dma_wait3A_647, %dma_wait3A_648] : memref<3x4x128x16xf32, #tpu.memory_space<vmem>> -> memref<1x1x128x16xf32, #tpu.memory_space<vmem>>
      %dma_wait3A_650 = tpu.memref_squeeze %dma_wait3A_649 : memref<1x1x128x16xf32, #tpu.memory_space<vmem>> -> memref<128x16xf32, #tpu.memory_space<vmem>>
      %dma_wait3A_651 = arith.constant 0 : i32
      %dma_wait3A_652 = arith.constant 0 : i32
      %dma_wait3A_653 = tpu.memref_slice %arg2[%arg0, %dma_wait3A_651, %dma_wait3A_652] : memref<2x100096x16xf32, #tpu.memory_space<hbm>> -> memref<1x100096x16xf32, #tpu.memory_space<hbm>>
      %dma_wait3A_654 = tpu.memref_squeeze %dma_wait3A_653 : memref<1x100096x16xf32, #tpu.memory_space<hbm>> -> memref<100096x16xf32, #tpu.memory_space<hbm>>
      %dma_wait3A_655 = arith.constant 0 : i32
      %dma_wait3A_656 = arith.constant 0 : i32
      %dma_wait3A_657 = tpu.memref_slice %dma_wait3A_654[%dma_wait3A_655, %dma_wait3A_656] : memref<100096x16xf32, #tpu.memory_space<hbm>> -> memref<128x16xf32, #tpu.memory_space<hbm>>
      tpu.wait_dma2 semaphore(%arg10 : memref<!tpu.dma_semaphore, #tpu.memory_space<semaphore_mem>>) src(%dma_wait3A_657 : memref<128x16xf32, #tpu.memory_space<hbm>>) dst(%dma_wait3A_650 : memref<128x16xf32, #tpu.memory_space<vmem>>)
      %dma_wait3A_658 = arith.constant 2 : i32
      %dma_wait3A_659 = arith.constant 0 : i32
      %dma_wait3A_660 = arith.constant 0 : i32
      %dma_wait3A_661 = tpu.memref_slice %arg8[%rem3A_596, %dma_wait3A_658, %dma_wait3A_659, %dma_wait3A_660] : memref<3x4x128x16xf32, #tpu.memory_space<vmem>> -> memref<1x1x128x16xf32, #tpu.memory_space<vmem>>
      %dma_wait3A_662 = tpu.memref_squeeze %dma_wait3A_661 : memref<1x1x128x16xf32, #tpu.memory_space<vmem>> -> memref<128x16xf32, #tpu.memory_space<vmem>>
      %dma_wait3A_663 = arith.constant 0 : i32
      %dma_wait3A_664 = arith.constant 0 : i32
      %dma_wait3A_665 = tpu.memref_slice %arg2[%arg0, %dma_wait3A_663, %dma_wait3A_664] : memref<2x100096x16xf32, #tpu.memory_space<hbm>> -> memref<1x100096x16xf32, #tpu.memory_space<hbm>>
      %dma_wait3A_666 = tpu.memref_squeeze %dma_wait3A_665 : memref<1x100096x16xf32, #tpu.memory_space<hbm>> -> memref<100096x16xf32, #tpu.memory_space<hbm>>
      %dma_wait3A_667 = arith.constant 0 : i32
      %dma_wait3A_668 = arith.constant 0 : i32
      %dma_wait3A_669 = tpu.memref_slice %dma_wait3A_666[%dma_wait3A_667, %dma_wait3A_668] : memref<100096x16xf32, #tpu.memory_space<hbm>> -> memref<128x16xf32, #tpu.memory_space<hbm>>
      %dma_wait3A_670 = arith.constant 0 : i32
      %dma_wait3A_671 = arith.constant 0 : i32
      %dma_wait3A_672 = tpu.memref_slice %arg8[%rem3A_596, %dma_wait3A_658, %dma_wait3A_670, %dma_wait3A_671] : memref<3x4x128x16xf32, #tpu.memory_space<vmem>> -> memref<1x1x128x16xf32, #tpu.memory_space<vmem>>
      %dma_wait3A_673 = tpu.memref_squeeze %dma_wait3A_672 : memref<1x1x128x16xf32, #tpu.memory_space<vmem>> -> memref<128x16xf32, #tpu.memory_space<vmem>>
      %dma_wait3A_674 = arith.constant 0 : i32
      %dma_wait3A_675 = arith.constant 0 : i32
      %dma_wait3A_676 = tpu.memref_slice %arg2[%arg0, %dma_wait3A_674, %dma_wait3A_675] : memref<2x100096x16xf32, #tpu.memory_space<hbm>> -> memref<1x100096x16xf32, #tpu.memory_space<hbm>>
      %dma_wait3A_677 = tpu.memref_squeeze %dma_wait3A_676 : memref<1x100096x16xf32, #tpu.memory_space<hbm>> -> memref<100096x16xf32, #tpu.memory_space<hbm>>
      %dma_wait3A_678 = arith.constant 0 : i32
      %dma_wait3A_679 = arith.constant 0 : i32
      %dma_wait3A_680 = tpu.memref_slice %dma_wait3A_677[%dma_wait3A_678, %dma_wait3A_679] : memref<100096x16xf32, #tpu.memory_space<hbm>> -> memref<128x16xf32, #tpu.memory_space<hbm>>
      tpu.wait_dma2 semaphore(%arg10 : memref<!tpu.dma_semaphore, #tpu.memory_space<semaphore_mem>>) src(%dma_wait3A_680 : memref<128x16xf32, #tpu.memory_space<hbm>>) dst(%dma_wait3A_673 : memref<128x16xf32, #tpu.memory_space<vmem>>)
      %dma_wait3A_681 = arith.constant 3 : i32
      %dma_wait3A_682 = arith.constant 0 : i32
      %dma_wait3A_683 = arith.constant 0 : i32
      %dma_wait3A_684 = tpu.memref_slice %arg8[%rem3A_596, %dma_wait3A_681, %dma_wait3A_682, %dma_wait3A_683] : memref<3x4x128x16xf32, #tpu.memory_space<vmem>> -> memref<1x1x128x16xf32, #tpu.memory_space<vmem>>
      %dma_wait3A_685 = tpu.memref_squeeze %dma_wait3A_684 : memref<1x1x128x16xf32, #tpu.memory_space<vmem>> -> memref<128x16xf32, #tpu.memory_space<vmem>>
      %dma_wait3A_686 = arith.constant 0 : i32
      %dma_wait3A_687 = arith.constant 0 : i32
      %dma_wait3A_688 = tpu.memref_slice %arg2[%arg0, %dma_wait3A_686, %dma_wait3A_687] : memref<2x100096x16xf32, #tpu.memory_space<hbm>> -> memref<1x100096x16xf32, #tpu.memory_space<hbm>>
      %dma_wait3A_689 = tpu.memref_squeeze %dma_wait3A_688 : memref<1x100096x16xf32, #tpu.memory_space<hbm>> -> memref<100096x16xf32, #tpu.memory_space<hbm>>
      %dma_wait3A_690 = arith.constant 0 : i32
      %dma_wait3A_691 = arith.constant 0 : i32
      %dma_wait3A_692 = tpu.memref_slice %dma_wait3A_689[%dma_wait3A_690, %dma_wait3A_691] : memref<100096x16xf32, #tpu.memory_space<hbm>> -> memref<128x16xf32, #tpu.memory_space<hbm>>
      %dma_wait3A_693 = arith.constant 0 : i32
      %dma_wait3A_694 = arith.constant 0 : i32
      %dma_wait3A_695 = tpu.memref_slice %arg8[%rem3A_596, %dma_wait3A_681, %dma_wait3A_693, %dma_wait3A_694] : memref<3x4x128x16xf32, #tpu.memory_space<vmem>> -> memref<1x1x128x16xf32, #tpu.memory_space<vmem>>
      %dma_wait3A_696 = tpu.memref_squeeze %dma_wait3A_695 : memref<1x1x128x16xf32, #tpu.memory_space<vmem>> -> memref<128x16xf32, #tpu.memory_space<vmem>>
      %dma_wait3A_697 = arith.constant 0 : i32
      %dma_wait3A_698 = arith.constant 0 : i32
      %dma_wait3A_699 = tpu.memref_slice %arg2[%arg0, %dma_wait3A_697, %dma_wait3A_698] : memref<2x100096x16xf32, #tpu.memory_space<hbm>> -> memref<1x100096x16xf32, #tpu.memory_space<hbm>>
      %dma_wait3A_700 = tpu.memref_squeeze %dma_wait3A_699 : memref<1x100096x16xf32, #tpu.memory_space<hbm>> -> memref<100096x16xf32, #tpu.memory_space<hbm>>
      %dma_wait3A_701 = arith.constant 0 : i32
      %dma_wait3A_702 = arith.constant 0 : i32
      %dma_wait3A_703 = tpu.memref_slice %dma_wait3A_700[%dma_wait3A_701, %dma_wait3A_702] : memref<100096x16xf32, #tpu.memory_space<hbm>> -> memref<128x16xf32, #tpu.memory_space<hbm>>
      tpu.wait_dma2 semaphore(%arg10 : memref<!tpu.dma_semaphore, #tpu.memory_space<semaphore_mem>>) src(%dma_wait3A_703 : memref<128x16xf32, #tpu.memory_space<hbm>>) dst(%dma_wait3A_696 : memref<128x16xf32, #tpu.memory_space<vmem>>)
      %dma_start3A_704 = arith.constant 0 : i32
      %dma_start3A_705 = arith.constant 0 : i32
      %dma_start3A_706 = arith.constant 0 : i32
      %dma_start3A_707 = arith.constant 0 : i32
      %dma_start3A_708 = tpu.memref_slice %arg8[%rem3A_596, %dma_start3A_704, %dma_start3A_706, %dma_start3A_707] : memref<3x4x128x16xf32, #tpu.memory_space<vmem>> -> memref<1x1x128x16xf32, #tpu.memory_space<vmem>>
      %dma_start3A_709 = tpu.memref_squeeze %dma_start3A_708 : memref<1x1x128x16xf32, #tpu.memory_space<vmem>> -> memref<128x16xf32, #tpu.memory_space<vmem>>
      %dma_start3A_710 = arith.constant 0 : i32
      %dma_start3A_711 = tpu.memref_slice %arg7[%rem3A_596, %dma_start3A_705, %dma_start3A_710] : memref<3x4x128xi32, #tpu.memory_space<vmem>> -> memref<1x1x128xi32, #tpu.memory_space<vmem>>
      %dma_start3A_712 = tpu.memref_squeeze %dma_start3A_711 : memref<1x1x128xi32, #tpu.memory_space<vmem>> -> memref<128xi32, #tpu.memory_space<vmem>>
      %dma_start3A_713 = arith.constant 0 : i32
      %dma_start3A_714 = arith.constant 0 : i32
      %dma_start3A_715 = tpu.memref_slice %arg9[%dma_start3A_713, %dma_start3A_714] : memref<100112x16xf32, #tpu.memory_space<vmem_shared>> -> memref<100112x16xf32, #tpu.memory_space<vmem_shared>>
      tpu.enqueue_indirect_dma source(%dma_start3A_709 : memref<128x16xf32, #tpu.memory_space<vmem>>) target(%dma_start3A_715 : memref<100112x16xf32, #tpu.memory_space<vmem_shared>>) offsets(%dma_start3A_712 : memref<128xi32, #tpu.memory_space<vmem>>) semaphore(%arg11 : memref<!tpu.dma_semaphore, #tpu.memory_space<semaphore_mem>>) {add = true}
      %dma_start3A_716 = arith.constant 1 : i32
      %dma_start3A_717 = arith.constant 1 : i32
      %dma_start3A_718 = arith.constant 0 : i32
      %dma_start3A_719 = arith.constant 0 : i32
      %dma_start3A_720 = tpu.memref_slice %arg8[%rem3A_596, %dma_start3A_716, %dma_start3A_718, %dma_start3A_719] : memref<3x4x128x16xf32, #tpu.memory_space<vmem>> -> memref<1x1x128x16xf32, #tpu.memory_space<vmem>>
      %dma_start3A_721 = tpu.memref_squeeze %dma_start3A_720 : memref<1x1x128x16xf32, #tpu.memory_space<vmem>> -> memref<128x16xf32, #tpu.memory_space<vmem>>
      %dma_start3A_722 = arith.constant 0 : i32
      %dma_start3A_723 = tpu.memref_slice %arg7[%rem3A_596, %dma_start3A_717, %dma_start3A_722] : memref<3x4x128xi32, #tpu.memory_space<vmem>> -> memref<1x1x128xi32, #tpu.memory_space<vmem>>
      %dma_start3A_724 = tpu.memref_squeeze %dma_start3A_723 : memref<1x1x128xi32, #tpu.memory_space<vmem>> -> memref<128xi32, #tpu.memory_space<vmem>>
      %dma_start3A_725 = arith.constant 0 : i32
      %dma_start3A_726 = arith.constant 0 : i32
      %dma_start3A_727 = tpu.memref_slice %arg9[%dma_start3A_725, %dma_start3A_726] : memref<100112x16xf32, #tpu.memory_space<vmem_shared>> -> memref<100112x16xf32, #tpu.memory_space<vmem_shared>>
      tpu.enqueue_indirect_dma source(%dma_start3A_721 : memref<128x16xf32, #tpu.memory_space<vmem>>) target(%dma_start3A_727 : memref<100112x16xf32, #tpu.memory_space<vmem_shared>>) offsets(%dma_start3A_724 : memref<128xi32, #tpu.memory_space<vmem>>) semaphore(%arg11 : memref<!tpu.dma_semaphore, #tpu.memory_space<semaphore_mem>>) {add = true}
      %dma_start3A_728 = arith.constant 2 : i32
      %dma_start3A_729 = arith.constant 2 : i32
      %dma_start3A_730 = arith.constant 0 : i32
      %dma_start3A_731 = arith.constant 0 : i32
      %dma_start3A_732 = tpu.memref_slice %arg8[%rem3A_596, %dma_start3A_728, %dma_start3A_730, %dma_start3A_731] : memref<3x4x128x16xf32, #tpu.memory_space<vmem>> -> memref<1x1x128x16xf32, #tpu.memory_space<vmem>>
      %dma_start3A_733 = tpu.memref_squeeze %dma_start3A_732 : memref<1x1x128x16xf32, #tpu.memory_space<vmem>> -> memref<128x16xf32, #tpu.memory_space<vmem>>
      %dma_start3A_734 = arith.constant 0 : i32
      %dma_start3A_735 = tpu.memref_slice %arg7[%rem3A_596, %dma_start3A_729, %dma_start3A_734] : memref<3x4x128xi32, #tpu.memory_space<vmem>> -> memref<1x1x128xi32, #tpu.memory_space<vmem>>
      %dma_start3A_736 = tpu.memref_squeeze %dma_start3A_735 : memref<1x1x128xi32, #tpu.memory_space<vmem>> -> memref<128xi32, #tpu.memory_space<vmem>>
      %dma_start3A_737 = arith.constant 0 : i32
      %dma_start3A_738 = arith.constant 0 : i32
      %dma_start3A_739 = tpu.memref_slice %arg9[%dma_start3A_737, %dma_start3A_738] : memref<100112x16xf32, #tpu.memory_space<vmem_shared>> -> memref<100112x16xf32, #tpu.memory_space<vmem_shared>>
      tpu.enqueue_indirect_dma source(%dma_start3A_733 : memref<128x16xf32, #tpu.memory_space<vmem>>) target(%dma_start3A_739 : memref<100112x16xf32, #tpu.memory_space<vmem_shared>>) offsets(%dma_start3A_736 : memref<128xi32, #tpu.memory_space<vmem>>) semaphore(%arg11 : memref<!tpu.dma_semaphore, #tpu.memory_space<semaphore_mem>>) {add = true}
      %dma_start3A_740 = arith.constant 3 : i32
      %dma_start3A_741 = arith.constant 3 : i32
      %dma_start3A_742 = arith.constant 0 : i32
      %dma_start3A_743 = arith.constant 0 : i32
      %dma_start3A_744 = tpu.memref_slice %arg8[%rem3A_596, %dma_start3A_740, %dma_start3A_742, %dma_start3A_743] : memref<3x4x128x16xf32, #tpu.memory_space<vmem>> -> memref<1x1x128x16xf32, #tpu.memory_space<vmem>>
      %dma_start3A_745 = tpu.memref_squeeze %dma_start3A_744 : memref<1x1x128x16xf32, #tpu.memory_space<vmem>> -> memref<128x16xf32, #tpu.memory_space<vmem>>
      %dma_start3A_746 = arith.constant 0 : i32
      %dma_start3A_747 = tpu.memref_slice %arg7[%rem3A_596, %dma_start3A_741, %dma_start3A_746] : memref<3x4x128xi32, #tpu.memory_space<vmem>> -> memref<1x1x128xi32, #tpu.memory_space<vmem>>
      %dma_start3A_748 = tpu.memref_squeeze %dma_start3A_747 : memref<1x1x128xi32, #tpu.memory_space<vmem>> -> memref<128xi32, #tpu.memory_space<vmem>>
      %dma_start3A_749 = arith.constant 0 : i32
      %dma_start3A_750 = arith.constant 0 : i32
      %dma_start3A_751 = tpu.memref_slice %arg9[%dma_start3A_749, %dma_start3A_750] : memref<100112x16xf32, #tpu.memory_space<vmem_shared>> -> memref<100112x16xf32, #tpu.memory_space<vmem_shared>>
      tpu.enqueue_indirect_dma source(%dma_start3A_745 : memref<128x16xf32, #tpu.memory_space<vmem>>) target(%dma_start3A_751 : memref<100112x16xf32, #tpu.memory_space<vmem_shared>>) offsets(%dma_start3A_748 : memref<128xi32, #tpu.memory_space<vmem>>) semaphore(%arg11 : memref<!tpu.dma_semaphore, #tpu.memory_space<semaphore_mem>>) {add = true}
      %dma_wait3A_752 = arith.constant 0 : i32
      %dma_wait3A_753 = arith.constant 0 : i32
      %dma_wait3A_754 = tpu.memref_slice %arg6[%rem3A_600, %dma_wait3A_752, %dma_wait3A_753] : memref<3x4x128xi32, #tpu.memory_space<vmem>> -> memref<1x4x128xi32, #tpu.memory_space<vmem>>
      %dma_wait3A_755 = tpu.memref_squeeze %dma_wait3A_754 : memref<1x4x128xi32, #tpu.memory_space<vmem>> -> memref<4x128xi32, #tpu.memory_space<vmem>>
      %dma_wait3A_756 = arith.constant 0 : i32
      %dma_wait3A_757 = arith.constant 0 : i32
      %dma_wait3A_758 = tpu.memref_slice %arg3[%dma_wait3A_756, %dma_wait3A_757] : memref<12548x128xi32, #tpu.memory_space<hbm>> -> memref<4x128xi32, #tpu.memory_space<hbm>>
      %dma_wait3A_759 = arith.constant 0 : i32
      %dma_wait3A_760 = arith.constant 0 : i32
      %dma_wait3A_761 = tpu.memref_slice %arg6[%rem3A_600, %dma_wait3A_759, %dma_wait3A_760] : memref<3x4x128xi32, #tpu.memory_space<vmem>> -> memref<1x4x128xi32, #tpu.memory_space<vmem>>
      %dma_wait3A_762 = tpu.memref_squeeze %dma_wait3A_761 : memref<1x4x128xi32, #tpu.memory_space<vmem>> -> memref<4x128xi32, #tpu.memory_space<vmem>>
      %dma_wait3A_763 = arith.constant 0 : i32
      %dma_wait3A_764 = arith.constant 0 : i32
      %dma_wait3A_765 = tpu.memref_slice %arg3[%dma_wait3A_763, %dma_wait3A_764] : memref<12548x128xi32, #tpu.memory_space<hbm>> -> memref<4x128xi32, #tpu.memory_space<hbm>>
      tpu.wait_dma2 semaphore(%arg12 : memref<!tpu.dma_semaphore, #tpu.memory_space<semaphore_mem>>) src(%dma_wait3A_765 : memref<4x128xi32, #tpu.memory_space<hbm>>) dst(%dma_wait3A_762 : memref<4x128xi32, #tpu.memory_space<vmem>>)
      %dma_wait3A_766 = arith.constant 0 : i32
      %dma_wait3A_767 = arith.constant 0 : i32
      %dma_wait3A_768 = tpu.memref_slice %arg7[%rem3A_600, %dma_wait3A_766, %dma_wait3A_767] : memref<3x4x128xi32, #tpu.memory_space<vmem>> -> memref<1x4x128xi32, #tpu.memory_space<vmem>>
      %dma_wait3A_769 = tpu.memref_squeeze %dma_wait3A_768 : memref<1x4x128xi32, #tpu.memory_space<vmem>> -> memref<4x128xi32, #tpu.memory_space<vmem>>
      %dma_wait3A_770 = arith.constant 0 : i32
      %dma_wait3A_771 = arith.constant 0 : i32
      %dma_wait3A_772 = tpu.memref_slice %arg3[%dma_wait3A_770, %dma_wait3A_771] : memref<12548x128xi32, #tpu.memory_space<hbm>> -> memref<4x128xi32, #tpu.memory_space<hbm>>
      %dma_wait3A_773 = arith.constant 0 : i32
      %dma_wait3A_774 = arith.constant 0 : i32
      %dma_wait3A_775 = tpu.memref_slice %arg7[%rem3A_600, %dma_wait3A_773, %dma_wait3A_774] : memref<3x4x128xi32, #tpu.memory_space<vmem>> -> memref<1x4x128xi32, #tpu.memory_space<vmem>>
      %dma_wait3A_776 = tpu.memref_squeeze %dma_wait3A_775 : memref<1x4x128xi32, #tpu.memory_space<vmem>> -> memref<4x128xi32, #tpu.memory_space<vmem>>
      %dma_wait3A_777 = arith.constant 0 : i32
      %dma_wait3A_778 = arith.constant 0 : i32
      %dma_wait3A_779 = tpu.memref_slice %arg3[%dma_wait3A_777, %dma_wait3A_778] : memref<12548x128xi32, #tpu.memory_space<hbm>> -> memref<4x128xi32, #tpu.memory_space<hbm>>
      tpu.wait_dma2 semaphore(%arg12 : memref<!tpu.dma_semaphore, #tpu.memory_space<semaphore_mem>>) src(%dma_wait3A_779 : memref<4x128xi32, #tpu.memory_space<hbm>>) dst(%dma_wait3A_776 : memref<4x128xi32, #tpu.memory_space<vmem>>)
      %dma_start3A_780 = arith.constant 0 : i32
      %dma_start3A_781 = arith.constant 0 : i32
      %dma_start3A_782 = arith.constant 0 : i32
      %dma_start3A_783 = arith.constant 0 : i32
      %dma_start3A_784 = tpu.memref_slice %arg8[%rem3A_600, %dma_start3A_781, %dma_start3A_782, %dma_start3A_783] : memref<3x4x128x16xf32, #tpu.memory_space<vmem>> -> memref<1x1x128x16xf32, #tpu.memory_space<vmem>>
      %dma_start3A_785 = tpu.memref_squeeze %dma_start3A_784 : memref<1x1x128x16xf32, #tpu.memory_space<vmem>> -> memref<128x16xf32, #tpu.memory_space<vmem>>
      %dma_start3A_786 = arith.constant 0 : i32
      %dma_start3A_787 = tpu.memref_slice %arg6[%rem3A_600, %dma_start3A_780, %dma_start3A_786] : memref<3x4x128xi32, #tpu.memory_space<vmem>> -> memref<1x1x128xi32, #tpu.memory_space<vmem>>
      %dma_start3A_788 = tpu.memref_squeeze %dma_start3A_787 : memref<1x1x128xi32, #tpu.memory_space<vmem>> -> memref<128xi32, #tpu.memory_space<vmem>>
      %dma_start3A_789 = arith.constant 0 : i32
      %dma_start3A_790 = arith.constant 0 : i32
      %dma_start3A_791 = tpu.memref_slice %arg2[%arg0, %dma_start3A_789, %dma_start3A_790] : memref<2x100096x16xf32, #tpu.memory_space<hbm>> -> memref<1x100096x16xf32, #tpu.memory_space<hbm>>
      %dma_start3A_792 = tpu.memref_squeeze %dma_start3A_791 : memref<1x100096x16xf32, #tpu.memory_space<hbm>> -> memref<100096x16xf32, #tpu.memory_space<hbm>>
      %dma_start3A_793 = arith.constant 0 : i32
      %dma_start3A_794 = arith.constant 0 : i32
      %dma_start3A_795 = tpu.memref_slice %dma_start3A_792[%dma_start3A_793, %dma_start3A_794] : memref<100096x16xf32, #tpu.memory_space<hbm>> -> memref<100096x16xf32, #tpu.memory_space<hbm>>
      tpu.enqueue_indirect_dma source(%dma_start3A_795 : memref<100096x16xf32, #tpu.memory_space<hbm>>) target(%dma_start3A_785 : memref<128x16xf32, #tpu.memory_space<vmem>>) offsets(%dma_start3A_788 : memref<128xi32, #tpu.memory_space<vmem>>) semaphore(%arg10 : memref<!tpu.dma_semaphore, #tpu.memory_space<semaphore_mem>>)
      %dma_start3A_796 = arith.constant 1 : i32
      %dma_start3A_797 = arith.constant 1 : i32
      %dma_start3A_798 = arith.constant 0 : i32
      %dma_start3A_799 = arith.constant 0 : i32
      %dma_start3A_800 = tpu.memref_slice %arg8[%rem3A_600, %dma_start3A_797, %dma_start3A_798, %dma_start3A_799] : memref<3x4x128x16xf32, #tpu.memory_space<vmem>> -> memref<1x1x128x16xf32, #tpu.memory_space<vmem>>
      %dma_start3A_801 = tpu.memref_squeeze %dma_start3A_800 : memref<1x1x128x16xf32, #tpu.memory_space<vmem>> -> memref<128x16xf32, #tpu.memory_space<vmem>>
      %dma_start3A_802 = arith.constant 0 : i32
      %dma_start3A_803 = tpu.memref_slice %arg6[%rem3A_600, %dma_start3A_796, %dma_start3A_802] : memref<3x4x128xi32, #tpu.memory_space<vmem>> -> memref<1x1x128xi32, #tpu.memory_space<vmem>>
      %dma_start3A_804 = tpu.memref_squeeze %dma_start3A_803 : memref<1x1x128xi32, #tpu.memory_space<vmem>> -> memref<128xi32, #tpu.memory_space<vmem>>
      %dma_start3A_805 = arith.constant 0 : i32
      %dma_start3A_806 = arith.constant 0 : i32
      %dma_start3A_807 = tpu.memref_slice %arg2[%arg0, %dma_start3A_805, %dma_start3A_806] : memref<2x100096x16xf32, #tpu.memory_space<hbm>> -> memref<1x100096x16xf32, #tpu.memory_space<hbm>>
      %dma_start3A_808 = tpu.memref_squeeze %dma_start3A_807 : memref<1x100096x16xf32, #tpu.memory_space<hbm>> -> memref<100096x16xf32, #tpu.memory_space<hbm>>
      %dma_start3A_809 = arith.constant 0 : i32
      %dma_start3A_810 = arith.constant 0 : i32
      %dma_start3A_811 = tpu.memref_slice %dma_start3A_808[%dma_start3A_809, %dma_start3A_810] : memref<100096x16xf32, #tpu.memory_space<hbm>> -> memref<100096x16xf32, #tpu.memory_space<hbm>>
      tpu.enqueue_indirect_dma source(%dma_start3A_811 : memref<100096x16xf32, #tpu.memory_space<hbm>>) target(%dma_start3A_801 : memref<128x16xf32, #tpu.memory_space<vmem>>) offsets(%dma_start3A_804 : memref<128xi32, #tpu.memory_space<vmem>>) semaphore(%arg10 : memref<!tpu.dma_semaphore, #tpu.memory_space<semaphore_mem>>)
      %dma_start3A_812 = arith.constant 2 : i32
      %dma_start3A_813 = arith.constant 2 : i32
      %dma_start3A_814 = arith.constant 0 : i32
      %dma_start3A_815 = arith.constant 0 : i32
      %dma_start3A_816 = tpu.memref_slice %arg8[%rem3A_600, %dma_start3A_813, %dma_start3A_814, %dma_start3A_815] : memref<3x4x128x16xf32, #tpu.memory_space<vmem>> -> memref<1x1x128x16xf32, #tpu.memory_space<vmem>>
      %dma_start3A_817 = tpu.memref_squeeze %dma_start3A_816 : memref<1x1x128x16xf32, #tpu.memory_space<vmem>> -> memref<128x16xf32, #tpu.memory_space<vmem>>
      %dma_start3A_818 = arith.constant 0 : i32
      %dma_start3A_819 = tpu.memref_slice %arg6[%rem3A_600, %dma_start3A_812, %dma_start3A_818] : memref<3x4x128xi32, #tpu.memory_space<vmem>> -> memref<1x1x128xi32, #tpu.memory_space<vmem>>
      %dma_start3A_820 = tpu.memref_squeeze %dma_start3A_819 : memref<1x1x128xi32, #tpu.memory_space<vmem>> -> memref<128xi32, #tpu.memory_space<vmem>>
      %dma_start3A_821 = arith.constant 0 : i32
      %dma_start3A_822 = arith.constant 0 : i32
      %dma_start3A_823 = tpu.memref_slice %arg2[%arg0, %dma_start3A_821, %dma_start3A_822] : memref<2x100096x16xf32, #tpu.memory_space<hbm>> -> memref<1x100096x16xf32, #tpu.memory_space<hbm>>
      %dma_start3A_824 = tpu.memref_squeeze %dma_start3A_823 : memref<1x100096x16xf32, #tpu.memory_space<hbm>> -> memref<100096x16xf32, #tpu.memory_space<hbm>>
      %dma_start3A_825 = arith.constant 0 : i32
      %dma_start3A_826 = arith.constant 0 : i32
      %dma_start3A_827 = tpu.memref_slice %dma_start3A_824[%dma_start3A_825, %dma_start3A_826] : memref<100096x16xf32, #tpu.memory_space<hbm>> -> memref<100096x16xf32, #tpu.memory_space<hbm>>
      tpu.enqueue_indirect_dma source(%dma_start3A_827 : memref<100096x16xf32, #tpu.memory_space<hbm>>) target(%dma_start3A_817 : memref<128x16xf32, #tpu.memory_space<vmem>>) offsets(%dma_start3A_820 : memref<128xi32, #tpu.memory_space<vmem>>) semaphore(%arg10 : memref<!tpu.dma_semaphore, #tpu.memory_space<semaphore_mem>>)
      %dma_start3A_828 = arith.constant 3 : i32
      %dma_start3A_829 = arith.constant 3 : i32
      %dma_start3A_830 = arith.constant 0 : i32
      %dma_start3A_831 = arith.constant 0 : i32
      %dma_start3A_832 = tpu.memref_slice %arg8[%rem3A_600, %dma_start3A_829, %dma_start3A_830, %dma_start3A_831] : memref<3x4x128x16xf32, #tpu.memory_space<vmem>> -> memref<1x1x128x16xf32, #tpu.memory_space<vmem>>
      %dma_start3A_833 = tpu.memref_squeeze %dma_start3A_832 : memref<1x1x128x16xf32, #tpu.memory_space<vmem>> -> memref<128x16xf32, #tpu.memory_space<vmem>>
      %dma_start3A_834 = arith.constant 0 : i32
      %dma_start3A_835 = tpu.memref_slice %arg6[%rem3A_600, %dma_start3A_828, %dma_start3A_834] : memref<3x4x128xi32, #tpu.memory_space<vmem>> -> memref<1x1x128xi32, #tpu.memory_space<vmem>>
      %dma_start3A_836 = tpu.memref_squeeze %dma_start3A_835 : memref<1x1x128xi32, #tpu.memory_space<vmem>> -> memref<128xi32, #tpu.memory_space<vmem>>
      %dma_start3A_837 = arith.constant 0 : i32
      %dma_start3A_838 = arith.constant 0 : i32
      %dma_start3A_839 = tpu.memref_slice %arg2[%arg0, %dma_start3A_837, %dma_start3A_838] : memref<2x100096x16xf32, #tpu.memory_space<hbm>> -> memref<1x100096x16xf32, #tpu.memory_space<hbm>>
      %dma_start3A_840 = tpu.memref_squeeze %dma_start3A_839 : memref<1x100096x16xf32, #tpu.memory_space<hbm>> -> memref<100096x16xf32, #tpu.memory_space<hbm>>
      %dma_start3A_841 = arith.constant 0 : i32
      %dma_start3A_842 = arith.constant 0 : i32
      %dma_start3A_843 = tpu.memref_slice %dma_start3A_840[%dma_start3A_841, %dma_start3A_842] : memref<100096x16xf32, #tpu.memory_space<hbm>> -> memref<100096x16xf32, #tpu.memory_space<hbm>>
      tpu.enqueue_indirect_dma source(%dma_start3A_843 : memref<100096x16xf32, #tpu.memory_space<hbm>>) target(%dma_start3A_833 : memref<128x16xf32, #tpu.memory_space<vmem>>) offsets(%dma_start3A_836 : memref<128xi32, #tpu.memory_space<vmem>>) semaphore(%arg10 : memref<!tpu.dma_semaphore, #tpu.memory_space<semaphore_mem>>)
      %add3A_844 = arith.constant 2 : i32
      %add3A_845 = arith.addi %scan3A_594, %add3A_844 : i32
      %lt3A = arith.constant 196 : i32
      %lt3A_846 = arith.cmpi slt, %add3A_845, %lt3A : i32
      %convert_element_type3A_847 = arith.extui %lt3A_846 : i1 to i32
      %cond3A_848 = arith.constant 0 : i32
      %cond3A_849 = arith.cmpi ne, %convert_element_type3A_847, %cond3A_848 : i32
      scf.if %cond3A_849 {
        %add3A_850 = arith.constant 2 : i32
        %add3A_851 = arith.addi %scan3A_594, %add3A_850 : i32
        %mul3A_852 = arith.constant 4 : i32
        %mul3A_853 = arith.muli %add3A_851, %mul3A_852 : i32
        %add3A_854 = arith.addi %mul3A_4, %mul3A_853 : i32
        %dma_start3A_855 = arith.constant 0 : i32
        %dma_start3A_856 = arith.constant 0 : i32
        %dma_start3A_857 = tpu.memref_slice %arg6[%rem3A_604, %dma_start3A_855, %dma_start3A_856] : memref<3x4x128xi32, #tpu.memory_space<vmem>> -> memref<1x4x128xi32, #tpu.memory_space<vmem>>
        %dma_start3A_858 = tpu.memref_squeeze %dma_start3A_857 : memref<1x4x128xi32, #tpu.memory_space<vmem>> -> memref<4x128xi32, #tpu.memory_space<vmem>>
        %dma_start3A_859 = arith.constant 0 : i32
        %dma_start3A_860 = tpu.memref_slice %arg3[%add3A_854, %dma_start3A_859] : memref<12548x128xi32, #tpu.memory_space<hbm>> -> memref<4x128xi32, #tpu.memory_space<hbm>>
        %dma_start3A_861 = arith.constant 0 : i32
        %dma_start3A_862 = arith.constant 0 : i32
        %dma_start3A_863 = tpu.memref_slice %arg6[%rem3A_604, %dma_start3A_861, %dma_start3A_862] : memref<3x4x128xi32, #tpu.memory_space<vmem>> -> memref<1x4x128xi32, #tpu.memory_space<vmem>>
        %dma_start3A_864 = tpu.memref_squeeze %dma_start3A_863 : memref<1x4x128xi32, #tpu.memory_space<vmem>> -> memref<4x128xi32, #tpu.memory_space<vmem>>
        %dma_start3A_865 = arith.constant 0 : i32
        %dma_start3A_866 = tpu.memref_slice %arg3[%add3A_854, %dma_start3A_865] : memref<12548x128xi32, #tpu.memory_space<hbm>> -> memref<4x128xi32, #tpu.memory_space<hbm>>
        tpu.enqueue_dma source(%dma_start3A_866 : memref<4x128xi32, #tpu.memory_space<hbm>>) target(%dma_start3A_864 : memref<4x128xi32, #tpu.memory_space<vmem>>) target_semaphore(%arg12 : memref<!tpu.dma_semaphore, #tpu.memory_space<semaphore_mem>>)
        %dma_start3A_867 = arith.constant 0 : i32
        %dma_start3A_868 = arith.constant 0 : i32
        %dma_start3A_869 = tpu.memref_slice %arg7[%rem3A_604, %dma_start3A_867, %dma_start3A_868] : memref<3x4x128xi32, #tpu.memory_space<vmem>> -> memref<1x4x128xi32, #tpu.memory_space<vmem>>
        %dma_start3A_870 = tpu.memref_squeeze %dma_start3A_869 : memref<1x4x128xi32, #tpu.memory_space<vmem>> -> memref<4x128xi32, #tpu.memory_space<vmem>>
        %dma_start3A_871 = arith.constant 0 : i32
        %dma_start3A_872 = tpu.memref_slice %arg4[%add3A_854, %dma_start3A_871] : memref<12548x128xi32, #tpu.memory_space<hbm>> -> memref<4x128xi32, #tpu.memory_space<hbm>>
        %dma_start3A_873 = arith.constant 0 : i32
        %dma_start3A_874 = arith.constant 0 : i32
        %dma_start3A_875 = tpu.memref_slice %arg7[%rem3A_604, %dma_start3A_873, %dma_start3A_874] : memref<3x4x128xi32, #tpu.memory_space<vmem>> -> memref<1x4x128xi32, #tpu.memory_space<vmem>>
        %dma_start3A_876 = tpu.memref_squeeze %dma_start3A_875 : memref<1x4x128xi32, #tpu.memory_space<vmem>> -> memref<4x128xi32, #tpu.memory_space<vmem>>
        %dma_start3A_877 = arith.constant 0 : i32
        %dma_start3A_878 = tpu.memref_slice %arg4[%add3A_854, %dma_start3A_877] : memref<12548x128xi32, #tpu.memory_space<hbm>> -> memref<4x128xi32, #tpu.memory_space<hbm>>
        tpu.enqueue_dma source(%dma_start3A_878 : memref<4x128xi32, #tpu.memory_space<hbm>>) target(%dma_start3A_876 : memref<4x128xi32, #tpu.memory_space<vmem>>) target_semaphore(%arg12 : memref<!tpu.dma_semaphore, #tpu.memory_space<semaphore_mem>>)
      } else {
      }
    }
    %scan3A_164 = arith.constant 195 : i32
    %rem3A = arith.constant 195 : i32
    %rem3A_165 = arith.constant 3 : i32
    %rem3A_166 = arith.remsi %rem3A, %rem3A_165 : i32
    %rem3A_167 = arith.constant 196 : i32
    %rem3A_168 = arith.constant 3 : i32
    %rem3A_169 = arith.remsi %rem3A_167, %rem3A_168 : i32
    %dma_wait3A_170 = arith.constant 0 : i32
    %dma_wait3A_171 = arith.constant 0 : i32
    %dma_wait3A_172 = arith.constant 0 : i32
    %dma_wait3A_173 = tpu.memref_slice %arg8[%rem3A_169, %dma_wait3A_170, %dma_wait3A_171, %dma_wait3A_172] : memref<3x4x128x16xf32, #tpu.memory_space<vmem>> -> memref<1x1x128x16xf32, #tpu.memory_space<vmem>>
    %dma_wait3A_174 = tpu.memref_squeeze %dma_wait3A_173 : memref<1x1x128x16xf32, #tpu.memory_space<vmem>> -> memref<128x16xf32, #tpu.memory_space<vmem>>
    %dma_wait3A_175 = arith.constant 0 : i32
    %dma_wait3A_176 = arith.constant 0 : i32
    %dma_wait3A_177 = tpu.memref_slice %arg2[%arg0, %dma_wait3A_175, %dma_wait3A_176] : memref<2x100096x16xf32, #tpu.memory_space<hbm>> -> memref<1x100096x16xf32, #tpu.memory_space<hbm>>
    %dma_wait3A_178 = tpu.memref_squeeze %dma_wait3A_177 : memref<1x100096x16xf32, #tpu.memory_space<hbm>> -> memref<100096x16xf32, #tpu.memory_space<hbm>>
    %dma_wait3A_179 = arith.constant 0 : i32
    %dma_wait3A_180 = arith.constant 0 : i32
    %dma_wait3A_181 = tpu.memref_slice %dma_wait3A_178[%dma_wait3A_179, %dma_wait3A_180] : memref<100096x16xf32, #tpu.memory_space<hbm>> -> memref<128x16xf32, #tpu.memory_space<hbm>>
    %dma_wait3A_182 = arith.constant 0 : i32
    %dma_wait3A_183 = arith.constant 0 : i32
    %dma_wait3A_184 = tpu.memref_slice %arg8[%rem3A_169, %dma_wait3A_170, %dma_wait3A_182, %dma_wait3A_183] : memref<3x4x128x16xf32, #tpu.memory_space<vmem>> -> memref<1x1x128x16xf32, #tpu.memory_space<vmem>>
    %dma_wait3A_185 = tpu.memref_squeeze %dma_wait3A_184 : memref<1x1x128x16xf32, #tpu.memory_space<vmem>> -> memref<128x16xf32, #tpu.memory_space<vmem>>
    %dma_wait3A_186 = arith.constant 0 : i32
    %dma_wait3A_187 = arith.constant 0 : i32
    %dma_wait3A_188 = tpu.memref_slice %arg2[%arg0, %dma_wait3A_186, %dma_wait3A_187] : memref<2x100096x16xf32, #tpu.memory_space<hbm>> -> memref<1x100096x16xf32, #tpu.memory_space<hbm>>
    %dma_wait3A_189 = tpu.memref_squeeze %dma_wait3A_188 : memref<1x100096x16xf32, #tpu.memory_space<hbm>> -> memref<100096x16xf32, #tpu.memory_space<hbm>>
    %dma_wait3A_190 = arith.constant 0 : i32
    %dma_wait3A_191 = arith.constant 0 : i32
    %dma_wait3A_192 = tpu.memref_slice %dma_wait3A_189[%dma_wait3A_190, %dma_wait3A_191] : memref<100096x16xf32, #tpu.memory_space<hbm>> -> memref<128x16xf32, #tpu.memory_space<hbm>>
    tpu.wait_dma2 semaphore(%arg11 : memref<!tpu.dma_semaphore, #tpu.memory_space<semaphore_mem>>) src(%dma_wait3A_192 : memref<128x16xf32, #tpu.memory_space<hbm>>) dst(%dma_wait3A_185 : memref<128x16xf32, #tpu.memory_space<vmem>>)
    %dma_wait3A_193 = arith.constant 1 : i32
    %dma_wait3A_194 = arith.constant 0 : i32
    %dma_wait3A_195 = arith.constant 0 : i32
    %dma_wait3A_196 = tpu.memref_slice %arg8[%rem3A_169, %dma_wait3A_193, %dma_wait3A_194, %dma_wait3A_195] : memref<3x4x128x16xf32, #tpu.memory_space<vmem>> -> memref<1x1x128x16xf32, #tpu.memory_space<vmem>>
    %dma_wait3A_197 = tpu.memref_squeeze %dma_wait3A_196 : memref<1x1x128x16xf32, #tpu.memory_space<vmem>> -> memref<128x16xf32, #tpu.memory_space<vmem>>
    %dma_wait3A_198 = arith.constant 0 : i32
    %dma_wait3A_199 = arith.constant 0 : i32
    %dma_wait3A_200 = tpu.memref_slice %arg2[%arg0, %dma_wait3A_198, %dma_wait3A_199] : memref<2x100096x16xf32, #tpu.memory_space<hbm>> -> memref<1x100096x16xf32, #tpu.memory_space<hbm>>
    %dma_wait3A_201 = tpu.memref_squeeze %dma_wait3A_200 : memref<1x100096x16xf32, #tpu.memory_space<hbm>> -> memref<100096x16xf32, #tpu.memory_space<hbm>>
    %dma_wait3A_202 = arith.constant 0 : i32
    %dma_wait3A_203 = arith.constant 0 : i32
    %dma_wait3A_204 = tpu.memref_slice %dma_wait3A_201[%dma_wait3A_202, %dma_wait3A_203] : memref<100096x16xf32, #tpu.memory_space<hbm>> -> memref<128x16xf32, #tpu.memory_space<hbm>>
    %dma_wait3A_205 = arith.constant 0 : i32
    %dma_wait3A_206 = arith.constant 0 : i32
    %dma_wait3A_207 = tpu.memref_slice %arg8[%rem3A_169, %dma_wait3A_193, %dma_wait3A_205, %dma_wait3A_206] : memref<3x4x128x16xf32, #tpu.memory_space<vmem>> -> memref<1x1x128x16xf32, #tpu.memory_space<vmem>>
    %dma_wait3A_208 = tpu.memref_squeeze %dma_wait3A_207 : memref<1x1x128x16xf32, #tpu.memory_space<vmem>> -> memref<128x16xf32, #tpu.memory_space<vmem>>
    %dma_wait3A_209 = arith.constant 0 : i32
    %dma_wait3A_210 = arith.constant 0 : i32
    %dma_wait3A_211 = tpu.memref_slice %arg2[%arg0, %dma_wait3A_209, %dma_wait3A_210] : memref<2x100096x16xf32, #tpu.memory_space<hbm>> -> memref<1x100096x16xf32, #tpu.memory_space<hbm>>
    %dma_wait3A_212 = tpu.memref_squeeze %dma_wait3A_211 : memref<1x100096x16xf32, #tpu.memory_space<hbm>> -> memref<100096x16xf32, #tpu.memory_space<hbm>>
    %dma_wait3A_213 = arith.constant 0 : i32
    %dma_wait3A_214 = arith.constant 0 : i32
    %dma_wait3A_215 = tpu.memref_slice %dma_wait3A_212[%dma_wait3A_213, %dma_wait3A_214] : memref<100096x16xf32, #tpu.memory_space<hbm>> -> memref<128x16xf32, #tpu.memory_space<hbm>>
    tpu.wait_dma2 semaphore(%arg11 : memref<!tpu.dma_semaphore, #tpu.memory_space<semaphore_mem>>) src(%dma_wait3A_215 : memref<128x16xf32, #tpu.memory_space<hbm>>) dst(%dma_wait3A_208 : memref<128x16xf32, #tpu.memory_space<vmem>>)
    %dma_wait3A_216 = arith.constant 2 : i32
    %dma_wait3A_217 = arith.constant 0 : i32
    %dma_wait3A_218 = arith.constant 0 : i32
    %dma_wait3A_219 = tpu.memref_slice %arg8[%rem3A_169, %dma_wait3A_216, %dma_wait3A_217, %dma_wait3A_218] : memref<3x4x128x16xf32, #tpu.memory_space<vmem>> -> memref<1x1x128x16xf32, #tpu.memory_space<vmem>>
    %dma_wait3A_220 = tpu.memref_squeeze %dma_wait3A_219 : memref<1x1x128x16xf32, #tpu.memory_space<vmem>> -> memref<128x16xf32, #tpu.memory_space<vmem>>
    %dma_wait3A_221 = arith.constant 0 : i32
    %dma_wait3A_222 = arith.constant 0 : i32
    %dma_wait3A_223 = tpu.memref_slice %arg2[%arg0, %dma_wait3A_221, %dma_wait3A_222] : memref<2x100096x16xf32, #tpu.memory_space<hbm>> -> memref<1x100096x16xf32, #tpu.memory_space<hbm>>
    %dma_wait3A_224 = tpu.memref_squeeze %dma_wait3A_223 : memref<1x100096x16xf32, #tpu.memory_space<hbm>> -> memref<100096x16xf32, #tpu.memory_space<hbm>>
    %dma_wait3A_225 = arith.constant 0 : i32
    %dma_wait3A_226 = arith.constant 0 : i32
    %dma_wait3A_227 = tpu.memref_slice %dma_wait3A_224[%dma_wait3A_225, %dma_wait3A_226] : memref<100096x16xf32, #tpu.memory_space<hbm>> -> memref<128x16xf32, #tpu.memory_space<hbm>>
    %dma_wait3A_228 = arith.constant 0 : i32
    %dma_wait3A_229 = arith.constant 0 : i32
    %dma_wait3A_230 = tpu.memref_slice %arg8[%rem3A_169, %dma_wait3A_216, %dma_wait3A_228, %dma_wait3A_229] : memref<3x4x128x16xf32, #tpu.memory_space<vmem>> -> memref<1x1x128x16xf32, #tpu.memory_space<vmem>>
    %dma_wait3A_231 = tpu.memref_squeeze %dma_wait3A_230 : memref<1x1x128x16xf32, #tpu.memory_space<vmem>> -> memref<128x16xf32, #tpu.memory_space<vmem>>
    %dma_wait3A_232 = arith.constant 0 : i32
    %dma_wait3A_233 = arith.constant 0 : i32
    %dma_wait3A_234 = tpu.memref_slice %arg2[%arg0, %dma_wait3A_232, %dma_wait3A_233] : memref<2x100096x16xf32, #tpu.memory_space<hbm>> -> memref<1x100096x16xf32, #tpu.memory_space<hbm>>
    %dma_wait3A_235 = tpu.memref_squeeze %dma_wait3A_234 : memref<1x100096x16xf32, #tpu.memory_space<hbm>> -> memref<100096x16xf32, #tpu.memory_space<hbm>>
    %dma_wait3A_236 = arith.constant 0 : i32
    %dma_wait3A_237 = arith.constant 0 : i32
    %dma_wait3A_238 = tpu.memref_slice %dma_wait3A_235[%dma_wait3A_236, %dma_wait3A_237] : memref<100096x16xf32, #tpu.memory_space<hbm>> -> memref<128x16xf32, #tpu.memory_space<hbm>>
    tpu.wait_dma2 semaphore(%arg11 : memref<!tpu.dma_semaphore, #tpu.memory_space<semaphore_mem>>) src(%dma_wait3A_238 : memref<128x16xf32, #tpu.memory_space<hbm>>) dst(%dma_wait3A_231 : memref<128x16xf32, #tpu.memory_space<vmem>>)
    %dma_wait3A_239 = arith.constant 3 : i32
    %dma_wait3A_240 = arith.constant 0 : i32
    %dma_wait3A_241 = arith.constant 0 : i32
    %dma_wait3A_242 = tpu.memref_slice %arg8[%rem3A_169, %dma_wait3A_239, %dma_wait3A_240, %dma_wait3A_241] : memref<3x4x128x16xf32, #tpu.memory_space<vmem>> -> memref<1x1x128x16xf32, #tpu.memory_space<vmem>>
    %dma_wait3A_243 = tpu.memref_squeeze %dma_wait3A_242 : memref<1x1x128x16xf32, #tpu.memory_space<vmem>> -> memref<128x16xf32, #tpu.memory_space<vmem>>
    %dma_wait3A_244 = arith.constant 0 : i32
    %dma_wait3A_245 = arith.constant 0 : i32
    %dma_wait3A_246 = tpu.memref_slice %arg2[%arg0, %dma_wait3A_244, %dma_wait3A_245] : memref<2x100096x16xf32, #tpu.memory_space<hbm>> -> memref<1x100096x16xf32, #tpu.memory_space<hbm>>
    %dma_wait3A_247 = tpu.memref_squeeze %dma_wait3A_246 : memref<1x100096x16xf32, #tpu.memory_space<hbm>> -> memref<100096x16xf32, #tpu.memory_space<hbm>>
    %dma_wait3A_248 = arith.constant 0 : i32
    %dma_wait3A_249 = arith.constant 0 : i32
    %dma_wait3A_250 = tpu.memref_slice %dma_wait3A_247[%dma_wait3A_248, %dma_wait3A_249] : memref<100096x16xf32, #tpu.memory_space<hbm>> -> memref<128x16xf32, #tpu.memory_space<hbm>>
    %dma_wait3A_251 = arith.constant 0 : i32
    %dma_wait3A_252 = arith.constant 0 : i32
    %dma_wait3A_253 = tpu.memref_slice %arg8[%rem3A_169, %dma_wait3A_239, %dma_wait3A_251, %dma_wait3A_252] : memref<3x4x128x16xf32, #tpu.memory_space<vmem>> -> memref<1x1x128x16xf32, #tpu.memory_space<vmem>>
    %dma_wait3A_254 = tpu.memref_squeeze %dma_wait3A_253 : memref<1x1x128x16xf32, #tpu.memory_space<vmem>> -> memref<128x16xf32, #tpu.memory_space<vmem>>
    %dma_wait3A_255 = arith.constant 0 : i32
    %dma_wait3A_256 = arith.constant 0 : i32
    %dma_wait3A_257 = tpu.memref_slice %arg2[%arg0, %dma_wait3A_255, %dma_wait3A_256] : memref<2x100096x16xf32, #tpu.memory_space<hbm>> -> memref<1x100096x16xf32, #tpu.memory_space<hbm>>
    %dma_wait3A_258 = tpu.memref_squeeze %dma_wait3A_257 : memref<1x100096x16xf32, #tpu.memory_space<hbm>> -> memref<100096x16xf32, #tpu.memory_space<hbm>>
    %dma_wait3A_259 = arith.constant 0 : i32
    %dma_wait3A_260 = arith.constant 0 : i32
    %dma_wait3A_261 = tpu.memref_slice %dma_wait3A_258[%dma_wait3A_259, %dma_wait3A_260] : memref<100096x16xf32, #tpu.memory_space<hbm>> -> memref<128x16xf32, #tpu.memory_space<hbm>>
    tpu.wait_dma2 semaphore(%arg11 : memref<!tpu.dma_semaphore, #tpu.memory_space<semaphore_mem>>) src(%dma_wait3A_261 : memref<128x16xf32, #tpu.memory_space<hbm>>) dst(%dma_wait3A_254 : memref<128x16xf32, #tpu.memory_space<vmem>>)
    %dma_wait3A_262 = arith.constant 0 : i32
    %dma_wait3A_263 = arith.constant 0 : i32
    %dma_wait3A_264 = arith.constant 0 : i32
    %dma_wait3A_265 = tpu.memref_slice %arg8[%rem3A_166, %dma_wait3A_262, %dma_wait3A_263, %dma_wait3A_264] : memref<3x4x128x16xf32, #tpu.memory_space<vmem>> -> memref<1x1x128x16xf32, #tpu.memory_space<vmem>>
    %dma_wait3A_266 = tpu.memref_squeeze %dma_wait3A_265 : memref<1x1x128x16xf32, #tpu.memory_space<vmem>> -> memref<128x16xf32, #tpu.memory_space<vmem>>
    %dma_wait3A_267 = arith.constant 0 : i32
    %dma_wait3A_268 = arith.constant 0 : i32
    %dma_wait3A_269 = tpu.memref_slice %arg2[%arg0, %dma_wait3A_267, %dma_wait3A_268] : memref<2x100096x16xf32, #tpu.memory_space<hbm>> -> memref<1x100096x16xf32, #tpu.memory_space<hbm>>
    %dma_wait3A_270 = tpu.memref_squeeze %dma_wait3A_269 : memref<1x100096x16xf32, #tpu.memory_space<hbm>> -> memref<100096x16xf32, #tpu.memory_space<hbm>>
    %dma_wait3A_271 = arith.constant 0 : i32
    %dma_wait3A_272 = arith.constant 0 : i32
    %dma_wait3A_273 = tpu.memref_slice %dma_wait3A_270[%dma_wait3A_271, %dma_wait3A_272] : memref<100096x16xf32, #tpu.memory_space<hbm>> -> memref<128x16xf32, #tpu.memory_space<hbm>>
    %dma_wait3A_274 = arith.constant 0 : i32
    %dma_wait3A_275 = arith.constant 0 : i32
    %dma_wait3A_276 = tpu.memref_slice %arg8[%rem3A_166, %dma_wait3A_262, %dma_wait3A_274, %dma_wait3A_275] : memref<3x4x128x16xf32, #tpu.memory_space<vmem>> -> memref<1x1x128x16xf32, #tpu.memory_space<vmem>>
    %dma_wait3A_277 = tpu.memref_squeeze %dma_wait3A_276 : memref<1x1x128x16xf32, #tpu.memory_space<vmem>> -> memref<128x16xf32, #tpu.memory_space<vmem>>
    %dma_wait3A_278 = arith.constant 0 : i32
    %dma_wait3A_279 = arith.constant 0 : i32
    %dma_wait3A_280 = tpu.memref_slice %arg2[%arg0, %dma_wait3A_278, %dma_wait3A_279] : memref<2x100096x16xf32, #tpu.memory_space<hbm>> -> memref<1x100096x16xf32, #tpu.memory_space<hbm>>
    %dma_wait3A_281 = tpu.memref_squeeze %dma_wait3A_280 : memref<1x100096x16xf32, #tpu.memory_space<hbm>> -> memref<100096x16xf32, #tpu.memory_space<hbm>>
    %dma_wait3A_282 = arith.constant 0 : i32
    %dma_wait3A_283 = arith.constant 0 : i32
    %dma_wait3A_284 = tpu.memref_slice %dma_wait3A_281[%dma_wait3A_282, %dma_wait3A_283] : memref<100096x16xf32, #tpu.memory_space<hbm>> -> memref<128x16xf32, #tpu.memory_space<hbm>>
    tpu.wait_dma2 semaphore(%arg10 : memref<!tpu.dma_semaphore, #tpu.memory_space<semaphore_mem>>) src(%dma_wait3A_284 : memref<128x16xf32, #tpu.memory_space<hbm>>) dst(%dma_wait3A_277 : memref<128x16xf32, #tpu.memory_space<vmem>>)
    %dma_wait3A_285 = arith.constant 1 : i32
    %dma_wait3A_286 = arith.constant 0 : i32
    %dma_wait3A_287 = arith.constant 0 : i32
    %dma_wait3A_288 = tpu.memref_slice %arg8[%rem3A_166, %dma_wait3A_285, %dma_wait3A_286, %dma_wait3A_287] : memref<3x4x128x16xf32, #tpu.memory_space<vmem>> -> memref<1x1x128x16xf32, #tpu.memory_space<vmem>>
    %dma_wait3A_289 = tpu.memref_squeeze %dma_wait3A_288 : memref<1x1x128x16xf32, #tpu.memory_space<vmem>> -> memref<128x16xf32, #tpu.memory_space<vmem>>
    %dma_wait3A_290 = arith.constant 0 : i32
    %dma_wait3A_291 = arith.constant 0 : i32
    %dma_wait3A_292 = tpu.memref_slice %arg2[%arg0, %dma_wait3A_290, %dma_wait3A_291] : memref<2x100096x16xf32, #tpu.memory_space<hbm>> -> memref<1x100096x16xf32, #tpu.memory_space<hbm>>
    %dma_wait3A_293 = tpu.memref_squeeze %dma_wait3A_292 : memref<1x100096x16xf32, #tpu.memory_space<hbm>> -> memref<100096x16xf32, #tpu.memory_space<hbm>>
    %dma_wait3A_294 = arith.constant 0 : i32
    %dma_wait3A_295 = arith.constant 0 : i32
    %dma_wait3A_296 = tpu.memref_slice %dma_wait3A_293[%dma_wait3A_294, %dma_wait3A_295] : memref<100096x16xf32, #tpu.memory_space<hbm>> -> memref<128x16xf32, #tpu.memory_space<hbm>>
    %dma_wait3A_297 = arith.constant 0 : i32
    %dma_wait3A_298 = arith.constant 0 : i32
    %dma_wait3A_299 = tpu.memref_slice %arg8[%rem3A_166, %dma_wait3A_285, %dma_wait3A_297, %dma_wait3A_298] : memref<3x4x128x16xf32, #tpu.memory_space<vmem>> -> memref<1x1x128x16xf32, #tpu.memory_space<vmem>>
    %dma_wait3A_300 = tpu.memref_squeeze %dma_wait3A_299 : memref<1x1x128x16xf32, #tpu.memory_space<vmem>> -> memref<128x16xf32, #tpu.memory_space<vmem>>
    %dma_wait3A_301 = arith.constant 0 : i32
    %dma_wait3A_302 = arith.constant 0 : i32
    %dma_wait3A_303 = tpu.memref_slice %arg2[%arg0, %dma_wait3A_301, %dma_wait3A_302] : memref<2x100096x16xf32, #tpu.memory_space<hbm>> -> memref<1x100096x16xf32, #tpu.memory_space<hbm>>
    %dma_wait3A_304 = tpu.memref_squeeze %dma_wait3A_303 : memref<1x100096x16xf32, #tpu.memory_space<hbm>> -> memref<100096x16xf32, #tpu.memory_space<hbm>>
    %dma_wait3A_305 = arith.constant 0 : i32
    %dma_wait3A_306 = arith.constant 0 : i32
    %dma_wait3A_307 = tpu.memref_slice %dma_wait3A_304[%dma_wait3A_305, %dma_wait3A_306] : memref<100096x16xf32, #tpu.memory_space<hbm>> -> memref<128x16xf32, #tpu.memory_space<hbm>>
    tpu.wait_dma2 semaphore(%arg10 : memref<!tpu.dma_semaphore, #tpu.memory_space<semaphore_mem>>) src(%dma_wait3A_307 : memref<128x16xf32, #tpu.memory_space<hbm>>) dst(%dma_wait3A_300 : memref<128x16xf32, #tpu.memory_space<vmem>>)
    %dma_wait3A_308 = arith.constant 2 : i32
    %dma_wait3A_309 = arith.constant 0 : i32
    %dma_wait3A_310 = arith.constant 0 : i32
    %dma_wait3A_311 = tpu.memref_slice %arg8[%rem3A_166, %dma_wait3A_308, %dma_wait3A_309, %dma_wait3A_310] : memref<3x4x128x16xf32, #tpu.memory_space<vmem>> -> memref<1x1x128x16xf32, #tpu.memory_space<vmem>>
    %dma_wait3A_312 = tpu.memref_squeeze %dma_wait3A_311 : memref<1x1x128x16xf32, #tpu.memory_space<vmem>> -> memref<128x16xf32, #tpu.memory_space<vmem>>
    %dma_wait3A_313 = arith.constant 0 : i32
    %dma_wait3A_314 = arith.constant 0 : i32
    %dma_wait3A_315 = tpu.memref_slice %arg2[%arg0, %dma_wait3A_313, %dma_wait3A_314] : memref<2x100096x16xf32, #tpu.memory_space<hbm>> -> memref<1x100096x16xf32, #tpu.memory_space<hbm>>
    %dma_wait3A_316 = tpu.memref_squeeze %dma_wait3A_315 : memref<1x100096x16xf32, #tpu.memory_space<hbm>> -> memref<100096x16xf32, #tpu.memory_space<hbm>>
    %dma_wait3A_317 = arith.constant 0 : i32
    %dma_wait3A_318 = arith.constant 0 : i32
    %dma_wait3A_319 = tpu.memref_slice %dma_wait3A_316[%dma_wait3A_317, %dma_wait3A_318] : memref<100096x16xf32, #tpu.memory_space<hbm>> -> memref<128x16xf32, #tpu.memory_space<hbm>>
    %dma_wait3A_320 = arith.constant 0 : i32
    %dma_wait3A_321 = arith.constant 0 : i32
    %dma_wait3A_322 = tpu.memref_slice %arg8[%rem3A_166, %dma_wait3A_308, %dma_wait3A_320, %dma_wait3A_321] : memref<3x4x128x16xf32, #tpu.memory_space<vmem>> -> memref<1x1x128x16xf32, #tpu.memory_space<vmem>>
    %dma_wait3A_323 = tpu.memref_squeeze %dma_wait3A_322 : memref<1x1x128x16xf32, #tpu.memory_space<vmem>> -> memref<128x16xf32, #tpu.memory_space<vmem>>
    %dma_wait3A_324 = arith.constant 0 : i32
    %dma_wait3A_325 = arith.constant 0 : i32
    %dma_wait3A_326 = tpu.memref_slice %arg2[%arg0, %dma_wait3A_324, %dma_wait3A_325] : memref<2x100096x16xf32, #tpu.memory_space<hbm>> -> memref<1x100096x16xf32, #tpu.memory_space<hbm>>
    %dma_wait3A_327 = tpu.memref_squeeze %dma_wait3A_326 : memref<1x100096x16xf32, #tpu.memory_space<hbm>> -> memref<100096x16xf32, #tpu.memory_space<hbm>>
    %dma_wait3A_328 = arith.constant 0 : i32
    %dma_wait3A_329 = arith.constant 0 : i32
    %dma_wait3A_330 = tpu.memref_slice %dma_wait3A_327[%dma_wait3A_328, %dma_wait3A_329] : memref<100096x16xf32, #tpu.memory_space<hbm>> -> memref<128x16xf32, #tpu.memory_space<hbm>>
    tpu.wait_dma2 semaphore(%arg10 : memref<!tpu.dma_semaphore, #tpu.memory_space<semaphore_mem>>) src(%dma_wait3A_330 : memref<128x16xf32, #tpu.memory_space<hbm>>) dst(%dma_wait3A_323 : memref<128x16xf32, #tpu.memory_space<vmem>>)
    %dma_wait3A_331 = arith.constant 3 : i32
    %dma_wait3A_332 = arith.constant 0 : i32
    %dma_wait3A_333 = arith.constant 0 : i32
    %dma_wait3A_334 = tpu.memref_slice %arg8[%rem3A_166, %dma_wait3A_331, %dma_wait3A_332, %dma_wait3A_333] : memref<3x4x128x16xf32, #tpu.memory_space<vmem>> -> memref<1x1x128x16xf32, #tpu.memory_space<vmem>>
    %dma_wait3A_335 = tpu.memref_squeeze %dma_wait3A_334 : memref<1x1x128x16xf32, #tpu.memory_space<vmem>> -> memref<128x16xf32, #tpu.memory_space<vmem>>
    %dma_wait3A_336 = arith.constant 0 : i32
    %dma_wait3A_337 = arith.constant 0 : i32
    %dma_wait3A_338 = tpu.memref_slice %arg2[%arg0, %dma_wait3A_336, %dma_wait3A_337] : memref<2x100096x16xf32, #tpu.memory_space<hbm>> -> memref<1x100096x16xf32, #tpu.memory_space<hbm>>
    %dma_wait3A_339 = tpu.memref_squeeze %dma_wait3A_338 : memref<1x100096x16xf32, #tpu.memory_space<hbm>> -> memref<100096x16xf32, #tpu.memory_space<hbm>>
    %dma_wait3A_340 = arith.constant 0 : i32
    %dma_wait3A_341 = arith.constant 0 : i32
    %dma_wait3A_342 = tpu.memref_slice %dma_wait3A_339[%dma_wait3A_340, %dma_wait3A_341] : memref<100096x16xf32, #tpu.memory_space<hbm>> -> memref<128x16xf32, #tpu.memory_space<hbm>>
    %dma_wait3A_343 = arith.constant 0 : i32
    %dma_wait3A_344 = arith.constant 0 : i32
    %dma_wait3A_345 = tpu.memref_slice %arg8[%rem3A_166, %dma_wait3A_331, %dma_wait3A_343, %dma_wait3A_344] : memref<3x4x128x16xf32, #tpu.memory_space<vmem>> -> memref<1x1x128x16xf32, #tpu.memory_space<vmem>>
    %dma_wait3A_346 = tpu.memref_squeeze %dma_wait3A_345 : memref<1x1x128x16xf32, #tpu.memory_space<vmem>> -> memref<128x16xf32, #tpu.memory_space<vmem>>
    %dma_wait3A_347 = arith.constant 0 : i32
    %dma_wait3A_348 = arith.constant 0 : i32
    %dma_wait3A_349 = tpu.memref_slice %arg2[%arg0, %dma_wait3A_347, %dma_wait3A_348] : memref<2x100096x16xf32, #tpu.memory_space<hbm>> -> memref<1x100096x16xf32, #tpu.memory_space<hbm>>
    %dma_wait3A_350 = tpu.memref_squeeze %dma_wait3A_349 : memref<1x100096x16xf32, #tpu.memory_space<hbm>> -> memref<100096x16xf32, #tpu.memory_space<hbm>>
    %dma_wait3A_351 = arith.constant 0 : i32
    %dma_wait3A_352 = arith.constant 0 : i32
    %dma_wait3A_353 = tpu.memref_slice %dma_wait3A_350[%dma_wait3A_351, %dma_wait3A_352] : memref<100096x16xf32, #tpu.memory_space<hbm>> -> memref<128x16xf32, #tpu.memory_space<hbm>>
    tpu.wait_dma2 semaphore(%arg10 : memref<!tpu.dma_semaphore, #tpu.memory_space<semaphore_mem>>) src(%dma_wait3A_353 : memref<128x16xf32, #tpu.memory_space<hbm>>) dst(%dma_wait3A_346 : memref<128x16xf32, #tpu.memory_space<vmem>>)
    %dma_start3A_354 = arith.constant 0 : i32
    %dma_start3A_355 = arith.constant 0 : i32
    %dma_start3A_356 = arith.constant 0 : i32
    %dma_start3A_357 = arith.constant 0 : i32
    %dma_start3A_358 = tpu.memref_slice %arg8[%rem3A_166, %dma_start3A_354, %dma_start3A_356, %dma_start3A_357] : memref<3x4x128x16xf32, #tpu.memory_space<vmem>> -> memref<1x1x128x16xf32, #tpu.memory_space<vmem>>
    %dma_start3A_359 = tpu.memref_squeeze %dma_start3A_358 : memref<1x1x128x16xf32, #tpu.memory_space<vmem>> -> memref<128x16xf32, #tpu.memory_space<vmem>>
    %dma_start3A_360 = arith.constant 0 : i32
    %dma_start3A_361 = tpu.memref_slice %arg7[%rem3A_166, %dma_start3A_355, %dma_start3A_360] : memref<3x4x128xi32, #tpu.memory_space<vmem>> -> memref<1x1x128xi32, #tpu.memory_space<vmem>>
    %dma_start3A_362 = tpu.memref_squeeze %dma_start3A_361 : memref<1x1x128xi32, #tpu.memory_space<vmem>> -> memref<128xi32, #tpu.memory_space<vmem>>
    %dma_start3A_363 = arith.constant 0 : i32
    %dma_start3A_364 = arith.constant 0 : i32
    %dma_start3A_365 = tpu.memref_slice %arg9[%dma_start3A_363, %dma_start3A_364] : memref<100112x16xf32, #tpu.memory_space<vmem_shared>> -> memref<100112x16xf32, #tpu.memory_space<vmem_shared>>
    tpu.enqueue_indirect_dma source(%dma_start3A_359 : memref<128x16xf32, #tpu.memory_space<vmem>>) target(%dma_start3A_365 : memref<100112x16xf32, #tpu.memory_space<vmem_shared>>) offsets(%dma_start3A_362 : memref<128xi32, #tpu.memory_space<vmem>>) semaphore(%arg11 : memref<!tpu.dma_semaphore, #tpu.memory_space<semaphore_mem>>) {add = true}
    %dma_start3A_366 = arith.constant 1 : i32
    %dma_start3A_367 = arith.constant 1 : i32
    %dma_start3A_368 = arith.constant 0 : i32
    %dma_start3A_369 = arith.constant 0 : i32
    %dma_start3A_370 = tpu.memref_slice %arg8[%rem3A_166, %dma_start3A_366, %dma_start3A_368, %dma_start3A_369] : memref<3x4x128x16xf32, #tpu.memory_space<vmem>> -> memref<1x1x128x16xf32, #tpu.memory_space<vmem>>
    %dma_start3A_371 = tpu.memref_squeeze %dma_start3A_370 : memref<1x1x128x16xf32, #tpu.memory_space<vmem>> -> memref<128x16xf32, #tpu.memory_space<vmem>>
    %dma_start3A_372 = arith.constant 0 : i32
    %dma_start3A_373 = tpu.memref_slice %arg7[%rem3A_166, %dma_start3A_367, %dma_start3A_372] : memref<3x4x128xi32, #tpu.memory_space<vmem>> -> memref<1x1x128xi32, #tpu.memory_space<vmem>>
    %dma_start3A_374 = tpu.memref_squeeze %dma_start3A_373 : memref<1x1x128xi32, #tpu.memory_space<vmem>> -> memref<128xi32, #tpu.memory_space<vmem>>
    %dma_start3A_375 = arith.constant 0 : i32
    %dma_start3A_376 = arith.constant 0 : i32
    %dma_start3A_377 = tpu.memref_slice %arg9[%dma_start3A_375, %dma_start3A_376] : memref<100112x16xf32, #tpu.memory_space<vmem_shared>> -> memref<100112x16xf32, #tpu.memory_space<vmem_shared>>
    tpu.enqueue_indirect_dma source(%dma_start3A_371 : memref<128x16xf32, #tpu.memory_space<vmem>>) target(%dma_start3A_377 : memref<100112x16xf32, #tpu.memory_space<vmem_shared>>) offsets(%dma_start3A_374 : memref<128xi32, #tpu.memory_space<vmem>>) semaphore(%arg11 : memref<!tpu.dma_semaphore, #tpu.memory_space<semaphore_mem>>) {add = true}
    %dma_start3A_378 = arith.constant 2 : i32
    %dma_start3A_379 = arith.constant 2 : i32
    %dma_start3A_380 = arith.constant 0 : i32
    %dma_start3A_381 = arith.constant 0 : i32
    %dma_start3A_382 = tpu.memref_slice %arg8[%rem3A_166, %dma_start3A_378, %dma_start3A_380, %dma_start3A_381] : memref<3x4x128x16xf32, #tpu.memory_space<vmem>> -> memref<1x1x128x16xf32, #tpu.memory_space<vmem>>
    %dma_start3A_383 = tpu.memref_squeeze %dma_start3A_382 : memref<1x1x128x16xf32, #tpu.memory_space<vmem>> -> memref<128x16xf32, #tpu.memory_space<vmem>>
    %dma_start3A_384 = arith.constant 0 : i32
    %dma_start3A_385 = tpu.memref_slice %arg7[%rem3A_166, %dma_start3A_379, %dma_start3A_384] : memref<3x4x128xi32, #tpu.memory_space<vmem>> -> memref<1x1x128xi32, #tpu.memory_space<vmem>>
    %dma_start3A_386 = tpu.memref_squeeze %dma_start3A_385 : memref<1x1x128xi32, #tpu.memory_space<vmem>> -> memref<128xi32, #tpu.memory_space<vmem>>
    %dma_start3A_387 = arith.constant 0 : i32
    %dma_start3A_388 = arith.constant 0 : i32
    %dma_start3A_389 = tpu.memref_slice %arg9[%dma_start3A_387, %dma_start3A_388] : memref<100112x16xf32, #tpu.memory_space<vmem_shared>> -> memref<100112x16xf32, #tpu.memory_space<vmem_shared>>
    tpu.enqueue_indirect_dma source(%dma_start3A_383 : memref<128x16xf32, #tpu.memory_space<vmem>>) target(%dma_start3A_389 : memref<100112x16xf32, #tpu.memory_space<vmem_shared>>) offsets(%dma_start3A_386 : memref<128xi32, #tpu.memory_space<vmem>>) semaphore(%arg11 : memref<!tpu.dma_semaphore, #tpu.memory_space<semaphore_mem>>) {add = true}
    %dma_start3A_390 = arith.constant 3 : i32
    %dma_start3A_391 = arith.constant 3 : i32
    %dma_start3A_392 = arith.constant 0 : i32
    %dma_start3A_393 = arith.constant 0 : i32
    %dma_start3A_394 = tpu.memref_slice %arg8[%rem3A_166, %dma_start3A_390, %dma_start3A_392, %dma_start3A_393] : memref<3x4x128x16xf32, #tpu.memory_space<vmem>> -> memref<1x1x128x16xf32, #tpu.memory_space<vmem>>
    %dma_start3A_395 = tpu.memref_squeeze %dma_start3A_394 : memref<1x1x128x16xf32, #tpu.memory_space<vmem>> -> memref<128x16xf32, #tpu.memory_space<vmem>>
    %dma_start3A_396 = arith.constant 0 : i32
    %dma_start3A_397 = tpu.memref_slice %arg7[%rem3A_166, %dma_start3A_391, %dma_start3A_396] : memref<3x4x128xi32, #tpu.memory_space<vmem>> -> memref<1x1x128xi32, #tpu.memory_space<vmem>>
    %dma_start3A_398 = tpu.memref_squeeze %dma_start3A_397 : memref<1x1x128xi32, #tpu.memory_space<vmem>> -> memref<128xi32, #tpu.memory_space<vmem>>
    %dma_start3A_399 = arith.constant 0 : i32
    %dma_start3A_400 = arith.constant 0 : i32
    %dma_start3A_401 = tpu.memref_slice %arg9[%dma_start3A_399, %dma_start3A_400] : memref<100112x16xf32, #tpu.memory_space<vmem_shared>> -> memref<100112x16xf32, #tpu.memory_space<vmem_shared>>
    tpu.enqueue_indirect_dma source(%dma_start3A_395 : memref<128x16xf32, #tpu.memory_space<vmem>>) target(%dma_start3A_401 : memref<100112x16xf32, #tpu.memory_space<vmem_shared>>) offsets(%dma_start3A_398 : memref<128xi32, #tpu.memory_space<vmem>>) semaphore(%arg11 : memref<!tpu.dma_semaphore, #tpu.memory_space<semaphore_mem>>) {add = true}
    %rem3A_402 = arith.constant 194 : i32
    %rem3A_403 = arith.constant 3 : i32
    %rem3A_404 = arith.remsi %rem3A_402, %rem3A_403 : i32
    %dma_wait3A_405 = arith.constant 0 : i32
    %dma_wait3A_406 = arith.constant 0 : i32
    %dma_wait3A_407 = arith.constant 0 : i32
    %dma_wait3A_408 = tpu.memref_slice %arg8[%rem3A_404, %dma_wait3A_405, %dma_wait3A_406, %dma_wait3A_407] : memref<3x4x128x16xf32, #tpu.memory_space<vmem>> -> memref<1x1x128x16xf32, #tpu.memory_space<vmem>>
    %dma_wait3A_409 = tpu.memref_squeeze %dma_wait3A_408 : memref<1x1x128x16xf32, #tpu.memory_space<vmem>> -> memref<128x16xf32, #tpu.memory_space<vmem>>
    %dma_wait3A_410 = arith.constant 0 : i32
    %dma_wait3A_411 = arith.constant 0 : i32
    %dma_wait3A_412 = tpu.memref_slice %arg2[%arg0, %dma_wait3A_410, %dma_wait3A_411] : memref<2x100096x16xf32, #tpu.memory_space<hbm>> -> memref<1x100096x16xf32, #tpu.memory_space<hbm>>
    %dma_wait3A_413 = tpu.memref_squeeze %dma_wait3A_412 : memref<1x100096x16xf32, #tpu.memory_space<hbm>> -> memref<100096x16xf32, #tpu.memory_space<hbm>>
    %dma_wait3A_414 = arith.constant 0 : i32
    %dma_wait3A_415 = arith.constant 0 : i32
    %dma_wait3A_416 = tpu.memref_slice %dma_wait3A_413[%dma_wait3A_414, %dma_wait3A_415] : memref<100096x16xf32, #tpu.memory_space<hbm>> -> memref<128x16xf32, #tpu.memory_space<hbm>>
    %dma_wait3A_417 = arith.constant 0 : i32
    %dma_wait3A_418 = arith.constant 0 : i32
    %dma_wait3A_419 = tpu.memref_slice %arg8[%rem3A_404, %dma_wait3A_405, %dma_wait3A_417, %dma_wait3A_418] : memref<3x4x128x16xf32, #tpu.memory_space<vmem>> -> memref<1x1x128x16xf32, #tpu.memory_space<vmem>>
    %dma_wait3A_420 = tpu.memref_squeeze %dma_wait3A_419 : memref<1x1x128x16xf32, #tpu.memory_space<vmem>> -> memref<128x16xf32, #tpu.memory_space<vmem>>
    %dma_wait3A_421 = arith.constant 0 : i32
    %dma_wait3A_422 = arith.constant 0 : i32
    %dma_wait3A_423 = tpu.memref_slice %arg2[%arg0, %dma_wait3A_421, %dma_wait3A_422] : memref<2x100096x16xf32, #tpu.memory_space<hbm>> -> memref<1x100096x16xf32, #tpu.memory_space<hbm>>
    %dma_wait3A_424 = tpu.memref_squeeze %dma_wait3A_423 : memref<1x100096x16xf32, #tpu.memory_space<hbm>> -> memref<100096x16xf32, #tpu.memory_space<hbm>>
    %dma_wait3A_425 = arith.constant 0 : i32
    %dma_wait3A_426 = arith.constant 0 : i32
    %dma_wait3A_427 = tpu.memref_slice %dma_wait3A_424[%dma_wait3A_425, %dma_wait3A_426] : memref<100096x16xf32, #tpu.memory_space<hbm>> -> memref<128x16xf32, #tpu.memory_space<hbm>>
    tpu.wait_dma2 semaphore(%arg11 : memref<!tpu.dma_semaphore, #tpu.memory_space<semaphore_mem>>) src(%dma_wait3A_427 : memref<128x16xf32, #tpu.memory_space<hbm>>) dst(%dma_wait3A_420 : memref<128x16xf32, #tpu.memory_space<vmem>>)
    %dma_wait3A_428 = arith.constant 1 : i32
    %dma_wait3A_429 = arith.constant 0 : i32
    %dma_wait3A_430 = arith.constant 0 : i32
    %dma_wait3A_431 = tpu.memref_slice %arg8[%rem3A_404, %dma_wait3A_428, %dma_wait3A_429, %dma_wait3A_430] : memref<3x4x128x16xf32, #tpu.memory_space<vmem>> -> memref<1x1x128x16xf32, #tpu.memory_space<vmem>>
    %dma_wait3A_432 = tpu.memref_squeeze %dma_wait3A_431 : memref<1x1x128x16xf32, #tpu.memory_space<vmem>> -> memref<128x16xf32, #tpu.memory_space<vmem>>
    %dma_wait3A_433 = arith.constant 0 : i32
    %dma_wait3A_434 = arith.constant 0 : i32
    %dma_wait3A_435 = tpu.memref_slice %arg2[%arg0, %dma_wait3A_433, %dma_wait3A_434] : memref<2x100096x16xf32, #tpu.memory_space<hbm>> -> memref<1x100096x16xf32, #tpu.memory_space<hbm>>
    %dma_wait3A_436 = tpu.memref_squeeze %dma_wait3A_435 : memref<1x100096x16xf32, #tpu.memory_space<hbm>> -> memref<100096x16xf32, #tpu.memory_space<hbm>>
    %dma_wait3A_437 = arith.constant 0 : i32
    %dma_wait3A_438 = arith.constant 0 : i32
    %dma_wait3A_439 = tpu.memref_slice %dma_wait3A_436[%dma_wait3A_437, %dma_wait3A_438] : memref<100096x16xf32, #tpu.memory_space<hbm>> -> memref<128x16xf32, #tpu.memory_space<hbm>>
    %dma_wait3A_440 = arith.constant 0 : i32
    %dma_wait3A_441 = arith.constant 0 : i32
    %dma_wait3A_442 = tpu.memref_slice %arg8[%rem3A_404, %dma_wait3A_428, %dma_wait3A_440, %dma_wait3A_441] : memref<3x4x128x16xf32, #tpu.memory_space<vmem>> -> memref<1x1x128x16xf32, #tpu.memory_space<vmem>>
    %dma_wait3A_443 = tpu.memref_squeeze %dma_wait3A_442 : memref<1x1x128x16xf32, #tpu.memory_space<vmem>> -> memref<128x16xf32, #tpu.memory_space<vmem>>
    %dma_wait3A_444 = arith.constant 0 : i32
    %dma_wait3A_445 = arith.constant 0 : i32
    %dma_wait3A_446 = tpu.memref_slice %arg2[%arg0, %dma_wait3A_444, %dma_wait3A_445] : memref<2x100096x16xf32, #tpu.memory_space<hbm>> -> memref<1x100096x16xf32, #tpu.memory_space<hbm>>
    %dma_wait3A_447 = tpu.memref_squeeze %dma_wait3A_446 : memref<1x100096x16xf32, #tpu.memory_space<hbm>> -> memref<100096x16xf32, #tpu.memory_space<hbm>>
    %dma_wait3A_448 = arith.constant 0 : i32
    %dma_wait3A_449 = arith.constant 0 : i32
    %dma_wait3A_450 = tpu.memref_slice %dma_wait3A_447[%dma_wait3A_448, %dma_wait3A_449] : memref<100096x16xf32, #tpu.memory_space<hbm>> -> memref<128x16xf32, #tpu.memory_space<hbm>>
    tpu.wait_dma2 semaphore(%arg11 : memref<!tpu.dma_semaphore, #tpu.memory_space<semaphore_mem>>) src(%dma_wait3A_450 : memref<128x16xf32, #tpu.memory_space<hbm>>) dst(%dma_wait3A_443 : memref<128x16xf32, #tpu.memory_space<vmem>>)
    %dma_wait3A_451 = arith.constant 2 : i32
    %dma_wait3A_452 = arith.constant 0 : i32
    %dma_wait3A_453 = arith.constant 0 : i32
    %dma_wait3A_454 = tpu.memref_slice %arg8[%rem3A_404, %dma_wait3A_451, %dma_wait3A_452, %dma_wait3A_453] : memref<3x4x128x16xf32, #tpu.memory_space<vmem>> -> memref<1x1x128x16xf32, #tpu.memory_space<vmem>>
    %dma_wait3A_455 = tpu.memref_squeeze %dma_wait3A_454 : memref<1x1x128x16xf32, #tpu.memory_space<vmem>> -> memref<128x16xf32, #tpu.memory_space<vmem>>
    %dma_wait3A_456 = arith.constant 0 : i32
    %dma_wait3A_457 = arith.constant 0 : i32
    %dma_wait3A_458 = tpu.memref_slice %arg2[%arg0, %dma_wait3A_456, %dma_wait3A_457] : memref<2x100096x16xf32, #tpu.memory_space<hbm>> -> memref<1x100096x16xf32, #tpu.memory_space<hbm>>
    %dma_wait3A_459 = tpu.memref_squeeze %dma_wait3A_458 : memref<1x100096x16xf32, #tpu.memory_space<hbm>> -> memref<100096x16xf32, #tpu.memory_space<hbm>>
    %dma_wait3A_460 = arith.constant 0 : i32
    %dma_wait3A_461 = arith.constant 0 : i32
    %dma_wait3A_462 = tpu.memref_slice %dma_wait3A_459[%dma_wait3A_460, %dma_wait3A_461] : memref<100096x16xf32, #tpu.memory_space<hbm>> -> memref<128x16xf32, #tpu.memory_space<hbm>>
    %dma_wait3A_463 = arith.constant 0 : i32
    %dma_wait3A_464 = arith.constant 0 : i32
    %dma_wait3A_465 = tpu.memref_slice %arg8[%rem3A_404, %dma_wait3A_451, %dma_wait3A_463, %dma_wait3A_464] : memref<3x4x128x16xf32, #tpu.memory_space<vmem>> -> memref<1x1x128x16xf32, #tpu.memory_space<vmem>>
    %dma_wait3A_466 = tpu.memref_squeeze %dma_wait3A_465 : memref<1x1x128x16xf32, #tpu.memory_space<vmem>> -> memref<128x16xf32, #tpu.memory_space<vmem>>
    %dma_wait3A_467 = arith.constant 0 : i32
    %dma_wait3A_468 = arith.constant 0 : i32
    %dma_wait3A_469 = tpu.memref_slice %arg2[%arg0, %dma_wait3A_467, %dma_wait3A_468] : memref<2x100096x16xf32, #tpu.memory_space<hbm>> -> memref<1x100096x16xf32, #tpu.memory_space<hbm>>
    %dma_wait3A_470 = tpu.memref_squeeze %dma_wait3A_469 : memref<1x100096x16xf32, #tpu.memory_space<hbm>> -> memref<100096x16xf32, #tpu.memory_space<hbm>>
    %dma_wait3A_471 = arith.constant 0 : i32
    %dma_wait3A_472 = arith.constant 0 : i32
    %dma_wait3A_473 = tpu.memref_slice %dma_wait3A_470[%dma_wait3A_471, %dma_wait3A_472] : memref<100096x16xf32, #tpu.memory_space<hbm>> -> memref<128x16xf32, #tpu.memory_space<hbm>>
    tpu.wait_dma2 semaphore(%arg11 : memref<!tpu.dma_semaphore, #tpu.memory_space<semaphore_mem>>) src(%dma_wait3A_473 : memref<128x16xf32, #tpu.memory_space<hbm>>) dst(%dma_wait3A_466 : memref<128x16xf32, #tpu.memory_space<vmem>>)
    %dma_wait3A_474 = arith.constant 3 : i32
    %dma_wait3A_475 = arith.constant 0 : i32
    %dma_wait3A_476 = arith.constant 0 : i32
    %dma_wait3A_477 = tpu.memref_slice %arg8[%rem3A_404, %dma_wait3A_474, %dma_wait3A_475, %dma_wait3A_476] : memref<3x4x128x16xf32, #tpu.memory_space<vmem>> -> memref<1x1x128x16xf32, #tpu.memory_space<vmem>>
    %dma_wait3A_478 = tpu.memref_squeeze %dma_wait3A_477 : memref<1x1x128x16xf32, #tpu.memory_space<vmem>> -> memref<128x16xf32, #tpu.memory_space<vmem>>
    %dma_wait3A_479 = arith.constant 0 : i32
    %dma_wait3A_480 = arith.constant 0 : i32
    %dma_wait3A_481 = tpu.memref_slice %arg2[%arg0, %dma_wait3A_479, %dma_wait3A_480] : memref<2x100096x16xf32, #tpu.memory_space<hbm>> -> memref<1x100096x16xf32, #tpu.memory_space<hbm>>
    %dma_wait3A_482 = tpu.memref_squeeze %dma_wait3A_481 : memref<1x100096x16xf32, #tpu.memory_space<hbm>> -> memref<100096x16xf32, #tpu.memory_space<hbm>>
    %dma_wait3A_483 = arith.constant 0 : i32
    %dma_wait3A_484 = arith.constant 0 : i32
    %dma_wait3A_485 = tpu.memref_slice %dma_wait3A_482[%dma_wait3A_483, %dma_wait3A_484] : memref<100096x16xf32, #tpu.memory_space<hbm>> -> memref<128x16xf32, #tpu.memory_space<hbm>>
    %dma_wait3A_486 = arith.constant 0 : i32
    %dma_wait3A_487 = arith.constant 0 : i32
    %dma_wait3A_488 = tpu.memref_slice %arg8[%rem3A_404, %dma_wait3A_474, %dma_wait3A_486, %dma_wait3A_487] : memref<3x4x128x16xf32, #tpu.memory_space<vmem>> -> memref<1x1x128x16xf32, #tpu.memory_space<vmem>>
    %dma_wait3A_489 = tpu.memref_squeeze %dma_wait3A_488 : memref<1x1x128x16xf32, #tpu.memory_space<vmem>> -> memref<128x16xf32, #tpu.memory_space<vmem>>
    %dma_wait3A_490 = arith.constant 0 : i32
    %dma_wait3A_491 = arith.constant 0 : i32
    %dma_wait3A_492 = tpu.memref_slice %arg2[%arg0, %dma_wait3A_490, %dma_wait3A_491] : memref<2x100096x16xf32, #tpu.memory_space<hbm>> -> memref<1x100096x16xf32, #tpu.memory_space<hbm>>
    %dma_wait3A_493 = tpu.memref_squeeze %dma_wait3A_492 : memref<1x100096x16xf32, #tpu.memory_space<hbm>> -> memref<100096x16xf32, #tpu.memory_space<hbm>>
    %dma_wait3A_494 = arith.constant 0 : i32
    %dma_wait3A_495 = arith.constant 0 : i32
    %dma_wait3A_496 = tpu.memref_slice %dma_wait3A_493[%dma_wait3A_494, %dma_wait3A_495] : memref<100096x16xf32, #tpu.memory_space<hbm>> -> memref<128x16xf32, #tpu.memory_space<hbm>>
    tpu.wait_dma2 semaphore(%arg11 : memref<!tpu.dma_semaphore, #tpu.memory_space<semaphore_mem>>) src(%dma_wait3A_496 : memref<128x16xf32, #tpu.memory_space<hbm>>) dst(%dma_wait3A_489 : memref<128x16xf32, #tpu.memory_space<vmem>>)
    %dma_wait3A_497 = arith.constant 0 : i32
    %dma_wait3A_498 = arith.constant 0 : i32
    %dma_wait3A_499 = arith.constant 0 : i32
    %dma_wait3A_500 = tpu.memref_slice %arg8[%rem3A_166, %dma_wait3A_497, %dma_wait3A_498, %dma_wait3A_499] : memref<3x4x128x16xf32, #tpu.memory_space<vmem>> -> memref<1x1x128x16xf32, #tpu.memory_space<vmem>>
    %dma_wait3A_501 = tpu.memref_squeeze %dma_wait3A_500 : memref<1x1x128x16xf32, #tpu.memory_space<vmem>> -> memref<128x16xf32, #tpu.memory_space<vmem>>
    %dma_wait3A_502 = arith.constant 0 : i32
    %dma_wait3A_503 = arith.constant 0 : i32
    %dma_wait3A_504 = tpu.memref_slice %arg2[%arg0, %dma_wait3A_502, %dma_wait3A_503] : memref<2x100096x16xf32, #tpu.memory_space<hbm>> -> memref<1x100096x16xf32, #tpu.memory_space<hbm>>
    %dma_wait3A_505 = tpu.memref_squeeze %dma_wait3A_504 : memref<1x100096x16xf32, #tpu.memory_space<hbm>> -> memref<100096x16xf32, #tpu.memory_space<hbm>>
    %dma_wait3A_506 = arith.constant 0 : i32
    %dma_wait3A_507 = arith.constant 0 : i32
    %dma_wait3A_508 = tpu.memref_slice %dma_wait3A_505[%dma_wait3A_506, %dma_wait3A_507] : memref<100096x16xf32, #tpu.memory_space<hbm>> -> memref<128x16xf32, #tpu.memory_space<hbm>>
    %dma_wait3A_509 = arith.constant 0 : i32
    %dma_wait3A_510 = arith.constant 0 : i32
    %dma_wait3A_511 = tpu.memref_slice %arg8[%rem3A_166, %dma_wait3A_497, %dma_wait3A_509, %dma_wait3A_510] : memref<3x4x128x16xf32, #tpu.memory_space<vmem>> -> memref<1x1x128x16xf32, #tpu.memory_space<vmem>>
    %dma_wait3A_512 = tpu.memref_squeeze %dma_wait3A_511 : memref<1x1x128x16xf32, #tpu.memory_space<vmem>> -> memref<128x16xf32, #tpu.memory_space<vmem>>
    %dma_wait3A_513 = arith.constant 0 : i32
    %dma_wait3A_514 = arith.constant 0 : i32
    %dma_wait3A_515 = tpu.memref_slice %arg2[%arg0, %dma_wait3A_513, %dma_wait3A_514] : memref<2x100096x16xf32, #tpu.memory_space<hbm>> -> memref<1x100096x16xf32, #tpu.memory_space<hbm>>
    %dma_wait3A_516 = tpu.memref_squeeze %dma_wait3A_515 : memref<1x100096x16xf32, #tpu.memory_space<hbm>> -> memref<100096x16xf32, #tpu.memory_space<hbm>>
    %dma_wait3A_517 = arith.constant 0 : i32
    %dma_wait3A_518 = arith.constant 0 : i32
    %dma_wait3A_519 = tpu.memref_slice %dma_wait3A_516[%dma_wait3A_517, %dma_wait3A_518] : memref<100096x16xf32, #tpu.memory_space<hbm>> -> memref<128x16xf32, #tpu.memory_space<hbm>>
    tpu.wait_dma2 semaphore(%arg11 : memref<!tpu.dma_semaphore, #tpu.memory_space<semaphore_mem>>) src(%dma_wait3A_519 : memref<128x16xf32, #tpu.memory_space<hbm>>) dst(%dma_wait3A_512 : memref<128x16xf32, #tpu.memory_space<vmem>>)
    %dma_wait3A_520 = arith.constant 1 : i32
    %dma_wait3A_521 = arith.constant 0 : i32
    %dma_wait3A_522 = arith.constant 0 : i32
    %dma_wait3A_523 = tpu.memref_slice %arg8[%rem3A_166, %dma_wait3A_520, %dma_wait3A_521, %dma_wait3A_522] : memref<3x4x128x16xf32, #tpu.memory_space<vmem>> -> memref<1x1x128x16xf32, #tpu.memory_space<vmem>>
    %dma_wait3A_524 = tpu.memref_squeeze %dma_wait3A_523 : memref<1x1x128x16xf32, #tpu.memory_space<vmem>> -> memref<128x16xf32, #tpu.memory_space<vmem>>
    %dma_wait3A_525 = arith.constant 0 : i32
    %dma_wait3A_526 = arith.constant 0 : i32
    %dma_wait3A_527 = tpu.memref_slice %arg2[%arg0, %dma_wait3A_525, %dma_wait3A_526] : memref<2x100096x16xf32, #tpu.memory_space<hbm>> -> memref<1x100096x16xf32, #tpu.memory_space<hbm>>
    %dma_wait3A_528 = tpu.memref_squeeze %dma_wait3A_527 : memref<1x100096x16xf32, #tpu.memory_space<hbm>> -> memref<100096x16xf32, #tpu.memory_space<hbm>>
    %dma_wait3A_529 = arith.constant 0 : i32
    %dma_wait3A_530 = arith.constant 0 : i32
    %dma_wait3A_531 = tpu.memref_slice %dma_wait3A_528[%dma_wait3A_529, %dma_wait3A_530] : memref<100096x16xf32, #tpu.memory_space<hbm>> -> memref<128x16xf32, #tpu.memory_space<hbm>>
    %dma_wait3A_532 = arith.constant 0 : i32
    %dma_wait3A_533 = arith.constant 0 : i32
    %dma_wait3A_534 = tpu.memref_slice %arg8[%rem3A_166, %dma_wait3A_520, %dma_wait3A_532, %dma_wait3A_533] : memref<3x4x128x16xf32, #tpu.memory_space<vmem>> -> memref<1x1x128x16xf32, #tpu.memory_space<vmem>>
    %dma_wait3A_535 = tpu.memref_squeeze %dma_wait3A_534 : memref<1x1x128x16xf32, #tpu.memory_space<vmem>> -> memref<128x16xf32, #tpu.memory_space<vmem>>
    %dma_wait3A_536 = arith.constant 0 : i32
    %dma_wait3A_537 = arith.constant 0 : i32
    %dma_wait3A_538 = tpu.memref_slice %arg2[%arg0, %dma_wait3A_536, %dma_wait3A_537] : memref<2x100096x16xf32, #tpu.memory_space<hbm>> -> memref<1x100096x16xf32, #tpu.memory_space<hbm>>
    %dma_wait3A_539 = tpu.memref_squeeze %dma_wait3A_538 : memref<1x100096x16xf32, #tpu.memory_space<hbm>> -> memref<100096x16xf32, #tpu.memory_space<hbm>>
    %dma_wait3A_540 = arith.constant 0 : i32
    %dma_wait3A_541 = arith.constant 0 : i32
    %dma_wait3A_542 = tpu.memref_slice %dma_wait3A_539[%dma_wait3A_540, %dma_wait3A_541] : memref<100096x16xf32, #tpu.memory_space<hbm>> -> memref<128x16xf32, #tpu.memory_space<hbm>>
    tpu.wait_dma2 semaphore(%arg11 : memref<!tpu.dma_semaphore, #tpu.memory_space<semaphore_mem>>) src(%dma_wait3A_542 : memref<128x16xf32, #tpu.memory_space<hbm>>) dst(%dma_wait3A_535 : memref<128x16xf32, #tpu.memory_space<vmem>>)
    %dma_wait3A_543 = arith.constant 2 : i32
    %dma_wait3A_544 = arith.constant 0 : i32
    %dma_wait3A_545 = arith.constant 0 : i32
    %dma_wait3A_546 = tpu.memref_slice %arg8[%rem3A_166, %dma_wait3A_543, %dma_wait3A_544, %dma_wait3A_545] : memref<3x4x128x16xf32, #tpu.memory_space<vmem>> -> memref<1x1x128x16xf32, #tpu.memory_space<vmem>>
    %dma_wait3A_547 = tpu.memref_squeeze %dma_wait3A_546 : memref<1x1x128x16xf32, #tpu.memory_space<vmem>> -> memref<128x16xf32, #tpu.memory_space<vmem>>
    %dma_wait3A_548 = arith.constant 0 : i32
    %dma_wait3A_549 = arith.constant 0 : i32
    %dma_wait3A_550 = tpu.memref_slice %arg2[%arg0, %dma_wait3A_548, %dma_wait3A_549] : memref<2x100096x16xf32, #tpu.memory_space<hbm>> -> memref<1x100096x16xf32, #tpu.memory_space<hbm>>
    %dma_wait3A_551 = tpu.memref_squeeze %dma_wait3A_550 : memref<1x100096x16xf32, #tpu.memory_space<hbm>> -> memref<100096x16xf32, #tpu.memory_space<hbm>>
    %dma_wait3A_552 = arith.constant 0 : i32
    %dma_wait3A_553 = arith.constant 0 : i32
    %dma_wait3A_554 = tpu.memref_slice %dma_wait3A_551[%dma_wait3A_552, %dma_wait3A_553] : memref<100096x16xf32, #tpu.memory_space<hbm>> -> memref<128x16xf32, #tpu.memory_space<hbm>>
    %dma_wait3A_555 = arith.constant 0 : i32
    %dma_wait3A_556 = arith.constant 0 : i32
    %dma_wait3A_557 = tpu.memref_slice %arg8[%rem3A_166, %dma_wait3A_543, %dma_wait3A_555, %dma_wait3A_556] : memref<3x4x128x16xf32, #tpu.memory_space<vmem>> -> memref<1x1x128x16xf32, #tpu.memory_space<vmem>>
    %dma_wait3A_558 = tpu.memref_squeeze %dma_wait3A_557 : memref<1x1x128x16xf32, #tpu.memory_space<vmem>> -> memref<128x16xf32, #tpu.memory_space<vmem>>
    %dma_wait3A_559 = arith.constant 0 : i32
    %dma_wait3A_560 = arith.constant 0 : i32
    %dma_wait3A_561 = tpu.memref_slice %arg2[%arg0, %dma_wait3A_559, %dma_wait3A_560] : memref<2x100096x16xf32, #tpu.memory_space<hbm>> -> memref<1x100096x16xf32, #tpu.memory_space<hbm>>
    %dma_wait3A_562 = tpu.memref_squeeze %dma_wait3A_561 : memref<1x100096x16xf32, #tpu.memory_space<hbm>> -> memref<100096x16xf32, #tpu.memory_space<hbm>>
    %dma_wait3A_563 = arith.constant 0 : i32
    %dma_wait3A_564 = arith.constant 0 : i32
    %dma_wait3A_565 = tpu.memref_slice %dma_wait3A_562[%dma_wait3A_563, %dma_wait3A_564] : memref<100096x16xf32, #tpu.memory_space<hbm>> -> memref<128x16xf32, #tpu.memory_space<hbm>>
    tpu.wait_dma2 semaphore(%arg11 : memref<!tpu.dma_semaphore, #tpu.memory_space<semaphore_mem>>) src(%dma_wait3A_565 : memref<128x16xf32, #tpu.memory_space<hbm>>) dst(%dma_wait3A_558 : memref<128x16xf32, #tpu.memory_space<vmem>>)
    %dma_wait3A_566 = arith.constant 3 : i32
    %dma_wait3A_567 = arith.constant 0 : i32
    %dma_wait3A_568 = arith.constant 0 : i32
    %dma_wait3A_569 = tpu.memref_slice %arg8[%rem3A_166, %dma_wait3A_566, %dma_wait3A_567, %dma_wait3A_568] : memref<3x4x128x16xf32, #tpu.memory_space<vmem>> -> memref<1x1x128x16xf32, #tpu.memory_space<vmem>>
    %dma_wait3A_570 = tpu.memref_squeeze %dma_wait3A_569 : memref<1x1x128x16xf32, #tpu.memory_space<vmem>> -> memref<128x16xf32, #tpu.memory_space<vmem>>
    %dma_wait3A_571 = arith.constant 0 : i32
    %dma_wait3A_572 = arith.constant 0 : i32
    %dma_wait3A_573 = tpu.memref_slice %arg2[%arg0, %dma_wait3A_571, %dma_wait3A_572] : memref<2x100096x16xf32, #tpu.memory_space<hbm>> -> memref<1x100096x16xf32, #tpu.memory_space<hbm>>
    %dma_wait3A_574 = tpu.memref_squeeze %dma_wait3A_573 : memref<1x100096x16xf32, #tpu.memory_space<hbm>> -> memref<100096x16xf32, #tpu.memory_space<hbm>>
    %dma_wait3A_575 = arith.constant 0 : i32
    %dma_wait3A_576 = arith.constant 0 : i32
    %dma_wait3A_577 = tpu.memref_slice %dma_wait3A_574[%dma_wait3A_575, %dma_wait3A_576] : memref<100096x16xf32, #tpu.memory_space<hbm>> -> memref<128x16xf32, #tpu.memory_space<hbm>>
    %dma_wait3A_578 = arith.constant 0 : i32
    %dma_wait3A_579 = arith.constant 0 : i32
    %dma_wait3A_580 = tpu.memref_slice %arg8[%rem3A_166, %dma_wait3A_566, %dma_wait3A_578, %dma_wait3A_579] : memref<3x4x128x16xf32, #tpu.memory_space<vmem>> -> memref<1x1x128x16xf32, #tpu.memory_space<vmem>>
    %dma_wait3A_581 = tpu.memref_squeeze %dma_wait3A_580 : memref<1x1x128x16xf32, #tpu.memory_space<vmem>> -> memref<128x16xf32, #tpu.memory_space<vmem>>
    %dma_wait3A_582 = arith.constant 0 : i32
    %dma_wait3A_583 = arith.constant 0 : i32
    %dma_wait3A_584 = tpu.memref_slice %arg2[%arg0, %dma_wait3A_582, %dma_wait3A_583] : memref<2x100096x16xf32, #tpu.memory_space<hbm>> -> memref<1x100096x16xf32, #tpu.memory_space<hbm>>
    %dma_wait3A_585 = tpu.memref_squeeze %dma_wait3A_584 : memref<1x100096x16xf32, #tpu.memory_space<hbm>> -> memref<100096x16xf32, #tpu.memory_space<hbm>>
    %dma_wait3A_586 = arith.constant 0 : i32
    %dma_wait3A_587 = arith.constant 0 : i32
    %dma_wait3A_588 = tpu.memref_slice %dma_wait3A_585[%dma_wait3A_586, %dma_wait3A_587] : memref<100096x16xf32, #tpu.memory_space<hbm>> -> memref<128x16xf32, #tpu.memory_space<hbm>>
    tpu.wait_dma2 semaphore(%arg11 : memref<!tpu.dma_semaphore, #tpu.memory_space<semaphore_mem>>) src(%dma_wait3A_588 : memref<128x16xf32, #tpu.memory_space<hbm>>) dst(%dma_wait3A_581 : memref<128x16xf32, #tpu.memory_space<vmem>>)
    %barrier3A_589 = arith.constant 0 : index
    tpu.barrier barrier_id(%barrier3A_589)
    %mul3A_590 = arith.constant 6256 : i32
    %mul3A_591 = arith.muli %arg1, %mul3A_590 : i32
    %mul3A_592 = arith.constant 6256 : i32
    %mul3A_593 = arith.muli %arg1, %mul3A_592 : i32
    "tpu.region"() ({
      %run_scoped3A = tpu.sem_alloc : memref<!tpu.dma_semaphore, #tpu.memory_space<semaphore_mem>>
      %dma_start3A_594 = arith.constant 0 : i32
      %dma_start3A_595 = arith.constant 0 : i32
      %dma_start3A_596 = tpu.memref_slice %arg5[%arg0, %dma_start3A_594, %dma_start3A_595] : memref<2x100096x16xf32, #tpu.memory_space<hbm>> -> memref<1x100096x16xf32, #tpu.memory_space<hbm>>
      %dma_start3A_597 = tpu.memref_squeeze %dma_start3A_596 : memref<1x100096x16xf32, #tpu.memory_space<hbm>> -> memref<100096x16xf32, #tpu.memory_space<hbm>>
      %dma_start3A_598 = arith.constant 0 : i32
      %dma_start3A_599 = tpu.memref_slice %dma_start3A_597[%mul3A_593, %dma_start3A_598] : memref<100096x16xf32, #tpu.memory_space<hbm>> -> memref<6256x16xf32, #tpu.memory_space<hbm>>
      %dma_start3A_600 = arith.constant 0 : i32
      %dma_start3A_601 = tpu.memref_slice %arg9[%mul3A_591, %dma_start3A_600] : memref<100112x16xf32, #tpu.memory_space<vmem_shared>> -> memref<6256x16xf32, #tpu.memory_space<vmem_shared>>
      tpu.enqueue_dma source(%dma_start3A_601 : memref<6256x16xf32, #tpu.memory_space<vmem_shared>>) target(%dma_start3A_599 : memref<6256x16xf32, #tpu.memory_space<hbm>>) target_semaphore(%run_scoped3A : memref<!tpu.dma_semaphore, #tpu.memory_space<semaphore_mem>>)
      %dma_wait3A_602 = arith.constant 0 : i32
      %dma_wait3A_603 = arith.constant 0 : i32
      %dma_wait3A_604 = tpu.memref_slice %arg5[%arg0, %dma_wait3A_602, %dma_wait3A_603] : memref<2x100096x16xf32, #tpu.memory_space<hbm>> -> memref<1x100096x16xf32, #tpu.memory_space<hbm>>
      %dma_wait3A_605 = tpu.memref_squeeze %dma_wait3A_604 : memref<1x100096x16xf32, #tpu.memory_space<hbm>> -> memref<100096x16xf32, #tpu.memory_space<hbm>>
      %dma_wait3A_606 = arith.constant 0 : i32
      %dma_wait3A_607 = tpu.memref_slice %dma_wait3A_605[%mul3A_593, %dma_wait3A_606] : memref<100096x16xf32, #tpu.memory_space<hbm>> -> memref<6256x16xf32, #tpu.memory_space<hbm>>
      %dma_wait3A_608 = arith.constant 0 : i32
      %dma_wait3A_609 = tpu.memref_slice %arg9[%mul3A_591, %dma_wait3A_608] : memref<100112x16xf32, #tpu.memory_space<vmem_shared>> -> memref<6256x16xf32, #tpu.memory_space<vmem_shared>>
      tpu.wait_dma2 semaphore(%run_scoped3A : memref<!tpu.dma_semaphore, #tpu.memory_space<semaphore_mem>>) src(%dma_wait3A_609 : memref<6256x16xf32, #tpu.memory_space<vmem_shared>>) dst(%dma_wait3A_607 : memref<6256x16xf32, #tpu.memory_space<hbm>>)
      tpu.yield
    }) : () -> ()
    return
  }
}

#map = affine_map<(d0, d1) -> (0, 0, 0)>
#map1 = affine_map<(d0, d1) -> (0, 0)>
module attributes {stable_mosaic.version = 14 : i64} {
  func.func @_agg_body(%arg0: i32, %arg1: i32, %arg2: memref<2x100096x16xf32, #tpu.memory_space<hbm>>, %arg3: memref<12548x128xi32, #tpu.memory_space<hbm>>, %arg4: memref<12548x128xi32, #tpu.memory_space<hbm>>, %arg5: memref<2x100096x16xf32, #tpu.memory_space<hbm>>, %arg6: memref<3x4x128xi32, #tpu.memory_space<vmem>>, %arg7: memref<3x4x128xi32, #tpu.memory_space<vmem>>, %arg8: memref<3x4x128x16xf32, #tpu.memory_space<vmem>>, %arg9: memref<100112x16xf32, #tpu.memory_space<vmem_shared>>, %arg10: memref<!tpu.dma_semaphore, #tpu.memory_space<semaphore_mem>>, %arg11: memref<!tpu.dma_semaphore, #tpu.memory_space<semaphore_mem>>, %arg12: memref<!tpu.dma_semaphore, #tpu.memory_space<semaphore_mem>>) attributes {dimension_semantics = [#tpu.dimension_semantics<core_parallel>, #tpu.dimension_semantics<subcore_parallel>], iteration_bounds = array<i64: 2, 16>, scalar_prefetch = 0 : i64, scratch_operands = 7 : i64, tpu.core_type = #tpu.core_type<sc_vector_subcore>, window_params = [{transform_indices = #map}, {transform_indices = #map1}, {transform_indices = #map1}, {transform_indices = #map}]} {
    %mul3A = arith.constant 6256 : i32
    %mul3A_0 = arith.muli %arg1, %mul3A : i32
    %mul3A_1 = arith.constant 6256 : i32
    %mul3A_2 = arith.muli %arg1, %mul3A_1 : i32
    "tpu.region"() ({
      %run_scoped3A = tpu.sem_alloc : memref<!tpu.dma_semaphore, #tpu.memory_space<semaphore_mem>>
      %dma_start3A_594 = arith.constant 0 : i32
      %dma_start3A_595 = tpu.memref_slice %arg9[%mul3A_2, %dma_start3A_594] : memref<100112x16xf32, #tpu.memory_space<vmem_shared>> -> memref<6256x16xf32, #tpu.memory_space<vmem_shared>>
      %dma_start3A_596 = arith.constant 0 : i32
      %dma_start3A_597 = arith.constant 0 : i32
      %dma_start3A_598 = tpu.memref_slice %arg2[%arg0, %dma_start3A_596, %dma_start3A_597] : memref<2x100096x16xf32, #tpu.memory_space<hbm>> -> memref<1x100096x16xf32, #tpu.memory_space<hbm>>
      %dma_start3A_599 = tpu.memref_squeeze %dma_start3A_598 : memref<1x100096x16xf32, #tpu.memory_space<hbm>> -> memref<100096x16xf32, #tpu.memory_space<hbm>>
      %dma_start3A_600 = arith.constant 0 : i32
      %dma_start3A_601 = tpu.memref_slice %dma_start3A_599[%mul3A_0, %dma_start3A_600] : memref<100096x16xf32, #tpu.memory_space<hbm>> -> memref<6256x16xf32, #tpu.memory_space<hbm>>
      tpu.enqueue_dma source(%dma_start3A_601 : memref<6256x16xf32, #tpu.memory_space<hbm>>) target(%dma_start3A_595 : memref<6256x16xf32, #tpu.memory_space<vmem_shared>>) target_semaphore(%run_scoped3A : memref<!tpu.dma_semaphore, #tpu.memory_space<semaphore_mem>>)
      %dma_wait3A_602 = arith.constant 0 : i32
      %dma_wait3A_603 = tpu.memref_slice %arg9[%mul3A_2, %dma_wait3A_602] : memref<100112x16xf32, #tpu.memory_space<vmem_shared>> -> memref<6256x16xf32, #tpu.memory_space<vmem_shared>>
      %dma_wait3A_604 = arith.constant 0 : i32
      %dma_wait3A_605 = arith.constant 0 : i32
      %dma_wait3A_606 = tpu.memref_slice %arg2[%arg0, %dma_wait3A_604, %dma_wait3A_605] : memref<2x100096x16xf32, #tpu.memory_space<hbm>> -> memref<1x100096x16xf32, #tpu.memory_space<hbm>>
      %dma_wait3A_607 = tpu.memref_squeeze %dma_wait3A_606 : memref<1x100096x16xf32, #tpu.memory_space<hbm>> -> memref<100096x16xf32, #tpu.memory_space<hbm>>
      %dma_wait3A_608 = arith.constant 0 : i32
      %dma_wait3A_609 = tpu.memref_slice %dma_wait3A_607[%mul3A_0, %dma_wait3A_608] : memref<100096x16xf32, #tpu.memory_space<hbm>> -> memref<6256x16xf32, #tpu.memory_space<hbm>>
      tpu.wait_dma2 semaphore(%run_scoped3A : memref<!tpu.dma_semaphore, #tpu.memory_space<semaphore_mem>>) src(%dma_wait3A_609 : memref<6256x16xf32, #tpu.memory_space<hbm>>) dst(%dma_wait3A_603 : memref<6256x16xf32, #tpu.memory_space<vmem_shared>>)
      tpu.yield
    }) : () -> ()
    %barrier3A = arith.constant 0 : index
    tpu.barrier barrier_id(%barrier3A)
    %mul3A_3 = arith.constant 784 : i32
    %mul3A_4 = arith.muli %arg1, %mul3A_3 : i32
    %add3A = arith.constant 0 : i32
    %add3A_5 = arith.addi %mul3A_4, %add3A : i32
    %dma_start3A = arith.constant 0 : i32
    %dma_start3A_6 = arith.constant 0 : i32
    %dma_start3A_7 = arith.constant 0 : i32
    %dma_start3A_8 = tpu.memref_slice %arg6[%dma_start3A, %dma_start3A_6, %dma_start3A_7] : memref<3x4x128xi32, #tpu.memory_space<vmem>> -> memref<1x4x128xi32, #tpu.memory_space<vmem>>
    %dma_start3A_9 = tpu.memref_squeeze %dma_start3A_8 : memref<1x4x128xi32, #tpu.memory_space<vmem>> -> memref<4x128xi32, #tpu.memory_space<vmem>>
    %dma_start3A_10 = arith.constant 0 : i32
    %dma_start3A_11 = tpu.memref_slice %arg3[%add3A_5, %dma_start3A_10] : memref<12548x128xi32, #tpu.memory_space<hbm>> -> memref<4x128xi32, #tpu.memory_space<hbm>>
    %dma_start3A_12 = arith.constant 0 : i32
    %dma_start3A_13 = arith.constant 0 : i32
    %dma_start3A_14 = tpu.memref_slice %arg6[%dma_start3A, %dma_start3A_12, %dma_start3A_13] : memref<3x4x128xi32, #tpu.memory_space<vmem>> -> memref<1x4x128xi32, #tpu.memory_space<vmem>>
    %dma_start3A_15 = tpu.memref_squeeze %dma_start3A_14 : memref<1x4x128xi32, #tpu.memory_space<vmem>> -> memref<4x128xi32, #tpu.memory_space<vmem>>
    %dma_start3A_16 = arith.constant 0 : i32
    %dma_start3A_17 = tpu.memref_slice %arg3[%add3A_5, %dma_start3A_16] : memref<12548x128xi32, #tpu.memory_space<hbm>> -> memref<4x128xi32, #tpu.memory_space<hbm>>
    tpu.enqueue_dma source(%dma_start3A_17 : memref<4x128xi32, #tpu.memory_space<hbm>>) target(%dma_start3A_15 : memref<4x128xi32, #tpu.memory_space<vmem>>) target_semaphore(%arg12 : memref<!tpu.dma_semaphore, #tpu.memory_space<semaphore_mem>>)
    %dma_start3A_18 = arith.constant 0 : i32
    %dma_start3A_19 = arith.constant 0 : i32
    %dma_start3A_20 = arith.constant 0 : i32
    %dma_start3A_21 = tpu.memref_slice %arg7[%dma_start3A_18, %dma_start3A_19, %dma_start3A_20] : memref<3x4x128xi32, #tpu.memory_space<vmem>> -> memref<1x4x128xi32, #tpu.memory_space<vmem>>
    %dma_start3A_22 = tpu.memref_squeeze %dma_start3A_21 : memref<1x4x128xi32, #tpu.memory_space<vmem>> -> memref<4x128xi32, #tpu.memory_space<vmem>>
    %dma_start3A_23 = arith.constant 0 : i32
    %dma_start3A_24 = tpu.memref_slice %arg4[%add3A_5, %dma_start3A_23] : memref<12548x128xi32, #tpu.memory_space<hbm>> -> memref<4x128xi32, #tpu.memory_space<hbm>>
    %dma_start3A_25 = arith.constant 0 : i32
    %dma_start3A_26 = arith.constant 0 : i32
    %dma_start3A_27 = tpu.memref_slice %arg7[%dma_start3A_18, %dma_start3A_25, %dma_start3A_26] : memref<3x4x128xi32, #tpu.memory_space<vmem>> -> memref<1x4x128xi32, #tpu.memory_space<vmem>>
    %dma_start3A_28 = tpu.memref_squeeze %dma_start3A_27 : memref<1x4x128xi32, #tpu.memory_space<vmem>> -> memref<4x128xi32, #tpu.memory_space<vmem>>
    %dma_start3A_29 = arith.constant 0 : i32
    %dma_start3A_30 = tpu.memref_slice %arg4[%add3A_5, %dma_start3A_29] : memref<12548x128xi32, #tpu.memory_space<hbm>> -> memref<4x128xi32, #tpu.memory_space<hbm>>
    tpu.enqueue_dma source(%dma_start3A_30 : memref<4x128xi32, #tpu.memory_space<hbm>>) target(%dma_start3A_28 : memref<4x128xi32, #tpu.memory_space<vmem>>) target_semaphore(%arg12 : memref<!tpu.dma_semaphore, #tpu.memory_space<semaphore_mem>>)
    %dma_wait3A = arith.constant 0 : i32
    %dma_wait3A_31 = arith.constant 0 : i32
    %dma_wait3A_32 = arith.constant 0 : i32
    %dma_wait3A_33 = tpu.memref_slice %arg6[%dma_wait3A, %dma_wait3A_31, %dma_wait3A_32] : memref<3x4x128xi32, #tpu.memory_space<vmem>> -> memref<1x4x128xi32, #tpu.memory_space<vmem>>
    %dma_wait3A_34 = tpu.memref_squeeze %dma_wait3A_33 : memref<1x4x128xi32, #tpu.memory_space<vmem>> -> memref<4x128xi32, #tpu.memory_space<vmem>>
    %dma_wait3A_35 = arith.constant 0 : i32
    %dma_wait3A_36 = arith.constant 0 : i32
    %dma_wait3A_37 = tpu.memref_slice %arg3[%dma_wait3A_35, %dma_wait3A_36] : memref<12548x128xi32, #tpu.memory_space<hbm>> -> memref<4x128xi32, #tpu.memory_space<hbm>>
    %dma_wait3A_38 = arith.constant 0 : i32
    %dma_wait3A_39 = arith.constant 0 : i32
    %dma_wait3A_40 = tpu.memref_slice %arg6[%dma_wait3A, %dma_wait3A_38, %dma_wait3A_39] : memref<3x4x128xi32, #tpu.memory_space<vmem>> -> memref<1x4x128xi32, #tpu.memory_space<vmem>>
    %dma_wait3A_41 = tpu.memref_squeeze %dma_wait3A_40 : memref<1x4x128xi32, #tpu.memory_space<vmem>> -> memref<4x128xi32, #tpu.memory_space<vmem>>
    %dma_wait3A_42 = arith.constant 0 : i32
    %dma_wait3A_43 = arith.constant 0 : i32
    %dma_wait3A_44 = tpu.memref_slice %arg3[%dma_wait3A_42, %dma_wait3A_43] : memref<12548x128xi32, #tpu.memory_space<hbm>> -> memref<4x128xi32, #tpu.memory_space<hbm>>
    tpu.wait_dma2 semaphore(%arg12 : memref<!tpu.dma_semaphore, #tpu.memory_space<semaphore_mem>>) src(%dma_wait3A_44 : memref<4x128xi32, #tpu.memory_space<hbm>>) dst(%dma_wait3A_41 : memref<4x128xi32, #tpu.memory_space<vmem>>)
    %dma_wait3A_45 = arith.constant 0 : i32
    %dma_wait3A_46 = arith.constant 0 : i32
    %dma_wait3A_47 = arith.constant 0 : i32
    %dma_wait3A_48 = tpu.memref_slice %arg7[%dma_wait3A_45, %dma_wait3A_46, %dma_wait3A_47] : memref<3x4x128xi32, #tpu.memory_space<vmem>> -> memref<1x4x128xi32, #tpu.memory_space<vmem>>
    %dma_wait3A_49 = tpu.memref_squeeze %dma_wait3A_48 : memref<1x4x128xi32, #tpu.memory_space<vmem>> -> memref<4x128xi32, #tpu.memory_space<vmem>>
    %dma_wait3A_50 = arith.constant 0 : i32
    %dma_wait3A_51 = arith.constant 0 : i32
    %dma_wait3A_52 = tpu.memref_slice %arg3[%dma_wait3A_50, %dma_wait3A_51] : memref<12548x128xi32, #tpu.memory_space<hbm>> -> memref<4x128xi32, #tpu.memory_space<hbm>>
    %dma_wait3A_53 = arith.constant 0 : i32
    %dma_wait3A_54 = arith.constant 0 : i32
    %dma_wait3A_55 = tpu.memref_slice %arg7[%dma_wait3A_45, %dma_wait3A_53, %dma_wait3A_54] : memref<3x4x128xi32, #tpu.memory_space<vmem>> -> memref<1x4x128xi32, #tpu.memory_space<vmem>>
    %dma_wait3A_56 = tpu.memref_squeeze %dma_wait3A_55 : memref<1x4x128xi32, #tpu.memory_space<vmem>> -> memref<4x128xi32, #tpu.memory_space<vmem>>
    %dma_wait3A_57 = arith.constant 0 : i32
    %dma_wait3A_58 = arith.constant 0 : i32
    %dma_wait3A_59 = tpu.memref_slice %arg3[%dma_wait3A_57, %dma_wait3A_58] : memref<12548x128xi32, #tpu.memory_space<hbm>> -> memref<4x128xi32, #tpu.memory_space<hbm>>
    tpu.wait_dma2 semaphore(%arg12 : memref<!tpu.dma_semaphore, #tpu.memory_space<semaphore_mem>>) src(%dma_wait3A_59 : memref<4x128xi32, #tpu.memory_space<hbm>>) dst(%dma_wait3A_56 : memref<4x128xi32, #tpu.memory_space<vmem>>)
    %dma_start3A_60 = arith.constant 0 : i32
    %dma_start3A_61 = arith.constant 0 : i32
    %dma_start3A_62 = arith.constant 0 : i32
    %dma_start3A_63 = arith.constant 0 : i32
    %dma_start3A_64 = arith.constant 0 : i32
    %dma_start3A_65 = arith.constant 0 : i32
    %dma_start3A_66 = tpu.memref_slice %arg8[%dma_start3A_62, %dma_start3A_63, %dma_start3A_64, %dma_start3A_65] : memref<3x4x128x16xf32, #tpu.memory_space<vmem>> -> memref<1x1x128x16xf32, #tpu.memory_space<vmem>>
    %dma_start3A_67 = tpu.memref_squeeze %dma_start3A_66 : memref<1x1x128x16xf32, #tpu.memory_space<vmem>> -> memref<128x16xf32, #tpu.memory_space<vmem>>
    %dma_start3A_68 = arith.constant 0 : i32
    %dma_start3A_69 = tpu.memref_slice %arg6[%dma_start3A_60, %dma_start3A_61, %dma_start3A_68] : memref<3x4x128xi32, #tpu.memory_space<vmem>> -> memref<1x1x128xi32, #tpu.memory_space<vmem>>
    %dma_start3A_70 = tpu.memref_squeeze %dma_start3A_69 : memref<1x1x128xi32, #tpu.memory_space<vmem>> -> memref<128xi32, #tpu.memory_space<vmem>>
    %dma_start3A_71 = arith.constant 0 : i32
    %dma_start3A_72 = arith.constant 0 : i32
    %dma_start3A_73 = tpu.memref_slice %arg2[%arg0, %dma_start3A_71, %dma_start3A_72] : memref<2x100096x16xf32, #tpu.memory_space<hbm>> -> memref<1x100096x16xf32, #tpu.memory_space<hbm>>
    %dma_start3A_74 = tpu.memref_squeeze %dma_start3A_73 : memref<1x100096x16xf32, #tpu.memory_space<hbm>> -> memref<100096x16xf32, #tpu.memory_space<hbm>>
    %dma_start3A_75 = arith.constant 0 : i32
    %dma_start3A_76 = arith.constant 0 : i32
    %dma_start3A_77 = tpu.memref_slice %dma_start3A_74[%dma_start3A_75, %dma_start3A_76] : memref<100096x16xf32, #tpu.memory_space<hbm>> -> memref<100096x16xf32, #tpu.memory_space<hbm>>
    tpu.enqueue_indirect_dma source(%dma_start3A_77 : memref<100096x16xf32, #tpu.memory_space<hbm>>) target(%dma_start3A_67 : memref<128x16xf32, #tpu.memory_space<vmem>>) offsets(%dma_start3A_70 : memref<128xi32, #tpu.memory_space<vmem>>) semaphore(%arg10 : memref<!tpu.dma_semaphore, #tpu.memory_space<semaphore_mem>>)
    %dma_start3A_78 = arith.constant 0 : i32
    %dma_start3A_79 = arith.constant 1 : i32
    %dma_start3A_80 = arith.constant 0 : i32
    %dma_start3A_81 = arith.constant 1 : i32
    %dma_start3A_82 = arith.constant 0 : i32
    %dma_start3A_83 = arith.constant 0 : i32
    %dma_start3A_84 = tpu.memref_slice %arg8[%dma_start3A_80, %dma_start3A_81, %dma_start3A_82, %dma_start3A_83] : memref<3x4x128x16xf32, #tpu.memory_space<vmem>> -> memref<1x1x128x16xf32, #tpu.memory_space<vmem>>
    %dma_start3A_85 = tpu.memref_squeeze %dma_start3A_84 : memref<1x1x128x16xf32, #tpu.memory_space<vmem>> -> memref<128x16xf32, #tpu.memory_space<vmem>>
    %dma_start3A_86 = arith.constant 0 : i32
    %dma_start3A_87 = tpu.memref_slice %arg6[%dma_start3A_78, %dma_start3A_79, %dma_start3A_86] : memref<3x4x128xi32, #tpu.memory_space<vmem>> -> memref<1x1x128xi32, #tpu.memory_space<vmem>>
    %dma_start3A_88 = tpu.memref_squeeze %dma_start3A_87 : memref<1x1x128xi32, #tpu.memory_space<vmem>> -> memref<128xi32, #tpu.memory_space<vmem>>
    %dma_start3A_89 = arith.constant 0 : i32
    %dma_start3A_90 = arith.constant 0 : i32
    %dma_start3A_91 = tpu.memref_slice %arg2[%arg0, %dma_start3A_89, %dma_start3A_90] : memref<2x100096x16xf32, #tpu.memory_space<hbm>> -> memref<1x100096x16xf32, #tpu.memory_space<hbm>>
    %dma_start3A_92 = tpu.memref_squeeze %dma_start3A_91 : memref<1x100096x16xf32, #tpu.memory_space<hbm>> -> memref<100096x16xf32, #tpu.memory_space<hbm>>
    %dma_start3A_93 = arith.constant 0 : i32
    %dma_start3A_94 = arith.constant 0 : i32
    %dma_start3A_95 = tpu.memref_slice %dma_start3A_92[%dma_start3A_93, %dma_start3A_94] : memref<100096x16xf32, #tpu.memory_space<hbm>> -> memref<100096x16xf32, #tpu.memory_space<hbm>>
    tpu.enqueue_indirect_dma source(%dma_start3A_95 : memref<100096x16xf32, #tpu.memory_space<hbm>>) target(%dma_start3A_85 : memref<128x16xf32, #tpu.memory_space<vmem>>) offsets(%dma_start3A_88 : memref<128xi32, #tpu.memory_space<vmem>>) semaphore(%arg10 : memref<!tpu.dma_semaphore, #tpu.memory_space<semaphore_mem>>)
    %dma_start3A_96 = arith.constant 0 : i32
    %dma_start3A_97 = arith.constant 2 : i32
    %dma_start3A_98 = arith.constant 0 : i32
    %dma_start3A_99 = arith.constant 2 : i32
    %dma_start3A_100 = arith.constant 0 : i32
    %dma_start3A_101 = arith.constant 0 : i32
    %dma_start3A_102 = tpu.memref_slice %arg8[%dma_start3A_98, %dma_start3A_99, %dma_start3A_100, %dma_start3A_101] : memref<3x4x128x16xf32, #tpu.memory_space<vmem>> -> memref<1x1x128x16xf32, #tpu.memory_space<vmem>>
    %dma_start3A_103 = tpu.memref_squeeze %dma_start3A_102 : memref<1x1x128x16xf32, #tpu.memory_space<vmem>> -> memref<128x16xf32, #tpu.memory_space<vmem>>
    %dma_start3A_104 = arith.constant 0 : i32
    %dma_start3A_105 = tpu.memref_slice %arg6[%dma_start3A_96, %dma_start3A_97, %dma_start3A_104] : memref<3x4x128xi32, #tpu.memory_space<vmem>> -> memref<1x1x128xi32, #tpu.memory_space<vmem>>
    %dma_start3A_106 = tpu.memref_squeeze %dma_start3A_105 : memref<1x1x128xi32, #tpu.memory_space<vmem>> -> memref<128xi32, #tpu.memory_space<vmem>>
    %dma_start3A_107 = arith.constant 0 : i32
    %dma_start3A_108 = arith.constant 0 : i32
    %dma_start3A_109 = tpu.memref_slice %arg2[%arg0, %dma_start3A_107, %dma_start3A_108] : memref<2x100096x16xf32, #tpu.memory_space<hbm>> -> memref<1x100096x16xf32, #tpu.memory_space<hbm>>
    %dma_start3A_110 = tpu.memref_squeeze %dma_start3A_109 : memref<1x100096x16xf32, #tpu.memory_space<hbm>> -> memref<100096x16xf32, #tpu.memory_space<hbm>>
    %dma_start3A_111 = arith.constant 0 : i32
    %dma_start3A_112 = arith.constant 0 : i32
    %dma_start3A_113 = tpu.memref_slice %dma_start3A_110[%dma_start3A_111, %dma_start3A_112] : memref<100096x16xf32, #tpu.memory_space<hbm>> -> memref<100096x16xf32, #tpu.memory_space<hbm>>
    tpu.enqueue_indirect_dma source(%dma_start3A_113 : memref<100096x16xf32, #tpu.memory_space<hbm>>) target(%dma_start3A_103 : memref<128x16xf32, #tpu.memory_space<vmem>>) offsets(%dma_start3A_106 : memref<128xi32, #tpu.memory_space<vmem>>) semaphore(%arg10 : memref<!tpu.dma_semaphore, #tpu.memory_space<semaphore_mem>>)
    %dma_start3A_114 = arith.constant 0 : i32
    %dma_start3A_115 = arith.constant 3 : i32
    %dma_start3A_116 = arith.constant 0 : i32
    %dma_start3A_117 = arith.constant 3 : i32
    %dma_start3A_118 = arith.constant 0 : i32
    %dma_start3A_119 = arith.constant 0 : i32
    %dma_start3A_120 = tpu.memref_slice %arg8[%dma_start3A_116, %dma_start3A_117, %dma_start3A_118, %dma_start3A_119] : memref<3x4x128x16xf32, #tpu.memory_space<vmem>> -> memref<1x1x128x16xf32, #tpu.memory_space<vmem>>
    %dma_start3A_121 = tpu.memref_squeeze %dma_start3A_120 : memref<1x1x128x16xf32, #tpu.memory_space<vmem>> -> memref<128x16xf32, #tpu.memory_space<vmem>>
    %dma_start3A_122 = arith.constant 0 : i32
    %dma_start3A_123 = tpu.memref_slice %arg6[%dma_start3A_114, %dma_start3A_115, %dma_start3A_122] : memref<3x4x128xi32, #tpu.memory_space<vmem>> -> memref<1x1x128xi32, #tpu.memory_space<vmem>>
    %dma_start3A_124 = tpu.memref_squeeze %dma_start3A_123 : memref<1x1x128xi32, #tpu.memory_space<vmem>> -> memref<128xi32, #tpu.memory_space<vmem>>
    %dma_start3A_125 = arith.constant 0 : i32
    %dma_start3A_126 = arith.constant 0 : i32
    %dma_start3A_127 = tpu.memref_slice %arg2[%arg0, %dma_start3A_125, %dma_start3A_126] : memref<2x100096x16xf32, #tpu.memory_space<hbm>> -> memref<1x100096x16xf32, #tpu.memory_space<hbm>>
    %dma_start3A_128 = tpu.memref_squeeze %dma_start3A_127 : memref<1x100096x16xf32, #tpu.memory_space<hbm>> -> memref<100096x16xf32, #tpu.memory_space<hbm>>
    %dma_start3A_129 = arith.constant 0 : i32
    %dma_start3A_130 = arith.constant 0 : i32
    %dma_start3A_131 = tpu.memref_slice %dma_start3A_128[%dma_start3A_129, %dma_start3A_130] : memref<100096x16xf32, #tpu.memory_space<hbm>> -> memref<100096x16xf32, #tpu.memory_space<hbm>>
    tpu.enqueue_indirect_dma source(%dma_start3A_131 : memref<100096x16xf32, #tpu.memory_space<hbm>>) target(%dma_start3A_121 : memref<128x16xf32, #tpu.memory_space<vmem>>) offsets(%dma_start3A_124 : memref<128xi32, #tpu.memory_space<vmem>>) semaphore(%arg10 : memref<!tpu.dma_semaphore, #tpu.memory_space<semaphore_mem>>)
    %add3A_132 = arith.constant 4 : i32
    %add3A_133 = arith.addi %mul3A_4, %add3A_132 : i32
    %dma_start3A_134 = arith.constant 1 : i32
    %dma_start3A_135 = arith.constant 0 : i32
    %dma_start3A_136 = arith.constant 0 : i32
    %dma_start3A_137 = tpu.memref_slice %arg6[%dma_start3A_134, %dma_start3A_135, %dma_start3A_136] : memref<3x4x128xi32, #tpu.memory_space<vmem>> -> memref<1x4x128xi32, #tpu.memory_space<vmem>>
    %dma_start3A_138 = tpu.memref_squeeze %dma_start3A_137 : memref<1x4x128xi32, #tpu.memory_space<vmem>> -> memref<4x128xi32, #tpu.memory_space<vmem>>
    %dma_start3A_139 = arith.constant 0 : i32
    %dma_start3A_140 = tpu.memref_slice %arg3[%add3A_133, %dma_start3A_139] : memref<12548x128xi32, #tpu.memory_space<hbm>> -> memref<4x128xi32, #tpu.memory_space<hbm>>
    %dma_start3A_141 = arith.constant 0 : i32
    %dma_start3A_142 = arith.constant 0 : i32
    %dma_start3A_143 = tpu.memref_slice %arg6[%dma_start3A_134, %dma_start3A_141, %dma_start3A_142] : memref<3x4x128xi32, #tpu.memory_space<vmem>> -> memref<1x4x128xi32, #tpu.memory_space<vmem>>
    %dma_start3A_144 = tpu.memref_squeeze %dma_start3A_143 : memref<1x4x128xi32, #tpu.memory_space<vmem>> -> memref<4x128xi32, #tpu.memory_space<vmem>>
    %dma_start3A_145 = arith.constant 0 : i32
    %dma_start3A_146 = tpu.memref_slice %arg3[%add3A_133, %dma_start3A_145] : memref<12548x128xi32, #tpu.memory_space<hbm>> -> memref<4x128xi32, #tpu.memory_space<hbm>>
    tpu.enqueue_dma source(%dma_start3A_146 : memref<4x128xi32, #tpu.memory_space<hbm>>) target(%dma_start3A_144 : memref<4x128xi32, #tpu.memory_space<vmem>>) target_semaphore(%arg12 : memref<!tpu.dma_semaphore, #tpu.memory_space<semaphore_mem>>)
    %dma_start3A_147 = arith.constant 1 : i32
    %dma_start3A_148 = arith.constant 0 : i32
    %dma_start3A_149 = arith.constant 0 : i32
    %dma_start3A_150 = tpu.memref_slice %arg7[%dma_start3A_147, %dma_start3A_148, %dma_start3A_149] : memref<3x4x128xi32, #tpu.memory_space<vmem>> -> memref<1x4x128xi32, #tpu.memory_space<vmem>>
    %dma_start3A_151 = tpu.memref_squeeze %dma_start3A_150 : memref<1x4x128xi32, #tpu.memory_space<vmem>> -> memref<4x128xi32, #tpu.memory_space<vmem>>
    %dma_start3A_152 = arith.constant 0 : i32
    %dma_start3A_153 = tpu.memref_slice %arg4[%add3A_133, %dma_start3A_152] : memref<12548x128xi32, #tpu.memory_space<hbm>> -> memref<4x128xi32, #tpu.memory_space<hbm>>
    %dma_start3A_154 = arith.constant 0 : i32
    %dma_start3A_155 = arith.constant 0 : i32
    %dma_start3A_156 = tpu.memref_slice %arg7[%dma_start3A_147, %dma_start3A_154, %dma_start3A_155] : memref<3x4x128xi32, #tpu.memory_space<vmem>> -> memref<1x4x128xi32, #tpu.memory_space<vmem>>
    %dma_start3A_157 = tpu.memref_squeeze %dma_start3A_156 : memref<1x4x128xi32, #tpu.memory_space<vmem>> -> memref<4x128xi32, #tpu.memory_space<vmem>>
    %dma_start3A_158 = arith.constant 0 : i32
    %dma_start3A_159 = tpu.memref_slice %arg4[%add3A_133, %dma_start3A_158] : memref<12548x128xi32, #tpu.memory_space<hbm>> -> memref<4x128xi32, #tpu.memory_space<hbm>>
    tpu.enqueue_dma source(%dma_start3A_159 : memref<4x128xi32, #tpu.memory_space<hbm>>) target(%dma_start3A_157 : memref<4x128xi32, #tpu.memory_space<vmem>>) target_semaphore(%arg12 : memref<!tpu.dma_semaphore, #tpu.memory_space<semaphore_mem>>)
    %scan3A = arith.constant 0 : i32
    %scan3A_160 = arith.constant 0 : i32
    %scan3A_161 = arith.constant 195 : i32
    %scan3A_162 = arith.addi %scan3A_160, %scan3A_161 : i32
    %scan3A_163 = arith.constant 1 : i32
    scf.for %scan3A_594 = %scan3A_160 to %scan3A_162 step %scan3A_163  : i32 {
      %rem3A_595 = arith.constant 3 : i32
      %rem3A_596 = arith.remsi %scan3A_594, %rem3A_595 : i32
      %add3A_597 = arith.constant 1 : i32
      %add3A_598 = arith.addi %scan3A_594, %add3A_597 : i32
      %rem3A_599 = arith.constant 3 : i32
      %rem3A_600 = arith.remsi %add3A_598, %rem3A_599 : i32
      %add3A_601 = arith.constant 2 : i32
      %add3A_602 = arith.addi %scan3A_594, %add3A_601 : i32
      %rem3A_603 = arith.constant 3 : i32
      %rem3A_604 = arith.remsi %add3A_602, %rem3A_603 : i32
      %sub3A = arith.constant 2 : i32
      %sub3A_605 = arith.subi %scan3A_594, %sub3A : i32
      %add3A_606 = arith.constant 3 : i32
      %add3A_607 = arith.addi %sub3A_605, %add3A_606 : i32
      %rem3A_608 = arith.constant 3 : i32
      %rem3A_609 = arith.remsi %add3A_607, %rem3A_608 : i32
      %ge3A = arith.constant 2 : i32
      %ge3A_610 = arith.cmpi sge, %scan3A_594, %ge3A : i32
      %convert_element_type3A = arith.extui %ge3A_610 : i1 to i32
      %cond3A = arith.constant 0 : i32
      %cond3A_611 = arith.cmpi ne, %convert_element_type3A, %cond3A : i32
      scf.if %cond3A_611 {
        %dma_wait3A_850 = arith.constant 0 : i32
        %dma_wait3A_851 = arith.constant 0 : i32
        %dma_wait3A_852 = arith.constant 0 : i32
        %dma_wait3A_853 = tpu.memref_slice %arg8[%rem3A_609, %dma_wait3A_850, %dma_wait3A_851, %dma_wait3A_852] : memref<3x4x128x16xf32, #tpu.memory_space<vmem>> -> memref<1x1x128x16xf32, #tpu.memory_space<vmem>>
        %dma_wait3A_854 = tpu.memref_squeeze %dma_wait3A_853 : memref<1x1x128x16xf32, #tpu.memory_space<vmem>> -> memref<128x16xf32, #tpu.memory_space<vmem>>
        %dma_wait3A_855 = arith.constant 0 : i32
        %dma_wait3A_856 = arith.constant 0 : i32
        %dma_wait3A_857 = tpu.memref_slice %arg2[%arg0, %dma_wait3A_855, %dma_wait3A_856] : memref<2x100096x16xf32, #tpu.memory_space<hbm>> -> memref<1x100096x16xf32, #tpu.memory_space<hbm>>
        %dma_wait3A_858 = tpu.memref_squeeze %dma_wait3A_857 : memref<1x100096x16xf32, #tpu.memory_space<hbm>> -> memref<100096x16xf32, #tpu.memory_space<hbm>>
        %dma_wait3A_859 = arith.constant 0 : i32
        %dma_wait3A_860 = arith.constant 0 : i32
        %dma_wait3A_861 = tpu.memref_slice %dma_wait3A_858[%dma_wait3A_859, %dma_wait3A_860] : memref<100096x16xf32, #tpu.memory_space<hbm>> -> memref<128x16xf32, #tpu.memory_space<hbm>>
        %dma_wait3A_862 = arith.constant 0 : i32
        %dma_wait3A_863 = arith.constant 0 : i32
        %dma_wait3A_864 = tpu.memref_slice %arg8[%rem3A_609, %dma_wait3A_850, %dma_wait3A_862, %dma_wait3A_863] : memref<3x4x128x16xf32, #tpu.memory_space<vmem>> -> memref<1x1x128x16xf32, #tpu.memory_space<vmem>>
        %dma_wait3A_865 = tpu.memref_squeeze %dma_wait3A_864 : memref<1x1x128x16xf32, #tpu.memory_space<vmem>> -> memref<128x16xf32, #tpu.memory_space<vmem>>
        %dma_wait3A_866 = arith.constant 0 : i32
        %dma_wait3A_867 = arith.constant 0 : i32
        %dma_wait3A_868 = tpu.memref_slice %arg2[%arg0, %dma_wait3A_866, %dma_wait3A_867] : memref<2x100096x16xf32, #tpu.memory_space<hbm>> -> memref<1x100096x16xf32, #tpu.memory_space<hbm>>
        %dma_wait3A_869 = tpu.memref_squeeze %dma_wait3A_868 : memref<1x100096x16xf32, #tpu.memory_space<hbm>> -> memref<100096x16xf32, #tpu.memory_space<hbm>>
        %dma_wait3A_870 = arith.constant 0 : i32
        %dma_wait3A_871 = arith.constant 0 : i32
        %dma_wait3A_872 = tpu.memref_slice %dma_wait3A_869[%dma_wait3A_870, %dma_wait3A_871] : memref<100096x16xf32, #tpu.memory_space<hbm>> -> memref<128x16xf32, #tpu.memory_space<hbm>>
        tpu.wait_dma2 semaphore(%arg11 : memref<!tpu.dma_semaphore, #tpu.memory_space<semaphore_mem>>) src(%dma_wait3A_872 : memref<128x16xf32, #tpu.memory_space<hbm>>) dst(%dma_wait3A_865 : memref<128x16xf32, #tpu.memory_space<vmem>>)
        %dma_wait3A_873 = arith.constant 1 : i32
        %dma_wait3A_874 = arith.constant 0 : i32
        %dma_wait3A_875 = arith.constant 0 : i32
        %dma_wait3A_876 = tpu.memref_slice %arg8[%rem3A_609, %dma_wait3A_873, %dma_wait3A_874, %dma_wait3A_875] : memref<3x4x128x16xf32, #tpu.memory_space<vmem>> -> memref<1x1x128x16xf32, #tpu.memory_space<vmem>>
        %dma_wait3A_877 = tpu.memref_squeeze %dma_wait3A_876 : memref<1x1x128x16xf32, #tpu.memory_space<vmem>> -> memref<128x16xf32, #tpu.memory_space<vmem>>
        %dma_wait3A_878 = arith.constant 0 : i32
        %dma_wait3A_879 = arith.constant 0 : i32
        %dma_wait3A_880 = tpu.memref_slice %arg2[%arg0, %dma_wait3A_878, %dma_wait3A_879] : memref<2x100096x16xf32, #tpu.memory_space<hbm>> -> memref<1x100096x16xf32, #tpu.memory_space<hbm>>
        %dma_wait3A_881 = tpu.memref_squeeze %dma_wait3A_880 : memref<1x100096x16xf32, #tpu.memory_space<hbm>> -> memref<100096x16xf32, #tpu.memory_space<hbm>>
        %dma_wait3A_882 = arith.constant 0 : i32
        %dma_wait3A_883 = arith.constant 0 : i32
        %dma_wait3A_884 = tpu.memref_slice %dma_wait3A_881[%dma_wait3A_882, %dma_wait3A_883] : memref<100096x16xf32, #tpu.memory_space<hbm>> -> memref<128x16xf32, #tpu.memory_space<hbm>>
        %dma_wait3A_885 = arith.constant 0 : i32
        %dma_wait3A_886 = arith.constant 0 : i32
        %dma_wait3A_887 = tpu.memref_slice %arg8[%rem3A_609, %dma_wait3A_873, %dma_wait3A_885, %dma_wait3A_886] : memref<3x4x128x16xf32, #tpu.memory_space<vmem>> -> memref<1x1x128x16xf32, #tpu.memory_space<vmem>>
        %dma_wait3A_888 = tpu.memref_squeeze %dma_wait3A_887 : memref<1x1x128x16xf32, #tpu.memory_space<vmem>> -> memref<128x16xf32, #tpu.memory_space<vmem>>
        %dma_wait3A_889 = arith.constant 0 : i32
        %dma_wait3A_890 = arith.constant 0 : i32
        %dma_wait3A_891 = tpu.memref_slice %arg2[%arg0, %dma_wait3A_889, %dma_wait3A_890] : memref<2x100096x16xf32, #tpu.memory_space<hbm>> -> memref<1x100096x16xf32, #tpu.memory_space<hbm>>
        %dma_wait3A_892 = tpu.memref_squeeze %dma_wait3A_891 : memref<1x100096x16xf32, #tpu.memory_space<hbm>> -> memref<100096x16xf32, #tpu.memory_space<hbm>>
        %dma_wait3A_893 = arith.constant 0 : i32
        %dma_wait3A_894 = arith.constant 0 : i32
        %dma_wait3A_895 = tpu.memref_slice %dma_wait3A_892[%dma_wait3A_893, %dma_wait3A_894] : memref<100096x16xf32, #tpu.memory_space<hbm>> -> memref<128x16xf32, #tpu.memory_space<hbm>>
        tpu.wait_dma2 semaphore(%arg11 : memref<!tpu.dma_semaphore, #tpu.memory_space<semaphore_mem>>) src(%dma_wait3A_895 : memref<128x16xf32, #tpu.memory_space<hbm>>) dst(%dma_wait3A_888 : memref<128x16xf32, #tpu.memory_space<vmem>>)
        %dma_wait3A_896 = arith.constant 2 : i32
        %dma_wait3A_897 = arith.constant 0 : i32
        %dma_wait3A_898 = arith.constant 0 : i32
        %dma_wait3A_899 = tpu.memref_slice %arg8[%rem3A_609, %dma_wait3A_896, %dma_wait3A_897, %dma_wait3A_898] : memref<3x4x128x16xf32, #tpu.memory_space<vmem>> -> memref<1x1x128x16xf32, #tpu.memory_space<vmem>>
        %dma_wait3A_900 = tpu.memref_squeeze %dma_wait3A_899 : memref<1x1x128x16xf32, #tpu.memory_space<vmem>> -> memref<128x16xf32, #tpu.memory_space<vmem>>
        %dma_wait3A_901 = arith.constant 0 : i32
        %dma_wait3A_902 = arith.constant 0 : i32
        %dma_wait3A_903 = tpu.memref_slice %arg2[%arg0, %dma_wait3A_901, %dma_wait3A_902] : memref<2x100096x16xf32, #tpu.memory_space<hbm>> -> memref<1x100096x16xf32, #tpu.memory_space<hbm>>
        %dma_wait3A_904 = tpu.memref_squeeze %dma_wait3A_903 : memref<1x100096x16xf32, #tpu.memory_space<hbm>> -> memref<100096x16xf32, #tpu.memory_space<hbm>>
        %dma_wait3A_905 = arith.constant 0 : i32
        %dma_wait3A_906 = arith.constant 0 : i32
        %dma_wait3A_907 = tpu.memref_slice %dma_wait3A_904[%dma_wait3A_905, %dma_wait3A_906] : memref<100096x16xf32, #tpu.memory_space<hbm>> -> memref<128x16xf32, #tpu.memory_space<hbm>>
        %dma_wait3A_908 = arith.constant 0 : i32
        %dma_wait3A_909 = arith.constant 0 : i32
        %dma_wait3A_910 = tpu.memref_slice %arg8[%rem3A_609, %dma_wait3A_896, %dma_wait3A_908, %dma_wait3A_909] : memref<3x4x128x16xf32, #tpu.memory_space<vmem>> -> memref<1x1x128x16xf32, #tpu.memory_space<vmem>>
        %dma_wait3A_911 = tpu.memref_squeeze %dma_wait3A_910 : memref<1x1x128x16xf32, #tpu.memory_space<vmem>> -> memref<128x16xf32, #tpu.memory_space<vmem>>
        %dma_wait3A_912 = arith.constant 0 : i32
        %dma_wait3A_913 = arith.constant 0 : i32
        %dma_wait3A_914 = tpu.memref_slice %arg2[%arg0, %dma_wait3A_912, %dma_wait3A_913] : memref<2x100096x16xf32, #tpu.memory_space<hbm>> -> memref<1x100096x16xf32, #tpu.memory_space<hbm>>
        %dma_wait3A_915 = tpu.memref_squeeze %dma_wait3A_914 : memref<1x100096x16xf32, #tpu.memory_space<hbm>> -> memref<100096x16xf32, #tpu.memory_space<hbm>>
        %dma_wait3A_916 = arith.constant 0 : i32
        %dma_wait3A_917 = arith.constant 0 : i32
        %dma_wait3A_918 = tpu.memref_slice %dma_wait3A_915[%dma_wait3A_916, %dma_wait3A_917] : memref<100096x16xf32, #tpu.memory_space<hbm>> -> memref<128x16xf32, #tpu.memory_space<hbm>>
        tpu.wait_dma2 semaphore(%arg11 : memref<!tpu.dma_semaphore, #tpu.memory_space<semaphore_mem>>) src(%dma_wait3A_918 : memref<128x16xf32, #tpu.memory_space<hbm>>) dst(%dma_wait3A_911 : memref<128x16xf32, #tpu.memory_space<vmem>>)
        %dma_wait3A_919 = arith.constant 3 : i32
        %dma_wait3A_920 = arith.constant 0 : i32
        %dma_wait3A_921 = arith.constant 0 : i32
        %dma_wait3A_922 = tpu.memref_slice %arg8[%rem3A_609, %dma_wait3A_919, %dma_wait3A_920, %dma_wait3A_921] : memref<3x4x128x16xf32, #tpu.memory_space<vmem>> -> memref<1x1x128x16xf32, #tpu.memory_space<vmem>>
        %dma_wait3A_923 = tpu.memref_squeeze %dma_wait3A_922 : memref<1x1x128x16xf32, #tpu.memory_space<vmem>> -> memref<128x16xf32, #tpu.memory_space<vmem>>
        %dma_wait3A_924 = arith.constant 0 : i32
        %dma_wait3A_925 = arith.constant 0 : i32
        %dma_wait3A_926 = tpu.memref_slice %arg2[%arg0, %dma_wait3A_924, %dma_wait3A_925] : memref<2x100096x16xf32, #tpu.memory_space<hbm>> -> memref<1x100096x16xf32, #tpu.memory_space<hbm>>
        %dma_wait3A_927 = tpu.memref_squeeze %dma_wait3A_926 : memref<1x100096x16xf32, #tpu.memory_space<hbm>> -> memref<100096x16xf32, #tpu.memory_space<hbm>>
        %dma_wait3A_928 = arith.constant 0 : i32
        %dma_wait3A_929 = arith.constant 0 : i32
        %dma_wait3A_930 = tpu.memref_slice %dma_wait3A_927[%dma_wait3A_928, %dma_wait3A_929] : memref<100096x16xf32, #tpu.memory_space<hbm>> -> memref<128x16xf32, #tpu.memory_space<hbm>>
        %dma_wait3A_931 = arith.constant 0 : i32
        %dma_wait3A_932 = arith.constant 0 : i32
        %dma_wait3A_933 = tpu.memref_slice %arg8[%rem3A_609, %dma_wait3A_919, %dma_wait3A_931, %dma_wait3A_932] : memref<3x4x128x16xf32, #tpu.memory_space<vmem>> -> memref<1x1x128x16xf32, #tpu.memory_space<vmem>>
        %dma_wait3A_934 = tpu.memref_squeeze %dma_wait3A_933 : memref<1x1x128x16xf32, #tpu.memory_space<vmem>> -> memref<128x16xf32, #tpu.memory_space<vmem>>
        %dma_wait3A_935 = arith.constant 0 : i32
        %dma_wait3A_936 = arith.constant 0 : i32
        %dma_wait3A_937 = tpu.memref_slice %arg2[%arg0, %dma_wait3A_935, %dma_wait3A_936] : memref<2x100096x16xf32, #tpu.memory_space<hbm>> -> memref<1x100096x16xf32, #tpu.memory_space<hbm>>
        %dma_wait3A_938 = tpu.memref_squeeze %dma_wait3A_937 : memref<1x100096x16xf32, #tpu.memory_space<hbm>> -> memref<100096x16xf32, #tpu.memory_space<hbm>>
        %dma_wait3A_939 = arith.constant 0 : i32
        %dma_wait3A_940 = arith.constant 0 : i32
        %dma_wait3A_941 = tpu.memref_slice %dma_wait3A_938[%dma_wait3A_939, %dma_wait3A_940] : memref<100096x16xf32, #tpu.memory_space<hbm>> -> memref<128x16xf32, #tpu.memory_space<hbm>>
        tpu.wait_dma2 semaphore(%arg11 : memref<!tpu.dma_semaphore, #tpu.memory_space<semaphore_mem>>) src(%dma_wait3A_941 : memref<128x16xf32, #tpu.memory_space<hbm>>) dst(%dma_wait3A_934 : memref<128x16xf32, #tpu.memory_space<vmem>>)
      } else {
      }
      %dma_wait3A_612 = arith.constant 0 : i32
      %dma_wait3A_613 = arith.constant 0 : i32
      %dma_wait3A_614 = arith.constant 0 : i32
      %dma_wait3A_615 = tpu.memref_slice %arg8[%rem3A_596, %dma_wait3A_612, %dma_wait3A_613, %dma_wait3A_614] : memref<3x4x128x16xf32, #tpu.memory_space<vmem>> -> memref<1x1x128x16xf32, #tpu.memory_space<vmem>>
      %dma_wait3A_616 = tpu.memref_squeeze %dma_wait3A_615 : memref<1x1x128x16xf32, #tpu.memory_space<vmem>> -> memref<128x16xf32, #tpu.memory_space<vmem>>
      %dma_wait3A_617 = arith.constant 0 : i32
      %dma_wait3A_618 = arith.constant 0 : i32
      %dma_wait3A_619 = tpu.memref_slice %arg2[%arg0, %dma_wait3A_617, %dma_wait3A_618] : memref<2x100096x16xf32, #tpu.memory_space<hbm>> -> memref<1x100096x16xf32, #tpu.memory_space<hbm>>
      %dma_wait3A_620 = tpu.memref_squeeze %dma_wait3A_619 : memref<1x100096x16xf32, #tpu.memory_space<hbm>> -> memref<100096x16xf32, #tpu.memory_space<hbm>>
      %dma_wait3A_621 = arith.constant 0 : i32
      %dma_wait3A_622 = arith.constant 0 : i32
      %dma_wait3A_623 = tpu.memref_slice %dma_wait3A_620[%dma_wait3A_621, %dma_wait3A_622] : memref<100096x16xf32, #tpu.memory_space<hbm>> -> memref<128x16xf32, #tpu.memory_space<hbm>>
      %dma_wait3A_624 = arith.constant 0 : i32
      %dma_wait3A_625 = arith.constant 0 : i32
      %dma_wait3A_626 = tpu.memref_slice %arg8[%rem3A_596, %dma_wait3A_612, %dma_wait3A_624, %dma_wait3A_625] : memref<3x4x128x16xf32, #tpu.memory_space<vmem>> -> memref<1x1x128x16xf32, #tpu.memory_space<vmem>>
      %dma_wait3A_627 = tpu.memref_squeeze %dma_wait3A_626 : memref<1x1x128x16xf32, #tpu.memory_space<vmem>> -> memref<128x16xf32, #tpu.memory_space<vmem>>
      %dma_wait3A_628 = arith.constant 0 : i32
      %dma_wait3A_629 = arith.constant 0 : i32
      %dma_wait3A_630 = tpu.memref_slice %arg2[%arg0, %dma_wait3A_628, %dma_wait3A_629] : memref<2x100096x16xf32, #tpu.memory_space<hbm>> -> memref<1x100096x16xf32, #tpu.memory_space<hbm>>
      %dma_wait3A_631 = tpu.memref_squeeze %dma_wait3A_630 : memref<1x100096x16xf32, #tpu.memory_space<hbm>> -> memref<100096x16xf32, #tpu.memory_space<hbm>>
      %dma_wait3A_632 = arith.constant 0 : i32
      %dma_wait3A_633 = arith.constant 0 : i32
      %dma_wait3A_634 = tpu.memref_slice %dma_wait3A_631[%dma_wait3A_632, %dma_wait3A_633] : memref<100096x16xf32, #tpu.memory_space<hbm>> -> memref<128x16xf32, #tpu.memory_space<hbm>>
      tpu.wait_dma2 semaphore(%arg10 : memref<!tpu.dma_semaphore, #tpu.memory_space<semaphore_mem>>) src(%dma_wait3A_634 : memref<128x16xf32, #tpu.memory_space<hbm>>) dst(%dma_wait3A_627 : memref<128x16xf32, #tpu.memory_space<vmem>>)
      %dma_wait3A_635 = arith.constant 1 : i32
      %dma_wait3A_636 = arith.constant 0 : i32
      %dma_wait3A_637 = arith.constant 0 : i32
      %dma_wait3A_638 = tpu.memref_slice %arg8[%rem3A_596, %dma_wait3A_635, %dma_wait3A_636, %dma_wait3A_637] : memref<3x4x128x16xf32, #tpu.memory_space<vmem>> -> memref<1x1x128x16xf32, #tpu.memory_space<vmem>>
      %dma_wait3A_639 = tpu.memref_squeeze %dma_wait3A_638 : memref<1x1x128x16xf32, #tpu.memory_space<vmem>> -> memref<128x16xf32, #tpu.memory_space<vmem>>
      %dma_wait3A_640 = arith.constant 0 : i32
      %dma_wait3A_641 = arith.constant 0 : i32
      %dma_wait3A_642 = tpu.memref_slice %arg2[%arg0, %dma_wait3A_640, %dma_wait3A_641] : memref<2x100096x16xf32, #tpu.memory_space<hbm>> -> memref<1x100096x16xf32, #tpu.memory_space<hbm>>
      %dma_wait3A_643 = tpu.memref_squeeze %dma_wait3A_642 : memref<1x100096x16xf32, #tpu.memory_space<hbm>> -> memref<100096x16xf32, #tpu.memory_space<hbm>>
      %dma_wait3A_644 = arith.constant 0 : i32
      %dma_wait3A_645 = arith.constant 0 : i32
      %dma_wait3A_646 = tpu.memref_slice %dma_wait3A_643[%dma_wait3A_644, %dma_wait3A_645] : memref<100096x16xf32, #tpu.memory_space<hbm>> -> memref<128x16xf32, #tpu.memory_space<hbm>>
      %dma_wait3A_647 = arith.constant 0 : i32
      %dma_wait3A_648 = arith.constant 0 : i32
      %dma_wait3A_649 = tpu.memref_slice %arg8[%rem3A_596, %dma_wait3A_635, %dma_wait3A_647, %dma_wait3A_648] : memref<3x4x128x16xf32, #tpu.memory_space<vmem>> -> memref<1x1x128x16xf32, #tpu.memory_space<vmem>>
      %dma_wait3A_650 = tpu.memref_squeeze %dma_wait3A_649 : memref<1x1x128x16xf32, #tpu.memory_space<vmem>> -> memref<128x16xf32, #tpu.memory_space<vmem>>
      %dma_wait3A_651 = arith.constant 0 : i32
      %dma_wait3A_652 = arith.constant 0 : i32
      %dma_wait3A_653 = tpu.memref_slice %arg2[%arg0, %dma_wait3A_651, %dma_wait3A_652] : memref<2x100096x16xf32, #tpu.memory_space<hbm>> -> memref<1x100096x16xf32, #tpu.memory_space<hbm>>
      %dma_wait3A_654 = tpu.memref_squeeze %dma_wait3A_653 : memref<1x100096x16xf32, #tpu.memory_space<hbm>> -> memref<100096x16xf32, #tpu.memory_space<hbm>>
      %dma_wait3A_655 = arith.constant 0 : i32
      %dma_wait3A_656 = arith.constant 0 : i32
      %dma_wait3A_657 = tpu.memref_slice %dma_wait3A_654[%dma_wait3A_655, %dma_wait3A_656] : memref<100096x16xf32, #tpu.memory_space<hbm>> -> memref<128x16xf32, #tpu.memory_space<hbm>>
      tpu.wait_dma2 semaphore(%arg10 : memref<!tpu.dma_semaphore, #tpu.memory_space<semaphore_mem>>) src(%dma_wait3A_657 : memref<128x16xf32, #tpu.memory_space<hbm>>) dst(%dma_wait3A_650 : memref<128x16xf32, #tpu.memory_space<vmem>>)
      %dma_wait3A_658 = arith.constant 2 : i32
      %dma_wait3A_659 = arith.constant 0 : i32
      %dma_wait3A_660 = arith.constant 0 : i32
      %dma_wait3A_661 = tpu.memref_slice %arg8[%rem3A_596, %dma_wait3A_658, %dma_wait3A_659, %dma_wait3A_660] : memref<3x4x128x16xf32, #tpu.memory_space<vmem>> -> memref<1x1x128x16xf32, #tpu.memory_space<vmem>>
      %dma_wait3A_662 = tpu.memref_squeeze %dma_wait3A_661 : memref<1x1x128x16xf32, #tpu.memory_space<vmem>> -> memref<128x16xf32, #tpu.memory_space<vmem>>
      %dma_wait3A_663 = arith.constant 0 : i32
      %dma_wait3A_664 = arith.constant 0 : i32
      %dma_wait3A_665 = tpu.memref_slice %arg2[%arg0, %dma_wait3A_663, %dma_wait3A_664] : memref<2x100096x16xf32, #tpu.memory_space<hbm>> -> memref<1x100096x16xf32, #tpu.memory_space<hbm>>
      %dma_wait3A_666 = tpu.memref_squeeze %dma_wait3A_665 : memref<1x100096x16xf32, #tpu.memory_space<hbm>> -> memref<100096x16xf32, #tpu.memory_space<hbm>>
      %dma_wait3A_667 = arith.constant 0 : i32
      %dma_wait3A_668 = arith.constant 0 : i32
      %dma_wait3A_669 = tpu.memref_slice %dma_wait3A_666[%dma_wait3A_667, %dma_wait3A_668] : memref<100096x16xf32, #tpu.memory_space<hbm>> -> memref<128x16xf32, #tpu.memory_space<hbm>>
      %dma_wait3A_670 = arith.constant 0 : i32
      %dma_wait3A_671 = arith.constant 0 : i32
      %dma_wait3A_672 = tpu.memref_slice %arg8[%rem3A_596, %dma_wait3A_658, %dma_wait3A_670, %dma_wait3A_671] : memref<3x4x128x16xf32, #tpu.memory_space<vmem>> -> memref<1x1x128x16xf32, #tpu.memory_space<vmem>>
      %dma_wait3A_673 = tpu.memref_squeeze %dma_wait3A_672 : memref<1x1x128x16xf32, #tpu.memory_space<vmem>> -> memref<128x16xf32, #tpu.memory_space<vmem>>
      %dma_wait3A_674 = arith.constant 0 : i32
      %dma_wait3A_675 = arith.constant 0 : i32
      %dma_wait3A_676 = tpu.memref_slice %arg2[%arg0, %dma_wait3A_674, %dma_wait3A_675] : memref<2x100096x16xf32, #tpu.memory_space<hbm>> -> memref<1x100096x16xf32, #tpu.memory_space<hbm>>
      %dma_wait3A_677 = tpu.memref_squeeze %dma_wait3A_676 : memref<1x100096x16xf32, #tpu.memory_space<hbm>> -> memref<100096x16xf32, #tpu.memory_space<hbm>>
      %dma_wait3A_678 = arith.constant 0 : i32
      %dma_wait3A_679 = arith.constant 0 : i32
      %dma_wait3A_680 = tpu.memref_slice %dma_wait3A_677[%dma_wait3A_678, %dma_wait3A_679] : memref<100096x16xf32, #tpu.memory_space<hbm>> -> memref<128x16xf32, #tpu.memory_space<hbm>>
      tpu.wait_dma2 semaphore(%arg10 : memref<!tpu.dma_semaphore, #tpu.memory_space<semaphore_mem>>) src(%dma_wait3A_680 : memref<128x16xf32, #tpu.memory_space<hbm>>) dst(%dma_wait3A_673 : memref<128x16xf32, #tpu.memory_space<vmem>>)
      %dma_wait3A_681 = arith.constant 3 : i32
      %dma_wait3A_682 = arith.constant 0 : i32
      %dma_wait3A_683 = arith.constant 0 : i32
      %dma_wait3A_684 = tpu.memref_slice %arg8[%rem3A_596, %dma_wait3A_681, %dma_wait3A_682, %dma_wait3A_683] : memref<3x4x128x16xf32, #tpu.memory_space<vmem>> -> memref<1x1x128x16xf32, #tpu.memory_space<vmem>>
      %dma_wait3A_685 = tpu.memref_squeeze %dma_wait3A_684 : memref<1x1x128x16xf32, #tpu.memory_space<vmem>> -> memref<128x16xf32, #tpu.memory_space<vmem>>
      %dma_wait3A_686 = arith.constant 0 : i32
      %dma_wait3A_687 = arith.constant 0 : i32
      %dma_wait3A_688 = tpu.memref_slice %arg2[%arg0, %dma_wait3A_686, %dma_wait3A_687] : memref<2x100096x16xf32, #tpu.memory_space<hbm>> -> memref<1x100096x16xf32, #tpu.memory_space<hbm>>
      %dma_wait3A_689 = tpu.memref_squeeze %dma_wait3A_688 : memref<1x100096x16xf32, #tpu.memory_space<hbm>> -> memref<100096x16xf32, #tpu.memory_space<hbm>>
      %dma_wait3A_690 = arith.constant 0 : i32
      %dma_wait3A_691 = arith.constant 0 : i32
      %dma_wait3A_692 = tpu.memref_slice %dma_wait3A_689[%dma_wait3A_690, %dma_wait3A_691] : memref<100096x16xf32, #tpu.memory_space<hbm>> -> memref<128x16xf32, #tpu.memory_space<hbm>>
      %dma_wait3A_693 = arith.constant 0 : i32
      %dma_wait3A_694 = arith.constant 0 : i32
      %dma_wait3A_695 = tpu.memref_slice %arg8[%rem3A_596, %dma_wait3A_681, %dma_wait3A_693, %dma_wait3A_694] : memref<3x4x128x16xf32, #tpu.memory_space<vmem>> -> memref<1x1x128x16xf32, #tpu.memory_space<vmem>>
      %dma_wait3A_696 = tpu.memref_squeeze %dma_wait3A_695 : memref<1x1x128x16xf32, #tpu.memory_space<vmem>> -> memref<128x16xf32, #tpu.memory_space<vmem>>
      %dma_wait3A_697 = arith.constant 0 : i32
      %dma_wait3A_698 = arith.constant 0 : i32
      %dma_wait3A_699 = tpu.memref_slice %arg2[%arg0, %dma_wait3A_697, %dma_wait3A_698] : memref<2x100096x16xf32, #tpu.memory_space<hbm>> -> memref<1x100096x16xf32, #tpu.memory_space<hbm>>
      %dma_wait3A_700 = tpu.memref_squeeze %dma_wait3A_699 : memref<1x100096x16xf32, #tpu.memory_space<hbm>> -> memref<100096x16xf32, #tpu.memory_space<hbm>>
      %dma_wait3A_701 = arith.constant 0 : i32
      %dma_wait3A_702 = arith.constant 0 : i32
      %dma_wait3A_703 = tpu.memref_slice %dma_wait3A_700[%dma_wait3A_701, %dma_wait3A_702] : memref<100096x16xf32, #tpu.memory_space<hbm>> -> memref<128x16xf32, #tpu.memory_space<hbm>>
      tpu.wait_dma2 semaphore(%arg10 : memref<!tpu.dma_semaphore, #tpu.memory_space<semaphore_mem>>) src(%dma_wait3A_703 : memref<128x16xf32, #tpu.memory_space<hbm>>) dst(%dma_wait3A_696 : memref<128x16xf32, #tpu.memory_space<vmem>>)
      %dma_start3A_704 = arith.constant 0 : i32
      %dma_start3A_705 = arith.constant 0 : i32
      %dma_start3A_706 = arith.constant 0 : i32
      %dma_start3A_707 = arith.constant 0 : i32
      %dma_start3A_708 = tpu.memref_slice %arg8[%rem3A_596, %dma_start3A_704, %dma_start3A_706, %dma_start3A_707] : memref<3x4x128x16xf32, #tpu.memory_space<vmem>> -> memref<1x1x128x16xf32, #tpu.memory_space<vmem>>
      %dma_start3A_709 = tpu.memref_squeeze %dma_start3A_708 : memref<1x1x128x16xf32, #tpu.memory_space<vmem>> -> memref<128x16xf32, #tpu.memory_space<vmem>>
      %dma_start3A_710 = arith.constant 0 : i32
      %dma_start3A_711 = tpu.memref_slice %arg7[%rem3A_596, %dma_start3A_705, %dma_start3A_710] : memref<3x4x128xi32, #tpu.memory_space<vmem>> -> memref<1x1x128xi32, #tpu.memory_space<vmem>>
      %dma_start3A_712 = tpu.memref_squeeze %dma_start3A_711 : memref<1x1x128xi32, #tpu.memory_space<vmem>> -> memref<128xi32, #tpu.memory_space<vmem>>
      %dma_start3A_713 = arith.constant 0 : i32
      %dma_start3A_714 = arith.constant 0 : i32
      %dma_start3A_715 = tpu.memref_slice %arg9[%dma_start3A_713, %dma_start3A_714] : memref<100112x16xf32, #tpu.memory_space<vmem_shared>> -> memref<100112x16xf32, #tpu.memory_space<vmem_shared>>
      tpu.enqueue_indirect_dma source(%dma_start3A_709 : memref<128x16xf32, #tpu.memory_space<vmem>>) target(%dma_start3A_715 : memref<100112x16xf32, #tpu.memory_space<vmem_shared>>) offsets(%dma_start3A_712 : memref<128xi32, #tpu.memory_space<vmem>>) semaphore(%arg11 : memref<!tpu.dma_semaphore, #tpu.memory_space<semaphore_mem>>) {add = true}
      %dma_start3A_716 = arith.constant 1 : i32
      %dma_start3A_717 = arith.constant 1 : i32
      %dma_start3A_718 = arith.constant 0 : i32
      %dma_start3A_719 = arith.constant 0 : i32
      %dma_start3A_720 = tpu.memref_slice %arg8[%rem3A_596, %dma_start3A_716, %dma_start3A_718, %dma_start3A_719] : memref<3x4x128x16xf32, #tpu.memory_space<vmem>> -> memref<1x1x128x16xf32, #tpu.memory_space<vmem>>
      %dma_start3A_721 = tpu.memref_squeeze %dma_start3A_720 : memref<1x1x128x16xf32, #tpu.memory_space<vmem>> -> memref<128x16xf32, #tpu.memory_space<vmem>>
      %dma_start3A_722 = arith.constant 0 : i32
      %dma_start3A_723 = tpu.memref_slice %arg7[%rem3A_596, %dma_start3A_717, %dma_start3A_722] : memref<3x4x128xi32, #tpu.memory_space<vmem>> -> memref<1x1x128xi32, #tpu.memory_space<vmem>>
      %dma_start3A_724 = tpu.memref_squeeze %dma_start3A_723 : memref<1x1x128xi32, #tpu.memory_space<vmem>> -> memref<128xi32, #tpu.memory_space<vmem>>
      %dma_start3A_725 = arith.constant 0 : i32
      %dma_start3A_726 = arith.constant 0 : i32
      %dma_start3A_727 = tpu.memref_slice %arg9[%dma_start3A_725, %dma_start3A_726] : memref<100112x16xf32, #tpu.memory_space<vmem_shared>> -> memref<100112x16xf32, #tpu.memory_space<vmem_shared>>
      tpu.enqueue_indirect_dma source(%dma_start3A_721 : memref<128x16xf32, #tpu.memory_space<vmem>>) target(%dma_start3A_727 : memref<100112x16xf32, #tpu.memory_space<vmem_shared>>) offsets(%dma_start3A_724 : memref<128xi32, #tpu.memory_space<vmem>>) semaphore(%arg11 : memref<!tpu.dma_semaphore, #tpu.memory_space<semaphore_mem>>) {add = true}
      %dma_start3A_728 = arith.constant 2 : i32
      %dma_start3A_729 = arith.constant 2 : i32
      %dma_start3A_730 = arith.constant 0 : i32
      %dma_start3A_731 = arith.constant 0 : i32
      %dma_start3A_732 = tpu.memref_slice %arg8[%rem3A_596, %dma_start3A_728, %dma_start3A_730, %dma_start3A_731] : memref<3x4x128x16xf32, #tpu.memory_space<vmem>> -> memref<1x1x128x16xf32, #tpu.memory_space<vmem>>
      %dma_start3A_733 = tpu.memref_squeeze %dma_start3A_732 : memref<1x1x128x16xf32, #tpu.memory_space<vmem>> -> memref<128x16xf32, #tpu.memory_space<vmem>>
      %dma_start3A_734 = arith.constant 0 : i32
      %dma_start3A_735 = tpu.memref_slice %arg7[%rem3A_596, %dma_start3A_729, %dma_start3A_734] : memref<3x4x128xi32, #tpu.memory_space<vmem>> -> memref<1x1x128xi32, #tpu.memory_space<vmem>>
      %dma_start3A_736 = tpu.memref_squeeze %dma_start3A_735 : memref<1x1x128xi32, #tpu.memory_space<vmem>> -> memref<128xi32, #tpu.memory_space<vmem>>
      %dma_start3A_737 = arith.constant 0 : i32
      %dma_start3A_738 = arith.constant 0 : i32
      %dma_start3A_739 = tpu.memref_slice %arg9[%dma_start3A_737, %dma_start3A_738] : memref<100112x16xf32, #tpu.memory_space<vmem_shared>> -> memref<100112x16xf32, #tpu.memory_space<vmem_shared>>
      tpu.enqueue_indirect_dma source(%dma_start3A_733 : memref<128x16xf32, #tpu.memory_space<vmem>>) target(%dma_start3A_739 : memref<100112x16xf32, #tpu.memory_space<vmem_shared>>) offsets(%dma_start3A_736 : memref<128xi32, #tpu.memory_space<vmem>>) semaphore(%arg11 : memref<!tpu.dma_semaphore, #tpu.memory_space<semaphore_mem>>) {add = true}
      %dma_start3A_740 = arith.constant 3 : i32
      %dma_start3A_741 = arith.constant 3 : i32
      %dma_start3A_742 = arith.constant 0 : i32
      %dma_start3A_743 = arith.constant 0 : i32
      %dma_start3A_744 = tpu.memref_slice %arg8[%rem3A_596, %dma_start3A_740, %dma_start3A_742, %dma_start3A_743] : memref<3x4x128x16xf32, #tpu.memory_space<vmem>> -> memref<1x1x128x16xf32, #tpu.memory_space<vmem>>
      %dma_start3A_745 = tpu.memref_squeeze %dma_start3A_744 : memref<1x1x128x16xf32, #tpu.memory_space<vmem>> -> memref<128x16xf32, #tpu.memory_space<vmem>>
      %dma_start3A_746 = arith.constant 0 : i32
      %dma_start3A_747 = tpu.memref_slice %arg7[%rem3A_596, %dma_start3A_741, %dma_start3A_746] : memref<3x4x128xi32, #tpu.memory_space<vmem>> -> memref<1x1x128xi32, #tpu.memory_space<vmem>>
      %dma_start3A_748 = tpu.memref_squeeze %dma_start3A_747 : memref<1x1x128xi32, #tpu.memory_space<vmem>> -> memref<128xi32, #tpu.memory_space<vmem>>
      %dma_start3A_749 = arith.constant 0 : i32
      %dma_start3A_750 = arith.constant 0 : i32
      %dma_start3A_751 = tpu.memref_slice %arg9[%dma_start3A_749, %dma_start3A_750] : memref<100112x16xf32, #tpu.memory_space<vmem_shared>> -> memref<100112x16xf32, #tpu.memory_space<vmem_shared>>
      tpu.enqueue_indirect_dma source(%dma_start3A_745 : memref<128x16xf32, #tpu.memory_space<vmem>>) target(%dma_start3A_751 : memref<100112x16xf32, #tpu.memory_space<vmem_shared>>) offsets(%dma_start3A_748 : memref<128xi32, #tpu.memory_space<vmem>>) semaphore(%arg11 : memref<!tpu.dma_semaphore, #tpu.memory_space<semaphore_mem>>) {add = true}
      %dma_wait3A_752 = arith.constant 0 : i32
      %dma_wait3A_753 = arith.constant 0 : i32
      %dma_wait3A_754 = tpu.memref_slice %arg6[%rem3A_600, %dma_wait3A_752, %dma_wait3A_753] : memref<3x4x128xi32, #tpu.memory_space<vmem>> -> memref<1x4x128xi32, #tpu.memory_space<vmem>>
      %dma_wait3A_755 = tpu.memref_squeeze %dma_wait3A_754 : memref<1x4x128xi32, #tpu.memory_space<vmem>> -> memref<4x128xi32, #tpu.memory_space<vmem>>
      %dma_wait3A_756 = arith.constant 0 : i32
      %dma_wait3A_757 = arith.constant 0 : i32
      %dma_wait3A_758 = tpu.memref_slice %arg3[%dma_wait3A_756, %dma_wait3A_757] : memref<12548x128xi32, #tpu.memory_space<hbm>> -> memref<4x128xi32, #tpu.memory_space<hbm>>
      %dma_wait3A_759 = arith.constant 0 : i32
      %dma_wait3A_760 = arith.constant 0 : i32
      %dma_wait3A_761 = tpu.memref_slice %arg6[%rem3A_600, %dma_wait3A_759, %dma_wait3A_760] : memref<3x4x128xi32, #tpu.memory_space<vmem>> -> memref<1x4x128xi32, #tpu.memory_space<vmem>>
      %dma_wait3A_762 = tpu.memref_squeeze %dma_wait3A_761 : memref<1x4x128xi32, #tpu.memory_space<vmem>> -> memref<4x128xi32, #tpu.memory_space<vmem>>
      %dma_wait3A_763 = arith.constant 0 : i32
      %dma_wait3A_764 = arith.constant 0 : i32
      %dma_wait3A_765 = tpu.memref_slice %arg3[%dma_wait3A_763, %dma_wait3A_764] : memref<12548x128xi32, #tpu.memory_space<hbm>> -> memref<4x128xi32, #tpu.memory_space<hbm>>
      tpu.wait_dma2 semaphore(%arg12 : memref<!tpu.dma_semaphore, #tpu.memory_space<semaphore_mem>>) src(%dma_wait3A_765 : memref<4x128xi32, #tpu.memory_space<hbm>>) dst(%dma_wait3A_762 : memref<4x128xi32, #tpu.memory_space<vmem>>)
      %dma_wait3A_766 = arith.constant 0 : i32
      %dma_wait3A_767 = arith.constant 0 : i32
      %dma_wait3A_768 = tpu.memref_slice %arg7[%rem3A_600, %dma_wait3A_766, %dma_wait3A_767] : memref<3x4x128xi32, #tpu.memory_space<vmem>> -> memref<1x4x128xi32, #tpu.memory_space<vmem>>
      %dma_wait3A_769 = tpu.memref_squeeze %dma_wait3A_768 : memref<1x4x128xi32, #tpu.memory_space<vmem>> -> memref<4x128xi32, #tpu.memory_space<vmem>>
      %dma_wait3A_770 = arith.constant 0 : i32
      %dma_wait3A_771 = arith.constant 0 : i32
      %dma_wait3A_772 = tpu.memref_slice %arg3[%dma_wait3A_770, %dma_wait3A_771] : memref<12548x128xi32, #tpu.memory_space<hbm>> -> memref<4x128xi32, #tpu.memory_space<hbm>>
      %dma_wait3A_773 = arith.constant 0 : i32
      %dma_wait3A_774 = arith.constant 0 : i32
      %dma_wait3A_775 = tpu.memref_slice %arg7[%rem3A_600, %dma_wait3A_773, %dma_wait3A_774] : memref<3x4x128xi32, #tpu.memory_space<vmem>> -> memref<1x4x128xi32, #tpu.memory_space<vmem>>
      %dma_wait3A_776 = tpu.memref_squeeze %dma_wait3A_775 : memref<1x4x128xi32, #tpu.memory_space<vmem>> -> memref<4x128xi32, #tpu.memory_space<vmem>>
      %dma_wait3A_777 = arith.constant 0 : i32
      %dma_wait3A_778 = arith.constant 0 : i32
      %dma_wait3A_779 = tpu.memref_slice %arg3[%dma_wait3A_777, %dma_wait3A_778] : memref<12548x128xi32, #tpu.memory_space<hbm>> -> memref<4x128xi32, #tpu.memory_space<hbm>>
      tpu.wait_dma2 semaphore(%arg12 : memref<!tpu.dma_semaphore, #tpu.memory_space<semaphore_mem>>) src(%dma_wait3A_779 : memref<4x128xi32, #tpu.memory_space<hbm>>) dst(%dma_wait3A_776 : memref<4x128xi32, #tpu.memory_space<vmem>>)
      %dma_start3A_780 = arith.constant 0 : i32
      %dma_start3A_781 = arith.constant 0 : i32
      %dma_start3A_782 = arith.constant 0 : i32
      %dma_start3A_783 = arith.constant 0 : i32
      %dma_start3A_784 = tpu.memref_slice %arg8[%rem3A_600, %dma_start3A_781, %dma_start3A_782, %dma_start3A_783] : memref<3x4x128x16xf32, #tpu.memory_space<vmem>> -> memref<1x1x128x16xf32, #tpu.memory_space<vmem>>
      %dma_start3A_785 = tpu.memref_squeeze %dma_start3A_784 : memref<1x1x128x16xf32, #tpu.memory_space<vmem>> -> memref<128x16xf32, #tpu.memory_space<vmem>>
      %dma_start3A_786 = arith.constant 0 : i32
      %dma_start3A_787 = tpu.memref_slice %arg6[%rem3A_600, %dma_start3A_780, %dma_start3A_786] : memref<3x4x128xi32, #tpu.memory_space<vmem>> -> memref<1x1x128xi32, #tpu.memory_space<vmem>>
      %dma_start3A_788 = tpu.memref_squeeze %dma_start3A_787 : memref<1x1x128xi32, #tpu.memory_space<vmem>> -> memref<128xi32, #tpu.memory_space<vmem>>
      %dma_start3A_789 = arith.constant 0 : i32
      %dma_start3A_790 = arith.constant 0 : i32
      %dma_start3A_791 = tpu.memref_slice %arg2[%arg0, %dma_start3A_789, %dma_start3A_790] : memref<2x100096x16xf32, #tpu.memory_space<hbm>> -> memref<1x100096x16xf32, #tpu.memory_space<hbm>>
      %dma_start3A_792 = tpu.memref_squeeze %dma_start3A_791 : memref<1x100096x16xf32, #tpu.memory_space<hbm>> -> memref<100096x16xf32, #tpu.memory_space<hbm>>
      %dma_start3A_793 = arith.constant 0 : i32
      %dma_start3A_794 = arith.constant 0 : i32
      %dma_start3A_795 = tpu.memref_slice %dma_start3A_792[%dma_start3A_793, %dma_start3A_794] : memref<100096x16xf32, #tpu.memory_space<hbm>> -> memref<100096x16xf32, #tpu.memory_space<hbm>>
      tpu.enqueue_indirect_dma source(%dma_start3A_795 : memref<100096x16xf32, #tpu.memory_space<hbm>>) target(%dma_start3A_785 : memref<128x16xf32, #tpu.memory_space<vmem>>) offsets(%dma_start3A_788 : memref<128xi32, #tpu.memory_space<vmem>>) semaphore(%arg10 : memref<!tpu.dma_semaphore, #tpu.memory_space<semaphore_mem>>)
      %dma_start3A_796 = arith.constant 1 : i32
      %dma_start3A_797 = arith.constant 1 : i32
      %dma_start3A_798 = arith.constant 0 : i32
      %dma_start3A_799 = arith.constant 0 : i32
      %dma_start3A_800 = tpu.memref_slice %arg8[%rem3A_600, %dma_start3A_797, %dma_start3A_798, %dma_start3A_799] : memref<3x4x128x16xf32, #tpu.memory_space<vmem>> -> memref<1x1x128x16xf32, #tpu.memory_space<vmem>>
      %dma_start3A_801 = tpu.memref_squeeze %dma_start3A_800 : memref<1x1x128x16xf32, #tpu.memory_space<vmem>> -> memref<128x16xf32, #tpu.memory_space<vmem>>
      %dma_start3A_802 = arith.constant 0 : i32
      %dma_start3A_803 = tpu.memref_slice %arg6[%rem3A_600, %dma_start3A_796, %dma_start3A_802] : memref<3x4x128xi32, #tpu.memory_space<vmem>> -> memref<1x1x128xi32, #tpu.memory_space<vmem>>
      %dma_start3A_804 = tpu.memref_squeeze %dma_start3A_803 : memref<1x1x128xi32, #tpu.memory_space<vmem>> -> memref<128xi32, #tpu.memory_space<vmem>>
      %dma_start3A_805 = arith.constant 0 : i32
      %dma_start3A_806 = arith.constant 0 : i32
      %dma_start3A_807 = tpu.memref_slice %arg2[%arg0, %dma_start3A_805, %dma_start3A_806] : memref<2x100096x16xf32, #tpu.memory_space<hbm>> -> memref<1x100096x16xf32, #tpu.memory_space<hbm>>
      %dma_start3A_808 = tpu.memref_squeeze %dma_start3A_807 : memref<1x100096x16xf32, #tpu.memory_space<hbm>> -> memref<100096x16xf32, #tpu.memory_space<hbm>>
      %dma_start3A_809 = arith.constant 0 : i32
      %dma_start3A_810 = arith.constant 0 : i32
      %dma_start3A_811 = tpu.memref_slice %dma_start3A_808[%dma_start3A_809, %dma_start3A_810] : memref<100096x16xf32, #tpu.memory_space<hbm>> -> memref<100096x16xf32, #tpu.memory_space<hbm>>
      tpu.enqueue_indirect_dma source(%dma_start3A_811 : memref<100096x16xf32, #tpu.memory_space<hbm>>) target(%dma_start3A_801 : memref<128x16xf32, #tpu.memory_space<vmem>>) offsets(%dma_start3A_804 : memref<128xi32, #tpu.memory_space<vmem>>) semaphore(%arg10 : memref<!tpu.dma_semaphore, #tpu.memory_space<semaphore_mem>>)
      %dma_start3A_812 = arith.constant 2 : i32
      %dma_start3A_813 = arith.constant 2 : i32
      %dma_start3A_814 = arith.constant 0 : i32
      %dma_start3A_815 = arith.constant 0 : i32
      %dma_start3A_816 = tpu.memref_slice %arg8[%rem3A_600, %dma_start3A_813, %dma_start3A_814, %dma_start3A_815] : memref<3x4x128x16xf32, #tpu.memory_space<vmem>> -> memref<1x1x128x16xf32, #tpu.memory_space<vmem>>
      %dma_start3A_817 = tpu.memref_squeeze %dma_start3A_816 : memref<1x1x128x16xf32, #tpu.memory_space<vmem>> -> memref<128x16xf32, #tpu.memory_space<vmem>>
      %dma_start3A_818 = arith.constant 0 : i32
      %dma_start3A_819 = tpu.memref_slice %arg6[%rem3A_600, %dma_start3A_812, %dma_start3A_818] : memref<3x4x128xi32, #tpu.memory_space<vmem>> -> memref<1x1x128xi32, #tpu.memory_space<vmem>>
      %dma_start3A_820 = tpu.memref_squeeze %dma_start3A_819 : memref<1x1x128xi32, #tpu.memory_space<vmem>> -> memref<128xi32, #tpu.memory_space<vmem>>
      %dma_start3A_821 = arith.constant 0 : i32
      %dma_start3A_822 = arith.constant 0 : i32
      %dma_start3A_823 = tpu.memref_slice %arg2[%arg0, %dma_start3A_821, %dma_start3A_822] : memref<2x100096x16xf32, #tpu.memory_space<hbm>> -> memref<1x100096x16xf32, #tpu.memory_space<hbm>>
      %dma_start3A_824 = tpu.memref_squeeze %dma_start3A_823 : memref<1x100096x16xf32, #tpu.memory_space<hbm>> -> memref<100096x16xf32, #tpu.memory_space<hbm>>
      %dma_start3A_825 = arith.constant 0 : i32
      %dma_start3A_826 = arith.constant 0 : i32
      %dma_start3A_827 = tpu.memref_slice %dma_start3A_824[%dma_start3A_825, %dma_start3A_826] : memref<100096x16xf32, #tpu.memory_space<hbm>> -> memref<100096x16xf32, #tpu.memory_space<hbm>>
      tpu.enqueue_indirect_dma source(%dma_start3A_827 : memref<100096x16xf32, #tpu.memory_space<hbm>>) target(%dma_start3A_817 : memref<128x16xf32, #tpu.memory_space<vmem>>) offsets(%dma_start3A_820 : memref<128xi32, #tpu.memory_space<vmem>>) semaphore(%arg10 : memref<!tpu.dma_semaphore, #tpu.memory_space<semaphore_mem>>)
      %dma_start3A_828 = arith.constant 3 : i32
      %dma_start3A_829 = arith.constant 3 : i32
      %dma_start3A_830 = arith.constant 0 : i32
      %dma_start3A_831 = arith.constant 0 : i32
      %dma_start3A_832 = tpu.memref_slice %arg8[%rem3A_600, %dma_start3A_829, %dma_start3A_830, %dma_start3A_831] : memref<3x4x128x16xf32, #tpu.memory_space<vmem>> -> memref<1x1x128x16xf32, #tpu.memory_space<vmem>>
      %dma_start3A_833 = tpu.memref_squeeze %dma_start3A_832 : memref<1x1x128x16xf32, #tpu.memory_space<vmem>> -> memref<128x16xf32, #tpu.memory_space<vmem>>
      %dma_start3A_834 = arith.constant 0 : i32
      %dma_start3A_835 = tpu.memref_slice %arg6[%rem3A_600, %dma_start3A_828, %dma_start3A_834] : memref<3x4x128xi32, #tpu.memory_space<vmem>> -> memref<1x1x128xi32, #tpu.memory_space<vmem>>
      %dma_start3A_836 = tpu.memref_squeeze %dma_start3A_835 : memref<1x1x128xi32, #tpu.memory_space<vmem>> -> memref<128xi32, #tpu.memory_space<vmem>>
      %dma_start3A_837 = arith.constant 0 : i32
      %dma_start3A_838 = arith.constant 0 : i32
      %dma_start3A_839 = tpu.memref_slice %arg2[%arg0, %dma_start3A_837, %dma_start3A_838] : memref<2x100096x16xf32, #tpu.memory_space<hbm>> -> memref<1x100096x16xf32, #tpu.memory_space<hbm>>
      %dma_start3A_840 = tpu.memref_squeeze %dma_start3A_839 : memref<1x100096x16xf32, #tpu.memory_space<hbm>> -> memref<100096x16xf32, #tpu.memory_space<hbm>>
      %dma_start3A_841 = arith.constant 0 : i32
      %dma_start3A_842 = arith.constant 0 : i32
      %dma_start3A_843 = tpu.memref_slice %dma_start3A_840[%dma_start3A_841, %dma_start3A_842] : memref<100096x16xf32, #tpu.memory_space<hbm>> -> memref<100096x16xf32, #tpu.memory_space<hbm>>
      tpu.enqueue_indirect_dma source(%dma_start3A_843 : memref<100096x16xf32, #tpu.memory_space<hbm>>) target(%dma_start3A_833 : memref<128x16xf32, #tpu.memory_space<vmem>>) offsets(%dma_start3A_836 : memref<128xi32, #tpu.memory_space<vmem>>) semaphore(%arg10 : memref<!tpu.dma_semaphore, #tpu.memory_space<semaphore_mem>>)
      %add3A_844 = arith.constant 2 : i32
      %add3A_845 = arith.addi %scan3A_594, %add3A_844 : i32
      %lt3A = arith.constant 196 : i32
      %lt3A_846 = arith.cmpi slt, %add3A_845, %lt3A : i32
      %convert_element_type3A_847 = arith.extui %lt3A_846 : i1 to i32
      %cond3A_848 = arith.constant 0 : i32
      %cond3A_849 = arith.cmpi ne, %convert_element_type3A_847, %cond3A_848 : i32
      scf.if %cond3A_849 {
        %add3A_850 = arith.constant 2 : i32
        %add3A_851 = arith.addi %scan3A_594, %add3A_850 : i32
        %mul3A_852 = arith.constant 4 : i32
        %mul3A_853 = arith.muli %add3A_851, %mul3A_852 : i32
        %add3A_854 = arith.addi %mul3A_4, %mul3A_853 : i32
        %dma_start3A_855 = arith.constant 0 : i32
        %dma_start3A_856 = arith.constant 0 : i32
        %dma_start3A_857 = tpu.memref_slice %arg6[%rem3A_604, %dma_start3A_855, %dma_start3A_856] : memref<3x4x128xi32, #tpu.memory_space<vmem>> -> memref<1x4x128xi32, #tpu.memory_space<vmem>>
        %dma_start3A_858 = tpu.memref_squeeze %dma_start3A_857 : memref<1x4x128xi32, #tpu.memory_space<vmem>> -> memref<4x128xi32, #tpu.memory_space<vmem>>
        %dma_start3A_859 = arith.constant 0 : i32
        %dma_start3A_860 = tpu.memref_slice %arg3[%add3A_854, %dma_start3A_859] : memref<12548x128xi32, #tpu.memory_space<hbm>> -> memref<4x128xi32, #tpu.memory_space<hbm>>
        %dma_start3A_861 = arith.constant 0 : i32
        %dma_start3A_862 = arith.constant 0 : i32
        %dma_start3A_863 = tpu.memref_slice %arg6[%rem3A_604, %dma_start3A_861, %dma_start3A_862] : memref<3x4x128xi32, #tpu.memory_space<vmem>> -> memref<1x4x128xi32, #tpu.memory_space<vmem>>
        %dma_start3A_864 = tpu.memref_squeeze %dma_start3A_863 : memref<1x4x128xi32, #tpu.memory_space<vmem>> -> memref<4x128xi32, #tpu.memory_space<vmem>>
        %dma_start3A_865 = arith.constant 0 : i32
        %dma_start3A_866 = tpu.memref_slice %arg3[%add3A_854, %dma_start3A_865] : memref<12548x128xi32, #tpu.memory_space<hbm>> -> memref<4x128xi32, #tpu.memory_space<hbm>>
        tpu.enqueue_dma source(%dma_start3A_866 : memref<4x128xi32, #tpu.memory_space<hbm>>) target(%dma_start3A_864 : memref<4x128xi32, #tpu.memory_space<vmem>>) target_semaphore(%arg12 : memref<!tpu.dma_semaphore, #tpu.memory_space<semaphore_mem>>)
        %dma_start3A_867 = arith.constant 0 : i32
        %dma_start3A_868 = arith.constant 0 : i32
        %dma_start3A_869 = tpu.memref_slice %arg7[%rem3A_604, %dma_start3A_867, %dma_start3A_868] : memref<3x4x128xi32, #tpu.memory_space<vmem>> -> memref<1x4x128xi32, #tpu.memory_space<vmem>>
        %dma_start3A_870 = tpu.memref_squeeze %dma_start3A_869 : memref<1x4x128xi32, #tpu.memory_space<vmem>> -> memref<4x128xi32, #tpu.memory_space<vmem>>
        %dma_start3A_871 = arith.constant 0 : i32
        %dma_start3A_872 = tpu.memref_slice %arg4[%add3A_854, %dma_start3A_871] : memref<12548x128xi32, #tpu.memory_space<hbm>> -> memref<4x128xi32, #tpu.memory_space<hbm>>
        %dma_start3A_873 = arith.constant 0 : i32
        %dma_start3A_874 = arith.constant 0 : i32
        %dma_start3A_875 = tpu.memref_slice %arg7[%rem3A_604, %dma_start3A_873, %dma_start3A_874] : memref<3x4x128xi32, #tpu.memory_space<vmem>> -> memref<1x4x128xi32, #tpu.memory_space<vmem>>
        %dma_start3A_876 = tpu.memref_squeeze %dma_start3A_875 : memref<1x4x128xi32, #tpu.memory_space<vmem>> -> memref<4x128xi32, #tpu.memory_space<vmem>>
        %dma_start3A_877 = arith.constant 0 : i32
        %dma_start3A_878 = tpu.memref_slice %arg4[%add3A_854, %dma_start3A_877] : memref<12548x128xi32, #tpu.memory_space<hbm>> -> memref<4x128xi32, #tpu.memory_space<hbm>>
        tpu.enqueue_dma source(%dma_start3A_878 : memref<4x128xi32, #tpu.memory_space<hbm>>) target(%dma_start3A_876 : memref<4x128xi32, #tpu.memory_space<vmem>>) target_semaphore(%arg12 : memref<!tpu.dma_semaphore, #tpu.memory_space<semaphore_mem>>)
      } else {
      }
    }
    %scan3A_164 = arith.constant 195 : i32
    %rem3A = arith.constant 195 : i32
    %rem3A_165 = arith.constant 3 : i32
    %rem3A_166 = arith.remsi %rem3A, %rem3A_165 : i32
    %rem3A_167 = arith.constant 196 : i32
    %rem3A_168 = arith.constant 3 : i32
    %rem3A_169 = arith.remsi %rem3A_167, %rem3A_168 : i32
    %dma_wait3A_170 = arith.constant 0 : i32
    %dma_wait3A_171 = arith.constant 0 : i32
    %dma_wait3A_172 = arith.constant 0 : i32
    %dma_wait3A_173 = tpu.memref_slice %arg8[%rem3A_169, %dma_wait3A_170, %dma_wait3A_171, %dma_wait3A_172] : memref<3x4x128x16xf32, #tpu.memory_space<vmem>> -> memref<1x1x128x16xf32, #tpu.memory_space<vmem>>
    %dma_wait3A_174 = tpu.memref_squeeze %dma_wait3A_173 : memref<1x1x128x16xf32, #tpu.memory_space<vmem>> -> memref<128x16xf32, #tpu.memory_space<vmem>>
    %dma_wait3A_175 = arith.constant 0 : i32
    %dma_wait3A_176 = arith.constant 0 : i32
    %dma_wait3A_177 = tpu.memref_slice %arg2[%arg0, %dma_wait3A_175, %dma_wait3A_176] : memref<2x100096x16xf32, #tpu.memory_space<hbm>> -> memref<1x100096x16xf32, #tpu.memory_space<hbm>>
    %dma_wait3A_178 = tpu.memref_squeeze %dma_wait3A_177 : memref<1x100096x16xf32, #tpu.memory_space<hbm>> -> memref<100096x16xf32, #tpu.memory_space<hbm>>
    %dma_wait3A_179 = arith.constant 0 : i32
    %dma_wait3A_180 = arith.constant 0 : i32
    %dma_wait3A_181 = tpu.memref_slice %dma_wait3A_178[%dma_wait3A_179, %dma_wait3A_180] : memref<100096x16xf32, #tpu.memory_space<hbm>> -> memref<128x16xf32, #tpu.memory_space<hbm>>
    %dma_wait3A_182 = arith.constant 0 : i32
    %dma_wait3A_183 = arith.constant 0 : i32
    %dma_wait3A_184 = tpu.memref_slice %arg8[%rem3A_169, %dma_wait3A_170, %dma_wait3A_182, %dma_wait3A_183] : memref<3x4x128x16xf32, #tpu.memory_space<vmem>> -> memref<1x1x128x16xf32, #tpu.memory_space<vmem>>
    %dma_wait3A_185 = tpu.memref_squeeze %dma_wait3A_184 : memref<1x1x128x16xf32, #tpu.memory_space<vmem>> -> memref<128x16xf32, #tpu.memory_space<vmem>>
    %dma_wait3A_186 = arith.constant 0 : i32
    %dma_wait3A_187 = arith.constant 0 : i32
    %dma_wait3A_188 = tpu.memref_slice %arg2[%arg0, %dma_wait3A_186, %dma_wait3A_187] : memref<2x100096x16xf32, #tpu.memory_space<hbm>> -> memref<1x100096x16xf32, #tpu.memory_space<hbm>>
    %dma_wait3A_189 = tpu.memref_squeeze %dma_wait3A_188 : memref<1x100096x16xf32, #tpu.memory_space<hbm>> -> memref<100096x16xf32, #tpu.memory_space<hbm>>
    %dma_wait3A_190 = arith.constant 0 : i32
    %dma_wait3A_191 = arith.constant 0 : i32
    %dma_wait3A_192 = tpu.memref_slice %dma_wait3A_189[%dma_wait3A_190, %dma_wait3A_191] : memref<100096x16xf32, #tpu.memory_space<hbm>> -> memref<128x16xf32, #tpu.memory_space<hbm>>
    tpu.wait_dma2 semaphore(%arg11 : memref<!tpu.dma_semaphore, #tpu.memory_space<semaphore_mem>>) src(%dma_wait3A_192 : memref<128x16xf32, #tpu.memory_space<hbm>>) dst(%dma_wait3A_185 : memref<128x16xf32, #tpu.memory_space<vmem>>)
    %dma_wait3A_193 = arith.constant 1 : i32
    %dma_wait3A_194 = arith.constant 0 : i32
    %dma_wait3A_195 = arith.constant 0 : i32
    %dma_wait3A_196 = tpu.memref_slice %arg8[%rem3A_169, %dma_wait3A_193, %dma_wait3A_194, %dma_wait3A_195] : memref<3x4x128x16xf32, #tpu.memory_space<vmem>> -> memref<1x1x128x16xf32, #tpu.memory_space<vmem>>
    %dma_wait3A_197 = tpu.memref_squeeze %dma_wait3A_196 : memref<1x1x128x16xf32, #tpu.memory_space<vmem>> -> memref<128x16xf32, #tpu.memory_space<vmem>>
    %dma_wait3A_198 = arith.constant 0 : i32
    %dma_wait3A_199 = arith.constant 0 : i32
    %dma_wait3A_200 = tpu.memref_slice %arg2[%arg0, %dma_wait3A_198, %dma_wait3A_199] : memref<2x100096x16xf32, #tpu.memory_space<hbm>> -> memref<1x100096x16xf32, #tpu.memory_space<hbm>>
    %dma_wait3A_201 = tpu.memref_squeeze %dma_wait3A_200 : memref<1x100096x16xf32, #tpu.memory_space<hbm>> -> memref<100096x16xf32, #tpu.memory_space<hbm>>
    %dma_wait3A_202 = arith.constant 0 : i32
    %dma_wait3A_203 = arith.constant 0 : i32
    %dma_wait3A_204 = tpu.memref_slice %dma_wait3A_201[%dma_wait3A_202, %dma_wait3A_203] : memref<100096x16xf32, #tpu.memory_space<hbm>> -> memref<128x16xf32, #tpu.memory_space<hbm>>
    %dma_wait3A_205 = arith.constant 0 : i32
    %dma_wait3A_206 = arith.constant 0 : i32
    %dma_wait3A_207 = tpu.memref_slice %arg8[%rem3A_169, %dma_wait3A_193, %dma_wait3A_205, %dma_wait3A_206] : memref<3x4x128x16xf32, #tpu.memory_space<vmem>> -> memref<1x1x128x16xf32, #tpu.memory_space<vmem>>
    %dma_wait3A_208 = tpu.memref_squeeze %dma_wait3A_207 : memref<1x1x128x16xf32, #tpu.memory_space<vmem>> -> memref<128x16xf32, #tpu.memory_space<vmem>>
    %dma_wait3A_209 = arith.constant 0 : i32
    %dma_wait3A_210 = arith.constant 0 : i32
    %dma_wait3A_211 = tpu.memref_slice %arg2[%arg0, %dma_wait3A_209, %dma_wait3A_210] : memref<2x100096x16xf32, #tpu.memory_space<hbm>> -> memref<1x100096x16xf32, #tpu.memory_space<hbm>>
    %dma_wait3A_212 = tpu.memref_squeeze %dma_wait3A_211 : memref<1x100096x16xf32, #tpu.memory_space<hbm>> -> memref<100096x16xf32, #tpu.memory_space<hbm>>
    %dma_wait3A_213 = arith.constant 0 : i32
    %dma_wait3A_214 = arith.constant 0 : i32
    %dma_wait3A_215 = tpu.memref_slice %dma_wait3A_212[%dma_wait3A_213, %dma_wait3A_214] : memref<100096x16xf32, #tpu.memory_space<hbm>> -> memref<128x16xf32, #tpu.memory_space<hbm>>
    tpu.wait_dma2 semaphore(%arg11 : memref<!tpu.dma_semaphore, #tpu.memory_space<semaphore_mem>>) src(%dma_wait3A_215 : memref<128x16xf32, #tpu.memory_space<hbm>>) dst(%dma_wait3A_208 : memref<128x16xf32, #tpu.memory_space<vmem>>)
    %dma_wait3A_216 = arith.constant 2 : i32
    %dma_wait3A_217 = arith.constant 0 : i32
    %dma_wait3A_218 = arith.constant 0 : i32
    %dma_wait3A_219 = tpu.memref_slice %arg8[%rem3A_169, %dma_wait3A_216, %dma_wait3A_217, %dma_wait3A_218] : memref<3x4x128x16xf32, #tpu.memory_space<vmem>> -> memref<1x1x128x16xf32, #tpu.memory_space<vmem>>
    %dma_wait3A_220 = tpu.memref_squeeze %dma_wait3A_219 : memref<1x1x128x16xf32, #tpu.memory_space<vmem>> -> memref<128x16xf32, #tpu.memory_space<vmem>>
    %dma_wait3A_221 = arith.constant 0 : i32
    %dma_wait3A_222 = arith.constant 0 : i32
    %dma_wait3A_223 = tpu.memref_slice %arg2[%arg0, %dma_wait3A_221, %dma_wait3A_222] : memref<2x100096x16xf32, #tpu.memory_space<hbm>> -> memref<1x100096x16xf32, #tpu.memory_space<hbm>>
    %dma_wait3A_224 = tpu.memref_squeeze %dma_wait3A_223 : memref<1x100096x16xf32, #tpu.memory_space<hbm>> -> memref<100096x16xf32, #tpu.memory_space<hbm>>
    %dma_wait3A_225 = arith.constant 0 : i32
    %dma_wait3A_226 = arith.constant 0 : i32
    %dma_wait3A_227 = tpu.memref_slice %dma_wait3A_224[%dma_wait3A_225, %dma_wait3A_226] : memref<100096x16xf32, #tpu.memory_space<hbm>> -> memref<128x16xf32, #tpu.memory_space<hbm>>
    %dma_wait3A_228 = arith.constant 0 : i32
    %dma_wait3A_229 = arith.constant 0 : i32
    %dma_wait3A_230 = tpu.memref_slice %arg8[%rem3A_169, %dma_wait3A_216, %dma_wait3A_228, %dma_wait3A_229] : memref<3x4x128x16xf32, #tpu.memory_space<vmem>> -> memref<1x1x128x16xf32, #tpu.memory_space<vmem>>
    %dma_wait3A_231 = tpu.memref_squeeze %dma_wait3A_230 : memref<1x1x128x16xf32, #tpu.memory_space<vmem>> -> memref<128x16xf32, #tpu.memory_space<vmem>>
    %dma_wait3A_232 = arith.constant 0 : i32
    %dma_wait3A_233 = arith.constant 0 : i32
    %dma_wait3A_234 = tpu.memref_slice %arg2[%arg0, %dma_wait3A_232, %dma_wait3A_233] : memref<2x100096x16xf32, #tpu.memory_space<hbm>> -> memref<1x100096x16xf32, #tpu.memory_space<hbm>>
    %dma_wait3A_235 = tpu.memref_squeeze %dma_wait3A_234 : memref<1x100096x16xf32, #tpu.memory_space<hbm>> -> memref<100096x16xf32, #tpu.memory_space<hbm>>
    %dma_wait3A_236 = arith.constant 0 : i32
    %dma_wait3A_237 = arith.constant 0 : i32
    %dma_wait3A_238 = tpu.memref_slice %dma_wait3A_235[%dma_wait3A_236, %dma_wait3A_237] : memref<100096x16xf32, #tpu.memory_space<hbm>> -> memref<128x16xf32, #tpu.memory_space<hbm>>
    tpu.wait_dma2 semaphore(%arg11 : memref<!tpu.dma_semaphore, #tpu.memory_space<semaphore_mem>>) src(%dma_wait3A_238 : memref<128x16xf32, #tpu.memory_space<hbm>>) dst(%dma_wait3A_231 : memref<128x16xf32, #tpu.memory_space<vmem>>)
    %dma_wait3A_239 = arith.constant 3 : i32
    %dma_wait3A_240 = arith.constant 0 : i32
    %dma_wait3A_241 = arith.constant 0 : i32
    %dma_wait3A_242 = tpu.memref_slice %arg8[%rem3A_169, %dma_wait3A_239, %dma_wait3A_240, %dma_wait3A_241] : memref<3x4x128x16xf32, #tpu.memory_space<vmem>> -> memref<1x1x128x16xf32, #tpu.memory_space<vmem>>
    %dma_wait3A_243 = tpu.memref_squeeze %dma_wait3A_242 : memref<1x1x128x16xf32, #tpu.memory_space<vmem>> -> memref<128x16xf32, #tpu.memory_space<vmem>>
    %dma_wait3A_244 = arith.constant 0 : i32
    %dma_wait3A_245 = arith.constant 0 : i32
    %dma_wait3A_246 = tpu.memref_slice %arg2[%arg0, %dma_wait3A_244, %dma_wait3A_245] : memref<2x100096x16xf32, #tpu.memory_space<hbm>> -> memref<1x100096x16xf32, #tpu.memory_space<hbm>>
    %dma_wait3A_247 = tpu.memref_squeeze %dma_wait3A_246 : memref<1x100096x16xf32, #tpu.memory_space<hbm>> -> memref<100096x16xf32, #tpu.memory_space<hbm>>
    %dma_wait3A_248 = arith.constant 0 : i32
    %dma_wait3A_249 = arith.constant 0 : i32
    %dma_wait3A_250 = tpu.memref_slice %dma_wait3A_247[%dma_wait3A_248, %dma_wait3A_249] : memref<100096x16xf32, #tpu.memory_space<hbm>> -> memref<128x16xf32, #tpu.memory_space<hbm>>
    %dma_wait3A_251 = arith.constant 0 : i32
    %dma_wait3A_252 = arith.constant 0 : i32
    %dma_wait3A_253 = tpu.memref_slice %arg8[%rem3A_169, %dma_wait3A_239, %dma_wait3A_251, %dma_wait3A_252] : memref<3x4x128x16xf32, #tpu.memory_space<vmem>> -> memref<1x1x128x16xf32, #tpu.memory_space<vmem>>
    %dma_wait3A_254 = tpu.memref_squeeze %dma_wait3A_253 : memref<1x1x128x16xf32, #tpu.memory_space<vmem>> -> memref<128x16xf32, #tpu.memory_space<vmem>>
    %dma_wait3A_255 = arith.constant 0 : i32
    %dma_wait3A_256 = arith.constant 0 : i32
    %dma_wait3A_257 = tpu.memref_slice %arg2[%arg0, %dma_wait3A_255, %dma_wait3A_256] : memref<2x100096x16xf32, #tpu.memory_space<hbm>> -> memref<1x100096x16xf32, #tpu.memory_space<hbm>>
    %dma_wait3A_258 = tpu.memref_squeeze %dma_wait3A_257 : memref<1x100096x16xf32, #tpu.memory_space<hbm>> -> memref<100096x16xf32, #tpu.memory_space<hbm>>
    %dma_wait3A_259 = arith.constant 0 : i32
    %dma_wait3A_260 = arith.constant 0 : i32
    %dma_wait3A_261 = tpu.memref_slice %dma_wait3A_258[%dma_wait3A_259, %dma_wait3A_260] : memref<100096x16xf32, #tpu.memory_space<hbm>> -> memref<128x16xf32, #tpu.memory_space<hbm>>
    tpu.wait_dma2 semaphore(%arg11 : memref<!tpu.dma_semaphore, #tpu.memory_space<semaphore_mem>>) src(%dma_wait3A_261 : memref<128x16xf32, #tpu.memory_space<hbm>>) dst(%dma_wait3A_254 : memref<128x16xf32, #tpu.memory_space<vmem>>)
    %dma_wait3A_262 = arith.constant 0 : i32
    %dma_wait3A_263 = arith.constant 0 : i32
    %dma_wait3A_264 = arith.constant 0 : i32
    %dma_wait3A_265 = tpu.memref_slice %arg8[%rem3A_166, %dma_wait3A_262, %dma_wait3A_263, %dma_wait3A_264] : memref<3x4x128x16xf32, #tpu.memory_space<vmem>> -> memref<1x1x128x16xf32, #tpu.memory_space<vmem>>
    %dma_wait3A_266 = tpu.memref_squeeze %dma_wait3A_265 : memref<1x1x128x16xf32, #tpu.memory_space<vmem>> -> memref<128x16xf32, #tpu.memory_space<vmem>>
    %dma_wait3A_267 = arith.constant 0 : i32
    %dma_wait3A_268 = arith.constant 0 : i32
    %dma_wait3A_269 = tpu.memref_slice %arg2[%arg0, %dma_wait3A_267, %dma_wait3A_268] : memref<2x100096x16xf32, #tpu.memory_space<hbm>> -> memref<1x100096x16xf32, #tpu.memory_space<hbm>>
    %dma_wait3A_270 = tpu.memref_squeeze %dma_wait3A_269 : memref<1x100096x16xf32, #tpu.memory_space<hbm>> -> memref<100096x16xf32, #tpu.memory_space<hbm>>
    %dma_wait3A_271 = arith.constant 0 : i32
    %dma_wait3A_272 = arith.constant 0 : i32
    %dma_wait3A_273 = tpu.memref_slice %dma_wait3A_270[%dma_wait3A_271, %dma_wait3A_272] : memref<100096x16xf32, #tpu.memory_space<hbm>> -> memref<128x16xf32, #tpu.memory_space<hbm>>
    %dma_wait3A_274 = arith.constant 0 : i32
    %dma_wait3A_275 = arith.constant 0 : i32
    %dma_wait3A_276 = tpu.memref_slice %arg8[%rem3A_166, %dma_wait3A_262, %dma_wait3A_274, %dma_wait3A_275] : memref<3x4x128x16xf32, #tpu.memory_space<vmem>> -> memref<1x1x128x16xf32, #tpu.memory_space<vmem>>
    %dma_wait3A_277 = tpu.memref_squeeze %dma_wait3A_276 : memref<1x1x128x16xf32, #tpu.memory_space<vmem>> -> memref<128x16xf32, #tpu.memory_space<vmem>>
    %dma_wait3A_278 = arith.constant 0 : i32
    %dma_wait3A_279 = arith.constant 0 : i32
    %dma_wait3A_280 = tpu.memref_slice %arg2[%arg0, %dma_wait3A_278, %dma_wait3A_279] : memref<2x100096x16xf32, #tpu.memory_space<hbm>> -> memref<1x100096x16xf32, #tpu.memory_space<hbm>>
    %dma_wait3A_281 = tpu.memref_squeeze %dma_wait3A_280 : memref<1x100096x16xf32, #tpu.memory_space<hbm>> -> memref<100096x16xf32, #tpu.memory_space<hbm>>
    %dma_wait3A_282 = arith.constant 0 : i32
    %dma_wait3A_283 = arith.constant 0 : i32
    %dma_wait3A_284 = tpu.memref_slice %dma_wait3A_281[%dma_wait3A_282, %dma_wait3A_283] : memref<100096x16xf32, #tpu.memory_space<hbm>> -> memref<128x16xf32, #tpu.memory_space<hbm>>
    tpu.wait_dma2 semaphore(%arg10 : memref<!tpu.dma_semaphore, #tpu.memory_space<semaphore_mem>>) src(%dma_wait3A_284 : memref<128x16xf32, #tpu.memory_space<hbm>>) dst(%dma_wait3A_277 : memref<128x16xf32, #tpu.memory_space<vmem>>)
    %dma_wait3A_285 = arith.constant 1 : i32
    %dma_wait3A_286 = arith.constant 0 : i32
    %dma_wait3A_287 = arith.constant 0 : i32
    %dma_wait3A_288 = tpu.memref_slice %arg8[%rem3A_166, %dma_wait3A_285, %dma_wait3A_286, %dma_wait3A_287] : memref<3x4x128x16xf32, #tpu.memory_space<vmem>> -> memref<1x1x128x16xf32, #tpu.memory_space<vmem>>
    %dma_wait3A_289 = tpu.memref_squeeze %dma_wait3A_288 : memref<1x1x128x16xf32, #tpu.memory_space<vmem>> -> memref<128x16xf32, #tpu.memory_space<vmem>>
    %dma_wait3A_290 = arith.constant 0 : i32
    %dma_wait3A_291 = arith.constant 0 : i32
    %dma_wait3A_292 = tpu.memref_slice %arg2[%arg0, %dma_wait3A_290, %dma_wait3A_291] : memref<2x100096x16xf32, #tpu.memory_space<hbm>> -> memref<1x100096x16xf32, #tpu.memory_space<hbm>>
    %dma_wait3A_293 = tpu.memref_squeeze %dma_wait3A_292 : memref<1x100096x16xf32, #tpu.memory_space<hbm>> -> memref<100096x16xf32, #tpu.memory_space<hbm>>
    %dma_wait3A_294 = arith.constant 0 : i32
    %dma_wait3A_295 = arith.constant 0 : i32
    %dma_wait3A_296 = tpu.memref_slice %dma_wait3A_293[%dma_wait3A_294, %dma_wait3A_295] : memref<100096x16xf32, #tpu.memory_space<hbm>> -> memref<128x16xf32, #tpu.memory_space<hbm>>
    %dma_wait3A_297 = arith.constant 0 : i32
    %dma_wait3A_298 = arith.constant 0 : i32
    %dma_wait3A_299 = tpu.memref_slice %arg8[%rem3A_166, %dma_wait3A_285, %dma_wait3A_297, %dma_wait3A_298] : memref<3x4x128x16xf32, #tpu.memory_space<vmem>> -> memref<1x1x128x16xf32, #tpu.memory_space<vmem>>
    %dma_wait3A_300 = tpu.memref_squeeze %dma_wait3A_299 : memref<1x1x128x16xf32, #tpu.memory_space<vmem>> -> memref<128x16xf32, #tpu.memory_space<vmem>>
    %dma_wait3A_301 = arith.constant 0 : i32
    %dma_wait3A_302 = arith.constant 0 : i32
    %dma_wait3A_303 = tpu.memref_slice %arg2[%arg0, %dma_wait3A_301, %dma_wait3A_302] : memref<2x100096x16xf32, #tpu.memory_space<hbm>> -> memref<1x100096x16xf32, #tpu.memory_space<hbm>>
    %dma_wait3A_304 = tpu.memref_squeeze %dma_wait3A_303 : memref<1x100096x16xf32, #tpu.memory_space<hbm>> -> memref<100096x16xf32, #tpu.memory_space<hbm>>
    %dma_wait3A_305 = arith.constant 0 : i32
    %dma_wait3A_306 = arith.constant 0 : i32
    %dma_wait3A_307 = tpu.memref_slice %dma_wait3A_304[%dma_wait3A_305, %dma_wait3A_306] : memref<100096x16xf32, #tpu.memory_space<hbm>> -> memref<128x16xf32, #tpu.memory_space<hbm>>
    tpu.wait_dma2 semaphore(%arg10 : memref<!tpu.dma_semaphore, #tpu.memory_space<semaphore_mem>>) src(%dma_wait3A_307 : memref<128x16xf32, #tpu.memory_space<hbm>>) dst(%dma_wait3A_300 : memref<128x16xf32, #tpu.memory_space<vmem>>)
    %dma_wait3A_308 = arith.constant 2 : i32
    %dma_wait3A_309 = arith.constant 0 : i32
    %dma_wait3A_310 = arith.constant 0 : i32
    %dma_wait3A_311 = tpu.memref_slice %arg8[%rem3A_166, %dma_wait3A_308, %dma_wait3A_309, %dma_wait3A_310] : memref<3x4x128x16xf32, #tpu.memory_space<vmem>> -> memref<1x1x128x16xf32, #tpu.memory_space<vmem>>
    %dma_wait3A_312 = tpu.memref_squeeze %dma_wait3A_311 : memref<1x1x128x16xf32, #tpu.memory_space<vmem>> -> memref<128x16xf32, #tpu.memory_space<vmem>>
    %dma_wait3A_313 = arith.constant 0 : i32
    %dma_wait3A_314 = arith.constant 0 : i32
    %dma_wait3A_315 = tpu.memref_slice %arg2[%arg0, %dma_wait3A_313, %dma_wait3A_314] : memref<2x100096x16xf32, #tpu.memory_space<hbm>> -> memref<1x100096x16xf32, #tpu.memory_space<hbm>>
    %dma_wait3A_316 = tpu.memref_squeeze %dma_wait3A_315 : memref<1x100096x16xf32, #tpu.memory_space<hbm>> -> memref<100096x16xf32, #tpu.memory_space<hbm>>
    %dma_wait3A_317 = arith.constant 0 : i32
    %dma_wait3A_318 = arith.constant 0 : i32
    %dma_wait3A_319 = tpu.memref_slice %dma_wait3A_316[%dma_wait3A_317, %dma_wait3A_318] : memref<100096x16xf32, #tpu.memory_space<hbm>> -> memref<128x16xf32, #tpu.memory_space<hbm>>
    %dma_wait3A_320 = arith.constant 0 : i32
    %dma_wait3A_321 = arith.constant 0 : i32
    %dma_wait3A_322 = tpu.memref_slice %arg8[%rem3A_166, %dma_wait3A_308, %dma_wait3A_320, %dma_wait3A_321] : memref<3x4x128x16xf32, #tpu.memory_space<vmem>> -> memref<1x1x128x16xf32, #tpu.memory_space<vmem>>
    %dma_wait3A_323 = tpu.memref_squeeze %dma_wait3A_322 : memref<1x1x128x16xf32, #tpu.memory_space<vmem>> -> memref<128x16xf32, #tpu.memory_space<vmem>>
    %dma_wait3A_324 = arith.constant 0 : i32
    %dma_wait3A_325 = arith.constant 0 : i32
    %dma_wait3A_326 = tpu.memref_slice %arg2[%arg0, %dma_wait3A_324, %dma_wait3A_325] : memref<2x100096x16xf32, #tpu.memory_space<hbm>> -> memref<1x100096x16xf32, #tpu.memory_space<hbm>>
    %dma_wait3A_327 = tpu.memref_squeeze %dma_wait3A_326 : memref<1x100096x16xf32, #tpu.memory_space<hbm>> -> memref<100096x16xf32, #tpu.memory_space<hbm>>
    %dma_wait3A_328 = arith.constant 0 : i32
    %dma_wait3A_329 = arith.constant 0 : i32
    %dma_wait3A_330 = tpu.memref_slice %dma_wait3A_327[%dma_wait3A_328, %dma_wait3A_329] : memref<100096x16xf32, #tpu.memory_space<hbm>> -> memref<128x16xf32, #tpu.memory_space<hbm>>
    tpu.wait_dma2 semaphore(%arg10 : memref<!tpu.dma_semaphore, #tpu.memory_space<semaphore_mem>>) src(%dma_wait3A_330 : memref<128x16xf32, #tpu.memory_space<hbm>>) dst(%dma_wait3A_323 : memref<128x16xf32, #tpu.memory_space<vmem>>)
    %dma_wait3A_331 = arith.constant 3 : i32
    %dma_wait3A_332 = arith.constant 0 : i32
    %dma_wait3A_333 = arith.constant 0 : i32
    %dma_wait3A_334 = tpu.memref_slice %arg8[%rem3A_166, %dma_wait3A_331, %dma_wait3A_332, %dma_wait3A_333] : memref<3x4x128x16xf32, #tpu.memory_space<vmem>> -> memref<1x1x128x16xf32, #tpu.memory_space<vmem>>
    %dma_wait3A_335 = tpu.memref_squeeze %dma_wait3A_334 : memref<1x1x128x16xf32, #tpu.memory_space<vmem>> -> memref<128x16xf32, #tpu.memory_space<vmem>>
    %dma_wait3A_336 = arith.constant 0 : i32
    %dma_wait3A_337 = arith.constant 0 : i32
    %dma_wait3A_338 = tpu.memref_slice %arg2[%arg0, %dma_wait3A_336, %dma_wait3A_337] : memref<2x100096x16xf32, #tpu.memory_space<hbm>> -> memref<1x100096x16xf32, #tpu.memory_space<hbm>>
    %dma_wait3A_339 = tpu.memref_squeeze %dma_wait3A_338 : memref<1x100096x16xf32, #tpu.memory_space<hbm>> -> memref<100096x16xf32, #tpu.memory_space<hbm>>
    %dma_wait3A_340 = arith.constant 0 : i32
    %dma_wait3A_341 = arith.constant 0 : i32
    %dma_wait3A_342 = tpu.memref_slice %dma_wait3A_339[%dma_wait3A_340, %dma_wait3A_341] : memref<100096x16xf32, #tpu.memory_space<hbm>> -> memref<128x16xf32, #tpu.memory_space<hbm>>
    %dma_wait3A_343 = arith.constant 0 : i32
    %dma_wait3A_344 = arith.constant 0 : i32
    %dma_wait3A_345 = tpu.memref_slice %arg8[%rem3A_166, %dma_wait3A_331, %dma_wait3A_343, %dma_wait3A_344] : memref<3x4x128x16xf32, #tpu.memory_space<vmem>> -> memref<1x1x128x16xf32, #tpu.memory_space<vmem>>
    %dma_wait3A_346 = tpu.memref_squeeze %dma_wait3A_345 : memref<1x1x128x16xf32, #tpu.memory_space<vmem>> -> memref<128x16xf32, #tpu.memory_space<vmem>>
    %dma_wait3A_347 = arith.constant 0 : i32
    %dma_wait3A_348 = arith.constant 0 : i32
    %dma_wait3A_349 = tpu.memref_slice %arg2[%arg0, %dma_wait3A_347, %dma_wait3A_348] : memref<2x100096x16xf32, #tpu.memory_space<hbm>> -> memref<1x100096x16xf32, #tpu.memory_space<hbm>>
    %dma_wait3A_350 = tpu.memref_squeeze %dma_wait3A_349 : memref<1x100096x16xf32, #tpu.memory_space<hbm>> -> memref<100096x16xf32, #tpu.memory_space<hbm>>
    %dma_wait3A_351 = arith.constant 0 : i32
    %dma_wait3A_352 = arith.constant 0 : i32
    %dma_wait3A_353 = tpu.memref_slice %dma_wait3A_350[%dma_wait3A_351, %dma_wait3A_352] : memref<100096x16xf32, #tpu.memory_space<hbm>> -> memref<128x16xf32, #tpu.memory_space<hbm>>
    tpu.wait_dma2 semaphore(%arg10 : memref<!tpu.dma_semaphore, #tpu.memory_space<semaphore_mem>>) src(%dma_wait3A_353 : memref<128x16xf32, #tpu.memory_space<hbm>>) dst(%dma_wait3A_346 : memref<128x16xf32, #tpu.memory_space<vmem>>)
    %dma_start3A_354 = arith.constant 0 : i32
    %dma_start3A_355 = arith.constant 0 : i32
    %dma_start3A_356 = arith.constant 0 : i32
    %dma_start3A_357 = arith.constant 0 : i32
    %dma_start3A_358 = tpu.memref_slice %arg8[%rem3A_166, %dma_start3A_354, %dma_start3A_356, %dma_start3A_357] : memref<3x4x128x16xf32, #tpu.memory_space<vmem>> -> memref<1x1x128x16xf32, #tpu.memory_space<vmem>>
    %dma_start3A_359 = tpu.memref_squeeze %dma_start3A_358 : memref<1x1x128x16xf32, #tpu.memory_space<vmem>> -> memref<128x16xf32, #tpu.memory_space<vmem>>
    %dma_start3A_360 = arith.constant 0 : i32
    %dma_start3A_361 = tpu.memref_slice %arg7[%rem3A_166, %dma_start3A_355, %dma_start3A_360] : memref<3x4x128xi32, #tpu.memory_space<vmem>> -> memref<1x1x128xi32, #tpu.memory_space<vmem>>
    %dma_start3A_362 = tpu.memref_squeeze %dma_start3A_361 : memref<1x1x128xi32, #tpu.memory_space<vmem>> -> memref<128xi32, #tpu.memory_space<vmem>>
    %dma_start3A_363 = arith.constant 0 : i32
    %dma_start3A_364 = arith.constant 0 : i32
    %dma_start3A_365 = tpu.memref_slice %arg9[%dma_start3A_363, %dma_start3A_364] : memref<100112x16xf32, #tpu.memory_space<vmem_shared>> -> memref<100112x16xf32, #tpu.memory_space<vmem_shared>>
    tpu.enqueue_indirect_dma source(%dma_start3A_359 : memref<128x16xf32, #tpu.memory_space<vmem>>) target(%dma_start3A_365 : memref<100112x16xf32, #tpu.memory_space<vmem_shared>>) offsets(%dma_start3A_362 : memref<128xi32, #tpu.memory_space<vmem>>) semaphore(%arg11 : memref<!tpu.dma_semaphore, #tpu.memory_space<semaphore_mem>>) {add = true}
    %dma_start3A_366 = arith.constant 1 : i32
    %dma_start3A_367 = arith.constant 1 : i32
    %dma_start3A_368 = arith.constant 0 : i32
    %dma_start3A_369 = arith.constant 0 : i32
    %dma_start3A_370 = tpu.memref_slice %arg8[%rem3A_166, %dma_start3A_366, %dma_start3A_368, %dma_start3A_369] : memref<3x4x128x16xf32, #tpu.memory_space<vmem>> -> memref<1x1x128x16xf32, #tpu.memory_space<vmem>>
    %dma_start3A_371 = tpu.memref_squeeze %dma_start3A_370 : memref<1x1x128x16xf32, #tpu.memory_space<vmem>> -> memref<128x16xf32, #tpu.memory_space<vmem>>
    %dma_start3A_372 = arith.constant 0 : i32
    %dma_start3A_373 = tpu.memref_slice %arg7[%rem3A_166, %dma_start3A_367, %dma_start3A_372] : memref<3x4x128xi32, #tpu.memory_space<vmem>> -> memref<1x1x128xi32, #tpu.memory_space<vmem>>
    %dma_start3A_374 = tpu.memref_squeeze %dma_start3A_373 : memref<1x1x128xi32, #tpu.memory_space<vmem>> -> memref<128xi32, #tpu.memory_space<vmem>>
    %dma_start3A_375 = arith.constant 0 : i32
    %dma_start3A_376 = arith.constant 0 : i32
    %dma_start3A_377 = tpu.memref_slice %arg9[%dma_start3A_375, %dma_start3A_376] : memref<100112x16xf32, #tpu.memory_space<vmem_shared>> -> memref<100112x16xf32, #tpu.memory_space<vmem_shared>>
    tpu.enqueue_indirect_dma source(%dma_start3A_371 : memref<128x16xf32, #tpu.memory_space<vmem>>) target(%dma_start3A_377 : memref<100112x16xf32, #tpu.memory_space<vmem_shared>>) offsets(%dma_start3A_374 : memref<128xi32, #tpu.memory_space<vmem>>) semaphore(%arg11 : memref<!tpu.dma_semaphore, #tpu.memory_space<semaphore_mem>>) {add = true}
    %dma_start3A_378 = arith.constant 2 : i32
    %dma_start3A_379 = arith.constant 2 : i32
    %dma_start3A_380 = arith.constant 0 : i32
    %dma_start3A_381 = arith.constant 0 : i32
    %dma_start3A_382 = tpu.memref_slice %arg8[%rem3A_166, %dma_start3A_378, %dma_start3A_380, %dma_start3A_381] : memref<3x4x128x16xf32, #tpu.memory_space<vmem>> -> memref<1x1x128x16xf32, #tpu.memory_space<vmem>>
    %dma_start3A_383 = tpu.memref_squeeze %dma_start3A_382 : memref<1x1x128x16xf32, #tpu.memory_space<vmem>> -> memref<128x16xf32, #tpu.memory_space<vmem>>
    %dma_start3A_384 = arith.constant 0 : i32
    %dma_start3A_385 = tpu.memref_slice %arg7[%rem3A_166, %dma_start3A_379, %dma_start3A_384] : memref<3x4x128xi32, #tpu.memory_space<vmem>> -> memref<1x1x128xi32, #tpu.memory_space<vmem>>
    %dma_start3A_386 = tpu.memref_squeeze %dma_start3A_385 : memref<1x1x128xi32, #tpu.memory_space<vmem>> -> memref<128xi32, #tpu.memory_space<vmem>>
    %dma_start3A_387 = arith.constant 0 : i32
    %dma_start3A_388 = arith.constant 0 : i32
    %dma_start3A_389 = tpu.memref_slice %arg9[%dma_start3A_387, %dma_start3A_388] : memref<100112x16xf32, #tpu.memory_space<vmem_shared>> -> memref<100112x16xf32, #tpu.memory_space<vmem_shared>>
    tpu.enqueue_indirect_dma source(%dma_start3A_383 : memref<128x16xf32, #tpu.memory_space<vmem>>) target(%dma_start3A_389 : memref<100112x16xf32, #tpu.memory_space<vmem_shared>>) offsets(%dma_start3A_386 : memref<128xi32, #tpu.memory_space<vmem>>) semaphore(%arg11 : memref<!tpu.dma_semaphore, #tpu.memory_space<semaphore_mem>>) {add = true}
    %dma_start3A_390 = arith.constant 3 : i32
    %dma_start3A_391 = arith.constant 3 : i32
    %dma_start3A_392 = arith.constant 0 : i32
    %dma_start3A_393 = arith.constant 0 : i32
    %dma_start3A_394 = tpu.memref_slice %arg8[%rem3A_166, %dma_start3A_390, %dma_start3A_392, %dma_start3A_393] : memref<3x4x128x16xf32, #tpu.memory_space<vmem>> -> memref<1x1x128x16xf32, #tpu.memory_space<vmem>>
    %dma_start3A_395 = tpu.memref_squeeze %dma_start3A_394 : memref<1x1x128x16xf32, #tpu.memory_space<vmem>> -> memref<128x16xf32, #tpu.memory_space<vmem>>
    %dma_start3A_396 = arith.constant 0 : i32
    %dma_start3A_397 = tpu.memref_slice %arg7[%rem3A_166, %dma_start3A_391, %dma_start3A_396] : memref<3x4x128xi32, #tpu.memory_space<vmem>> -> memref<1x1x128xi32, #tpu.memory_space<vmem>>
    %dma_start3A_398 = tpu.memref_squeeze %dma_start3A_397 : memref<1x1x128xi32, #tpu.memory_space<vmem>> -> memref<128xi32, #tpu.memory_space<vmem>>
    %dma_start3A_399 = arith.constant 0 : i32
    %dma_start3A_400 = arith.constant 0 : i32
    %dma_start3A_401 = tpu.memref_slice %arg9[%dma_start3A_399, %dma_start3A_400] : memref<100112x16xf32, #tpu.memory_space<vmem_shared>> -> memref<100112x16xf32, #tpu.memory_space<vmem_shared>>
    tpu.enqueue_indirect_dma source(%dma_start3A_395 : memref<128x16xf32, #tpu.memory_space<vmem>>) target(%dma_start3A_401 : memref<100112x16xf32, #tpu.memory_space<vmem_shared>>) offsets(%dma_start3A_398 : memref<128xi32, #tpu.memory_space<vmem>>) semaphore(%arg11 : memref<!tpu.dma_semaphore, #tpu.memory_space<semaphore_mem>>) {add = true}
    %rem3A_402 = arith.constant 194 : i32
    %rem3A_403 = arith.constant 3 : i32
    %rem3A_404 = arith.remsi %rem3A_402, %rem3A_403 : i32
    %dma_wait3A_405 = arith.constant 0 : i32
    %dma_wait3A_406 = arith.constant 0 : i32
    %dma_wait3A_407 = arith.constant 0 : i32
    %dma_wait3A_408 = tpu.memref_slice %arg8[%rem3A_404, %dma_wait3A_405, %dma_wait3A_406, %dma_wait3A_407] : memref<3x4x128x16xf32, #tpu.memory_space<vmem>> -> memref<1x1x128x16xf32, #tpu.memory_space<vmem>>
    %dma_wait3A_409 = tpu.memref_squeeze %dma_wait3A_408 : memref<1x1x128x16xf32, #tpu.memory_space<vmem>> -> memref<128x16xf32, #tpu.memory_space<vmem>>
    %dma_wait3A_410 = arith.constant 0 : i32
    %dma_wait3A_411 = arith.constant 0 : i32
    %dma_wait3A_412 = tpu.memref_slice %arg2[%arg0, %dma_wait3A_410, %dma_wait3A_411] : memref<2x100096x16xf32, #tpu.memory_space<hbm>> -> memref<1x100096x16xf32, #tpu.memory_space<hbm>>
    %dma_wait3A_413 = tpu.memref_squeeze %dma_wait3A_412 : memref<1x100096x16xf32, #tpu.memory_space<hbm>> -> memref<100096x16xf32, #tpu.memory_space<hbm>>
    %dma_wait3A_414 = arith.constant 0 : i32
    %dma_wait3A_415 = arith.constant 0 : i32
    %dma_wait3A_416 = tpu.memref_slice %dma_wait3A_413[%dma_wait3A_414, %dma_wait3A_415] : memref<100096x16xf32, #tpu.memory_space<hbm>> -> memref<128x16xf32, #tpu.memory_space<hbm>>
    %dma_wait3A_417 = arith.constant 0 : i32
    %dma_wait3A_418 = arith.constant 0 : i32
    %dma_wait3A_419 = tpu.memref_slice %arg8[%rem3A_404, %dma_wait3A_405, %dma_wait3A_417, %dma_wait3A_418] : memref<3x4x128x16xf32, #tpu.memory_space<vmem>> -> memref<1x1x128x16xf32, #tpu.memory_space<vmem>>
    %dma_wait3A_420 = tpu.memref_squeeze %dma_wait3A_419 : memref<1x1x128x16xf32, #tpu.memory_space<vmem>> -> memref<128x16xf32, #tpu.memory_space<vmem>>
    %dma_wait3A_421 = arith.constant 0 : i32
    %dma_wait3A_422 = arith.constant 0 : i32
    %dma_wait3A_423 = tpu.memref_slice %arg2[%arg0, %dma_wait3A_421, %dma_wait3A_422] : memref<2x100096x16xf32, #tpu.memory_space<hbm>> -> memref<1x100096x16xf32, #tpu.memory_space<hbm>>
    %dma_wait3A_424 = tpu.memref_squeeze %dma_wait3A_423 : memref<1x100096x16xf32, #tpu.memory_space<hbm>> -> memref<100096x16xf32, #tpu.memory_space<hbm>>
    %dma_wait3A_425 = arith.constant 0 : i32
    %dma_wait3A_426 = arith.constant 0 : i32
    %dma_wait3A_427 = tpu.memref_slice %dma_wait3A_424[%dma_wait3A_425, %dma_wait3A_426] : memref<100096x16xf32, #tpu.memory_space<hbm>> -> memref<128x16xf32, #tpu.memory_space<hbm>>
    tpu.wait_dma2 semaphore(%arg11 : memref<!tpu.dma_semaphore, #tpu.memory_space<semaphore_mem>>) src(%dma_wait3A_427 : memref<128x16xf32, #tpu.memory_space<hbm>>) dst(%dma_wait3A_420 : memref<128x16xf32, #tpu.memory_space<vmem>>)
    %dma_wait3A_428 = arith.constant 1 : i32
    %dma_wait3A_429 = arith.constant 0 : i32
    %dma_wait3A_430 = arith.constant 0 : i32
    %dma_wait3A_431 = tpu.memref_slice %arg8[%rem3A_404, %dma_wait3A_428, %dma_wait3A_429, %dma_wait3A_430] : memref<3x4x128x16xf32, #tpu.memory_space<vmem>> -> memref<1x1x128x16xf32, #tpu.memory_space<vmem>>
    %dma_wait3A_432 = tpu.memref_squeeze %dma_wait3A_431 : memref<1x1x128x16xf32, #tpu.memory_space<vmem>> -> memref<128x16xf32, #tpu.memory_space<vmem>>
    %dma_wait3A_433 = arith.constant 0 : i32
    %dma_wait3A_434 = arith.constant 0 : i32
    %dma_wait3A_435 = tpu.memref_slice %arg2[%arg0, %dma_wait3A_433, %dma_wait3A_434] : memref<2x100096x16xf32, #tpu.memory_space<hbm>> -> memref<1x100096x16xf32, #tpu.memory_space<hbm>>
    %dma_wait3A_436 = tpu.memref_squeeze %dma_wait3A_435 : memref<1x100096x16xf32, #tpu.memory_space<hbm>> -> memref<100096x16xf32, #tpu.memory_space<hbm>>
    %dma_wait3A_437 = arith.constant 0 : i32
    %dma_wait3A_438 = arith.constant 0 : i32
    %dma_wait3A_439 = tpu.memref_slice %dma_wait3A_436[%dma_wait3A_437, %dma_wait3A_438] : memref<100096x16xf32, #tpu.memory_space<hbm>> -> memref<128x16xf32, #tpu.memory_space<hbm>>
    %dma_wait3A_440 = arith.constant 0 : i32
    %dma_wait3A_441 = arith.constant 0 : i32
    %dma_wait3A_442 = tpu.memref_slice %arg8[%rem3A_404, %dma_wait3A_428, %dma_wait3A_440, %dma_wait3A_441] : memref<3x4x128x16xf32, #tpu.memory_space<vmem>> -> memref<1x1x128x16xf32, #tpu.memory_space<vmem>>
    %dma_wait3A_443 = tpu.memref_squeeze %dma_wait3A_442 : memref<1x1x128x16xf32, #tpu.memory_space<vmem>> -> memref<128x16xf32, #tpu.memory_space<vmem>>
    %dma_wait3A_444 = arith.constant 0 : i32
    %dma_wait3A_445 = arith.constant 0 : i32
    %dma_wait3A_446 = tpu.memref_slice %arg2[%arg0, %dma_wait3A_444, %dma_wait3A_445] : memref<2x100096x16xf32, #tpu.memory_space<hbm>> -> memref<1x100096x16xf32, #tpu.memory_space<hbm>>
    %dma_wait3A_447 = tpu.memref_squeeze %dma_wait3A_446 : memref<1x100096x16xf32, #tpu.memory_space<hbm>> -> memref<100096x16xf32, #tpu.memory_space<hbm>>
    %dma_wait3A_448 = arith.constant 0 : i32
    %dma_wait3A_449 = arith.constant 0 : i32
    %dma_wait3A_450 = tpu.memref_slice %dma_wait3A_447[%dma_wait3A_448, %dma_wait3A_449] : memref<100096x16xf32, #tpu.memory_space<hbm>> -> memref<128x16xf32, #tpu.memory_space<hbm>>
    tpu.wait_dma2 semaphore(%arg11 : memref<!tpu.dma_semaphore, #tpu.memory_space<semaphore_mem>>) src(%dma_wait3A_450 : memref<128x16xf32, #tpu.memory_space<hbm>>) dst(%dma_wait3A_443 : memref<128x16xf32, #tpu.memory_space<vmem>>)
    %dma_wait3A_451 = arith.constant 2 : i32
    %dma_wait3A_452 = arith.constant 0 : i32
    %dma_wait3A_453 = arith.constant 0 : i32
    %dma_wait3A_454 = tpu.memref_slice %arg8[%rem3A_404, %dma_wait3A_451, %dma_wait3A_452, %dma_wait3A_453] : memref<3x4x128x16xf32, #tpu.memory_space<vmem>> -> memref<1x1x128x16xf32, #tpu.memory_space<vmem>>
    %dma_wait3A_455 = tpu.memref_squeeze %dma_wait3A_454 : memref<1x1x128x16xf32, #tpu.memory_space<vmem>> -> memref<128x16xf32, #tpu.memory_space<vmem>>
    %dma_wait3A_456 = arith.constant 0 : i32
    %dma_wait3A_457 = arith.constant 0 : i32
    %dma_wait3A_458 = tpu.memref_slice %arg2[%arg0, %dma_wait3A_456, %dma_wait3A_457] : memref<2x100096x16xf32, #tpu.memory_space<hbm>> -> memref<1x100096x16xf32, #tpu.memory_space<hbm>>
    %dma_wait3A_459 = tpu.memref_squeeze %dma_wait3A_458 : memref<1x100096x16xf32, #tpu.memory_space<hbm>> -> memref<100096x16xf32, #tpu.memory_space<hbm>>
    %dma_wait3A_460 = arith.constant 0 : i32
    %dma_wait3A_461 = arith.constant 0 : i32
    %dma_wait3A_462 = tpu.memref_slice %dma_wait3A_459[%dma_wait3A_460, %dma_wait3A_461] : memref<100096x16xf32, #tpu.memory_space<hbm>> -> memref<128x16xf32, #tpu.memory_space<hbm>>
    %dma_wait3A_463 = arith.constant 0 : i32
    %dma_wait3A_464 = arith.constant 0 : i32
    %dma_wait3A_465 = tpu.memref_slice %arg8[%rem3A_404, %dma_wait3A_451, %dma_wait3A_463, %dma_wait3A_464] : memref<3x4x128x16xf32, #tpu.memory_space<vmem>> -> memref<1x1x128x16xf32, #tpu.memory_space<vmem>>
    %dma_wait3A_466 = tpu.memref_squeeze %dma_wait3A_465 : memref<1x1x128x16xf32, #tpu.memory_space<vmem>> -> memref<128x16xf32, #tpu.memory_space<vmem>>
    %dma_wait3A_467 = arith.constant 0 : i32
    %dma_wait3A_468 = arith.constant 0 : i32
    %dma_wait3A_469 = tpu.memref_slice %arg2[%arg0, %dma_wait3A_467, %dma_wait3A_468] : memref<2x100096x16xf32, #tpu.memory_space<hbm>> -> memref<1x100096x16xf32, #tpu.memory_space<hbm>>
    %dma_wait3A_470 = tpu.memref_squeeze %dma_wait3A_469 : memref<1x100096x16xf32, #tpu.memory_space<hbm>> -> memref<100096x16xf32, #tpu.memory_space<hbm>>
    %dma_wait3A_471 = arith.constant 0 : i32
    %dma_wait3A_472 = arith.constant 0 : i32
    %dma_wait3A_473 = tpu.memref_slice %dma_wait3A_470[%dma_wait3A_471, %dma_wait3A_472] : memref<100096x16xf32, #tpu.memory_space<hbm>> -> memref<128x16xf32, #tpu.memory_space<hbm>>
    tpu.wait_dma2 semaphore(%arg11 : memref<!tpu.dma_semaphore, #tpu.memory_space<semaphore_mem>>) src(%dma_wait3A_473 : memref<128x16xf32, #tpu.memory_space<hbm>>) dst(%dma_wait3A_466 : memref<128x16xf32, #tpu.memory_space<vmem>>)
    %dma_wait3A_474 = arith.constant 3 : i32
    %dma_wait3A_475 = arith.constant 0 : i32
    %dma_wait3A_476 = arith.constant 0 : i32
    %dma_wait3A_477 = tpu.memref_slice %arg8[%rem3A_404, %dma_wait3A_474, %dma_wait3A_475, %dma_wait3A_476] : memref<3x4x128x16xf32, #tpu.memory_space<vmem>> -> memref<1x1x128x16xf32, #tpu.memory_space<vmem>>
    %dma_wait3A_478 = tpu.memref_squeeze %dma_wait3A_477 : memref<1x1x128x16xf32, #tpu.memory_space<vmem>> -> memref<128x16xf32, #tpu.memory_space<vmem>>
    %dma_wait3A_479 = arith.constant 0 : i32
    %dma_wait3A_480 = arith.constant 0 : i32
    %dma_wait3A_481 = tpu.memref_slice %arg2[%arg0, %dma_wait3A_479, %dma_wait3A_480] : memref<2x100096x16xf32, #tpu.memory_space<hbm>> -> memref<1x100096x16xf32, #tpu.memory_space<hbm>>
    %dma_wait3A_482 = tpu.memref_squeeze %dma_wait3A_481 : memref<1x100096x16xf32, #tpu.memory_space<hbm>> -> memref<100096x16xf32, #tpu.memory_space<hbm>>
    %dma_wait3A_483 = arith.constant 0 : i32
    %dma_wait3A_484 = arith.constant 0 : i32
    %dma_wait3A_485 = tpu.memref_slice %dma_wait3A_482[%dma_wait3A_483, %dma_wait3A_484] : memref<100096x16xf32, #tpu.memory_space<hbm>> -> memref<128x16xf32, #tpu.memory_space<hbm>>
    %dma_wait3A_486 = arith.constant 0 : i32
    %dma_wait3A_487 = arith.constant 0 : i32
    %dma_wait3A_488 = tpu.memref_slice %arg8[%rem3A_404, %dma_wait3A_474, %dma_wait3A_486, %dma_wait3A_487] : memref<3x4x128x16xf32, #tpu.memory_space<vmem>> -> memref<1x1x128x16xf32, #tpu.memory_space<vmem>>
    %dma_wait3A_489 = tpu.memref_squeeze %dma_wait3A_488 : memref<1x1x128x16xf32, #tpu.memory_space<vmem>> -> memref<128x16xf32, #tpu.memory_space<vmem>>
    %dma_wait3A_490 = arith.constant 0 : i32
    %dma_wait3A_491 = arith.constant 0 : i32
    %dma_wait3A_492 = tpu.memref_slice %arg2[%arg0, %dma_wait3A_490, %dma_wait3A_491] : memref<2x100096x16xf32, #tpu.memory_space<hbm>> -> memref<1x100096x16xf32, #tpu.memory_space<hbm>>
    %dma_wait3A_493 = tpu.memref_squeeze %dma_wait3A_492 : memref<1x100096x16xf32, #tpu.memory_space<hbm>> -> memref<100096x16xf32, #tpu.memory_space<hbm>>
    %dma_wait3A_494 = arith.constant 0 : i32
    %dma_wait3A_495 = arith.constant 0 : i32
    %dma_wait3A_496 = tpu.memref_slice %dma_wait3A_493[%dma_wait3A_494, %dma_wait3A_495] : memref<100096x16xf32, #tpu.memory_space<hbm>> -> memref<128x16xf32, #tpu.memory_space<hbm>>
    tpu.wait_dma2 semaphore(%arg11 : memref<!tpu.dma_semaphore, #tpu.memory_space<semaphore_mem>>) src(%dma_wait3A_496 : memref<128x16xf32, #tpu.memory_space<hbm>>) dst(%dma_wait3A_489 : memref<128x16xf32, #tpu.memory_space<vmem>>)
    %dma_wait3A_497 = arith.constant 0 : i32
    %dma_wait3A_498 = arith.constant 0 : i32
    %dma_wait3A_499 = arith.constant 0 : i32
    %dma_wait3A_500 = tpu.memref_slice %arg8[%rem3A_166, %dma_wait3A_497, %dma_wait3A_498, %dma_wait3A_499] : memref<3x4x128x16xf32, #tpu.memory_space<vmem>> -> memref<1x1x128x16xf32, #tpu.memory_space<vmem>>
    %dma_wait3A_501 = tpu.memref_squeeze %dma_wait3A_500 : memref<1x1x128x16xf32, #tpu.memory_space<vmem>> -> memref<128x16xf32, #tpu.memory_space<vmem>>
    %dma_wait3A_502 = arith.constant 0 : i32
    %dma_wait3A_503 = arith.constant 0 : i32
    %dma_wait3A_504 = tpu.memref_slice %arg2[%arg0, %dma_wait3A_502, %dma_wait3A_503] : memref<2x100096x16xf32, #tpu.memory_space<hbm>> -> memref<1x100096x16xf32, #tpu.memory_space<hbm>>
    %dma_wait3A_505 = tpu.memref_squeeze %dma_wait3A_504 : memref<1x100096x16xf32, #tpu.memory_space<hbm>> -> memref<100096x16xf32, #tpu.memory_space<hbm>>
    %dma_wait3A_506 = arith.constant 0 : i32
    %dma_wait3A_507 = arith.constant 0 : i32
    %dma_wait3A_508 = tpu.memref_slice %dma_wait3A_505[%dma_wait3A_506, %dma_wait3A_507] : memref<100096x16xf32, #tpu.memory_space<hbm>> -> memref<128x16xf32, #tpu.memory_space<hbm>>
    %dma_wait3A_509 = arith.constant 0 : i32
    %dma_wait3A_510 = arith.constant 0 : i32
    %dma_wait3A_511 = tpu.memref_slice %arg8[%rem3A_166, %dma_wait3A_497, %dma_wait3A_509, %dma_wait3A_510] : memref<3x4x128x16xf32, #tpu.memory_space<vmem>> -> memref<1x1x128x16xf32, #tpu.memory_space<vmem>>
    %dma_wait3A_512 = tpu.memref_squeeze %dma_wait3A_511 : memref<1x1x128x16xf32, #tpu.memory_space<vmem>> -> memref<128x16xf32, #tpu.memory_space<vmem>>
    %dma_wait3A_513 = arith.constant 0 : i32
    %dma_wait3A_514 = arith.constant 0 : i32
    %dma_wait3A_515 = tpu.memref_slice %arg2[%arg0, %dma_wait3A_513, %dma_wait3A_514] : memref<2x100096x16xf32, #tpu.memory_space<hbm>> -> memref<1x100096x16xf32, #tpu.memory_space<hbm>>
    %dma_wait3A_516 = tpu.memref_squeeze %dma_wait3A_515 : memref<1x100096x16xf32, #tpu.memory_space<hbm>> -> memref<100096x16xf32, #tpu.memory_space<hbm>>
    %dma_wait3A_517 = arith.constant 0 : i32
    %dma_wait3A_518 = arith.constant 0 : i32
    %dma_wait3A_519 = tpu.memref_slice %dma_wait3A_516[%dma_wait3A_517, %dma_wait3A_518] : memref<100096x16xf32, #tpu.memory_space<hbm>> -> memref<128x16xf32, #tpu.memory_space<hbm>>
    tpu.wait_dma2 semaphore(%arg11 : memref<!tpu.dma_semaphore, #tpu.memory_space<semaphore_mem>>) src(%dma_wait3A_519 : memref<128x16xf32, #tpu.memory_space<hbm>>) dst(%dma_wait3A_512 : memref<128x16xf32, #tpu.memory_space<vmem>>)
    %dma_wait3A_520 = arith.constant 1 : i32
    %dma_wait3A_521 = arith.constant 0 : i32
    %dma_wait3A_522 = arith.constant 0 : i32
    %dma_wait3A_523 = tpu.memref_slice %arg8[%rem3A_166, %dma_wait3A_520, %dma_wait3A_521, %dma_wait3A_522] : memref<3x4x128x16xf32, #tpu.memory_space<vmem>> -> memref<1x1x128x16xf32, #tpu.memory_space<vmem>>
    %dma_wait3A_524 = tpu.memref_squeeze %dma_wait3A_523 : memref<1x1x128x16xf32, #tpu.memory_space<vmem>> -> memref<128x16xf32, #tpu.memory_space<vmem>>
    %dma_wait3A_525 = arith.constant 0 : i32
    %dma_wait3A_526 = arith.constant 0 : i32
    %dma_wait3A_527 = tpu.memref_slice %arg2[%arg0, %dma_wait3A_525, %dma_wait3A_526] : memref<2x100096x16xf32, #tpu.memory_space<hbm>> -> memref<1x100096x16xf32, #tpu.memory_space<hbm>>
    %dma_wait3A_528 = tpu.memref_squeeze %dma_wait3A_527 : memref<1x100096x16xf32, #tpu.memory_space<hbm>> -> memref<100096x16xf32, #tpu.memory_space<hbm>>
    %dma_wait3A_529 = arith.constant 0 : i32
    %dma_wait3A_530 = arith.constant 0 : i32
    %dma_wait3A_531 = tpu.memref_slice %dma_wait3A_528[%dma_wait3A_529, %dma_wait3A_530] : memref<100096x16xf32, #tpu.memory_space<hbm>> -> memref<128x16xf32, #tpu.memory_space<hbm>>
    %dma_wait3A_532 = arith.constant 0 : i32
    %dma_wait3A_533 = arith.constant 0 : i32
    %dma_wait3A_534 = tpu.memref_slice %arg8[%rem3A_166, %dma_wait3A_520, %dma_wait3A_532, %dma_wait3A_533] : memref<3x4x128x16xf32, #tpu.memory_space<vmem>> -> memref<1x1x128x16xf32, #tpu.memory_space<vmem>>
    %dma_wait3A_535 = tpu.memref_squeeze %dma_wait3A_534 : memref<1x1x128x16xf32, #tpu.memory_space<vmem>> -> memref<128x16xf32, #tpu.memory_space<vmem>>
    %dma_wait3A_536 = arith.constant 0 : i32
    %dma_wait3A_537 = arith.constant 0 : i32
    %dma_wait3A_538 = tpu.memref_slice %arg2[%arg0, %dma_wait3A_536, %dma_wait3A_537] : memref<2x100096x16xf32, #tpu.memory_space<hbm>> -> memref<1x100096x16xf32, #tpu.memory_space<hbm>>
    %dma_wait3A_539 = tpu.memref_squeeze %dma_wait3A_538 : memref<1x100096x16xf32, #tpu.memory_space<hbm>> -> memref<100096x16xf32, #tpu.memory_space<hbm>>
    %dma_wait3A_540 = arith.constant 0 : i32
    %dma_wait3A_541 = arith.constant 0 : i32
    %dma_wait3A_542 = tpu.memref_slice %dma_wait3A_539[%dma_wait3A_540, %dma_wait3A_541] : memref<100096x16xf32, #tpu.memory_space<hbm>> -> memref<128x16xf32, #tpu.memory_space<hbm>>
    tpu.wait_dma2 semaphore(%arg11 : memref<!tpu.dma_semaphore, #tpu.memory_space<semaphore_mem>>) src(%dma_wait3A_542 : memref<128x16xf32, #tpu.memory_space<hbm>>) dst(%dma_wait3A_535 : memref<128x16xf32, #tpu.memory_space<vmem>>)
    %dma_wait3A_543 = arith.constant 2 : i32
    %dma_wait3A_544 = arith.constant 0 : i32
    %dma_wait3A_545 = arith.constant 0 : i32
    %dma_wait3A_546 = tpu.memref_slice %arg8[%rem3A_166, %dma_wait3A_543, %dma_wait3A_544, %dma_wait3A_545] : memref<3x4x128x16xf32, #tpu.memory_space<vmem>> -> memref<1x1x128x16xf32, #tpu.memory_space<vmem>>
    %dma_wait3A_547 = tpu.memref_squeeze %dma_wait3A_546 : memref<1x1x128x16xf32, #tpu.memory_space<vmem>> -> memref<128x16xf32, #tpu.memory_space<vmem>>
    %dma_wait3A_548 = arith.constant 0 : i32
    %dma_wait3A_549 = arith.constant 0 : i32
    %dma_wait3A_550 = tpu.memref_slice %arg2[%arg0, %dma_wait3A_548, %dma_wait3A_549] : memref<2x100096x16xf32, #tpu.memory_space<hbm>> -> memref<1x100096x16xf32, #tpu.memory_space<hbm>>
    %dma_wait3A_551 = tpu.memref_squeeze %dma_wait3A_550 : memref<1x100096x16xf32, #tpu.memory_space<hbm>> -> memref<100096x16xf32, #tpu.memory_space<hbm>>
    %dma_wait3A_552 = arith.constant 0 : i32
    %dma_wait3A_553 = arith.constant 0 : i32
    %dma_wait3A_554 = tpu.memref_slice %dma_wait3A_551[%dma_wait3A_552, %dma_wait3A_553] : memref<100096x16xf32, #tpu.memory_space<hbm>> -> memref<128x16xf32, #tpu.memory_space<hbm>>
    %dma_wait3A_555 = arith.constant 0 : i32
    %dma_wait3A_556 = arith.constant 0 : i32
    %dma_wait3A_557 = tpu.memref_slice %arg8[%rem3A_166, %dma_wait3A_543, %dma_wait3A_555, %dma_wait3A_556] : memref<3x4x128x16xf32, #tpu.memory_space<vmem>> -> memref<1x1x128x16xf32, #tpu.memory_space<vmem>>
    %dma_wait3A_558 = tpu.memref_squeeze %dma_wait3A_557 : memref<1x1x128x16xf32, #tpu.memory_space<vmem>> -> memref<128x16xf32, #tpu.memory_space<vmem>>
    %dma_wait3A_559 = arith.constant 0 : i32
    %dma_wait3A_560 = arith.constant 0 : i32
    %dma_wait3A_561 = tpu.memref_slice %arg2[%arg0, %dma_wait3A_559, %dma_wait3A_560] : memref<2x100096x16xf32, #tpu.memory_space<hbm>> -> memref<1x100096x16xf32, #tpu.memory_space<hbm>>
    %dma_wait3A_562 = tpu.memref_squeeze %dma_wait3A_561 : memref<1x100096x16xf32, #tpu.memory_space<hbm>> -> memref<100096x16xf32, #tpu.memory_space<hbm>>
    %dma_wait3A_563 = arith.constant 0 : i32
    %dma_wait3A_564 = arith.constant 0 : i32
    %dma_wait3A_565 = tpu.memref_slice %dma_wait3A_562[%dma_wait3A_563, %dma_wait3A_564] : memref<100096x16xf32, #tpu.memory_space<hbm>> -> memref<128x16xf32, #tpu.memory_space<hbm>>
    tpu.wait_dma2 semaphore(%arg11 : memref<!tpu.dma_semaphore, #tpu.memory_space<semaphore_mem>>) src(%dma_wait3A_565 : memref<128x16xf32, #tpu.memory_space<hbm>>) dst(%dma_wait3A_558 : memref<128x16xf32, #tpu.memory_space<vmem>>)
    %dma_wait3A_566 = arith.constant 3 : i32
    %dma_wait3A_567 = arith.constant 0 : i32
    %dma_wait3A_568 = arith.constant 0 : i32
    %dma_wait3A_569 = tpu.memref_slice %arg8[%rem3A_166, %dma_wait3A_566, %dma_wait3A_567, %dma_wait3A_568] : memref<3x4x128x16xf32, #tpu.memory_space<vmem>> -> memref<1x1x128x16xf32, #tpu.memory_space<vmem>>
    %dma_wait3A_570 = tpu.memref_squeeze %dma_wait3A_569 : memref<1x1x128x16xf32, #tpu.memory_space<vmem>> -> memref<128x16xf32, #tpu.memory_space<vmem>>
    %dma_wait3A_571 = arith.constant 0 : i32
    %dma_wait3A_572 = arith.constant 0 : i32
    %dma_wait3A_573 = tpu.memref_slice %arg2[%arg0, %dma_wait3A_571, %dma_wait3A_572] : memref<2x100096x16xf32, #tpu.memory_space<hbm>> -> memref<1x100096x16xf32, #tpu.memory_space<hbm>>
    %dma_wait3A_574 = tpu.memref_squeeze %dma_wait3A_573 : memref<1x100096x16xf32, #tpu.memory_space<hbm>> -> memref<100096x16xf32, #tpu.memory_space<hbm>>
    %dma_wait3A_575 = arith.constant 0 : i32
    %dma_wait3A_576 = arith.constant 0 : i32
    %dma_wait3A_577 = tpu.memref_slice %dma_wait3A_574[%dma_wait3A_575, %dma_wait3A_576] : memref<100096x16xf32, #tpu.memory_space<hbm>> -> memref<128x16xf32, #tpu.memory_space<hbm>>
    %dma_wait3A_578 = arith.constant 0 : i32
    %dma_wait3A_579 = arith.constant 0 : i32
    %dma_wait3A_580 = tpu.memref_slice %arg8[%rem3A_166, %dma_wait3A_566, %dma_wait3A_578, %dma_wait3A_579] : memref<3x4x128x16xf32, #tpu.memory_space<vmem>> -> memref<1x1x128x16xf32, #tpu.memory_space<vmem>>
    %dma_wait3A_581 = tpu.memref_squeeze %dma_wait3A_580 : memref<1x1x128x16xf32, #tpu.memory_space<vmem>> -> memref<128x16xf32, #tpu.memory_space<vmem>>
    %dma_wait3A_582 = arith.constant 0 : i32
    %dma_wait3A_583 = arith.constant 0 : i32
    %dma_wait3A_584 = tpu.memref_slice %arg2[%arg0, %dma_wait3A_582, %dma_wait3A_583] : memref<2x100096x16xf32, #tpu.memory_space<hbm>> -> memref<1x100096x16xf32, #tpu.memory_space<hbm>>
    %dma_wait3A_585 = tpu.memref_squeeze %dma_wait3A_584 : memref<1x100096x16xf32, #tpu.memory_space<hbm>> -> memref<100096x16xf32, #tpu.memory_space<hbm>>
    %dma_wait3A_586 = arith.constant 0 : i32
    %dma_wait3A_587 = arith.constant 0 : i32
    %dma_wait3A_588 = tpu.memref_slice %dma_wait3A_585[%dma_wait3A_586, %dma_wait3A_587] : memref<100096x16xf32, #tpu.memory_space<hbm>> -> memref<128x16xf32, #tpu.memory_space<hbm>>
    tpu.wait_dma2 semaphore(%arg11 : memref<!tpu.dma_semaphore, #tpu.memory_space<semaphore_mem>>) src(%dma_wait3A_588 : memref<128x16xf32, #tpu.memory_space<hbm>>) dst(%dma_wait3A_581 : memref<128x16xf32, #tpu.memory_space<vmem>>)
    %barrier3A_589 = arith.constant 0 : index
    tpu.barrier barrier_id(%barrier3A_589)
    %mul3A_590 = arith.constant 6256 : i32
    %mul3A_591 = arith.muli %arg1, %mul3A_590 : i32
    %mul3A_592 = arith.constant 6256 : i32
    %mul3A_593 = arith.muli %arg1, %mul3A_592 : i32
    "tpu.region"() ({
      %run_scoped3A = tpu.sem_alloc : memref<!tpu.dma_semaphore, #tpu.memory_space<semaphore_mem>>
      %dma_start3A_594 = arith.constant 0 : i32
      %dma_start3A_595 = arith.constant 0 : i32
      %dma_start3A_596 = tpu.memref_slice %arg5[%arg0, %dma_start3A_594, %dma_start3A_595] : memref<2x100096x16xf32, #tpu.memory_space<hbm>> -> memref<1x100096x16xf32, #tpu.memory_space<hbm>>
      %dma_start3A_597 = tpu.memref_squeeze %dma_start3A_596 : memref<1x100096x16xf32, #tpu.memory_space<hbm>> -> memref<100096x16xf32, #tpu.memory_space<hbm>>
      %dma_start3A_598 = arith.constant 0 : i32
      %dma_start3A_599 = tpu.memref_slice %dma_start3A_597[%mul3A_593, %dma_start3A_598] : memref<100096x16xf32, #tpu.memory_space<hbm>> -> memref<6256x16xf32, #tpu.memory_space<hbm>>
      %dma_start3A_600 = arith.constant 0 : i32
      %dma_start3A_601 = tpu.memref_slice %arg9[%mul3A_591, %dma_start3A_600] : memref<100112x16xf32, #tpu.memory_space<vmem_shared>> -> memref<6256x16xf32, #tpu.memory_space<vmem_shared>>
      tpu.enqueue_dma source(%dma_start3A_601 : memref<6256x16xf32, #tpu.memory_space<vmem_shared>>) target(%dma_start3A_599 : memref<6256x16xf32, #tpu.memory_space<hbm>>) target_semaphore(%run_scoped3A : memref<!tpu.dma_semaphore, #tpu.memory_space<semaphore_mem>>)
      %dma_wait3A_602 = arith.constant 0 : i32
      %dma_wait3A_603 = arith.constant 0 : i32
      %dma_wait3A_604 = tpu.memref_slice %arg5[%arg0, %dma_wait3A_602, %dma_wait3A_603] : memref<2x100096x16xf32, #tpu.memory_space<hbm>> -> memref<1x100096x16xf32, #tpu.memory_space<hbm>>
      %dma_wait3A_605 = tpu.memref_squeeze %dma_wait3A_604 : memref<1x100096x16xf32, #tpu.memory_space<hbm>> -> memref<100096x16xf32, #tpu.memory_space<hbm>>
      %dma_wait3A_606 = arith.constant 0 : i32
      %dma_wait3A_607 = tpu.memref_slice %dma_wait3A_605[%mul3A_593, %dma_wait3A_606] : memref<100096x16xf32, #tpu.memory_space<hbm>> -> memref<6256x16xf32, #tpu.memory_space<hbm>>
      %dma_wait3A_608 = arith.constant 0 : i32
      %dma_wait3A_609 = tpu.memref_slice %arg9[%mul3A_591, %dma_wait3A_608] : memref<100112x16xf32, #tpu.memory_space<vmem_shared>> -> memref<6256x16xf32, #tpu.memory_space<vmem_shared>>
      tpu.wait_dma2 semaphore(%run_scoped3A : memref<!tpu.dma_semaphore, #tpu.memory_space<semaphore_mem>>) src(%dma_wait3A_609 : memref<6256x16xf32, #tpu.memory_space<vmem_shared>>) dst(%dma_wait3A_607 : memref<6256x16xf32, #tpu.memory_space<hbm>>)
      tpu.yield
    }) : () -> ()
    return
  }
}

module attributes {stable_mosaic.version = 14 : i64} {
  func.func @_mlp_body(%arg0: i32, %arg1: memref<2x6256x16xf32, #tpu.memory_space<vmem>>, %arg2: memref<32x32xf32, #tpu.memory_space<vmem>>, %arg3: memref<1x32xf32, #tpu.memory_space<vmem>>, %arg4: memref<32x32xf32, #tpu.memory_space<vmem>>, %arg5: memref<1x32xf32, #tpu.memory_space<vmem>>, %arg6: memref<2x6256x16xf32, #tpu.memory_space<vmem>>) attributes {dimension_semantics = [#tpu.dimension_semantics<arbitrary>], iteration_bounds = array<i64: 16>, scalar_prefetch = 0 : i64, scratch_operands = 0 : i64, tpu.core_type = #tpu.core_type<tc>, window_params = [{transform_indices = @transform_0, window_bounds = array<i64: 2, 6256, 16>}, {pipeline_mode = #tpu.pipeline_mode<synchronous>, transform_indices = @transform_1, window_bounds = array<i64: 32, 32>}, {pipeline_mode = #tpu.pipeline_mode<synchronous>, transform_indices = @transform_2, window_bounds = array<i64: 1, 32>}, {pipeline_mode = #tpu.pipeline_mode<synchronous>, transform_indices = @transform_3, window_bounds = array<i64: 32, 32>}, {pipeline_mode = #tpu.pipeline_mode<synchronous>, transform_indices = @transform_4, window_bounds = array<i64: 1, 32>}, {transform_indices = @transform_5, window_bounds = array<i64: 2, 6256, 16>}]} {
    %get3A = arith.constant 0 : index
    %get3A_0 = arith.constant 0 : index
    %get3A_1 = arith.constant 0 : index
    %get3A_2 = vector.load %arg1[%get3A, %get3A_0, %get3A_1] : memref<2x6256x16xf32, #tpu.memory_space<vmem>>, vector<1x6256x16xf32>
    %get3A_3 = vector.shape_cast %get3A_2 : vector<1x6256x16xf32> to vector<6256x16xf32>
    %get3A_4 = arith.constant 1 : index
    %get3A_5 = arith.constant 0 : index
    %get3A_6 = arith.constant 0 : index
    %get3A_7 = vector.load %arg1[%get3A_4, %get3A_5, %get3A_6] : memref<2x6256x16xf32, #tpu.memory_space<vmem>>, vector<1x6256x16xf32>
    %get3A_8 = vector.shape_cast %get3A_7 : vector<1x6256x16xf32> to vector<6256x16xf32>
    %concatenate3A = tpu.concatenate %get3A_3, %get3A_8 in 1 : vector<6256x16xf32>, vector<6256x16xf32> -> vector<6256x32xf32>
    %get3A_9 = arith.constant 0 : index
    %get3A_10 = arith.constant 0 : index
    %get3A_11 = vector.load %arg2[%get3A_9, %get3A_10] : memref<32x32xf32, #tpu.memory_space<vmem>>, vector<32x32xf32>
    %get3A_12 = arith.constant 0 : index
    %get3A_13 = arith.constant 0 : index
    %get3A_14 = vector.load %arg3[%get3A_12, %get3A_13] : memref<1x32xf32, #tpu.memory_space<vmem>>, vector<1x32xf32>
    %get3A_15 = arith.constant 0 : index
    %get3A_16 = arith.constant 0 : index
    %get3A_17 = vector.load %arg4[%get3A_15, %get3A_16] : memref<32x32xf32, #tpu.memory_space<vmem>>, vector<32x32xf32>
    %get3A_18 = arith.constant 0 : index
    %get3A_19 = arith.constant 0 : index
    %get3A_20 = vector.load %arg5[%get3A_18, %get3A_19] : memref<1x32xf32, #tpu.memory_space<vmem>>, vector<1x32xf32>
    %dot_general3A = arith.constant dense<0.000000e+00> : vector<6256x32xf32>
    %dot_general3A_21 = tpu.matmul %concatenate3A, %get3A_11, %dot_general3A {dimension_numbers = #tpu.dot_dimension_numbers<[1], [0], [0], [1], [0, 0, 1, 1], [], []>, transpose_lhs_hint = false} : vector<6256x32xf32>, vector<32x32xf32>, vector<6256x32xf32> -> vector<6256x32xf32>
    %add3A = vector.broadcast %get3A_14 : vector<1x32xf32> to vector<6256x32xf32>
    %add3A_22 = arith.addf %dot_general3A_21, %add3A : vector<6256x32xf32>
    %max3A = arith.constant 0.000000e+00 : f32
    %max3A_23 = vector.broadcast %max3A : f32 to vector<6256x32xf32>
    %max3A_24 = arith.maximumf %add3A_22, %max3A_23 : vector<6256x32xf32>
    %dot_general3A_25 = arith.constant dense<0.000000e+00> : vector<6256x32xf32>
    %dot_general3A_26 = tpu.matmul %max3A_24, %get3A_17, %dot_general3A_25 {dimension_numbers = #tpu.dot_dimension_numbers<[1], [0], [0], [1], [0, 0, 1, 1], [], []>, transpose_lhs_hint = false} : vector<6256x32xf32>, vector<32x32xf32>, vector<6256x32xf32> -> vector<6256x32xf32>
    %add3A_27 = vector.broadcast %get3A_20 : vector<1x32xf32> to vector<6256x32xf32>
    %add3A_28 = arith.addf %dot_general3A_26, %add3A_27 : vector<6256x32xf32>
    %max3A_29 = arith.constant 0.000000e+00 : f32
    %max3A_30 = vector.broadcast %max3A_29 : f32 to vector<6256x32xf32>
    %max3A_31 = arith.maximumf %add3A_28, %max3A_30 : vector<6256x32xf32>
    %slice3A = vector.extract_strided_slice %max3A_31 {offsets = [0, 0], sizes = [6256, 16], strides = [1, 1]} : vector<6256x32xf32> to vector<6256x16xf32>
    %swap3A = arith.constant 0 : index
    %swap3A_32 = arith.constant 0 : index
    %swap3A_33 = arith.constant 0 : index
    %swap3A_34 = vector.load %arg6[%swap3A, %swap3A_32, %swap3A_33] : memref<2x6256x16xf32, #tpu.memory_space<vmem>>, vector<1x6256x16xf32>
    %swap3A_35 = vector.shape_cast %swap3A_34 : vector<1x6256x16xf32> to vector<6256x16xf32>
    %swap3A_36 = vector.shape_cast %slice3A : vector<6256x16xf32> to vector<1x6256x16xf32>
    tpu.vector_store %arg6[%swap3A, %swap3A_32, %swap3A_33], %swap3A_36 {strides = array<i32>} : memref<2x6256x16xf32, #tpu.memory_space<vmem>>, vector<1x6256x16xf32>,
    %slice3A_37 = vector.extract_strided_slice %max3A_31 {offsets = [0, 16], sizes = [6256, 16], strides = [1, 1]} : vector<6256x32xf32> to vector<6256x16xf32>
    %swap3A_38 = arith.constant 1 : index
    %swap3A_39 = arith.constant 0 : index
    %swap3A_40 = arith.constant 0 : index
    %swap3A_41 = vector.load %arg6[%swap3A_38, %swap3A_39, %swap3A_40] : memref<2x6256x16xf32, #tpu.memory_space<vmem>>, vector<1x6256x16xf32>
    %swap3A_42 = vector.shape_cast %swap3A_41 : vector<1x6256x16xf32> to vector<6256x16xf32>
    %swap3A_43 = vector.shape_cast %slice3A_37 : vector<6256x16xf32> to vector<1x6256x16xf32>
    tpu.vector_store %arg6[%swap3A_38, %swap3A_39, %swap3A_40], %swap3A_43 {strides = array<i32>} : memref<2x6256x16xf32, #tpu.memory_space<vmem>>, vector<1x6256x16xf32>,
    return
  }
  func.func @transform_0(%arg0: i32) -> (i32, i32, i32) {
    %c0_i32 = arith.constant 0 : i32
    %c0_i32_0 = arith.constant 0 : i32
    %c0_i32_1 = arith.constant 0 : i32
    return %c0_i32, %arg0, %c0_i32_0 : i32, i32, i32
  }
  func.func @transform_1(%arg0: i32) -> (i32, i32) {
    %c0_i32 = arith.constant 0 : i32
    %c0_i32_0 = arith.constant 0 : i32
    %c0_i32_1 = arith.constant 0 : i32
    return %c0_i32, %c0_i32_0 : i32, i32
  }
  func.func @transform_2(%arg0: i32) -> (i32, i32) {
    %c0_i32 = arith.constant 0 : i32
    %c0_i32_0 = arith.constant 0 : i32
    %c0_i32_1 = arith.constant 0 : i32
    return %c0_i32, %c0_i32_0 : i32, i32
  }
  func.func @transform_3(%arg0: i32) -> (i32, i32) {
    %c0_i32 = arith.constant 0 : i32
    %c0_i32_0 = arith.constant 0 : i32
    %c0_i32_1 = arith.constant 0 : i32
    return %c0_i32, %c0_i32_0 : i32, i32
  }
  func.func @transform_4(%arg0: i32) -> (i32, i32) {
    %c0_i32 = arith.constant 0 : i32
    %c0_i32_0 = arith.constant 0 : i32
    %c0_i32_1 = arith.constant 0 : i32
    return %c0_i32, %c0_i32_0 : i32, i32
  }
  func.func @transform_5(%arg0: i32) -> (i32, i32, i32) {
    %c0_i32 = arith.constant 0 : i32
    %c0_i32_0 = arith.constant 0 : i32
    %c0_i32_1 = arith.constant 0 : i32
    return %c0_i32, %arg0, %c0_i32_0 : i32, i32, i32
  }
}

module attributes {stable_mosaic.version = 14 : i64} {
  func.func @_final_body(%arg0: i32, %arg1: memref<2x6256x16xf32, #tpu.memory_space<vmem>>, %arg2: memref<32x32xf32, #tpu.memory_space<vmem>>, %arg3: memref<1x32xf32, #tpu.memory_space<vmem>>, %arg4: memref<32x32xf32, #tpu.memory_space<vmem>>, %arg5: memref<1x32xf32, #tpu.memory_space<vmem>>, %arg6: memref<32x1xf32, #tpu.memory_space<vmem>>, %arg7: memref<1x1xf32, #tpu.memory_space<vmem>>, %arg8: memref<6256x1xf32, #tpu.memory_space<vmem>>) attributes {dimension_semantics = [#tpu.dimension_semantics<arbitrary>], iteration_bounds = array<i64: 16>, scalar_prefetch = 0 : i64, scratch_operands = 0 : i64, tpu.core_type = #tpu.core_type<tc>, window_params = [{transform_indices = @transform_0, window_bounds = array<i64: 2, 6256, 16>}, {pipeline_mode = #tpu.pipeline_mode<synchronous>, transform_indices = @transform_1, window_bounds = array<i64: 32, 32>}, {pipeline_mode = #tpu.pipeline_mode<synchronous>, transform_indices = @transform_2, window_bounds = array<i64: 1, 32>}, {pipeline_mode = #tpu.pipeline_mode<synchronous>, transform_indices = @transform_3, window_bounds = array<i64: 32, 32>}, {pipeline_mode = #tpu.pipeline_mode<synchronous>, transform_indices = @transform_4, window_bounds = array<i64: 1, 32>}, {pipeline_mode = #tpu.pipeline_mode<synchronous>, transform_indices = @transform_5, window_bounds = array<i64: 32, 1>}, {pipeline_mode = #tpu.pipeline_mode<synchronous>, transform_indices = @transform_6, window_bounds = array<i64: 1, 1>}, {transform_indices = @transform_7, window_bounds = array<i64: 6256, 1>}]} {
    %get3A = arith.constant 0 : index
    %get3A_0 = arith.constant 0 : index
    %get3A_1 = arith.constant 0 : index
    %get3A_2 = vector.load %arg1[%get3A, %get3A_0, %get3A_1] : memref<2x6256x16xf32, #tpu.memory_space<vmem>>, vector<1x6256x16xf32>
    %get3A_3 = vector.shape_cast %get3A_2 : vector<1x6256x16xf32> to vector<6256x16xf32>
    %get3A_4 = arith.constant 1 : index
    %get3A_5 = arith.constant 0 : index
    %get3A_6 = arith.constant 0 : index
    %get3A_7 = vector.load %arg1[%get3A_4, %get3A_5, %get3A_6] : memref<2x6256x16xf32, #tpu.memory_space<vmem>>, vector<1x6256x16xf32>
    %get3A_8 = vector.shape_cast %get3A_7 : vector<1x6256x16xf32> to vector<6256x16xf32>
    %concatenate3A = tpu.concatenate %get3A_3, %get3A_8 in 1 : vector<6256x16xf32>, vector<6256x16xf32> -> vector<6256x32xf32>
    %get3A_9 = arith.constant 0 : index
    %get3A_10 = arith.constant 0 : index
    %get3A_11 = vector.load %arg2[%get3A_9, %get3A_10] : memref<32x32xf32, #tpu.memory_space<vmem>>, vector<32x32xf32>
    %get3A_12 = arith.constant 0 : index
    %get3A_13 = arith.constant 0 : index
    %get3A_14 = vector.load %arg3[%get3A_12, %get3A_13] : memref<1x32xf32, #tpu.memory_space<vmem>>, vector<1x32xf32>
    %get3A_15 = arith.constant 0 : index
    %get3A_16 = arith.constant 0 : index
    %get3A_17 = vector.load %arg4[%get3A_15, %get3A_16] : memref<32x32xf32, #tpu.memory_space<vmem>>, vector<32x32xf32>
    %get3A_18 = arith.constant 0 : index
    %get3A_19 = arith.constant 0 : index
    %get3A_20 = vector.load %arg5[%get3A_18, %get3A_19] : memref<1x32xf32, #tpu.memory_space<vmem>>, vector<1x32xf32>
    %dot_general3A = arith.constant dense<0.000000e+00> : vector<6256x32xf32>
    %dot_general3A_21 = tpu.matmul %concatenate3A, %get3A_11, %dot_general3A {dimension_numbers = #tpu.dot_dimension_numbers<[1], [0], [0], [1], [0, 0, 1, 1], [], []>, transpose_lhs_hint = false} : vector<6256x32xf32>, vector<32x32xf32>, vector<6256x32xf32> -> vector<6256x32xf32>
    %add3A = vector.broadcast %get3A_14 : vector<1x32xf32> to vector<6256x32xf32>
    %add3A_22 = arith.addf %dot_general3A_21, %add3A : vector<6256x32xf32>
    %max3A = arith.constant 0.000000e+00 : f32
    %max3A_23 = vector.broadcast %max3A : f32 to vector<6256x32xf32>
    %max3A_24 = arith.maximumf %add3A_22, %max3A_23 : vector<6256x32xf32>
    %dot_general3A_25 = arith.constant dense<0.000000e+00> : vector<6256x32xf32>
    %dot_general3A_26 = tpu.matmul %max3A_24, %get3A_17, %dot_general3A_25 {dimension_numbers = #tpu.dot_dimension_numbers<[1], [0], [0], [1], [0, 0, 1, 1], [], []>, transpose_lhs_hint = false} : vector<6256x32xf32>, vector<32x32xf32>, vector<6256x32xf32> -> vector<6256x32xf32>
    %add3A_27 = vector.broadcast %get3A_20 : vector<1x32xf32> to vector<6256x32xf32>
    %add3A_28 = arith.addf %dot_general3A_26, %add3A_27 : vector<6256x32xf32>
    %max3A_29 = arith.constant 0.000000e+00 : f32
    %max3A_30 = vector.broadcast %max3A_29 : f32 to vector<6256x32xf32>
    %max3A_31 = arith.maximumf %add3A_28, %max3A_30 : vector<6256x32xf32>
    %get3A_32 = arith.constant 0 : index
    %get3A_33 = arith.constant 0 : index
    %get3A_34 = vector.load %arg6[%get3A_32, %get3A_33] : memref<32x1xf32, #tpu.memory_space<vmem>>, vector<32x1xf32>
    %dot_general3A_35 = arith.constant dense<0.000000e+00> : vector<6256x1xf32>
    %dot_general3A_36 = tpu.matmul %max3A_31, %get3A_34, %dot_general3A_35 {dimension_numbers = #tpu.dot_dimension_numbers<[1], [0], [0], [1], [0, 0, 1, 1], [], []>, transpose_lhs_hint = false} : vector<6256x32xf32>, vector<32x1xf32>, vector<6256x1xf32> -> vector<6256x1xf32>
    %get3A_37 = arith.constant 0 : index
    %get3A_38 = arith.constant 0 : index
    %get3A_39 = vector.load %arg7[%get3A_37, %get3A_38] : memref<1x1xf32, #tpu.memory_space<vmem>>, vector<1x1xf32>
    %add3A_40 = vector.broadcast %get3A_39 : vector<1x1xf32> to vector<6256x1xf32>
    %add3A_41 = arith.addf %dot_general3A_36, %add3A_40 : vector<6256x1xf32>
    %swap3A = arith.constant 0 : index
    %swap3A_42 = arith.constant 0 : index
    %swap3A_43 = vector.load %arg8[%swap3A, %swap3A_42] : memref<6256x1xf32, #tpu.memory_space<vmem>>, vector<6256x1xf32>
    tpu.vector_store %arg8[%swap3A, %swap3A_42], %add3A_41 {strides = array<i32>} : memref<6256x1xf32, #tpu.memory_space<vmem>>, vector<6256x1xf32>,
    return
  }
  func.func @transform_0(%arg0: i32) -> (i32, i32, i32) {
    %c0_i32 = arith.constant 0 : i32
    %c0_i32_0 = arith.constant 0 : i32
    %c0_i32_1 = arith.constant 0 : i32
    return %c0_i32, %arg0, %c0_i32_0 : i32, i32, i32
  }
  func.func @transform_1(%arg0: i32) -> (i32, i32) {
    %c0_i32 = arith.constant 0 : i32
    %c0_i32_0 = arith.constant 0 : i32
    %c0_i32_1 = arith.constant 0 : i32
    return %c0_i32, %c0_i32_0 : i32, i32
  }
  func.func @transform_2(%arg0: i32) -> (i32, i32) {
    %c0_i32 = arith.constant 0 : i32
    %c0_i32_0 = arith.constant 0 : i32
    %c0_i32_1 = arith.constant 0 : i32
    return %c0_i32, %c0_i32_0 : i32, i32
  }
  func.func @transform_3(%arg0: i32) -> (i32, i32) {
    %c0_i32 = arith.constant 0 : i32
    %c0_i32_0 = arith.constant 0 : i32
    %c0_i32_1 = arith.constant 0 : i32
    return %c0_i32, %c0_i32_0 : i32, i32
  }
  func.func @transform_4(%arg0: i32) -> (i32, i32) {
    %c0_i32 = arith.constant 0 : i32
    %c0_i32_0 = arith.constant 0 : i32
    %c0_i32_1 = arith.constant 0 : i32
    return %c0_i32, %c0_i32_0 : i32, i32
  }
  func.func @transform_5(%arg0: i32) -> (i32, i32) {
    %c0_i32 = arith.constant 0 : i32
    %c0_i32_0 = arith.constant 0 : i32
    %c0_i32_1 = arith.constant 0 : i32
    return %c0_i32, %c0_i32_0 : i32, i32
  }
  func.func @transform_6(%arg0: i32) -> (i32, i32) {
    %c0_i32 = arith.constant 0 : i32
    %c0_i32_0 = arith.constant 0 : i32
    %c0_i32_1 = arith.constant 0 : i32
    return %c0_i32, %c0_i32_0 : i32, i32
  }
  func.func @transform_7(%arg0: i32) -> (i32, i32) {
    %c0_i32 = arith.constant 0 : i32
    %c0_i32_0 = arith.constant 0 : i32
    return %arg0, %c0_i32 : i32, i32
  }
}

</mosaic_0001>

<sc_bundles>
// kernel: kernel.11.cloned.1.call-start
scs
__scs_entry_jumppad:
0x0: {  	(pc) =	sbr.rel $0x88, $3  }
0x1: {  	(tag) =	ssettag $0x0;
	lr =	simm.s32 $0x1  }
0x2: {  	[smem:$0x3F91] =	sst lr;
	_ =	strace $0xD0000000  }
0x3: {  	_ = 	snop  }
0x4: {  	_ = 	snop  }
0x5: {  	_ = 	snop  }
0x6: {  	_ = 	snop  }
0x7: {  	_ = 	snop  }
__scs_overlays_trampoline_lowered:
0x8: {  	[smem:$0x3FA0] =	sst s0  }
0x9: {  	[smem:$0x3FA1] =	sst s1  }
0xa: {  	[smem:$0x3FA2] =	sst s2  }
0xb: {  	[smem:$0x3FA3] =	sst s3  }
0xc: {  	[smem:$0x3FA4] =	sst s4  }
0xd: {  	[smem:$0x3FA5] =	sst s5  }
0xe: {  	[smem:$0x3FA6] =	sst s6  }
0xf: {  	[smem:$0x3FA7] =	sst s7  }
0x10: {  	[smem:$0x3FA8] =	sst s8  }
0x11: {  	[smem:$0x3FA9] =	sst s9;
	s0 =	simm.s32 @!p0 $0x0  }
0x12: {  	s1 =	sld [smem:$0x3F8F];
	s0 =	simm.s32 @p0 $0x1  }
0x13: {  	[smem:$0x3FAA] =	sst s0;
	s0 =	simm.s32 @!p1 $0x0  }
0x14: {  	s2 =	sld [smem:$0x3F8E];
	s0 =	simm.s32 @p1 $0x1  }
0x15: {  	[smem:$0x3FAB] =	sst s0;
	s0 =	simm.s32 @!p2 $0x0  }
0x16: {  	s3 =	sld [smem:$0x3FDB];
	s0 =	simm.s32 @p2 $0x1  }
0x17: {  	s4 =	simm.s32 $0x1BF5;
	[smem:$0x3FAD] =	sst s0  }
0x18: {  	s0 =	sld [smem:$0x3F90];
	_ =	swait.ge [sflag:s4], $0x0  }
0x19: {  	s7 =	sld [smem:$0x3F91]  }
0x1a: {  	s8 =	sadd.s32 $0xFFFFE003, lr  }
0x1b: {  	s9 =	sadd.s32 $0xFFFFFEF7, lr;
	s5 =	simm.s32 $0xFFFFFFFF;
	p2 =	slt.u32 s8, $0xFFFFF086  }
0x1c: {  	p1 =	slt.u32 s9, $0xF7A;
	s5 =	simm.s32 @!p2 $0x0  }
0x1d: {  	s5 =	simm.s32 @p1 $0x1;
	p0 =	seq.s32 s7, s2  }
0x1e: {  	s7 =	smul.u32 @!p0 $0xF7A, s2;
	p2 =	seq.s32 @!p0 s5, $0x0  }
0x1f: {  	s9 =	smul.u32 $0xF7A, s1;
	s8 =	simm.s32 @!p0 $0x1BF5;
	p2 =	por !p2, p0  }
0x20: {  	[sflag:s8] =	ssyncset.s32 @!p0 $0xFFFFF086;
	s6 =	sadd.s32 @!p0 s3, s7;
	s7 =	simm.s32 @!p0 $0x108  }
0x21: {  	s3 =	sadd.s32 s3, s9;
	s6 =	sadd.s32 @!p0 $0x88, s6;
	s7 =	simm.s32 @p2 $0x1082  }
0x22: {  	[simem:s7], [sflag:s8] =	dma.local @!p0 [hbm:s6], $0xF7A  }
0x23: {  	s9 =	sor.u32 $0xD0000000, s2;
	s6 =	simm.s32 $0x108;
	_ =	swait.ge @!p0 [sflag:s8], $0x0  }
0x24: {  	s3 =	sadd.s32 $0x88, s3;
	s6 =	simm.s32 @!p1 $0x1082;
	[sflag:s4] =	ssyncset.s32 $0xFFFFF086  }
0x25: {  	[simem:s6], [sflag:s4] =	dma.local [hbm:s3], $0xF7A  }
0x26: {  	[smem:$0x3F91] =	sst s1;
	(tag) =	ssettag s2;
	_ =	strace s9  }
0x27: {  	s1 =	sld [smem:$0x3FA1]  }
0x28: {  	s2 =	sld [smem:$0x3FA2]  }
0x29: {  	s4 =	sld [smem:$0x3FA4]  }
0x2a: {  	p0 =	seq.s32 s5, $0x0;
	s5 =	sld [smem:$0x3FA5]  }
0x2b: {  	s6 =	sld [smem:$0x3FA6]  }
0x2c: {  	s7 =	sld [smem:$0x3FA7]  }
0x2d: {  	s3 =	simm.s32 $0x108;
	s8 =	sld [smem:$0x3FA8]  }
0x2e: {  	s3 =	simm.s32 @!p0 $0x1082;
	s9 =	sld [smem:$0x3FA9]  }
0x2f: {  	lr =	sadd.s32 s0, s3;
	s0 =	sld [smem:$0x3FA0]  }
0x30: {  	s3 =	sld [smem:$0x3FA3]  }
0x31: {  	[smem:$0x3FAC] =	sst s10  }
0x32: {  	s10 =	sld [smem:$0x3FAA];
	_ =	sdelay $0x3  }
0x33: {  	p0 =	seq.s32 s10, $0x1;
	s10 =	sld [smem:$0x3FAC];
	_ =	sdelay $0x3  }
0x34: {  	[smem:$0x3FAC] =	sst s10  }
0x35: {  	s10 =	sld [smem:$0x3FAB];
	_ =	sdelay $0x3  }
0x36: {  	p1 =	seq.s32 s10, $0x1;
	s10 =	sld [smem:$0x3FAC];
	_ =	sdelay $0x3  }
0x37: {  	[smem:$0x3FAC] =	sst s10  }
0x38: {  	s10 =	sld [smem:$0x3FAD]  }
0x39: {  	_ = 	snop;
	(pc) =	sbr.ind lr, $3  }
0x3a: {  	_ = 	snop  }
0x3b: {  	_ = 	snop  }
0x3c: {  	p2 =	seq.s32 s10, $0x1;
	s10 =	sld [smem:$0x3FAC]  }
0x3d: {  	_ =	shalt  }
0x3e: {  	_ =	shalt  }
0x3f: {  	_ =	shalt  }
0x40: {  	_ =	shalt  }
0x41: {  	_ =	shalt  }
0x42: {  	_ =	shalt  }
0x43: {  	_ =	shalt  }
0x44: {  	_ =	shalt  }
0x45: {  	_ =	shalt  }
0x46: {  	_ =	shalt  }
0x47: {  	_ =	shalt  }
0x48: {  	_ =	shalt  }
0x49: {  	_ =	shalt  }
0x4a: {  	_ =	shalt  }
0x4b: {  	_ =	shalt  }
0x4c: {  	_ =	shalt  }
0x4d: {  	_ =	shalt  }
0x4e: {  	_ =	shalt  }
0x4f: {  	_ =	shalt  }
0x50: {  	_ =	shalt  }
0x51: {  	_ =	shalt  }
0x52: {  	_ =	shalt  }
0x53: {  	_ =	shalt  }
0x54: {  	_ =	shalt  }
0x55: {  	_ =	shalt  }
0x56: {  	_ =	shalt  }
0x57: {  	_ =	shalt  }
0x58: {  	_ =	shalt  }
0x59: {  	_ =	shalt  }
0x5a: {  	_ =	shalt  }
0x5b: {  	_ =	shalt  }
0x5c: {  	_ =	shalt  }
0x5d: {  	_ =	shalt  }
0x5e: {  	_ =	shalt  }
0x5f: {  	_ =	shalt  }
0x60: {  	_ =	shalt  }
0x61: {  	_ =	shalt  }
0x62: {  	_ =	shalt  }
0x63: {  	_ =	shalt  }
0x64: {  	_ =	shalt  }
0x65: {  	_ =	shalt  }
0x66: {  	_ =	shalt  }
0x67: {  	_ =	shalt  }
0x68: {  	_ =	shalt  }
0x69: {  	_ =	shalt  }
0x6a: {  	_ =	shalt  }
0x6b: {  	_ =	shalt  }
0x6c: {  	_ =	shalt  }
0x6d: {  	_ =	shalt  }
0x6e: {  	_ =	shalt  }
0x6f: {  	_ =	shalt  }
0x70: {  	_ =	shalt  }
0x71: {  	_ =	shalt  }
0x72: {  	_ =	shalt  }
0x73: {  	_ =	shalt  }
0x74: {  	_ =	shalt  }
0x75: {  	_ =	shalt  }
0x76: {  	_ =	shalt  }
0x77: {  	_ =	shalt  }
0x78: {  	_ =	shalt  }
0x79: {  	_ =	shalt  }
0x7a: {  	_ =	shalt  }
0x7b: {  	_ =	shalt  }
0x7c: {  	_ =	shalt  }
0x7d: {  	_ =	shalt  }
0x7e: {  	_ =	shalt  }
0x7f: {  	_ =	shalt  }
0x80: {  	_ =	shalt  }
0x81: {  	_ =	shalt  }
0x82: {  	_ =	shalt  }
0x83: {  	_ =	shalt  }
0x84: {  	_ =	shalt  }
0x85: {  	_ =	shalt  }
0x86: {  	_ =	shalt  }
0x87: {  	_ =	shalt  }
.Lfunc_end0:
.L_simem_size_0:
called_computation.1_lowered:
.L_overlay_start_0:
0x88: {  	s2 =	sld [smem:$0x3FD9]  }
0x89: {  	s3 =	sld [smem:$0x3FFE];
	_ =	sdelay $0x1  }
0x8a: {  	s1 =	srdreg.scid  }
0x8b: {  	s0 =	sand.u32 $0x1, s1  }
0x8c: {  	s16 =	sshll.u32 s0, $0xA;
	s2 =	sadd.s32 s3, s2  }
0x8d: {  	s2 =	sadd.s32 s2, s16  }
0x8e: {  	[smem:$0x3FB8] =	sst s2  }
0x8f: {  	_ = 	snop  }
0x90: {  	(tm) =	ssettm $0x1  }
0x91: {  	s17 =	sld [smem:$0x3FFB];
	_ =	sdelay $0x3  }
0x92: {  	_ =	strace s17  }
0x93: {  	s2 =	sld [smem:$0x3FFC];
	_ =	sdelay $0x3  }
0x94: {  	_ =	strace s2  }
0x95: {  	s2 =	sld [smem:$0x3FFD];
	_ =	sdelay $0x3  }
0x96: {  	_ =	strace s2  }
0x97: {  	_ =	strace $0x8FFFFFFF  }
0x98: {  	s18 =	sld [smem:$0x3FDB];
	_ =	sdelay $0x1  }
0x99: {  	s19 =	simm.s32 $_scs_section_size  }
0x9a: {  	s4 =	simm.s32 $_size__tile_overlayer_lowered;
	s5 =	simm.s32 $_tile_overlayer_lowered  }
0x9b: {  	s22 =	simm.s32 $0x1BFF;
	s21 =	sshll.u32 s5, $0x1;
	s2 =	sadd.s32 s19, s18  }
0x9c: {  	s6 =	simm.s32 $0x0;
	s20 =	sshll.u32 s4, $0x1;
	s4 =	sadd.s32 s21, s2  }
0x9d: {  	[timem:s6], [sflag:s22] =	dma.local [hbm:s4], s20  }
0x9e: {  	_ =	swait.ge [sflag:s22], s20  }
0x9f: {  	s3 =	ssub.s32 $0x0, s20;
	[sflag:s22] =	ssyncset.done $0x0  }
0xa0: {  	[sflag:s22] =	ssyncadd.s32 s3;
	_ =	sdelay $0x1  }
0xa1: {  	s23 =	simm.s32 $0x1B8B  }
0xa2: {  	_ =	swait.ge [sflag:s23], $0x1  }
0xa3: {  	[sflag:s23] =	ssyncset.done $0x0  }
0xa4: {  	s25 =	simm.s32 $0x1B8E;
	s24 =	sld [smem:$0x3FFE];
	[sflag:s23] =	ssyncadd.s32 $0xFFFFFFFF  }
0xa5: {  	s26 =	simm.s32 $execute0_lowered;
	[smem:$0x3FD2] =	sst s25  }
0xa6: {  	s4 =	sshll.u32 s26, $0x1;
	_ =	strace $0x80000049;
	[dreg:$0x1] =	wrdreg $0xFFFFFFFF  }
0xa7: {  	s28 =	simm.s32 $_size_execute0_lowered;
	s2 =	sadd.s32 s2, s4;
	[dreg:$0x0] =	wrdreg $0x0  }
0xa8: {  	s4 =	sshll.u32 s28, $0x1;
	[dreg:$0x2] =	wrdreg s2  }
0xa9: {  	[dreg:$0x3] =	wrdreg s4  }
0xaa: {  	[dreg:$0x4] =	wrdreg $0xC0  }
0xab: {  	_ =	task [dreg:s6], $0x5FFFF  }
0xac: {  	[dreg:$0x1] =	wrdreg $0xFFFFFFFF  }
0xad: {  	[dreg:$0x0] =	wrdreg $0x60  }
0xae: {  	[dreg:$0x2] =	wrdreg s24  }
0xaf: {  	[dreg:$0x3] =	wrdreg $0x6C000  }
0xb0: {  	[dreg:$0x4] =	wrdreg $0x9  }
0xb1: {  	_ =	task.clear_ibuf [dreg:s6], $0x5FFFF;
	_ =	strace $0x90000049  }
0xb2: {  	s29 =	simm.s32 $0x9;
	_ =	strace $0x8000004B  }
0xb3: {  	_ =	swait.ge [sflag:s29], $0x1  }
0xb4: {  	[sflag:s29] =	ssyncadd.s32 $0xFFFFFFFF  }
0xb5: {  	_ =	strace $0x9000004B  }
0xb6: {  	_ =	sfence  }
0xb7: {  	s30 =	sld [smem:$0x0];
	_ =	sdelay $0x2  }
0xb8: {  	s31 =	sshll.u32 s1, $0xD;
	s1 =	sshrl.u32 s1, $0x2  }
0xb9: {  	s3 =	sand.u32 $0x4000, s31;
	s1 =	sadd.s32 s1, s30  }
0xba: {  	s0 =	sor.u32 s3, s0;
	s1 =	sshll.u32 s1, $0x11  }
0xbb: {  	s0 =	sor.u32 s1, s0  }
0xbc: {  	s0 =	sadd.s32 $0x8F2B, s0  }
0xbd: {  	[sflag:s0] =	ssyncadd.remote.s32 $0x1  }
0xbe: {  	_ =	sfence.sel $0xFFFF  }
0xbf: {  	[dreg:$0x0] =	wrdreg $0xFFFFFFFF;
	(pc) =	sbr.abs _section_cstart, $3  }
0xc0: {  	[dreg:$0x1] =	wrdreg $0xFFFFFFFF  }
0xc1: {  	_ =	task.clear_ibuf [dreg:s6], $0x2FFFF;
	_ =	strace $0x9FFFFFFF  }
0xc2: {  	(tm) =	ssettm $0x7FFFFFFF  }
0xc3: {  	_ =	shalt  }
tec
execute0_lowered:
.L_overlay_start_1:
0x0: {  	(tag) =	ssettag $0x1  }
0x1: {  	s0 =	rddreg [dreg:$0x0]  }
0x2: {  	s1 =	rddreg [dreg:$0x1];
	s2 =	simm.s32 $0x0;
	s3 =	srdreg.scid  }
0x3: {  	s7 =	stileid.u32;
	s15 =	simm.s32 $0x4;
	s16 =	simm.s32 $0x600  }
0x4: {  	s17 =	simm.s32 $0x3;
	s18 =	simm.s32 $0x80;
	s19 =	simm.s32 $0xC00  }
0x5: {  	s20 =	simm.s32 $0x1400;
	s22 =	simm.s32 $0x1C00;
	s29 =	simm.s32 $0x1  }
0x6: {  	s30 =	simm.s32 $0x2;
	s21 =	simm.s32 $0x0;
	[smem:$0x7FF] =	sst s2  }
0x7: {  	s3 =	sand.u32 $0x1, s3;
	s9 =	sadd.s32 $0x2C00, s0;
	s6 =	smul.u32 $0x18700, s7  }
0x8: {  	s10 =	sadd.s32 $0x33E00, s0;
	s8 =	smul.u32 $0x3100, s7;
	s26 =	sshll.u32 s7, $0x6  }
0x9: {  	_ =	strace $0x8000004A;
	s4 =	smul.u32 $0x30E00, s3;
	s3 =	ssub.s32 $0x2, s3  }
0xa: {  	s5 =	sshrl.u32 s3, $0x1;
	s12 =	sshrl.u32 s6, $0x3;
	s13 =	sadd.s32 s6, s1  }
0xb: {  	s6 =	sor.u32 $0x1C04, s26;
	s7 =	sadd.s32 s9, s8;
	s11 =	sor.u32 $0x40, s8  }
0xc: {  	s8 =	sadd.s32 s10, s8;
	s0 =	sadd.s32 s4, s0;
	s3 =	ssub.s32 s3, s5  }
0xd: {  	s28 =	sadd.s32 s9, s11;
	s31 =	sadd.s32 s10, s11;
	s26 =	sadd.s32 $0x80, s8  }
0xe: {  	s23 =	sadd.s32 $0x80, s7;
	s14 =	sshrl.u32 s13, $0x3;
	[dreg:$0x4] =	wrdreg s28  }
0xf: {  	s4 =	sadd.s32 $0x65000, s0;
	[dreg:$0x5] =	wrdreg s31;
	s3 =	smax.u32 s3, $0x1  }
0x10: {  	s0 =	sadd.s32 $0xC6C00, s0;
	s25 =	sadd.s32 s12, s4;
	[dreg:$0x6] =	wrdreg s3  }
0x11: {  	s24 =	sadd.s32 s12, s0;
	[dreg:$0x3] =	wrdreg s25;
	s25 =	simm.s32 $0x2400  }
.LBB2_1:
0x12: {  	s0 =	rddreg [dreg:$0x3]  }
0x13: {  	[spmem:s14], [sflag:s6] =	dma.local [hbm:s0], $0x30E0  }
0x14: {  	_ =	swait.ge [sflag:s15], $0x30E0  }
0x15: {  	[sflag:s15] =	ssyncset.done $0x0  }
0x16: {  	[sflag:s15] =	ssyncadd.s32 $0xFFFFCF20  }
0x17: {  	[bflag:$0x0] =	sbarrier.arrive $0xFFFF  }
0x18: {  	[tilespmem:s2], [sflag:$0x3] =	stream.linear.gather [hbm4b:s7+s2], $0x200, $0x38;
	[tilespmem:$0x1F310] =	vst v63  }
0x19: {  	_ = 	snop  }
0x1a: {  	[tilespmem:s16], [sflag:$0x3] =	stream.linear.gather [hbm4b:s8+s2], $0x200, $0x38;
	[tilespmem:$0x1F310] =	vst v63  }
0x1b: {  	_ =	swait.ge [sflag:s17], $0x200  }
0x1c: {  	[sflag:s17] =	ssyncset.done $0x0  }
0x1d: {  	[sflag:s17] =	ssyncadd.s32 $0xFFFFFE00  }
0x1e: {  	_ =	swait.ge [sflag:s17], $0x200  }
0x1f: {  	[sflag:s17] =	ssyncset.done $0x0  }
0x20: {  	[sflag:s17] =	ssyncadd.s32 $0xFFFFFE00  }
0x21: {  	[tilespmem:s19], [sflag:$0x1] =	stream.indirect.gather [hbm4b:s4+s18], $0x10, s2, s18, $0xb8;
	[tilespmem:$0x1F310] =	vst v63  }
0x22: {  	_ = 	snop  }
0x23: {  	[tilespmem:s20], [sflag:$0x1] =	stream.indirect.gather [hbm4b:s4+s18], $0x10, s18, s18, $0xb8;
	[tilespmem:$0x1F310] =	vst v63  }
0x24: {  	s10 =	simm.s32 $0x100  }
0x25: {  	[tilespmem:s22], [sflag:$0x1] =	stream.indirect.gather [hbm4b:s4+s18], $0x10, s10, s18, $0xb8;
	[tilespmem:$0x1F310] =	vst v63  }
0x26: {  	s11 =	simm.s32 $0x180  }
0x27: {  	[tilespmem:s25], [sflag:$0x1] =	stream.indirect.gather [hbm4b:s4+s18], $0x10, s11, s18, $0xb8;
	[tilespmem:$0x1F310] =	vst v63  }
0x28: {  	s3 =	simm.s32 $0x200;
	s12 =	rddreg [dreg:$0x4]  }
0x29: {  	[tilespmem:s3], [sflag:$0x3] =	stream.linear.gather [hbm4b:s12+s2], $0x200, $0x38;
	[tilespmem:$0x1F310] =	vst v63  }
0x2a: {  	s31 =	simm.s32 $0x800;
	s13 =	rddreg [dreg:$0x5]  }
0x2b: {  	[tilespmem:s31], [sflag:$0x3] =	stream.linear.gather [hbm4b:s13+s2], $0x200, $0x38;
	[tilespmem:$0x1F310] =	vst v63  }
0x2c: {  	s28 =	simm.s32 $0x0;
	s12 =	smov.u32 s26;
	s13 =	smov.u32 s23  }
.LBB2_2:
0x2d: {  	p0 =	slt.u32 s28, $0x2  }
0x2e: {  	s31 =	simm.s32 @!p0 $0x2  }
0x2f: {  	_ =	swait.ge @!p0 [sflag:s31], $0x800  }
0x30: {  	[sflag:s31] =	ssyncset.done @!p0 $0x0  }
0x31: {  	[sflag:s31] =	ssyncadd.s32 @!p0 $0xFFFFF800  }
0x32: {  	_ =	swait.ge @!p0 [sflag:s31], $0x800  }
0x33: {  	[sflag:s31] =	ssyncset.done @!p0 $0x0  }
0x34: {  	[sflag:s31] =	ssyncadd.s32 @!p0 $0xFFFFF800  }
0x35: {  	_ =	swait.ge @!p0 [sflag:s31], $0x800  }
0x36: {  	[sflag:s31] =	ssyncset.done @!p0 $0x0  }
0x37: {  	[sflag:s31] =	ssyncadd.s32 @!p0 $0xFFFFF800  }
0x38: {  	_ =	swait.ge @!p0 [sflag:s31], $0x800  }
0x39: {  	[sflag:s31] =	ssyncset.done @!p0 $0x0  }
0x3a: {  	[sflag:s31] =	ssyncadd.s32 @!p0 $0xFFFFF800  }
0x3b: {  	_ =	swait.ge [sflag:s29], $0x800  }
0x3c: {  	[sflag:s29] =	ssyncset.done $0x0  }
0x3d: {  	s10 =	smul.u32 $0xAB, s28;
	[sflag:s29] =	ssyncadd.s32 $0xFFFFF800  }
0x3e: {  	_ =	swait.ge [sflag:s29], $0x800  }
0x3f: {  	s31 =	sshrl.u32 s10, $0x9;
	[sflag:s29] =	ssyncset.done $0x0  }
0x40: {  	s31 =	sand.u32 $0x7F, s31;
	[sflag:s29] =	ssyncadd.s32 $0xFFFFF800  }
0x41: {  	s31 =	smul.u32 $0x3, s31;
	_ =	swait.ge [sflag:s29], $0x800  }
0x42: {  	[sflag:s29] =	ssyncset.done $0x0  }
0x43: {  	s31 =	ssub.s32 s28, s31;
	[sflag:s29] =	ssyncadd.s32 $0xFFFFF800  }
0x44: {  	s0 =	sadd.s32 $0x1, s28;
	s31 =	sand.u32 $0xFF, s31;
	_ =	swait.ge [sflag:s29], $0x800  }
0x45: {  	s3 =	sshll.u32 s31, $0xD;
	s31 =	sshll.u32 s31, $0x9;
	[sflag:s29] =	ssyncset.done $0x0  }
0x46: {  	s5 =	sor.u32 $0xC00, s3;
	s9 =	sadd.s32 $0x600, s31;
	[sflag:s29] =	ssyncadd.s32 $0xFFFFF800  }
0x47: {  	[spmem:s1] =	stream.indirect.scatter.add.f32 [tilespmem:s5], [sflag:$0x2], $0x10, s9, s18, $0xb8;
	[tilespmem:$0x1F310] =	vst v63  }
0x48: {  	s11 =	sor.u32 $0x1400, s3;
	s10 =	sadd.s32 $0x680, s31;
	s5 =	sand.u32 $0xFF, s0  }
0x49: {  	[spmem:s1] =	stream.indirect.scatter.add.f32 [tilespmem:s11], [sflag:$0x2], $0x10, s10, s18, $0xb8;
	[tilespmem:$0x1F310] =	vst v63  }
0x4a: {  	s5 =	smul.u32 $0xAB, s5;
	s10 =	sor.u32 $0x1C00, s3;
	s11 =	sadd.s32 $0x700, s31  }
0x4b: {  	[spmem:s1] =	stream.indirect.scatter.add.f32 [tilespmem:s10], [sflag:$0x2], $0x10, s11, s18, $0xb8;
	[tilespmem:$0x1F310] =	vst v63  }
0x4c: {  	s3 =	sadd.s32 $0x2400, s3;
	s31 =	sadd.s32 $0x780, s31;
	s5 =	sshrl.u32 s5, $0x9  }
0x4d: {  	[spmem:s1] =	stream.indirect.scatter.add.f32 [tilespmem:s3], [sflag:$0x2], $0x10, s31, s18, $0xb8;
	[tilespmem:$0x1F310] =	vst v63  }
0x4e: {  	p0 =	seq.s32 s28, $0xC2;
	s9 =	smul.u32 $0x3, s5;
	_ =	swait.ge [sflag:s17], $0x200  }
0x4f: {  	p1 =	sne.s32 @!p0 s0, $0xC3;
	[sflag:s17] =	ssyncset.done $0x0  }
0x50: {  	s5 =	sadd.s32 $0x2, s28;
	s3 =	ssub.s32 s0, s9;
	[sflag:s17] =	ssyncadd.s32 $0xFFFFFE00  }
0x51: {  	s10 =	sand.u32 $0xFF, s5;
	s3 =	sand.u32 $0xFF, s3;
	_ =	swait.ge [sflag:s17], $0x200  }
0x52: {  	s9 =	smul.u32 $0xAB, s10;
	s10 =	sshll.u32 s3, $0xD;
	[sflag:s17] =	ssyncset.done $0x0  }
0x53: {  	s3 =	sshll.u32 s3, $0x9;
	s11 =	sor.u32 $0xC00, s10;
	[sflag:s17] =	ssyncadd.s32 $0xFFFFFE00  }
0x54: {  	[tilespmem:s11], [sflag:$0x1] =	stream.indirect.gather [hbm4b:s4+s18], $0x10, s3, s18, $0xb8;
	[tilespmem:$0x1F310] =	vst v63  }
0x55: {  	s9 =	sshrl.u32 s9, $0x9;
	s31 =	sor.u32 $0x1400, s10;
	s11 =	sor.u32 $0x80, s3  }
0x56: {  	[tilespmem:s31], [sflag:$0x1] =	stream.indirect.gather [hbm4b:s4+s18], $0x10, s11, s18, $0xb8;
	[tilespmem:$0x1F310] =	vst v63  }
0x57: {  	s9 =	smul.u32 $0x3, s9;
	s11 =	sor.u32 $0x1C00, s10;
	s31 =	sor.u32 $0x100, s3  }
0x58: {  	[tilespmem:s11], [sflag:$0x1] =	stream.indirect.gather [hbm4b:s4+s18], $0x10, s31, s18, $0xb8;
	[tilespmem:$0x1F310] =	vst v63  }
0x59: {  	s5 =	ssub.s32 s5, s9;
	s3 =	sor.u32 $0x180, s3;
	s31 =	sadd.s32 $0x2400, s10  }
0x5a: {  	[tilespmem:s31], [sflag:$0x1] =	stream.indirect.gather [hbm4b:s4+s18], $0x10, s3, s18, $0xb8;
	[tilespmem:$0x1F310] =	vst v63  }
0x5b: {  	p1 =	por p0, !p1;
	s3 =	sand.u32 $0xFF, s5  }
.Ltmp0:
0x5c: {  	s5 =	simm.s32 @!p0 $0x0;
	s3 =	sshll.u32 @!p0 s3, $0x9;
	(pc) =	sbr.rel @!p1 .LBB2_2-.Ltmp0, $4  }
0x5d: {  	[tilespmem:s3], [sflag:$0x3] =	stream.linear.gather @!p0 [hbm4b:s13+s5], $0x200, $0x38;
	[tilespmem:$0x1F310] =	vst v63  }
0x5e: {  	s3 =	sadd.s32 @!p0 $0x600, s3  }
0x5f: {  	[tilespmem:s3], [sflag:$0x3] =	stream.linear.gather @!p0 [hbm4b:s12+s5], $0x200, $0x38;
	[tilespmem:$0x1F310] =	vst v63  }
0x60: {  	s28 =	smov.u32 s0;
	s13 =	sadd.s32 @!p0 $0x40, s13;
	s12 =	sadd.s32 @!p0 $0x40, s12  }
0x61: {  	_ =	swait.ge [sflag:s30], $0x800  }
0x62: {  	[sflag:s30] =	ssyncset.done $0x0  }
0x63: {  	[sflag:s30] =	ssyncadd.s32 $0xFFFFF800  }
0x64: {  	_ =	swait.ge [sflag:s30], $0x800  }
0x65: {  	[sflag:s30] =	ssyncset.done $0x0  }
0x66: {  	[sflag:s30] =	ssyncadd.s32 $0xFFFFF800  }
0x67: {  	_ =	swait.ge [sflag:s30], $0x800  }
0x68: {  	[sflag:s30] =	ssyncset.done $0x0  }
0x69: {  	[sflag:s30] =	ssyncadd.s32 $0xFFFFF800  }
0x6a: {  	_ =	swait.ge [sflag:s30], $0x800  }
0x6b: {  	[sflag:s30] =	ssyncset.done $0x0  }
0x6c: {  	[sflag:s30] =	ssyncadd.s32 $0xFFFFF800  }
0x6d: {  	_ =	swait.ge [sflag:s29], $0x800  }
0x6e: {  	[sflag:s29] =	ssyncset.done $0x0  }
0x6f: {  	[sflag:s29] =	ssyncadd.s32 $0xFFFFF800  }
0x70: {  	_ =	swait.ge [sflag:s29], $0x800  }
0x71: {  	[sflag:s29] =	ssyncset.done $0x0  }
0x72: {  	[sflag:s29] =	ssyncadd.s32 $0xFFFFF800  }
0x73: {  	_ =	swait.ge [sflag:s29], $0x800  }
0x74: {  	[sflag:s29] =	ssyncset.done $0x0  }
0x75: {  	[sflag:s29] =	ssyncadd.s32 $0xFFFFF800  }
0x76: {  	_ =	swait.ge [sflag:s29], $0x800  }
0x77: {  	[sflag:s29] =	ssyncset.done $0x0  }
0x78: {  	[sflag:s29] =	ssyncadd.s32 $0xFFFFF800  }
0x79: {  	[spmem:s1] =	stream.indirect.scatter.add.f32 [tilespmem:s19], [sflag:$0x2], $0x10, s16, s18, $0xb8;
	[tilespmem:$0x1F310] =	vst v63  }
0x7a: {  	s0 =	simm.s32 $0x680  }
0x7b: {  	[spmem:s1] =	stream.indirect.scatter.add.f32 [tilespmem:s20], [sflag:$0x2], $0x10, s0, s18, $0xb8;
	[tilespmem:$0x1F310] =	vst v63  }
0x7c: {  	s13 =	simm.s32 $0x700  }
0x7d: {  	[spmem:s1] =	stream.indirect.scatter.add.f32 [tilespmem:s22], [sflag:$0x2], $0x10, s13, s18, $0xb8;
	[tilespmem:$0x1F310] =	vst v63  }
0x7e: {  	s28 =	simm.s32 $0x780  }
0x7f: {  	[spmem:s1] =	stream.indirect.scatter.add.f32 [tilespmem:s25], [sflag:$0x2], $0x10, s28, s18, $0xb8;
	[tilespmem:$0x1F310] =	vst v63  }
0x80: {  	_ =	swait.ge [sflag:s30], $0x800  }
0x81: {  	[sflag:s30] =	ssyncset.done $0x0  }
0x82: {  	[sflag:s30] =	ssyncadd.s32 $0xFFFFF800  }
0x83: {  	_ =	swait.ge [sflag:s30], $0x800  }
0x84: {  	[sflag:s30] =	ssyncset.done $0x0  }
0x85: {  	[sflag:s30] =	ssyncadd.s32 $0xFFFFF800  }
0x86: {  	_ =	swait.ge [sflag:s30], $0x800  }
0x87: {  	[sflag:s30] =	ssyncset.done $0x0  }
0x88: {  	[sflag:s30] =	ssyncadd.s32 $0xFFFFF800  }
0x89: {  	_ =	swait.ge [sflag:s30], $0x800  }
0x8a: {  	[sflag:s30] =	ssyncset.done $0x0  }
0x8b: {  	[sflag:s30] =	ssyncadd.s32 $0xFFFFF800  }
0x8c: {  	_ =	swait.ge [sflag:s30], $0x800  }
0x8d: {  	[sflag:s30] =	ssyncset.done $0x0  }
0x8e: {  	[sflag:s30] =	ssyncadd.s32 $0xFFFFF800  }
0x8f: {  	_ =	swait.ge [sflag:s30], $0x800  }
0x90: {  	[sflag:s30] =	ssyncset.done $0x0  }
0x91: {  	[sflag:s30] =	ssyncadd.s32 $0xFFFFF800  }
0x92: {  	_ =	swait.ge [sflag:s30], $0x800  }
0x93: {  	[sflag:s30] =	ssyncset.done $0x0  }
0x94: {  	[sflag:s30] =	ssyncadd.s32 $0xFFFFF800  }
0x95: {  	_ =	swait.ge [sflag:s30], $0x800  }
0x96: {  	[sflag:s30] =	ssyncset.done $0x0  }
0x97: {  	[sflag:s30] =	ssyncadd.s32 $0xFFFFF800  }
0x98: {  	[bflag:$0x0] =	sbarrier.arrive $0xFFFF  }
0x99: {  	[hbm:s24], [sflag:s6] =	dma.local [spmem:s14], $0x30E0  }
0x9a: {  	_ =	swait.ge [sflag:s15], $0x30E0  }
0x9b: {  	s21 =	sadd.s32 $0x1, s21;
	s31 =	rddreg [dreg:$0x6]  }
0x9c: {  	p0 =	sne.s32 s21, s31  }
.Ltmp1:
0x9d: {  	_ = 	snop;
	(pc) =	sbr.rel @p0 .LBB2_1-.Ltmp1, $3  }
0x9e: {  	_ =	sdelay $0x1  }
0x9f: {  	[sflag:s15] =	ssyncset.done $0x0  }
0xa0: {  	[sflag:s15] =	ssyncadd.s32 $0xFFFFCF20  }
0xa1: {  	_ =	sfence.sel $0x180000  }
0xa2: {  	[bflag:$0x0] =	sbarrier.arrive $0xFFFF  }
0xa3: {  	_ =	strace $0x9000004A  }
0xa4: {  	s0 =	stileid.u32;
	[bflag:$0x2] =	sbarrier.arrive $0xFFFF  }
0xa5: {  	p0 =	sne.s32 s0, $0x0;
	s0 =	rddreg [dreg:$0x2]  }
0xa6: {  	s0 =	sadd.s32 @!p0 $0x100000, s0  }
0xa7: {  	[sflag:s0] =	ssyncadd.tile.s32 @!p0 $0x1;
	_ =	shalt  }
.Lfunc_end2:
_tile_overlayer_lowered:
.L_overlay_start_2:
0xa8: {  	(tag) =	ssettag $0x2  }
0xa9: {  	s0 =	rddreg [dreg:$0x0];
	s2 =	stileid.u32  }
0xaa: {  	s1 =	rddreg [dreg:$0x1];
	p0 =	sne.s32 s2, $0x0  }
0xab: {  	s3 =	rddreg [dreg:$0x2];
	[bflag:$0x3] =	sbarrier.arrive $0xFFFF;
	s2 =	simm.s32 @!p0 $0x1C04  }
0xac: {  	[timem:s3], [sflag:s2] =	dma.local @!p0 [hbm:s0], s1  }
0xad: {  	s0 =	simm.s32 @!p0 $0x4  }
0xae: {  	_ =	swait.ge @!p0 [sflag:s0], s1  }
0xaf: {  	s1 =	ssub.s32 @!p0 $0x0, s1;
	[sflag:s0] =	ssyncset.done @!p0 $0x0  }
0xb0: {  	[sflag:s0] =	ssyncadd.s32 @!p0 s1  }
0xb1: {  	[bflag:$0x3] =	sbarrier.arrive $0xFFFF  }
0xb2: {  	_ =	shalt  }

// kernel: kernel.14.cloned.1.call-start
scs
__scs_entry_jumppad:
0x0: {  	(pc) =	sbr.rel $0x88, $3  }
0x1: {  	(tag) =	ssettag $0x0;
	lr =	simm.s32 $0x1  }
0x2: {  	[smem:$0x3F91] =	sst lr;
	_ =	strace $0xD0000000  }
0x3: {  	_ = 	snop  }
0x4: {  	_ = 	snop  }
0x5: {  	_ = 	snop  }
0x6: {  	_ = 	snop  }
0x7: {  	_ = 	snop  }
__scs_overlays_trampoline_lowered:
0x8: {  	[smem:$0x3FA0] =	sst s0  }
0x9: {  	[smem:$0x3FA1] =	sst s1  }
0xa: {  	[smem:$0x3FA2] =	sst s2  }
0xb: {  	[smem:$0x3FA3] =	sst s3  }
0xc: {  	[smem:$0x3FA4] =	sst s4  }
0xd: {  	[smem:$0x3FA5] =	sst s5  }
0xe: {  	[smem:$0x3FA6] =	sst s6  }
0xf: {  	[smem:$0x3FA7] =	sst s7  }
0x10: {  	[smem:$0x3FA8] =	sst s8  }
0x11: {  	[smem:$0x3FA9] =	sst s9;
	s0 =	simm.s32 @!p0 $0x0  }
0x12: {  	s1 =	sld [smem:$0x3F8F];
	s0 =	simm.s32 @p0 $0x1  }
0x13: {  	[smem:$0x3FAA] =	sst s0;
	s0 =	simm.s32 @!p1 $0x0  }
0x14: {  	s2 =	sld [smem:$0x3F8E];
	s0 =	simm.s32 @p1 $0x1  }
0x15: {  	[smem:$0x3FAB] =	sst s0;
	s0 =	simm.s32 @!p2 $0x0  }
0x16: {  	s3 =	sld [smem:$0x3FDB];
	s0 =	simm.s32 @p2 $0x1  }
0x17: {  	s4 =	simm.s32 $0x1BF5;
	[smem:$0x3FAD] =	sst s0  }
0x18: {  	s0 =	sld [smem:$0x3F90];
	_ =	swait.ge [sflag:s4], $0x0  }
0x19: {  	s7 =	sld [smem:$0x3F91]  }
0x1a: {  	s8 =	sadd.s32 $0xFFFFE003, lr  }
0x1b: {  	s9 =	sadd.s32 $0xFFFFFEF7, lr;
	s5 =	simm.s32 $0xFFFFFFFF;
	p2 =	slt.u32 s8, $0xFFFFF086  }
0x1c: {  	p1 =	slt.u32 s9, $0xF7A;
	s5 =	simm.s32 @!p2 $0x0  }
0x1d: {  	s5 =	simm.s32 @p1 $0x1;
	p0 =	seq.s32 s7, s2  }
0x1e: {  	s7 =	smul.u32 @!p0 $0xF7A, s2;
	p2 =	seq.s32 @!p0 s5, $0x0  }
0x1f: {  	s9 =	smul.u32 $0xF7A, s1;
	s8 =	simm.s32 @!p0 $0x1BF5;
	p2 =	por !p2, p0  }
0x20: {  	[sflag:s8] =	ssyncset.s32 @!p0 $0xFFFFF086;
	s6 =	sadd.s32 @!p0 s3, s7;
	s7 =	simm.s32 @!p0 $0x108  }
0x21: {  	s3 =	sadd.s32 s3, s9;
	s6 =	sadd.s32 @!p0 $0x88, s6;
	s7 =	simm.s32 @p2 $0x1082  }
0x22: {  	[simem:s7], [sflag:s8] =	dma.local @!p0 [hbm:s6], $0xF7A  }
0x23: {  	s9 =	sor.u32 $0xD0000000, s2;
	s6 =	simm.s32 $0x108;
	_ =	swait.ge @!p0 [sflag:s8], $0x0  }
0x24: {  	s3 =	sadd.s32 $0x88, s3;
	s6 =	simm.s32 @!p1 $0x1082;
	[sflag:s4] =	ssyncset.s32 $0xFFFFF086  }
0x25: {  	[simem:s6], [sflag:s4] =	dma.local [hbm:s3], $0xF7A  }
0x26: {  	[smem:$0x3F91] =	sst s1;
	(tag) =	ssettag s2;
	_ =	strace s9  }
0x27: {  	s1 =	sld [smem:$0x3FA1]  }
0x28: {  	s2 =	sld [smem:$0x3FA2]  }
0x29: {  	s4 =	sld [smem:$0x3FA4]  }
0x2a: {  	p0 =	seq.s32 s5, $0x0;
	s5 =	sld [smem:$0x3FA5]  }
0x2b: {  	s6 =	sld [smem:$0x3FA6]  }
0x2c: {  	s7 =	sld [smem:$0x3FA7]  }
0x2d: {  	s3 =	simm.s32 $0x108;
	s8 =	sld [smem:$0x3FA8]  }
0x2e: {  	s3 =	simm.s32 @!p0 $0x1082;
	s9 =	sld [smem:$0x3FA9]  }
0x2f: {  	lr =	sadd.s32 s0, s3;
	s0 =	sld [smem:$0x3FA0]  }
0x30: {  	s3 =	sld [smem:$0x3FA3]  }
0x31: {  	[smem:$0x3FAC] =	sst s10  }
0x32: {  	s10 =	sld [smem:$0x3FAA];
	_ =	sdelay $0x3  }
0x33: {  	p0 =	seq.s32 s10, $0x1;
	s10 =	sld [smem:$0x3FAC];
	_ =	sdelay $0x3  }
0x34: {  	[smem:$0x3FAC] =	sst s10  }
0x35: {  	s10 =	sld [smem:$0x3FAB];
	_ =	sdelay $0x3  }
0x36: {  	p1 =	seq.s32 s10, $0x1;
	s10 =	sld [smem:$0x3FAC];
	_ =	sdelay $0x3  }
0x37: {  	[smem:$0x3FAC] =	sst s10  }
0x38: {  	s10 =	sld [smem:$0x3FAD]  }
0x39: {  	_ = 	snop;
	(pc) =	sbr.ind lr, $3  }
0x3a: {  	_ = 	snop  }
0x3b: {  	_ = 	snop  }
0x3c: {  	p2 =	seq.s32 s10, $0x1;
	s10 =	sld [smem:$0x3FAC]  }
0x3d: {  	_ =	shalt  }
0x3e: {  	_ =	shalt  }
0x3f: {  	_ =	shalt  }
0x40: {  	_ =	shalt  }
0x41: {  	_ =	shalt  }
0x42: {  	_ =	shalt  }
0x43: {  	_ =	shalt  }
0x44: {  	_ =	shalt  }
0x45: {  	_ =	shalt  }
0x46: {  	_ =	shalt  }
0x47: {  	_ =	shalt  }
0x48: {  	_ =	shalt  }
0x49: {  	_ =	shalt  }
0x4a: {  	_ =	shalt  }
0x4b: {  	_ =	shalt  }
0x4c: {  	_ =	shalt  }
0x4d: {  	_ =	shalt  }
0x4e: {  	_ =	shalt  }
0x4f: {  	_ =	shalt  }
0x50: {  	_ =	shalt  }
0x51: {  	_ =	shalt  }
0x52: {  	_ =	shalt  }
0x53: {  	_ =	shalt  }
0x54: {  	_ =	shalt  }
0x55: {  	_ =	shalt  }
0x56: {  	_ =	shalt  }
0x57: {  	_ =	shalt  }
0x58: {  	_ =	shalt  }
0x59: {  	_ =	shalt  }
0x5a: {  	_ =	shalt  }
0x5b: {  	_ =	shalt  }
0x5c: {  	_ =	shalt  }
0x5d: {  	_ =	shalt  }
0x5e: {  	_ =	shalt  }
0x5f: {  	_ =	shalt  }
0x60: {  	_ =	shalt  }
0x61: {  	_ =	shalt  }
0x62: {  	_ =	shalt  }
0x63: {  	_ =	shalt  }
0x64: {  	_ =	shalt  }
0x65: {  	_ =	shalt  }
0x66: {  	_ =	shalt  }
0x67: {  	_ =	shalt  }
0x68: {  	_ =	shalt  }
0x69: {  	_ =	shalt  }
0x6a: {  	_ =	shalt  }
0x6b: {  	_ =	shalt  }
0x6c: {  	_ =	shalt  }
0x6d: {  	_ =	shalt  }
0x6e: {  	_ =	shalt  }
0x6f: {  	_ =	shalt  }
0x70: {  	_ =	shalt  }
0x71: {  	_ =	shalt  }
0x72: {  	_ =	shalt  }
0x73: {  	_ =	shalt  }
0x74: {  	_ =	shalt  }
0x75: {  	_ =	shalt  }
0x76: {  	_ =	shalt  }
0x77: {  	_ =	shalt  }
0x78: {  	_ =	shalt  }
0x79: {  	_ =	shalt  }
0x7a: {  	_ =	shalt  }
0x7b: {  	_ =	shalt  }
0x7c: {  	_ =	shalt  }
0x7d: {  	_ =	shalt  }
0x7e: {  	_ =	shalt  }
0x7f: {  	_ =	shalt  }
0x80: {  	_ =	shalt  }
0x81: {  	_ =	shalt  }
0x82: {  	_ =	shalt  }
0x83: {  	_ =	shalt  }
0x84: {  	_ =	shalt  }
0x85: {  	_ =	shalt  }
0x86: {  	_ =	shalt  }
0x87: {  	_ =	shalt  }
.Lfunc_end0:
.L_simem_size_0:
called_computation.2_lowered:
.L_overlay_start_0:
0x88: {  	s2 =	sld [smem:$0x3FD9]  }
0x89: {  	s3 =	sld [smem:$0x3FFE];
	_ =	sdelay $0x1  }
0x8a: {  	s1 =	srdreg.scid  }
0x8b: {  	s0 =	sand.u32 $0x1, s1  }
0x8c: {  	s16 =	sshll.u32 s0, $0xA;
	s2 =	sadd.s32 s3, s2  }
0x8d: {  	s2 =	sadd.s32 s2, s16  }
0x8e: {  	[smem:$0x3FB8] =	sst s2  }
0x8f: {  	_ = 	snop  }
0x90: {  	(tm) =	ssettm $0x1  }
0x91: {  	s17 =	sld [smem:$0x3FFB];
	_ =	sdelay $0x3  }
0x92: {  	_ =	strace s17  }
0x93: {  	s2 =	sld [smem:$0x3FFC];
	_ =	sdelay $0x3  }
0x94: {  	_ =	strace s2  }
0x95: {  	s2 =	sld [smem:$0x3FFD];
	_ =	sdelay $0x3  }
0x96: {  	_ =	strace s2  }
0x97: {  	_ =	strace $0x8FFFFFFF  }
0x98: {  	s18 =	sld [smem:$0x3FDB];
	_ =	sdelay $0x1  }
0x99: {  	s19 =	simm.s32 $_scs_section_size  }
0x9a: {  	s4 =	simm.s32 $_size__tile_overlayer_lowered;
	s5 =	simm.s32 $_tile_overlayer_lowered  }
0x9b: {  	s22 =	simm.s32 $0x1BFF;
	s21 =	sshll.u32 s5, $0x1;
	s2 =	sadd.s32 s19, s18  }
0x9c: {  	s6 =	simm.s32 $0x0;
	s20 =	sshll.u32 s4, $0x1;
	s4 =	sadd.s32 s21, s2  }
0x9d: {  	[timem:s6], [sflag:s22] =	dma.local [hbm:s4], s20  }
0x9e: {  	_ =	swait.ge [sflag:s22], s20  }
0x9f: {  	s3 =	ssub.s32 $0x0, s20;
	[sflag:s22] =	ssyncset.done $0x0  }
0xa0: {  	[sflag:s22] =	ssyncadd.s32 s3;
	_ =	sdelay $0x1  }
0xa1: {  	s23 =	simm.s32 $0x1B8B  }
0xa2: {  	_ =	swait.ge [sflag:s23], $0x1  }
0xa3: {  	[sflag:s23] =	ssyncset.done $0x0  }
0xa4: {  	s25 =	simm.s32 $0x1B8E;
	s24 =	sld [smem:$0x3FFE];
	[sflag:s23] =	ssyncadd.s32 $0xFFFFFFFF  }
0xa5: {  	s26 =	simm.s32 $execute0_lowered;
	[smem:$0x3FD2] =	sst s25  }
0xa6: {  	s4 =	sshll.u32 s26, $0x1;
	_ =	strace $0x8000004C;
	[dreg:$0x1] =	wrdreg $0xFFFFFFFF  }
0xa7: {  	s28 =	simm.s32 $_size_execute0_lowered;
	s2 =	sadd.s32 s2, s4;
	[dreg:$0x0] =	wrdreg $0x0  }
0xa8: {  	s4 =	sshll.u32 s28, $0x1;
	[dreg:$0x2] =	wrdreg s2  }
0xa9: {  	[dreg:$0x3] =	wrdreg s4  }
0xaa: {  	[dreg:$0x4] =	wrdreg $0xC0  }
0xab: {  	_ =	task [dreg:s6], $0x5FFFF  }
0xac: {  	[dreg:$0x1] =	wrdreg $0xFFFFFFFF  }
0xad: {  	[dreg:$0x0] =	wrdreg $0x60  }
0xae: {  	[dreg:$0x2] =	wrdreg s24  }
0xaf: {  	[dreg:$0x3] =	wrdreg $0x6C000  }
0xb0: {  	[dreg:$0x4] =	wrdreg $0x9  }
0xb1: {  	_ =	task.clear_ibuf [dreg:s6], $0x5FFFF;
	_ =	strace $0x9000004C  }
0xb2: {  	s29 =	simm.s32 $0x9;
	_ =	strace $0x8000004E  }
0xb3: {  	_ =	swait.ge [sflag:s29], $0x1  }
0xb4: {  	[sflag:s29] =	ssyncadd.s32 $0xFFFFFFFF  }
0xb5: {  	_ =	strace $0x9000004E  }
0xb6: {  	_ =	sfence  }
0xb7: {  	s30 =	sld [smem:$0x0];
	_ =	sdelay $0x2  }
0xb8: {  	s31 =	sshll.u32 s1, $0xD;
	s1 =	sshrl.u32 s1, $0x2  }
0xb9: {  	s3 =	sand.u32 $0x4000, s31;
	s1 =	sadd.s32 s1, s30  }
0xba: {  	s0 =	sor.u32 s3, s0;
	s1 =	sshll.u32 s1, $0x11  }
0xbb: {  	s0 =	sor.u32 s1, s0  }
0xbc: {  	s0 =	sadd.s32 $0x8F2B, s0  }
0xbd: {  	[sflag:s0] =	ssyncadd.remote.s32 $0x1  }
0xbe: {  	_ =	sfence.sel $0xFFFF  }
0xbf: {  	[dreg:$0x0] =	wrdreg $0xFFFFFFFF;
	(pc) =	sbr.abs _section_cstart, $3  }
0xc0: {  	[dreg:$0x1] =	wrdreg $0xFFFFFFFF  }
0xc1: {  	_ =	task.clear_ibuf [dreg:s6], $0x2FFFF;
	_ =	strace $0x9FFFFFFF  }
0xc2: {  	(tm) =	ssettm $0x7FFFFFFF  }
0xc3: {  	_ =	shalt  }
tec
execute0_lowered:
.L_overlay_start_1:
0x0: {  	(tag) =	ssettag $0x1  }
0x1: {  	s0 =	rddreg [dreg:$0x0]  }
0x2: {  	s1 =	rddreg [dreg:$0x1];
	s2 =	simm.s32 $0x0;
	s3 =	srdreg.scid  }
0x3: {  	s7 =	stileid.u32;
	s15 =	simm.s32 $0x4;
	s16 =	simm.s32 $0x600  }
0x4: {  	s17 =	simm.s32 $0x3;
	s18 =	simm.s32 $0x80;
	s19 =	simm.s32 $0xC00  }
0x5: {  	s20 =	simm.s32 $0x1400;
	s22 =	simm.s32 $0x1C00;
	s29 =	simm.s32 $0x1  }
0x6: {  	s30 =	simm.s32 $0x2;
	s21 =	simm.s32 $0x0;
	[smem:$0x7FF] =	sst s2  }
0x7: {  	s3 =	sand.u32 $0x1, s3;
	s9 =	sadd.s32 $0x2C00, s0;
	s6 =	smul.u32 $0x18700, s7  }
0x8: {  	s10 =	sadd.s32 $0x33E00, s0;
	s8 =	smul.u32 $0x3100, s7;
	s26 =	sshll.u32 s7, $0x6  }
0x9: {  	_ =	strace $0x8000004D;
	s4 =	smul.u32 $0x30E00, s3;
	s3 =	ssub.s32 $0x2, s3  }
0xa: {  	s5 =	sshrl.u32 s3, $0x1;
	s12 =	sshrl.u32 s6, $0x3;
	s13 =	sadd.s32 s6, s1  }
0xb: {  	s6 =	sor.u32 $0x1C04, s26;
	s7 =	sadd.s32 s9, s8;
	s11 =	sor.u32 $0x40, s8  }
0xc: {  	s8 =	sadd.s32 s10, s8;
	s0 =	sadd.s32 s4, s0;
	s3 =	ssub.s32 s3, s5  }
0xd: {  	s28 =	sadd.s32 s9, s11;
	s31 =	sadd.s32 s10, s11;
	s26 =	sadd.s32 $0x80, s8  }
0xe: {  	s23 =	sadd.s32 $0x80, s7;
	s14 =	sshrl.u32 s13, $0x3;
	[dreg:$0x4] =	wrdreg s28  }
0xf: {  	s4 =	sadd.s32 $0x65000, s0;
	[dreg:$0x5] =	wrdreg s31;
	s3 =	smax.u32 s3, $0x1  }
0x10: {  	s0 =	sadd.s32 $0xC6C00, s0;
	s25 =	sadd.s32 s12, s4;
	[dreg:$0x6] =	wrdreg s3  }
0x11: {  	s24 =	sadd.s32 s12, s0;
	[dreg:$0x3] =	wrdreg s25;
	s25 =	simm.s32 $0x2400  }
.LBB2_1:
0x12: {  	s0 =	rddreg [dreg:$0x3]  }
0x13: {  	[spmem:s14], [sflag:s6] =	dma.local [hbm:s0], $0x30E0  }
0x14: {  	_ =	swait.ge [sflag:s15], $0x30E0  }
0x15: {  	[sflag:s15] =	ssyncset.done $0x0  }
0x16: {  	[sflag:s15] =	ssyncadd.s32 $0xFFFFCF20  }
0x17: {  	[bflag:$0x0] =	sbarrier.arrive $0xFFFF  }
0x18: {  	[tilespmem:s2], [sflag:$0x3] =	stream.linear.gather [hbm4b:s7+s2], $0x200, $0x38;
	[tilespmem:$0x1F310] =	vst v63  }
0x19: {  	_ = 	snop  }
0x1a: {  	[tilespmem:s16], [sflag:$0x3] =	stream.linear.gather [hbm4b:s8+s2], $0x200, $0x38;
	[tilespmem:$0x1F310] =	vst v63  }
0x1b: {  	_ =	swait.ge [sflag:s17], $0x200  }
0x1c: {  	[sflag:s17] =	ssyncset.done $0x0  }
0x1d: {  	[sflag:s17] =	ssyncadd.s32 $0xFFFFFE00  }
0x1e: {  	_ =	swait.ge [sflag:s17], $0x200  }
0x1f: {  	[sflag:s17] =	ssyncset.done $0x0  }
0x20: {  	[sflag:s17] =	ssyncadd.s32 $0xFFFFFE00  }
0x21: {  	[tilespmem:s19], [sflag:$0x1] =	stream.indirect.gather [hbm4b:s4+s18], $0x10, s2, s18, $0xb8;
	[tilespmem:$0x1F310] =	vst v63  }
0x22: {  	_ = 	snop  }
0x23: {  	[tilespmem:s20], [sflag:$0x1] =	stream.indirect.gather [hbm4b:s4+s18], $0x10, s18, s18, $0xb8;
	[tilespmem:$0x1F310] =	vst v63  }
0x24: {  	s10 =	simm.s32 $0x100  }
0x25: {  	[tilespmem:s22], [sflag:$0x1] =	stream.indirect.gather [hbm4b:s4+s18], $0x10, s10, s18, $0xb8;
	[tilespmem:$0x1F310] =	vst v63  }
0x26: {  	s11 =	simm.s32 $0x180  }
0x27: {  	[tilespmem:s25], [sflag:$0x1] =	stream.indirect.gather [hbm4b:s4+s18], $0x10, s11, s18, $0xb8;
	[tilespmem:$0x1F310] =	vst v63  }
0x28: {  	s3 =	simm.s32 $0x200;
	s12 =	rddreg [dreg:$0x4]  }
0x29: {  	[tilespmem:s3], [sflag:$0x3] =	stream.linear.gather [hbm4b:s12+s2], $0x200, $0x38;
	[tilespmem:$0x1F310] =	vst v63  }
0x2a: {  	s31 =	simm.s32 $0x800;
	s13 =	rddreg [dreg:$0x5]  }
0x2b: {  	[tilespmem:s31], [sflag:$0x3] =	stream.linear.gather [hbm4b:s13+s2], $0x200, $0x38;
	[tilespmem:$0x1F310] =	vst v63  }
0x2c: {  	s28 =	simm.s32 $0x0;
	s12 =	smov.u32 s26;
	s13 =	smov.u32 s23  }
.LBB2_2:
0x2d: {  	p0 =	slt.u32 s28, $0x2  }
0x2e: {  	s31 =	simm.s32 @!p0 $0x2  }
0x2f: {  	_ =	swait.ge @!p0 [sflag:s31], $0x800  }
0x30: {  	[sflag:s31] =	ssyncset.done @!p0 $0x0  }
0x31: {  	[sflag:s31] =	ssyncadd.s32 @!p0 $0xFFFFF800  }
0x32: {  	_ =	swait.ge @!p0 [sflag:s31], $0x800  }
0x33: {  	[sflag:s31] =	ssyncset.done @!p0 $0x0  }
0x34: {  	[sflag:s31] =	ssyncadd.s32 @!p0 $0xFFFFF800  }
0x35: {  	_ =	swait.ge @!p0 [sflag:s31], $0x800  }
0x36: {  	[sflag:s31] =	ssyncset.done @!p0 $0x0  }
0x37: {  	[sflag:s31] =	ssyncadd.s32 @!p0 $0xFFFFF800  }
0x38: {  	_ =	swait.ge @!p0 [sflag:s31], $0x800  }
0x39: {  	[sflag:s31] =	ssyncset.done @!p0 $0x0  }
0x3a: {  	[sflag:s31] =	ssyncadd.s32 @!p0 $0xFFFFF800  }
0x3b: {  	_ =	swait.ge [sflag:s29], $0x800  }
0x3c: {  	[sflag:s29] =	ssyncset.done $0x0  }
0x3d: {  	s10 =	smul.u32 $0xAB, s28;
	[sflag:s29] =	ssyncadd.s32 $0xFFFFF800  }
0x3e: {  	_ =	swait.ge [sflag:s29], $0x800  }
0x3f: {  	s31 =	sshrl.u32 s10, $0x9;
	[sflag:s29] =	ssyncset.done $0x0  }
0x40: {  	s31 =	sand.u32 $0x7F, s31;
	[sflag:s29] =	ssyncadd.s32 $0xFFFFF800  }
0x41: {  	s31 =	smul.u32 $0x3, s31;
	_ =	swait.ge [sflag:s29], $0x800  }
0x42: {  	[sflag:s29] =	ssyncset.done $0x0  }
0x43: {  	s31 =	ssub.s32 s28, s31;
	[sflag:s29] =	ssyncadd.s32 $0xFFFFF800  }
0x44: {  	s0 =	sadd.s32 $0x1, s28;
	s31 =	sand.u32 $0xFF, s31;
	_ =	swait.ge [sflag:s29], $0x800  }
0x45: {  	s3 =	sshll.u32 s31, $0xD;
	s31 =	sshll.u32 s31, $0x9;
	[sflag:s29] =	ssyncset.done $0x0  }
0x46: {  	s5 =	sor.u32 $0xC00, s3;
	s9 =	sadd.s32 $0x600, s31;
	[sflag:s29] =	ssyncadd.s32 $0xFFFFF800  }
0x47: {  	[spmem:s1] =	stream.indirect.scatter.add.f32 [tilespmem:s5], [sflag:$0x2], $0x10, s9, s18, $0xb8;
	[tilespmem:$0x1F310] =	vst v63  }
0x48: {  	s11 =	sor.u32 $0x1400, s3;
	s10 =	sadd.s32 $0x680, s31;
	s5 =	sand.u32 $0xFF, s0  }
0x49: {  	[spmem:s1] =	stream.indirect.scatter.add.f32 [tilespmem:s11], [sflag:$0x2], $0x10, s10, s18, $0xb8;
	[tilespmem:$0x1F310] =	vst v63  }
0x4a: {  	s5 =	smul.u32 $0xAB, s5;
	s10 =	sor.u32 $0x1C00, s3;
	s11 =	sadd.s32 $0x700, s31  }
0x4b: {  	[spmem:s1] =	stream.indirect.scatter.add.f32 [tilespmem:s10], [sflag:$0x2], $0x10, s11, s18, $0xb8;
	[tilespmem:$0x1F310] =	vst v63  }
0x4c: {  	s3 =	sadd.s32 $0x2400, s3;
	s31 =	sadd.s32 $0x780, s31;
	s5 =	sshrl.u32 s5, $0x9  }
0x4d: {  	[spmem:s1] =	stream.indirect.scatter.add.f32 [tilespmem:s3], [sflag:$0x2], $0x10, s31, s18, $0xb8;
	[tilespmem:$0x1F310] =	vst v63  }
0x4e: {  	p0 =	seq.s32 s28, $0xC2;
	s9 =	smul.u32 $0x3, s5;
	_ =	swait.ge [sflag:s17], $0x200  }
0x4f: {  	p1 =	sne.s32 @!p0 s0, $0xC3;
	[sflag:s17] =	ssyncset.done $0x0  }
0x50: {  	s5 =	sadd.s32 $0x2, s28;
	s3 =	ssub.s32 s0, s9;
	[sflag:s17] =	ssyncadd.s32 $0xFFFFFE00  }
0x51: {  	s10 =	sand.u32 $0xFF, s5;
	s3 =	sand.u32 $0xFF, s3;
	_ =	swait.ge [sflag:s17], $0x200  }
0x52: {  	s9 =	smul.u32 $0xAB, s10;
	s10 =	sshll.u32 s3, $0xD;
	[sflag:s17] =	ssyncset.done $0x0  }
0x53: {  	s3 =	sshll.u32 s3, $0x9;
	s11 =	sor.u32 $0xC00, s10;
	[sflag:s17] =	ssyncadd.s32 $0xFFFFFE00  }
0x54: {  	[tilespmem:s11], [sflag:$0x1] =	stream.indirect.gather [hbm4b:s4+s18], $0x10, s3, s18, $0xb8;
	[tilespmem:$0x1F310] =	vst v63  }
0x55: {  	s9 =	sshrl.u32 s9, $0x9;
	s31 =	sor.u32 $0x1400, s10;
	s11 =	sor.u32 $0x80, s3  }
0x56: {  	[tilespmem:s31], [sflag:$0x1] =	stream.indirect.gather [hbm4b:s4+s18], $0x10, s11, s18, $0xb8;
	[tilespmem:$0x1F310] =	vst v63  }
0x57: {  	s9 =	smul.u32 $0x3, s9;
	s11 =	sor.u32 $0x1C00, s10;
	s31 =	sor.u32 $0x100, s3  }
0x58: {  	[tilespmem:s11], [sflag:$0x1] =	stream.indirect.gather [hbm4b:s4+s18], $0x10, s31, s18, $0xb8;
	[tilespmem:$0x1F310] =	vst v63  }
0x59: {  	s5 =	ssub.s32 s5, s9;
	s3 =	sor.u32 $0x180, s3;
	s31 =	sadd.s32 $0x2400, s10  }
0x5a: {  	[tilespmem:s31], [sflag:$0x1] =	stream.indirect.gather [hbm4b:s4+s18], $0x10, s3, s18, $0xb8;
	[tilespmem:$0x1F310] =	vst v63  }
0x5b: {  	p1 =	por p0, !p1;
	s3 =	sand.u32 $0xFF, s5  }
.Ltmp0:
0x5c: {  	s5 =	simm.s32 @!p0 $0x0;
	s3 =	sshll.u32 @!p0 s3, $0x9;
	(pc) =	sbr.rel @!p1 .LBB2_2-.Ltmp0, $4  }
0x5d: {  	[tilespmem:s3], [sflag:$0x3] =	stream.linear.gather @!p0 [hbm4b:s13+s5], $0x200, $0x38;
	[tilespmem:$0x1F310] =	vst v63  }
0x5e: {  	s3 =	sadd.s32 @!p0 $0x600, s3  }
0x5f: {  	[tilespmem:s3], [sflag:$0x3] =	stream.linear.gather @!p0 [hbm4b:s12+s5], $0x200, $0x38;
	[tilespmem:$0x1F310] =	vst v63  }
0x60: {  	s28 =	smov.u32 s0;
	s13 =	sadd.s32 @!p0 $0x40, s13;
	s12 =	sadd.s32 @!p0 $0x40, s12  }
0x61: {  	_ =	swait.ge [sflag:s30], $0x800  }
0x62: {  	[sflag:s30] =	ssyncset.done $0x0  }
0x63: {  	[sflag:s30] =	ssyncadd.s32 $0xFFFFF800  }
0x64: {  	_ =	swait.ge [sflag:s30], $0x800  }
0x65: {  	[sflag:s30] =	ssyncset.done $0x0  }
0x66: {  	[sflag:s30] =	ssyncadd.s32 $0xFFFFF800  }
0x67: {  	_ =	swait.ge [sflag:s30], $0x800  }
0x68: {  	[sflag:s30] =	ssyncset.done $0x0  }
0x69: {  	[sflag:s30] =	ssyncadd.s32 $0xFFFFF800  }
0x6a: {  	_ =	swait.ge [sflag:s30], $0x800  }
0x6b: {  	[sflag:s30] =	ssyncset.done $0x0  }
0x6c: {  	[sflag:s30] =	ssyncadd.s32 $0xFFFFF800  }
0x6d: {  	_ =	swait.ge [sflag:s29], $0x800  }
0x6e: {  	[sflag:s29] =	ssyncset.done $0x0  }
0x6f: {  	[sflag:s29] =	ssyncadd.s32 $0xFFFFF800  }
0x70: {  	_ =	swait.ge [sflag:s29], $0x800  }
0x71: {  	[sflag:s29] =	ssyncset.done $0x0  }
0x72: {  	[sflag:s29] =	ssyncadd.s32 $0xFFFFF800  }
0x73: {  	_ =	swait.ge [sflag:s29], $0x800  }
0x74: {  	[sflag:s29] =	ssyncset.done $0x0  }
0x75: {  	[sflag:s29] =	ssyncadd.s32 $0xFFFFF800  }
0x76: {  	_ =	swait.ge [sflag:s29], $0x800  }
0x77: {  	[sflag:s29] =	ssyncset.done $0x0  }
0x78: {  	[sflag:s29] =	ssyncadd.s32 $0xFFFFF800  }
0x79: {  	[spmem:s1] =	stream.indirect.scatter.add.f32 [tilespmem:s19], [sflag:$0x2], $0x10, s16, s18, $0xb8;
	[tilespmem:$0x1F310] =	vst v63  }
0x7a: {  	s0 =	simm.s32 $0x680  }
0x7b: {  	[spmem:s1] =	stream.indirect.scatter.add.f32 [tilespmem:s20], [sflag:$0x2], $0x10, s0, s18, $0xb8;
	[tilespmem:$0x1F310] =	vst v63  }
0x7c: {  	s13 =	simm.s32 $0x700  }
0x7d: {  	[spmem:s1] =	stream.indirect.scatter.add.f32 [tilespmem:s22], [sflag:$0x2], $0x10, s13, s18, $0xb8;
	[tilespmem:$0x1F310] =	vst v63  }
0x7e: {  	s28 =	simm.s32 $0x780  }
0x7f: {  	[spmem:s1] =	stream.indirect.scatter.add.f32 [tilespmem:s25], [sflag:$0x2], $0x10, s28, s18, $0xb8;
	[tilespmem:$0x1F310] =	vst v63  }
0x80: {  	_ =	swait.ge [sflag:s30], $0x800  }
0x81: {  	[sflag:s30] =	ssyncset.done $0x0  }
0x82: {  	[sflag:s30] =	ssyncadd.s32 $0xFFFFF800  }
0x83: {  	_ =	swait.ge [sflag:s30], $0x800  }
0x84: {  	[sflag:s30] =	ssyncset.done $0x0  }
0x85: {  	[sflag:s30] =	ssyncadd.s32 $0xFFFFF800  }
0x86: {  	_ =	swait.ge [sflag:s30], $0x800  }
0x87: {  	[sflag:s30] =	ssyncset.done $0x0  }
0x88: {  	[sflag:s30] =	ssyncadd.s32 $0xFFFFF800  }
0x89: {  	_ =	swait.ge [sflag:s30], $0x800  }
0x8a: {  	[sflag:s30] =	ssyncset.done $0x0  }
0x8b: {  	[sflag:s30] =	ssyncadd.s32 $0xFFFFF800  }
0x8c: {  	_ =	swait.ge [sflag:s30], $0x800  }
0x8d: {  	[sflag:s30] =	ssyncset.done $0x0  }
0x8e: {  	[sflag:s30] =	ssyncadd.s32 $0xFFFFF800  }
0x8f: {  	_ =	swait.ge [sflag:s30], $0x800  }
0x90: {  	[sflag:s30] =	ssyncset.done $0x0  }
0x91: {  	[sflag:s30] =	ssyncadd.s32 $0xFFFFF800  }
0x92: {  	_ =	swait.ge [sflag:s30], $0x800  }
0x93: {  	[sflag:s30] =	ssyncset.done $0x0  }
0x94: {  	[sflag:s30] =	ssyncadd.s32 $0xFFFFF800  }
0x95: {  	_ =	swait.ge [sflag:s30], $0x800  }
0x96: {  	[sflag:s30] =	ssyncset.done $0x0  }
0x97: {  	[sflag:s30] =	ssyncadd.s32 $0xFFFFF800  }
0x98: {  	[bflag:$0x0] =	sbarrier.arrive $0xFFFF  }
0x99: {  	[hbm:s24], [sflag:s6] =	dma.local [spmem:s14], $0x30E0  }
0x9a: {  	_ =	swait.ge [sflag:s15], $0x30E0  }
0x9b: {  	s21 =	sadd.s32 $0x1, s21;
	s31 =	rddreg [dreg:$0x6]  }
0x9c: {  	p0 =	sne.s32 s21, s31  }
.Ltmp1:
0x9d: {  	_ = 	snop;
	(pc) =	sbr.rel @p0 .LBB2_1-.Ltmp1, $3  }
0x9e: {  	_ =	sdelay $0x1  }
0x9f: {  	[sflag:s15] =	ssyncset.done $0x0  }
0xa0: {  	[sflag:s15] =	ssyncadd.s32 $0xFFFFCF20  }
0xa1: {  	_ =	sfence.sel $0x180000  }
0xa2: {  	[bflag:$0x0] =	sbarrier.arrive $0xFFFF  }
0xa3: {  	_ =	strace $0x9000004D  }
0xa4: {  	s0 =	stileid.u32;
	[bflag:$0x2] =	sbarrier.arrive $0xFFFF  }
0xa5: {  	p0 =	sne.s32 s0, $0x0;
	s0 =	rddreg [dreg:$0x2]  }
0xa6: {  	s0 =	sadd.s32 @!p0 $0x100000, s0  }
0xa7: {  	[sflag:s0] =	ssyncadd.tile.s32 @!p0 $0x1;
	_ =	shalt  }
.Lfunc_end2:
_tile_overlayer_lowered:
.L_overlay_start_2:
0xa8: {  	(tag) =	ssettag $0x2  }
0xa9: {  	s0 =	rddreg [dreg:$0x0];
	s2 =	stileid.u32  }
0xaa: {  	s1 =	rddreg [dreg:$0x1];
	p0 =	sne.s32 s2, $0x0  }
0xab: {  	s3 =	rddreg [dreg:$0x2];
	[bflag:$0x3] =	sbarrier.arrive $0xFFFF;
	s2 =	simm.s32 @!p0 $0x1C04  }
0xac: {  	[timem:s3], [sflag:s2] =	dma.local @!p0 [hbm:s0], s1  }
0xad: {  	s0 =	simm.s32 @!p0 $0x4  }
0xae: {  	_ =	swait.ge @!p0 [sflag:s0], s1  }
0xaf: {  	s1 =	ssub.s32 @!p0 $0x0, s1;
	[sflag:s0] =	ssyncset.done @!p0 $0x0  }
0xb0: {  	[sflag:s0] =	ssyncadd.s32 @!p0 s1  }
0xb1: {  	[bflag:$0x3] =	sbarrier.arrive $0xFFFF  }
0xb2: {  	_ =	shalt  }

// kernel: kernel.8.cloned.1.call-start
scs
__scs_entry_jumppad:
0x0: {  	(pc) =	sbr.rel $0x88, $3  }
0x1: {  	(tag) =	ssettag $0x0;
	lr =	simm.s32 $0x1  }
0x2: {  	[smem:$0x3F91] =	sst lr;
	_ =	strace $0xD0000000  }
0x3: {  	_ = 	snop  }
0x4: {  	_ = 	snop  }
0x5: {  	_ = 	snop  }
0x6: {  	_ = 	snop  }
0x7: {  	_ = 	snop  }
__scs_overlays_trampoline_lowered:
0x8: {  	[smem:$0x3FA0] =	sst s0  }
0x9: {  	[smem:$0x3FA1] =	sst s1  }
0xa: {  	[smem:$0x3FA2] =	sst s2  }
0xb: {  	[smem:$0x3FA3] =	sst s3  }
0xc: {  	[smem:$0x3FA4] =	sst s4  }
0xd: {  	[smem:$0x3FA5] =	sst s5  }
0xe: {  	[smem:$0x3FA6] =	sst s6  }
0xf: {  	[smem:$0x3FA7] =	sst s7  }
0x10: {  	[smem:$0x3FA8] =	sst s8  }
0x11: {  	[smem:$0x3FA9] =	sst s9;
	s0 =	simm.s32 @!p0 $0x0  }
0x12: {  	s1 =	sld [smem:$0x3F8F];
	s0 =	simm.s32 @p0 $0x1  }
0x13: {  	[smem:$0x3FAA] =	sst s0;
	s0 =	simm.s32 @!p1 $0x0  }
0x14: {  	s2 =	sld [smem:$0x3F8E];
	s0 =	simm.s32 @p1 $0x1  }
0x15: {  	[smem:$0x3FAB] =	sst s0;
	s0 =	simm.s32 @!p2 $0x0  }
0x16: {  	s3 =	sld [smem:$0x3FDB];
	s0 =	simm.s32 @p2 $0x1  }
0x17: {  	s4 =	simm.s32 $0x1BF5;
	[smem:$0x3FAD] =	sst s0  }
0x18: {  	s0 =	sld [smem:$0x3F90];
	_ =	swait.ge [sflag:s4], $0x0  }
0x19: {  	s7 =	sld [smem:$0x3F91]  }
0x1a: {  	s8 =	sadd.s32 $0xFFFFE003, lr  }
0x1b: {  	s9 =	sadd.s32 $0xFFFFFEF7, lr;
	s5 =	simm.s32 $0xFFFFFFFF;
	p2 =	slt.u32 s8, $0xFFFFF086  }
0x1c: {  	p1 =	slt.u32 s9, $0xF7A;
	s5 =	simm.s32 @!p2 $0x0  }
0x1d: {  	s5 =	simm.s32 @p1 $0x1;
	p0 =	seq.s32 s7, s2  }
0x1e: {  	s7 =	smul.u32 @!p0 $0xF7A, s2;
	p2 =	seq.s32 @!p0 s5, $0x0  }
0x1f: {  	s9 =	smul.u32 $0xF7A, s1;
	s8 =	simm.s32 @!p0 $0x1BF5;
	p2 =	por !p2, p0  }
0x20: {  	[sflag:s8] =	ssyncset.s32 @!p0 $0xFFFFF086;
	s6 =	sadd.s32 @!p0 s3, s7;
	s7 =	simm.s32 @!p0 $0x108  }
0x21: {  	s3 =	sadd.s32 s3, s9;
	s6 =	sadd.s32 @!p0 $0x88, s6;
	s7 =	simm.s32 @p2 $0x1082  }
0x22: {  	[simem:s7], [sflag:s8] =	dma.local @!p0 [hbm:s6], $0xF7A  }
0x23: {  	s9 =	sor.u32 $0xD0000000, s2;
	s6 =	simm.s32 $0x108;
	_ =	swait.ge @!p0 [sflag:s8], $0x0  }
0x24: {  	s3 =	sadd.s32 $0x88, s3;
	s6 =	simm.s32 @!p1 $0x1082;
	[sflag:s4] =	ssyncset.s32 $0xFFFFF086  }
0x25: {  	[simem:s6], [sflag:s4] =	dma.local [hbm:s3], $0xF7A  }
0x26: {  	[smem:$0x3F91] =	sst s1;
	(tag) =	ssettag s2;
	_ =	strace s9  }
0x27: {  	s1 =	sld [smem:$0x3FA1]  }
0x28: {  	s2 =	sld [smem:$0x3FA2]  }
0x29: {  	s4 =	sld [smem:$0x3FA4]  }
0x2a: {  	p0 =	seq.s32 s5, $0x0;
	s5 =	sld [smem:$0x3FA5]  }
0x2b: {  	s6 =	sld [smem:$0x3FA6]  }
0x2c: {  	s7 =	sld [smem:$0x3FA7]  }
0x2d: {  	s3 =	simm.s32 $0x108;
	s8 =	sld [smem:$0x3FA8]  }
0x2e: {  	s3 =	simm.s32 @!p0 $0x1082;
	s9 =	sld [smem:$0x3FA9]  }
0x2f: {  	lr =	sadd.s32 s0, s3;
	s0 =	sld [smem:$0x3FA0]  }
0x30: {  	s3 =	sld [smem:$0x3FA3]  }
0x31: {  	[smem:$0x3FAC] =	sst s10  }
0x32: {  	s10 =	sld [smem:$0x3FAA];
	_ =	sdelay $0x3  }
0x33: {  	p0 =	seq.s32 s10, $0x1;
	s10 =	sld [smem:$0x3FAC];
	_ =	sdelay $0x3  }
0x34: {  	[smem:$0x3FAC] =	sst s10  }
0x35: {  	s10 =	sld [smem:$0x3FAB];
	_ =	sdelay $0x3  }
0x36: {  	p1 =	seq.s32 s10, $0x1;
	s10 =	sld [smem:$0x3FAC];
	_ =	sdelay $0x3  }
0x37: {  	[smem:$0x3FAC] =	sst s10  }
0x38: {  	s10 =	sld [smem:$0x3FAD]  }
0x39: {  	_ = 	snop;
	(pc) =	sbr.ind lr, $3  }
0x3a: {  	_ = 	snop  }
0x3b: {  	_ = 	snop  }
0x3c: {  	p2 =	seq.s32 s10, $0x1;
	s10 =	sld [smem:$0x3FAC]  }
0x3d: {  	_ =	shalt  }
0x3e: {  	_ =	shalt  }
0x3f: {  	_ =	shalt  }
0x40: {  	_ =	shalt  }
0x41: {  	_ =	shalt  }
0x42: {  	_ =	shalt  }
0x43: {  	_ =	shalt  }
0x44: {  	_ =	shalt  }
0x45: {  	_ =	shalt  }
0x46: {  	_ =	shalt  }
0x47: {  	_ =	shalt  }
0x48: {  	_ =	shalt  }
0x49: {  	_ =	shalt  }
0x4a: {  	_ =	shalt  }
0x4b: {  	_ =	shalt  }
0x4c: {  	_ =	shalt  }
0x4d: {  	_ =	shalt  }
0x4e: {  	_ =	shalt  }
0x4f: {  	_ =	shalt  }
0x50: {  	_ =	shalt  }
0x51: {  	_ =	shalt  }
0x52: {  	_ =	shalt  }
0x53: {  	_ =	shalt  }
0x54: {  	_ =	shalt  }
0x55: {  	_ =	shalt  }
0x56: {  	_ =	shalt  }
0x57: {  	_ =	shalt  }
0x58: {  	_ =	shalt  }
0x59: {  	_ =	shalt  }
0x5a: {  	_ =	shalt  }
0x5b: {  	_ =	shalt  }
0x5c: {  	_ =	shalt  }
0x5d: {  	_ =	shalt  }
0x5e: {  	_ =	shalt  }
0x5f: {  	_ =	shalt  }
0x60: {  	_ =	shalt  }
0x61: {  	_ =	shalt  }
0x62: {  	_ =	shalt  }
0x63: {  	_ =	shalt  }
0x64: {  	_ =	shalt  }
0x65: {  	_ =	shalt  }
0x66: {  	_ =	shalt  }
0x67: {  	_ =	shalt  }
0x68: {  	_ =	shalt  }
0x69: {  	_ =	shalt  }
0x6a: {  	_ =	shalt  }
0x6b: {  	_ =	shalt  }
0x6c: {  	_ =	shalt  }
0x6d: {  	_ =	shalt  }
0x6e: {  	_ =	shalt  }
0x6f: {  	_ =	shalt  }
0x70: {  	_ =	shalt  }
0x71: {  	_ =	shalt  }
0x72: {  	_ =	shalt  }
0x73: {  	_ =	shalt  }
0x74: {  	_ =	shalt  }
0x75: {  	_ =	shalt  }
0x76: {  	_ =	shalt  }
0x77: {  	_ =	shalt  }
0x78: {  	_ =	shalt  }
0x79: {  	_ =	shalt  }
0x7a: {  	_ =	shalt  }
0x7b: {  	_ =	shalt  }
0x7c: {  	_ =	shalt  }
0x7d: {  	_ =	shalt  }
0x7e: {  	_ =	shalt  }
0x7f: {  	_ =	shalt  }
0x80: {  	_ =	shalt  }
0x81: {  	_ =	shalt  }
0x82: {  	_ =	shalt  }
0x83: {  	_ =	shalt  }
0x84: {  	_ =	shalt  }
0x85: {  	_ =	shalt  }
0x86: {  	_ =	shalt  }
0x87: {  	_ =	shalt  }
.Lfunc_end0:
.L_simem_size_0:
called_computation_lowered:
.L_overlay_start_0:
0x88: {  	s2 =	sld [smem:$0x3FD9]  }
0x89: {  	s3 =	sld [smem:$0x3FFE];
	_ =	sdelay $0x1  }
0x8a: {  	s1 =	srdreg.scid  }
0x8b: {  	s0 =	sand.u32 $0x1, s1  }
0x8c: {  	s16 =	sshll.u32 s0, $0xA;
	s2 =	sadd.s32 s3, s2  }
0x8d: {  	s2 =	sadd.s32 s2, s16  }
0x8e: {  	[smem:$0x3FB8] =	sst s2  }
0x8f: {  	_ = 	snop  }
0x90: {  	(tm) =	ssettm $0x1  }
0x91: {  	s17 =	sld [smem:$0x3FFB];
	_ =	sdelay $0x3  }
0x92: {  	_ =	strace s17  }
0x93: {  	s2 =	sld [smem:$0x3FFC];
	_ =	sdelay $0x3  }
0x94: {  	_ =	strace s2  }
0x95: {  	s2 =	sld [smem:$0x3FFD];
	_ =	sdelay $0x3  }
0x96: {  	_ =	strace s2  }
0x97: {  	_ =	strace $0x8FFFFFFF  }
0x98: {  	s18 =	sld [smem:$0x3FDB];
	_ =	sdelay $0x1  }
0x99: {  	s19 =	simm.s32 $_scs_section_size  }
0x9a: {  	s4 =	simm.s32 $_size__tile_overlayer_lowered;
	s5 =	simm.s32 $_tile_overlayer_lowered  }
0x9b: {  	s22 =	simm.s32 $0x1BFF;
	s21 =	sshll.u32 s5, $0x1;
	s2 =	sadd.s32 s19, s18  }
0x9c: {  	s6 =	simm.s32 $0x0;
	s20 =	sshll.u32 s4, $0x1;
	s4 =	sadd.s32 s21, s2  }
0x9d: {  	[timem:s6], [sflag:s22] =	dma.local [hbm:s4], s20  }
0x9e: {  	_ =	swait.ge [sflag:s22], s20  }
0x9f: {  	s3 =	ssub.s32 $0x0, s20;
	[sflag:s22] =	ssyncset.done $0x0  }
0xa0: {  	[sflag:s22] =	ssyncadd.s32 s3;
	_ =	sdelay $0x1  }
0xa1: {  	s23 =	simm.s32 $0x1B8B  }
0xa2: {  	_ =	swait.ge [sflag:s23], $0x1  }
0xa3: {  	[sflag:s23] =	ssyncset.done $0x0  }
0xa4: {  	s25 =	simm.s32 $0x1B8E;
	s24 =	sld [smem:$0x3FFE];
	[sflag:s23] =	ssyncadd.s32 $0xFFFFFFFF  }
0xa5: {  	s26 =	simm.s32 $execute0_lowered;
	[smem:$0x3FD2] =	sst s25  }
0xa6: {  	s4 =	sshll.u32 s26, $0x1;
	_ =	strace $0x80000046;
	[dreg:$0x1] =	wrdreg $0xFFFFFFFF  }
0xa7: {  	s28 =	simm.s32 $_size_execute0_lowered;
	s2 =	sadd.s32 s2, s4;
	[dreg:$0x0] =	wrdreg $0x0  }
0xa8: {  	s4 =	sshll.u32 s28, $0x1;
	[dreg:$0x2] =	wrdreg s2  }
0xa9: {  	[dreg:$0x3] =	wrdreg s4  }
0xaa: {  	[dreg:$0x4] =	wrdreg $0xC0  }
0xab: {  	_ =	task [dreg:s6], $0x5FFFF  }
0xac: {  	[dreg:$0x1] =	wrdreg $0xFFFFFFFF  }
0xad: {  	[dreg:$0x0] =	wrdreg $0x60  }
0xae: {  	[dreg:$0x2] =	wrdreg s24  }
0xaf: {  	[dreg:$0x3] =	wrdreg $0x6C000  }
0xb0: {  	[dreg:$0x4] =	wrdreg $0x9  }
0xb1: {  	_ =	task.clear_ibuf [dreg:s6], $0x5FFFF;
	_ =	strace $0x90000046  }
0xb2: {  	s29 =	simm.s32 $0x9;
	_ =	strace $0x80000048  }
0xb3: {  	_ =	swait.ge [sflag:s29], $0x1  }
0xb4: {  	[sflag:s29] =	ssyncadd.s32 $0xFFFFFFFF  }
0xb5: {  	_ =	strace $0x90000048  }
0xb6: {  	_ =	sfence  }
0xb7: {  	s30 =	sld [smem:$0x0];
	_ =	sdelay $0x2  }
0xb8: {  	s31 =	sshll.u32 s1, $0xD;
	s1 =	sshrl.u32 s1, $0x2  }
0xb9: {  	s3 =	sand.u32 $0x4000, s31;
	s1 =	sadd.s32 s1, s30  }
0xba: {  	s0 =	sor.u32 s3, s0;
	s1 =	sshll.u32 s1, $0x11  }
0xbb: {  	s0 =	sor.u32 s1, s0  }
0xbc: {  	s0 =	sadd.s32 $0x8F2B, s0  }
0xbd: {  	[sflag:s0] =	ssyncadd.remote.s32 $0x1  }
0xbe: {  	_ =	sfence.sel $0xFFFF  }
0xbf: {  	[dreg:$0x0] =	wrdreg $0xFFFFFFFF;
	(pc) =	sbr.abs _section_cstart, $3  }
0xc0: {  	[dreg:$0x1] =	wrdreg $0xFFFFFFFF  }
0xc1: {  	_ =	task.clear_ibuf [dreg:s6], $0x2FFFF;
	_ =	strace $0x9FFFFFFF  }
0xc2: {  	(tm) =	ssettm $0x7FFFFFFF  }
0xc3: {  	_ =	shalt  }
tec
execute0_lowered:
.L_overlay_start_1:
0x0: {  	(tag) =	ssettag $0x1  }
0x1: {  	s0 =	rddreg [dreg:$0x0]  }
0x2: {  	s1 =	rddreg [dreg:$0x1];
	s2 =	simm.s32 $0x0;
	s3 =	srdreg.scid  }
0x3: {  	s7 =	stileid.u32;
	s15 =	simm.s32 $0x4;
	s16 =	simm.s32 $0x600  }
0x4: {  	s17 =	simm.s32 $0x3;
	s18 =	simm.s32 $0x80;
	s19 =	simm.s32 $0xC00  }
0x5: {  	s20 =	simm.s32 $0x1400;
	s22 =	simm.s32 $0x1C00;
	s29 =	simm.s32 $0x1  }
0x6: {  	s30 =	simm.s32 $0x2;
	s21 =	simm.s32 $0x0;
	[smem:$0x7FF] =	sst s2  }
0x7: {  	s3 =	sand.u32 $0x1, s3;
	s9 =	sadd.s32 $0x2C00, s0;
	s6 =	smul.u32 $0x18700, s7  }
0x8: {  	s10 =	sadd.s32 $0x33E00, s0;
	s8 =	smul.u32 $0x3100, s7;
	s26 =	sshll.u32 s7, $0x6  }
0x9: {  	_ =	strace $0x80000047;
	s4 =	smul.u32 $0x30E00, s3;
	s3 =	ssub.s32 $0x2, s3  }
0xa: {  	s5 =	sshrl.u32 s3, $0x1;
	s12 =	sshrl.u32 s6, $0x3;
	s13 =	sadd.s32 s6, s1  }
0xb: {  	s6 =	sor.u32 $0x1C04, s26;
	s7 =	sadd.s32 s9, s8;
	s11 =	sor.u32 $0x40, s8  }
0xc: {  	s8 =	sadd.s32 s10, s8;
	s0 =	sadd.s32 s4, s0;
	s3 =	ssub.s32 s3, s5  }
0xd: {  	s28 =	sadd.s32 s9, s11;
	s31 =	sadd.s32 s10, s11;
	s26 =	sadd.s32 $0x80, s8  }
0xe: {  	s23 =	sadd.s32 $0x80, s7;
	s14 =	sshrl.u32 s13, $0x3;
	[dreg:$0x4] =	wrdreg s28  }
0xf: {  	s4 =	sadd.s32 $0x341A00, s0;
	[dreg:$0x5] =	wrdreg s31;
	s3 =	smax.u32 s3, $0x1  }
0x10: {  	s0 =	sadd.s32 $0x65000, s0;
	s25 =	sadd.s32 s12, s4;
	[dreg:$0x6] =	wrdreg s3  }
0x11: {  	s24 =	sadd.s32 s12, s0;
	[dreg:$0x3] =	wrdreg s25;
	s25 =	simm.s32 $0x2400  }
.LBB2_1:
0x12: {  	s0 =	rddreg [dreg:$0x3]  }
0x13: {  	[spmem:s14], [sflag:s6] =	dma.local [hbm:s0], $0x30E0  }
0x14: {  	_ =	swait.ge [sflag:s15], $0x30E0  }
0x15: {  	[sflag:s15] =	ssyncset.done $0x0  }
0x16: {  	[sflag:s15] =	ssyncadd.s32 $0xFFFFCF20  }
0x17: {  	[bflag:$0x0] =	sbarrier.arrive $0xFFFF  }
0x18: {  	[tilespmem:s2], [sflag:$0x3] =	stream.linear.gather [hbm4b:s7+s2], $0x200, $0x38;
	[tilespmem:$0x1F310] =	vst v63  }
0x19: {  	_ = 	snop  }
0x1a: {  	[tilespmem:s16], [sflag:$0x3] =	stream.linear.gather [hbm4b:s8+s2], $0x200, $0x38;
	[tilespmem:$0x1F310] =	vst v63  }
0x1b: {  	_ =	swait.ge [sflag:s17], $0x200  }
0x1c: {  	[sflag:s17] =	ssyncset.done $0x0  }
0x1d: {  	[sflag:s17] =	ssyncadd.s32 $0xFFFFFE00  }
0x1e: {  	_ =	swait.ge [sflag:s17], $0x200  }
0x1f: {  	[sflag:s17] =	ssyncset.done $0x0  }
0x20: {  	[sflag:s17] =	ssyncadd.s32 $0xFFFFFE00  }
0x21: {  	[tilespmem:s19], [sflag:$0x1] =	stream.indirect.gather [hbm4b:s4+s18], $0x10, s2, s18, $0xb8;
	[tilespmem:$0x1F310] =	vst v63  }
0x22: {  	_ = 	snop  }
0x23: {  	[tilespmem:s20], [sflag:$0x1] =	stream.indirect.gather [hbm4b:s4+s18], $0x10, s18, s18, $0xb8;
	[tilespmem:$0x1F310] =	vst v63  }
0x24: {  	s10 =	simm.s32 $0x100  }
0x25: {  	[tilespmem:s22], [sflag:$0x1] =	stream.indirect.gather [hbm4b:s4+s18], $0x10, s10, s18, $0xb8;
	[tilespmem:$0x1F310] =	vst v63  }
0x26: {  	s11 =	simm.s32 $0x180  }
0x27: {  	[tilespmem:s25], [sflag:$0x1] =	stream.indirect.gather [hbm4b:s4+s18], $0x10, s11, s18, $0xb8;
	[tilespmem:$0x1F310] =	vst v63  }
0x28: {  	s3 =	simm.s32 $0x200;
	s12 =	rddreg [dreg:$0x4]  }
0x29: {  	[tilespmem:s3], [sflag:$0x3] =	stream.linear.gather [hbm4b:s12+s2], $0x200, $0x38;
	[tilespmem:$0x1F310] =	vst v63  }
0x2a: {  	s31 =	simm.s32 $0x800;
	s13 =	rddreg [dreg:$0x5]  }
0x2b: {  	[tilespmem:s31], [sflag:$0x3] =	stream.linear.gather [hbm4b:s13+s2], $0x200, $0x38;
	[tilespmem:$0x1F310] =	vst v63  }
0x2c: {  	s28 =	simm.s32 $0x0;
	s12 =	smov.u32 s26;
	s13 =	smov.u32 s23  }
.LBB2_2:
0x2d: {  	p0 =	slt.u32 s28, $0x2  }
0x2e: {  	s31 =	simm.s32 @!p0 $0x2  }
0x2f: {  	_ =	swait.ge @!p0 [sflag:s31], $0x800  }
0x30: {  	[sflag:s31] =	ssyncset.done @!p0 $0x0  }
0x31: {  	[sflag:s31] =	ssyncadd.s32 @!p0 $0xFFFFF800  }
0x32: {  	_ =	swait.ge @!p0 [sflag:s31], $0x800  }
0x33: {  	[sflag:s31] =	ssyncset.done @!p0 $0x0  }
0x34: {  	[sflag:s31] =	ssyncadd.s32 @!p0 $0xFFFFF800  }
0x35: {  	_ =	swait.ge @!p0 [sflag:s31], $0x800  }
0x36: {  	[sflag:s31] =	ssyncset.done @!p0 $0x0  }
0x37: {  	[sflag:s31] =	ssyncadd.s32 @!p0 $0xFFFFF800  }
0x38: {  	_ =	swait.ge @!p0 [sflag:s31], $0x800  }
0x39: {  	[sflag:s31] =	ssyncset.done @!p0 $0x0  }
0x3a: {  	[sflag:s31] =	ssyncadd.s32 @!p0 $0xFFFFF800  }
0x3b: {  	_ =	swait.ge [sflag:s29], $0x800  }
0x3c: {  	[sflag:s29] =	ssyncset.done $0x0  }
0x3d: {  	s10 =	smul.u32 $0xAB, s28;
	[sflag:s29] =	ssyncadd.s32 $0xFFFFF800  }
0x3e: {  	_ =	swait.ge [sflag:s29], $0x800  }
0x3f: {  	s31 =	sshrl.u32 s10, $0x9;
	[sflag:s29] =	ssyncset.done $0x0  }
0x40: {  	s31 =	sand.u32 $0x7F, s31;
	[sflag:s29] =	ssyncadd.s32 $0xFFFFF800  }
0x41: {  	s31 =	smul.u32 $0x3, s31;
	_ =	swait.ge [sflag:s29], $0x800  }
0x42: {  	[sflag:s29] =	ssyncset.done $0x0  }
0x43: {  	s31 =	ssub.s32 s28, s31;
	[sflag:s29] =	ssyncadd.s32 $0xFFFFF800  }
0x44: {  	s0 =	sadd.s32 $0x1, s28;
	s31 =	sand.u32 $0xFF, s31;
	_ =	swait.ge [sflag:s29], $0x800  }
0x45: {  	s3 =	sshll.u32 s31, $0xD;
	s31 =	sshll.u32 s31, $0x9;
	[sflag:s29] =	ssyncset.done $0x0  }
0x46: {  	s5 =	sor.u32 $0xC00, s3;
	s9 =	sadd.s32 $0x600, s31;
	[sflag:s29] =	ssyncadd.s32 $0xFFFFF800  }
0x47: {  	[spmem:s1] =	stream.indirect.scatter.add.f32 [tilespmem:s5], [sflag:$0x2], $0x10, s9, s18, $0xb8;
	[tilespmem:$0x1F310] =	vst v63  }
0x48: {  	s11 =	sor.u32 $0x1400, s3;
	s10 =	sadd.s32 $0x680, s31;
	s5 =	sand.u32 $0xFF, s0  }
0x49: {  	[spmem:s1] =	stream.indirect.scatter.add.f32 [tilespmem:s11], [sflag:$0x2], $0x10, s10, s18, $0xb8;
	[tilespmem:$0x1F310] =	vst v63  }
0x4a: {  	s5 =	smul.u32 $0xAB, s5;
	s10 =	sor.u32 $0x1C00, s3;
	s11 =	sadd.s32 $0x700, s31  }
0x4b: {  	[spmem:s1] =	stream.indirect.scatter.add.f32 [tilespmem:s10], [sflag:$0x2], $0x10, s11, s18, $0xb8;
	[tilespmem:$0x1F310] =	vst v63  }
0x4c: {  	s3 =	sadd.s32 $0x2400, s3;
	s31 =	sadd.s32 $0x780, s31;
	s5 =	sshrl.u32 s5, $0x9  }
0x4d: {  	[spmem:s1] =	stream.indirect.scatter.add.f32 [tilespmem:s3], [sflag:$0x2], $0x10, s31, s18, $0xb8;
	[tilespmem:$0x1F310] =	vst v63  }
0x4e: {  	p0 =	seq.s32 s28, $0xC2;
	s9 =	smul.u32 $0x3, s5;
	_ =	swait.ge [sflag:s17], $0x200  }
0x4f: {  	p1 =	sne.s32 @!p0 s0, $0xC3;
	[sflag:s17] =	ssyncset.done $0x0  }
0x50: {  	s5 =	sadd.s32 $0x2, s28;
	s3 =	ssub.s32 s0, s9;
	[sflag:s17] =	ssyncadd.s32 $0xFFFFFE00  }
0x51: {  	s10 =	sand.u32 $0xFF, s5;
	s3 =	sand.u32 $0xFF, s3;
	_ =	swait.ge [sflag:s17], $0x200  }
0x52: {  	s9 =	smul.u32 $0xAB, s10;
	s10 =	sshll.u32 s3, $0xD;
	[sflag:s17] =	ssyncset.done $0x0  }
0x53: {  	s3 =	sshll.u32 s3, $0x9;
	s11 =	sor.u32 $0xC00, s10;
	[sflag:s17] =	ssyncadd.s32 $0xFFFFFE00  }
0x54: {  	[tilespmem:s11], [sflag:$0x1] =	stream.indirect.gather [hbm4b:s4+s18], $0x10, s3, s18, $0xb8;
	[tilespmem:$0x1F310] =	vst v63  }
0x55: {  	s9 =	sshrl.u32 s9, $0x9;
	s31 =	sor.u32 $0x1400, s10;
	s11 =	sor.u32 $0x80, s3  }
0x56: {  	[tilespmem:s31], [sflag:$0x1] =	stream.indirect.gather [hbm4b:s4+s18], $0x10, s11, s18, $0xb8;
	[tilespmem:$0x1F310] =	vst v63  }
0x57: {  	s9 =	smul.u32 $0x3, s9;
	s11 =	sor.u32 $0x1C00, s10;
	s31 =	sor.u32 $0x100, s3  }
0x58: {  	[tilespmem:s11], [sflag:$0x1] =	stream.indirect.gather [hbm4b:s4+s18], $0x10, s31, s18, $0xb8;
	[tilespmem:$0x1F310] =	vst v63  }
0x59: {  	s5 =	ssub.s32 s5, s9;
	s3 =	sor.u32 $0x180, s3;
	s31 =	sadd.s32 $0x2400, s10  }
0x5a: {  	[tilespmem:s31], [sflag:$0x1] =	stream.indirect.gather [hbm4b:s4+s18], $0x10, s3, s18, $0xb8;
	[tilespmem:$0x1F310] =	vst v63  }
0x5b: {  	p1 =	por p0, !p1;
	s3 =	sand.u32 $0xFF, s5  }
.Ltmp0:
0x5c: {  	s5 =	simm.s32 @!p0 $0x0;
	s3 =	sshll.u32 @!p0 s3, $0x9;
	(pc) =	sbr.rel @!p1 .LBB2_2-.Ltmp0, $4  }
0x5d: {  	[tilespmem:s3], [sflag:$0x3] =	stream.linear.gather @!p0 [hbm4b:s13+s5], $0x200, $0x38;
	[tilespmem:$0x1F310] =	vst v63  }
0x5e: {  	s3 =	sadd.s32 @!p0 $0x600, s3  }
0x5f: {  	[tilespmem:s3], [sflag:$0x3] =	stream.linear.gather @!p0 [hbm4b:s12+s5], $0x200, $0x38;
	[tilespmem:$0x1F310] =	vst v63  }
0x60: {  	s28 =	smov.u32 s0;
	s13 =	sadd.s32 @!p0 $0x40, s13;
	s12 =	sadd.s32 @!p0 $0x40, s12  }
0x61: {  	_ =	swait.ge [sflag:s30], $0x800  }
0x62: {  	[sflag:s30] =	ssyncset.done $0x0  }
0x63: {  	[sflag:s30] =	ssyncadd.s32 $0xFFFFF800  }
0x64: {  	_ =	swait.ge [sflag:s30], $0x800  }
0x65: {  	[sflag:s30] =	ssyncset.done $0x0  }
0x66: {  	[sflag:s30] =	ssyncadd.s32 $0xFFFFF800  }
0x67: {  	_ =	swait.ge [sflag:s30], $0x800  }
0x68: {  	[sflag:s30] =	ssyncset.done $0x0  }
0x69: {  	[sflag:s30] =	ssyncadd.s32 $0xFFFFF800  }
0x6a: {  	_ =	swait.ge [sflag:s30], $0x800  }
0x6b: {  	[sflag:s30] =	ssyncset.done $0x0  }
0x6c: {  	[sflag:s30] =	ssyncadd.s32 $0xFFFFF800  }
0x6d: {  	_ =	swait.ge [sflag:s29], $0x800  }
0x6e: {  	[sflag:s29] =	ssyncset.done $0x0  }
0x6f: {  	[sflag:s29] =	ssyncadd.s32 $0xFFFFF800  }
0x70: {  	_ =	swait.ge [sflag:s29], $0x800  }
0x71: {  	[sflag:s29] =	ssyncset.done $0x0  }
0x72: {  	[sflag:s29] =	ssyncadd.s32 $0xFFFFF800  }
0x73: {  	_ =	swait.ge [sflag:s29], $0x800  }
0x74: {  	[sflag:s29] =	ssyncset.done $0x0  }
0x75: {  	[sflag:s29] =	ssyncadd.s32 $0xFFFFF800  }
0x76: {  	_ =	swait.ge [sflag:s29], $0x800  }
0x77: {  	[sflag:s29] =	ssyncset.done $0x0  }
0x78: {  	[sflag:s29] =	ssyncadd.s32 $0xFFFFF800  }
0x79: {  	[spmem:s1] =	stream.indirect.scatter.add.f32 [tilespmem:s19], [sflag:$0x2], $0x10, s16, s18, $0xb8;
	[tilespmem:$0x1F310] =	vst v63  }
0x7a: {  	s0 =	simm.s32 $0x680  }
0x7b: {  	[spmem:s1] =	stream.indirect.scatter.add.f32 [tilespmem:s20], [sflag:$0x2], $0x10, s0, s18, $0xb8;
	[tilespmem:$0x1F310] =	vst v63  }
0x7c: {  	s13 =	simm.s32 $0x700  }
0x7d: {  	[spmem:s1] =	stream.indirect.scatter.add.f32 [tilespmem:s22], [sflag:$0x2], $0x10, s13, s18, $0xb8;
	[tilespmem:$0x1F310] =	vst v63  }
0x7e: {  	s28 =	simm.s32 $0x780  }
0x7f: {  	[spmem:s1] =	stream.indirect.scatter.add.f32 [tilespmem:s25], [sflag:$0x2], $0x10, s28, s18, $0xb8;
	[tilespmem:$0x1F310] =	vst v63  }
0x80: {  	_ =	swait.ge [sflag:s30], $0x800  }
0x81: {  	[sflag:s30] =	ssyncset.done $0x0  }
0x82: {  	[sflag:s30] =	ssyncadd.s32 $0xFFFFF800  }
0x83: {  	_ =	swait.ge [sflag:s30], $0x800  }
0x84: {  	[sflag:s30] =	ssyncset.done $0x0  }
0x85: {  	[sflag:s30] =	ssyncadd.s32 $0xFFFFF800  }
0x86: {  	_ =	swait.ge [sflag:s30], $0x800  }
0x87: {  	[sflag:s30] =	ssyncset.done $0x0  }
0x88: {  	[sflag:s30] =	ssyncadd.s32 $0xFFFFF800  }
0x89: {  	_ =	swait.ge [sflag:s30], $0x800  }
0x8a: {  	[sflag:s30] =	ssyncset.done $0x0  }
0x8b: {  	[sflag:s30] =	ssyncadd.s32 $0xFFFFF800  }
0x8c: {  	_ =	swait.ge [sflag:s30], $0x800  }
0x8d: {  	[sflag:s30] =	ssyncset.done $0x0  }
0x8e: {  	[sflag:s30] =	ssyncadd.s32 $0xFFFFF800  }
0x8f: {  	_ =	swait.ge [sflag:s30], $0x800  }
0x90: {  	[sflag:s30] =	ssyncset.done $0x0  }
0x91: {  	[sflag:s30] =	ssyncadd.s32 $0xFFFFF800  }
0x92: {  	_ =	swait.ge [sflag:s30], $0x800  }
0x93: {  	[sflag:s30] =	ssyncset.done $0x0  }
0x94: {  	[sflag:s30] =	ssyncadd.s32 $0xFFFFF800  }
0x95: {  	_ =	swait.ge [sflag:s30], $0x800  }
0x96: {  	[sflag:s30] =	ssyncset.done $0x0  }
0x97: {  	[sflag:s30] =	ssyncadd.s32 $0xFFFFF800  }
0x98: {  	[bflag:$0x0] =	sbarrier.arrive $0xFFFF  }
0x99: {  	[hbm:s24], [sflag:s6] =	dma.local [spmem:s14], $0x30E0  }
0x9a: {  	_ =	swait.ge [sflag:s15], $0x30E0  }
0x9b: {  	s21 =	sadd.s32 $0x1, s21;
	s31 =	rddreg [dreg:$0x6]  }
0x9c: {  	p0 =	sne.s32 s21, s31  }
.Ltmp1:
0x9d: {  	_ = 	snop;
	(pc) =	sbr.rel @p0 .LBB2_1-.Ltmp1, $3  }
0x9e: {  	_ =	sdelay $0x1  }
0x9f: {  	[sflag:s15] =	ssyncset.done $0x0  }
0xa0: {  	[sflag:s15] =	ssyncadd.s32 $0xFFFFCF20  }
0xa1: {  	_ =	sfence.sel $0x180000  }
0xa2: {  	[bflag:$0x0] =	sbarrier.arrive $0xFFFF  }
0xa3: {  	_ =	strace $0x90000047  }
0xa4: {  	s0 =	stileid.u32;
	[bflag:$0x2] =	sbarrier.arrive $0xFFFF  }
0xa5: {  	p0 =	sne.s32 s0, $0x0;
	s0 =	rddreg [dreg:$0x2]  }
0xa6: {  	s0 =	sadd.s32 @!p0 $0x100000, s0  }
0xa7: {  	[sflag:s0] =	ssyncadd.tile.s32 @!p0 $0x1;
	_ =	shalt  }
.Lfunc_end2:
_tile_overlayer_lowered:
.L_overlay_start_2:
0xa8: {  	(tag) =	ssettag $0x2  }
0xa9: {  	s0 =	rddreg [dreg:$0x0];
	s2 =	stileid.u32  }
0xaa: {  	s1 =	rddreg [dreg:$0x1];
	p0 =	sne.s32 s2, $0x0  }
0xab: {  	s3 =	rddreg [dreg:$0x2];
	[bflag:$0x3] =	sbarrier.arrive $0xFFFF;
	s2 =	simm.s32 @!p0 $0x1C04  }
0xac: {  	[timem:s3], [sflag:s2] =	dma.local @!p0 [hbm:s0], s1  }
0xad: {  	s0 =	simm.s32 @!p0 $0x4  }
0xae: {  	_ =	swait.ge @!p0 [sflag:s0], s1  }
0xaf: {  	s1 =	ssub.s32 @!p0 $0x0, s1;
	[sflag:s0] =	ssyncset.done @!p0 $0x0  }
0xb0: {  	[sflag:s0] =	ssyncadd.s32 @!p0 s1  }
0xb1: {  	[bflag:$0x3] =	sbarrier.arrive $0xFFFF  }
0xb2: {  	_ =	shalt  }

</sc_bundles>
